<compile_context>
chip_gen: v7x
topology: tpu7x:2x2x1
jax: 0.10.2.dev20260603
libtpu: 0.0.44.dev20260713+nightly
codegen_flags: <defaults>
</compile_context>

<pallas_src>
import functools

import jax
import jax.numpy as jnp
from jax import lax
from jax.experimental import pallas as pl
from jax.experimental.pallas import tpu as pltpu
from jax.experimental.pallas import tpu_sc as plsc

N_NODES = 10000
N_EDGES = 320000
DIM = 128
EDIM = 16
NUM_LAYERS = 3

NC = 2
NS = 16
NW = NC * NS
EPW = N_EDGES // NW
CHUNK = 40
NCHUNKS = EPW // CHUNK
N_PAD = 10240
RPW = N_PAD // NS
ZROWS = 16


def _sc_body(h_hbm, e_hbm, sd_hbm, out_hbm,
             sd0, sd1, rows0, rows1, ev0, ev1, zbuf, aggr,
             isem0, isem1, dsem0, dsem1):
  cid = lax.axis_index("c")
  sid = lax.axis_index("s")
  wid = sid * NC + cid
  wbase = wid * EPW

  def zrow(i, _):
    for j in range(DIM // 16):
      zbuf[i, pl.ds(j * 16, 16)] = jnp.zeros((16,), jnp.float32)
    return 0
  lax.fori_loop(0, ZROWS, zrow, 0)
  for k in range(RPW // ZROWS):
    pltpu.sync_copy(zbuf, aggr.at[pl.ds(sid * RPW + k * ZROWS, ZROWS)])
  plsc.subcore_barrier()

  def fire_idx(ci, sdbuf, isem):
    pltpu.async_copy(sd_hbm.at[wid, ci], sdbuf, isem)

  def fire_gather(ci, sdbuf, rbuf, ebuf, isem, dsem):
    pltpu.make_async_copy(sd_hbm.at[0, 0], sdbuf, isem).wait()
    pltpu.async_copy(h_hbm.at[sdbuf.at[0]], rbuf, dsem)
    pltpu.async_copy(e_hbm.at[pl.ds(wbase + ci * CHUNK, CHUNK)], ebuf, dsem)

  def process(ci, sdbuf, rbuf, ebuf, dsem):
    pltpu.make_async_copy(e_hbm.at[pl.ds(0, CHUNK)], rbuf, dsem).wait()
    pltpu.make_async_copy(e_hbm.at[pl.ds(0, CHUNK)], ebuf, dsem).wait()

    pltpu.sync_copy(rbuf, aggr.at[sdbuf.at[1]], add=True)

  fire_idx(0, sd0, isem0)
  fire_idx(1, sd1, isem1)
  fire_gather(0, sd0, rows0, ev0, isem0, dsem0)

  def pair(i, _):
    c0 = 2 * i
    fire_gather(c0 + 1, sd1, rows1, ev1, isem1, dsem1)
    process(c0, sd0, rows0, ev0, dsem0)

    @pl.when(c0 + 2 < NCHUNKS)
    def _():
      fire_idx(c0 + 2, sd0, isem0)
      fire_gather(c0 + 2, sd0, rows0, ev0, isem0, dsem0)
    process(c0 + 1, sd1, rows1, ev1, dsem1)

    @pl.when(c0 + 3 < NCHUNKS)
    def _():
      fire_idx(c0 + 3, sd1, isem1)
    return 0
  lax.fori_loop(0, NCHUNKS // 2, pair, 0)

  plsc.subcore_barrier()
  pltpu.sync_copy(aggr.at[pl.ds(sid * RPW, RPW)],
                  out_hbm.at[cid, pl.ds(sid * RPW, RPW)])


_sc_aggregate = pl.kernel(
    _sc_body,
    out_type=jax.ShapeDtypeStruct((NC, N_PAD, DIM), jnp.float32),
    mesh=plsc.VectorSubcoreMesh(core_axis_name="c", subcore_axis_name="s",
                                num_cores=NC, num_subcores=NS),
    scratch_types=[
        pltpu.VMEM((2, CHUNK), jnp.int32),
        pltpu.VMEM((2, CHUNK), jnp.int32),
        pltpu.VMEM((CHUNK, DIM), jnp.float32),
        pltpu.VMEM((CHUNK, DIM), jnp.float32),
        pltpu.VMEM((CHUNK, DIM), jnp.float32),
        pltpu.VMEM((CHUNK, DIM), jnp.float32),
        pltpu.VMEM((ZROWS, DIM), jnp.float32),
        pltpu.VMEM_SHARED((N_PAD, DIM), jnp.float32),
        pltpu.SemaphoreType.DMA,
        pltpu.SemaphoreType.DMA,
        pltpu.SemaphoreType.DMA,
        pltpu.SemaphoreType.DMA,
    ],
)


def _edge_mm_body(ea_ref, w_ref, b_ref, o1_ref, o2_ref, o3_ref):
  ea = ea_ref[...]
  for i, o_ref in enumerate((o1_ref, o2_ref, o3_ref)):
    o_ref[...] = jnp.dot(ea, w_ref[i], preferred_element_type=jnp.float32) \
        + b_ref[i]


def _edge_transforms(edge_attr, w_stack, b_stack):
  be = 4000
  grid = (N_EDGES // be,)
  out = jax.ShapeDtypeStruct((N_EDGES, DIM), jnp.float32)
  return pl.pallas_call(
      _edge_mm_body,
      grid=grid,
      in_specs=[
          pl.BlockSpec((be, EDIM), lambda i: (i, 0)),
          pl.BlockSpec((NUM_LAYERS, EDIM, DIM), lambda i: (0, 0, 0)),
          pl.BlockSpec((NUM_LAYERS, 1, DIM), lambda i: (0, 0, 0)),
      ],
      out_specs=[pl.BlockSpec((be, DIM), lambda i: (i, 0))] * 3,
      out_shape=[out, out, out],
  )(edge_attr, w_stack, b_stack)


def _mlp_body(h_ref, p0_ref, p1_ref, w1_ref, b1_ref, w2_ref, b2_ref, o_ref):
  a = h_ref[...] + p0_ref[...] + p1_ref[...]
  h1 = jnp.maximum(
      jnp.dot(a, w1_ref[...], preferred_element_type=jnp.float32)
      + b1_ref[...], 0.0)
  o_ref[...] = jnp.maximum(
      jnp.dot(h1, w2_ref[...], preferred_element_type=jnp.float32)
      + b2_ref[...], 0.0)


def _mlp(h, p0, p1, w1, b1, w2, b2):
  bn = 2000
  grid = (N_NODES // bn,)
  return pl.pallas_call(
      _mlp_body,
      grid=grid,
      in_specs=[
          pl.BlockSpec((bn, DIM), lambda i: (i, 0)),
          pl.BlockSpec((bn, DIM), lambda i: (i, 0)),
          pl.BlockSpec((bn, DIM), lambda i: (i, 0)),
          pl.BlockSpec((DIM, DIM), lambda i: (0, 0)),
          pl.BlockSpec((1, DIM), lambda i: (0, 0)),
          pl.BlockSpec((DIM, DIM), lambda i: (0, 0)),
          pl.BlockSpec((1, DIM), lambda i: (0, 0)),
      ],
      out_specs=pl.BlockSpec((bn, DIM), lambda i: (i, 0)),
      out_shape=jax.ShapeDtypeStruct((N_NODES, DIM), jnp.float32),
  )(h, p0, p1, w1, b1, w2, b2)


@jax.jit
def _run(x, edge_index, edge_attr, params):
  sd = edge_index.reshape(2, NW, NCHUNKS, CHUNK).transpose(1, 2, 0, 3)

  w_stack = jnp.stack([p[0] for p in params])
  b_stack = jnp.stack([p[1][None, :] for p in params])
  e_all = _edge_transforms(edge_attr, w_stack, b_stack)

  h = x
  for l in range(NUM_LAYERS):
    _, _, w1, b1, w2, b2 = params[l]
    parts = _sc_aggregate(h, e_all[l], sd)
    h = _mlp(h, parts[0, :N_NODES], parts[1, :N_NODES],
             w1, b1[None, :], w2, b2[None, :])
  return h


def kernel(x, edge_index, edge_attr, params):
  return _run(x, edge_index, edge_attr, params)

# --- scband reference (transcript-rebuilt; emitter-appended) ---
"""Pipeline reference for scband-encoder-gnn-88871463289367 (READ-ONLY COPY).

The authoritative reference and input builder live on the scoring server;
editing this copy changes nothing except your own understanding.
"""

import jax, jax.numpy as jnp
import numpy as np

N = 10000
E = 320000
D = 128
ED = 16
H = 128
NUM_LAYERS = 3


def _make_layer_params(key, d_in, ed, h):
    k0, k1, k2 = jax.random.split(key, 3)
    We = jax.random.normal(k0, (ed, d_in), dtype=jnp.float32) * (1.0 / np.sqrt(ed))
    be = jnp.zeros((d_in,), dtype=jnp.float32)
    W1 = jax.random.normal(k1, (d_in, h), dtype=jnp.float32) * (1.0 / np.sqrt(d_in))
    b1 = jnp.zeros((h,), dtype=jnp.float32)
    W2 = jax.random.normal(k2, (h, h), dtype=jnp.float32) * (1.0 / np.sqrt(h))
    b2 = jnp.zeros((h,), dtype=jnp.float32)
    return (We, be, W1, b1, W2, b2)


def setup_inputs(seed: int = 0) -> dict:
    key = jax.random.key(seed)
    ks = jax.random.split(key, 8)
    x = jax.random.normal(ks[0], (N, D), dtype=jnp.float32)
    edge_index = jax.random.randint(ks[1], (2, E), 0, N, dtype=jnp.int32)
    edge_attr = jax.random.normal(ks[2], (E, ED), dtype=jnp.float32)
    params = []
    d_in = D
    for i in range(NUM_LAYERS):
        params.append(_make_layer_params(ks[3 + i], d_in, ED, H))
        d_in = H
    return {"x": x, "edge_index": edge_index, "edge_attr": edge_attr, "params": tuple(params)}


def _gine_layer(h, src, dst, edge_attr, p, num_nodes):
    We, be, W1, b1, W2, b2 = p
    # GINEConv message: relu(x_j + Linear(edge_attr)); sum aggregation; eps=0
    e = edge_attr @ We + be
    m = jax.nn.relu(h[src] + e)
    aggr = jax.ops.segment_sum(m, dst, num_segments=num_nodes)
    a = h + aggr  # (1 + eps) * x_r + aggr, eps = 0
    h1 = jax.nn.relu(a @ W1 + b1)
    return h1 @ W2 + b2


def reference(x, edge_index, edge_attr, params):
    src = edge_index[0]
    dst = edge_index[1]
    num_nodes = x.shape[0]
    h = x
    for p in params:
        h = jax.nn.relu(_gine_layer(h, src, dst, edge_attr, p, num_nodes))
    return h

if __name__ == "__main__":
    import jax
    _d = setup_inputs()
    print(jax.jit(kernel)(*tuple(_d.values())))

</pallas_src>

<mosaic_0001>
#map = affine_map<(d0, d1) -> (0, 0)>
#map1 = affine_map<(d0, d1) -> (0, 0, 0, 0)>
#map2 = affine_map<(d0, d1) -> (0, 0, 0)>
module attributes {stable_mosaic.version = 14 : i64} {
  func.func @_sc_body(%arg0: i32, %arg1: i32, %arg2: memref<10000x128xf32, #tpu.memory_space<hbm>>, %arg3: memref<320000x128xf32, #tpu.memory_space<hbm>>, %arg4: memref<32x250x2x40xi32, #tpu.memory_space<hbm>>, %arg5: memref<2x10240x128xf32, #tpu.memory_space<hbm>>, %arg6: memref<2x40xi32, #tpu.memory_space<vmem>>, %arg7: memref<2x40xi32, #tpu.memory_space<vmem>>, %arg8: memref<40x128xf32, #tpu.memory_space<vmem>>, %arg9: memref<40x128xf32, #tpu.memory_space<vmem>>, %arg10: memref<40x128xf32, #tpu.memory_space<vmem>>, %arg11: memref<40x128xf32, #tpu.memory_space<vmem>>, %arg12: memref<16x128xf32, #tpu.memory_space<vmem>>, %arg13: memref<10240x128xf32, #tpu.memory_space<vmem_shared>>, %arg14: memref<!tpu.dma_semaphore, #tpu.memory_space<semaphore_mem>>, %arg15: memref<!tpu.dma_semaphore, #tpu.memory_space<semaphore_mem>>, %arg16: memref<!tpu.dma_semaphore, #tpu.memory_space<semaphore_mem>>, %arg17: memref<!tpu.dma_semaphore, #tpu.memory_space<semaphore_mem>>) attributes {dimension_semantics = [#tpu.dimension_semantics<core_parallel>, #tpu.dimension_semantics<subcore_parallel>], iteration_bounds = array<i64: 2, 16>, scalar_prefetch = 0 : i64, scratch_operands = 12 : i64, tpu.core_type = #tpu.core_type<sc_vector_subcore>, window_params = [{transform_indices = #map}, {transform_indices = #map}, {transform_indices = #map1}, {transform_indices = #map2}]} {
    %mul3A = arith.constant 2 : i32
    %mul3A_0 = arith.muli %arg1, %mul3A : i32
    %add3A = arith.addi %mul3A_0, %arg0 : i32
    %mul3A_1 = arith.constant 10000 : i32
    %mul3A_2 = arith.muli %add3A, %mul3A_1 : i32
    %scan3A = arith.constant 0 : i32
    %scan3A_3 = arith.constant 0 : i32
    %scan3A_4 = arith.constant 16 : i32
    %scan3A_5 = arith.addi %scan3A_3, %scan3A_4 : i32
    %scan3A_6 = arith.constant 1 : i32
    %scan3A_7 = scf.for %scan3A_220 = %scan3A_3 to %scan3A_5 step %scan3A_6 iter_args(%scan3A_221 = %scan3A) -> (i32)  : i32 {
      %broadcast_in_dim3A = arith.constant 0.000000e+00 : f32
      %broadcast_in_dim3A_222 = vector.broadcast %broadcast_in_dim3A : f32 to vector<16xf32>
      %swap3A = arith.index_cast %scan3A_220 : i32 to index
      %swap3A_223 = arith.constant 0 : index
      %swap3A_224 = tpu.vector_load %arg12[%swap3A, %swap3A_223] {strides = array<i32>} : memref<16x128xf32, #tpu.memory_space<vmem>>, vector<1x16xf32>,
      %swap3A_225 = vector.shape_cast %swap3A_224 : vector<1x16xf32> to vector<16xf32>
      %swap3A_226 = vector.shape_cast %broadcast_in_dim3A_222 : vector<16xf32> to vector<1x16xf32>
      tpu.vector_store %arg12[%swap3A, %swap3A_223], %swap3A_226 {strides = array<i32>} : memref<16x128xf32, #tpu.memory_space<vmem>>, vector<1x16xf32>,
      %broadcast_in_dim3A_227 = arith.constant 0.000000e+00 : f32
      %broadcast_in_dim3A_228 = vector.broadcast %broadcast_in_dim3A_227 : f32 to vector<16xf32>
      %swap3A_229 = arith.index_cast %scan3A_220 : i32 to index
      %swap3A_230 = arith.constant 16 : index
      %swap3A_231 = tpu.vector_load %arg12[%swap3A_229, %swap3A_230] {strides = array<i32>} : memref<16x128xf32, #tpu.memory_space<vmem>>, vector<1x16xf32>,
      %swap3A_232 = vector.shape_cast %swap3A_231 : vector<1x16xf32> to vector<16xf32>
      %swap3A_233 = vector.shape_cast %broadcast_in_dim3A_228 : vector<16xf32> to vector<1x16xf32>
      tpu.vector_store %arg12[%swap3A_229, %swap3A_230], %swap3A_233 {strides = array<i32>} : memref<16x128xf32, #tpu.memory_space<vmem>>, vector<1x16xf32>,
      %broadcast_in_dim3A_234 = arith.constant 0.000000e+00 : f32
      %broadcast_in_dim3A_235 = vector.broadcast %broadcast_in_dim3A_234 : f32 to vector<16xf32>
      %swap3A_236 = arith.index_cast %scan3A_220 : i32 to index
      %swap3A_237 = arith.constant 32 : index
      %swap3A_238 = tpu.vector_load %arg12[%swap3A_236, %swap3A_237] {strides = array<i32>} : memref<16x128xf32, #tpu.memory_space<vmem>>, vector<1x16xf32>,
      %swap3A_239 = vector.shape_cast %swap3A_238 : vector<1x16xf32> to vector<16xf32>
      %swap3A_240 = vector.shape_cast %broadcast_in_dim3A_235 : vector<16xf32> to vector<1x16xf32>
      tpu.vector_store %arg12[%swap3A_236, %swap3A_237], %swap3A_240 {strides = array<i32>} : memref<16x128xf32, #tpu.memory_space<vmem>>, vector<1x16xf32>,
      %broadcast_in_dim3A_241 = arith.constant 0.000000e+00 : f32
      %broadcast_in_dim3A_242 = vector.broadcast %broadcast_in_dim3A_241 : f32 to vector<16xf32>
      %swap3A_243 = arith.index_cast %scan3A_220 : i32 to index
      %swap3A_244 = arith.constant 48 : index
      %swap3A_245 = tpu.vector_load %arg12[%swap3A_243, %swap3A_244] {strides = array<i32>} : memref<16x128xf32, #tpu.memory_space<vmem>>, vector<1x16xf32>,
      %swap3A_246 = vector.shape_cast %swap3A_245 : vector<1x16xf32> to vector<16xf32>
      %swap3A_247 = vector.shape_cast %broadcast_in_dim3A_242 : vector<16xf32> to vector<1x16xf32>
      tpu.vector_store %arg12[%swap3A_243, %swap3A_244], %swap3A_247 {strides = array<i32>} : memref<16x128xf32, #tpu.memory_space<vmem>>, vector<1x16xf32>,
      %broadcast_in_dim3A_248 = arith.constant 0.000000e+00 : f32
      %broadcast_in_dim3A_249 = vector.broadcast %broadcast_in_dim3A_248 : f32 to vector<16xf32>
      %swap3A_250 = arith.index_cast %scan3A_220 : i32 to index
      %swap3A_251 = arith.constant 64 : index
      %swap3A_252 = tpu.vector_load %arg12[%swap3A_250, %swap3A_251] {strides = array<i32>} : memref<16x128xf32, #tpu.memory_space<vmem>>, vector<1x16xf32>,
      %swap3A_253 = vector.shape_cast %swap3A_252 : vector<1x16xf32> to vector<16xf32>
      %swap3A_254 = vector.shape_cast %broadcast_in_dim3A_249 : vector<16xf32> to vector<1x16xf32>
      tpu.vector_store %arg12[%swap3A_250, %swap3A_251], %swap3A_254 {strides = array<i32>} : memref<16x128xf32, #tpu.memory_space<vmem>>, vector<1x16xf32>,
      %broadcast_in_dim3A_255 = arith.constant 0.000000e+00 : f32
      %broadcast_in_dim3A_256 = vector.broadcast %broadcast_in_dim3A_255 : f32 to vector<16xf32>
      %swap3A_257 = arith.index_cast %scan3A_220 : i32 to index
      %swap3A_258 = arith.constant 80 : index
      %swap3A_259 = tpu.vector_load %arg12[%swap3A_257, %swap3A_258] {strides = array<i32>} : memref<16x128xf32, #tpu.memory_space<vmem>>, vector<1x16xf32>,
      %swap3A_260 = vector.shape_cast %swap3A_259 : vector<1x16xf32> to vector<16xf32>
      %swap3A_261 = vector.shape_cast %broadcast_in_dim3A_256 : vector<16xf32> to vector<1x16xf32>
      tpu.vector_store %arg12[%swap3A_257, %swap3A_258], %swap3A_261 {strides = array<i32>} : memref<16x128xf32, #tpu.memory_space<vmem>>, vector<1x16xf32>,
      %broadcast_in_dim3A_262 = arith.constant 0.000000e+00 : f32
      %broadcast_in_dim3A_263 = vector.broadcast %broadcast_in_dim3A_262 : f32 to vector<16xf32>
      %swap3A_264 = arith.index_cast %scan3A_220 : i32 to index
      %swap3A_265 = arith.constant 96 : index
      %swap3A_266 = tpu.vector_load %arg12[%swap3A_264, %swap3A_265] {strides = array<i32>} : memref<16x128xf32, #tpu.memory_space<vmem>>, vector<1x16xf32>,
      %swap3A_267 = vector.shape_cast %swap3A_266 : vector<1x16xf32> to vector<16xf32>
      %swap3A_268 = vector.shape_cast %broadcast_in_dim3A_263 : vector<16xf32> to vector<1x16xf32>
      tpu.vector_store %arg12[%swap3A_264, %swap3A_265], %swap3A_268 {strides = array<i32>} : memref<16x128xf32, #tpu.memory_space<vmem>>, vector<1x16xf32>,
      %broadcast_in_dim3A_269 = arith.constant 0.000000e+00 : f32
      %broadcast_in_dim3A_270 = vector.broadcast %broadcast_in_dim3A_269 : f32 to vector<16xf32>
      %swap3A_271 = arith.index_cast %scan3A_220 : i32 to index
      %swap3A_272 = arith.constant 112 : index
      %swap3A_273 = tpu.vector_load %arg12[%swap3A_271, %swap3A_272] {strides = array<i32>} : memref<16x128xf32, #tpu.memory_space<vmem>>, vector<1x16xf32>,
      %swap3A_274 = vector.shape_cast %swap3A_273 : vector<1x16xf32> to vector<16xf32>
      %swap3A_275 = vector.shape_cast %broadcast_in_dim3A_270 : vector<16xf32> to vector<1x16xf32>
      tpu.vector_store %arg12[%swap3A_271, %swap3A_272], %swap3A_275 {strides = array<i32>} : memref<16x128xf32, #tpu.memory_space<vmem>>, vector<1x16xf32>,
      %scan3A_276 = arith.constant 0 : i32
      scf.yield %scan3A_276 : i32
    }
    %scan3A_8 = arith.constant 16 : i32
    %mul3A_9 = arith.constant 640 : i32
    %mul3A_10 = arith.muli %arg1, %mul3A_9 : i32
    %add3A_11 = arith.constant 0 : i32
    %add3A_12 = arith.addi %mul3A_10, %add3A_11 : i32
    "tpu.region"() ({
      %run_scoped3A = tpu.sem_alloc : memref<!tpu.dma_semaphore, #tpu.memory_space<semaphore_mem>>
      %dma_start3A_220 = arith.constant 0 : i32
      %dma_start3A_221 = tpu.memref_slice %arg13[%add3A_12, %dma_start3A_220] : memref<10240x128xf32, #tpu.memory_space<vmem_shared>> -> memref<16x128xf32, #tpu.memory_space<vmem_shared>>
      %dma_start3A_222 = arith.constant 0 : i32
      %dma_start3A_223 = tpu.memref_slice %arg13[%add3A_12, %dma_start3A_222] : memref<10240x128xf32, #tpu.memory_space<vmem_shared>> -> memref<16x128xf32, #tpu.memory_space<vmem_shared>>
      tpu.enqueue_dma source(%arg12 : memref<16x128xf32, #tpu.memory_space<vmem>>) target(%dma_start3A_223 : memref<16x128xf32, #tpu.memory_space<vmem_shared>>) target_semaphore(%run_scoped3A : memref<!tpu.dma_semaphore, #tpu.memory_space<semaphore_mem>>)
      %dma_wait3A_224 = arith.constant 0 : i32
      %dma_wait3A_225 = tpu.memref_slice %arg13[%add3A_12, %dma_wait3A_224] : memref<10240x128xf32, #tpu.memory_space<vmem_shared>> -> memref<16x128xf32, #tpu.memory_space<vmem_shared>>
      %dma_wait3A_226 = arith.constant 0 : i32
      %dma_wait3A_227 = tpu.memref_slice %arg13[%add3A_12, %dma_wait3A_226] : memref<10240x128xf32, #tpu.memory_space<vmem_shared>> -> memref<16x128xf32, #tpu.memory_space<vmem_shared>>
      tpu.wait_dma2 semaphore(%run_scoped3A : memref<!tpu.dma_semaphore, #tpu.memory_space<semaphore_mem>>) src(%arg12 : memref<16x128xf32, #tpu.memory_space<vmem>>) dst(%dma_wait3A_227 : memref<16x128xf32, #tpu.memory_space<vmem_shared>>)
      tpu.yield
    }) : () -> ()
    %mul3A_13 = arith.constant 640 : i32
    %mul3A_14 = arith.muli %arg1, %mul3A_13 : i32
    %add3A_15 = arith.constant 16 : i32
    %add3A_16 = arith.addi %mul3A_14, %add3A_15 : i32
    "tpu.region"() ({
      %run_scoped3A = tpu.sem_alloc : memref<!tpu.dma_semaphore, #tpu.memory_space<semaphore_mem>>
      %dma_start3A_220 = arith.constant 0 : i32
      %dma_start3A_221 = tpu.memref_slice %arg13[%add3A_16, %dma_start3A_220] : memref<10240x128xf32, #tpu.memory_space<vmem_shared>> -> memref<16x128xf32, #tpu.memory_space<vmem_shared>>
      %dma_start3A_222 = arith.constant 0 : i32
      %dma_start3A_223 = tpu.memref_slice %arg13[%add3A_16, %dma_start3A_222] : memref<10240x128xf32, #tpu.memory_space<vmem_shared>> -> memref<16x128xf32, #tpu.memory_space<vmem_shared>>
      tpu.enqueue_dma source(%arg12 : memref<16x128xf32, #tpu.memory_space<vmem>>) target(%dma_start3A_223 : memref<16x128xf32, #tpu.memory_space<vmem_shared>>) target_semaphore(%run_scoped3A : memref<!tpu.dma_semaphore, #tpu.memory_space<semaphore_mem>>)
      %dma_wait3A_224 = arith.constant 0 : i32
      %dma_wait3A_225 = tpu.memref_slice %arg13[%add3A_16, %dma_wait3A_224] : memref<10240x128xf32, #tpu.memory_space<vmem_shared>> -> memref<16x128xf32, #tpu.memory_space<vmem_shared>>
      %dma_wait3A_226 = arith.constant 0 : i32
      %dma_wait3A_227 = tpu.memref_slice %arg13[%add3A_16, %dma_wait3A_226] : memref<10240x128xf32, #tpu.memory_space<vmem_shared>> -> memref<16x128xf32, #tpu.memory_space<vmem_shared>>
      tpu.wait_dma2 semaphore(%run_scoped3A : memref<!tpu.dma_semaphore, #tpu.memory_space<semaphore_mem>>) src(%arg12 : memref<16x128xf32, #tpu.memory_space<vmem>>) dst(%dma_wait3A_227 : memref<16x128xf32, #tpu.memory_space<vmem_shared>>)
      tpu.yield
    }) : () -> ()
    %mul3A_17 = arith.constant 640 : i32
    %mul3A_18 = arith.muli %arg1, %mul3A_17 : i32
    %add3A_19 = arith.constant 32 : i32
    %add3A_20 = arith.addi %mul3A_18, %add3A_19 : i32
    "tpu.region"() ({
      %run_scoped3A = tpu.sem_alloc : memref<!tpu.dma_semaphore, #tpu.memory_space<semaphore_mem>>
      %dma_start3A_220 = arith.constant 0 : i32
      %dma_start3A_221 = tpu.memref_slice %arg13[%add3A_20, %dma_start3A_220] : memref<10240x128xf32, #tpu.memory_space<vmem_shared>> -> memref<16x128xf32, #tpu.memory_space<vmem_shared>>
      %dma_start3A_222 = arith.constant 0 : i32
      %dma_start3A_223 = tpu.memref_slice %arg13[%add3A_20, %dma_start3A_222] : memref<10240x128xf32, #tpu.memory_space<vmem_shared>> -> memref<16x128xf32, #tpu.memory_space<vmem_shared>>
      tpu.enqueue_dma source(%arg12 : memref<16x128xf32, #tpu.memory_space<vmem>>) target(%dma_start3A_223 : memref<16x128xf32, #tpu.memory_space<vmem_shared>>) target_semaphore(%run_scoped3A : memref<!tpu.dma_semaphore, #tpu.memory_space<semaphore_mem>>)
      %dma_wait3A_224 = arith.constant 0 : i32
      %dma_wait3A_225 = tpu.memref_slice %arg13[%add3A_20, %dma_wait3A_224] : memref<10240x128xf32, #tpu.memory_space<vmem_shared>> -> memref<16x128xf32, #tpu.memory_space<vmem_shared>>
      %dma_wait3A_226 = arith.constant 0 : i32
      %dma_wait3A_227 = tpu.memref_slice %arg13[%add3A_20, %dma_wait3A_226] : memref<10240x128xf32, #tpu.memory_space<vmem_shared>> -> memref<16x128xf32, #tpu.memory_space<vmem_shared>>
      tpu.wait_dma2 semaphore(%run_scoped3A : memref<!tpu.dma_semaphore, #tpu.memory_space<semaphore_mem>>) src(%arg12 : memref<16x128xf32, #tpu.memory_space<vmem>>) dst(%dma_wait3A_227 : memref<16x128xf32, #tpu.memory_space<vmem_shared>>)
      tpu.yield
    }) : () -> ()
    %mul3A_21 = arith.constant 640 : i32
    %mul3A_22 = arith.muli %arg1, %mul3A_21 : i32
    %add3A_23 = arith.constant 48 : i32
    %add3A_24 = arith.addi %mul3A_22, %add3A_23 : i32
    "tpu.region"() ({
      %run_scoped3A = tpu.sem_alloc : memref<!tpu.dma_semaphore, #tpu.memory_space<semaphore_mem>>
      %dma_start3A_220 = arith.constant 0 : i32
      %dma_start3A_221 = tpu.memref_slice %arg13[%add3A_24, %dma_start3A_220] : memref<10240x128xf32, #tpu.memory_space<vmem_shared>> -> memref<16x128xf32, #tpu.memory_space<vmem_shared>>
      %dma_start3A_222 = arith.constant 0 : i32
      %dma_start3A_223 = tpu.memref_slice %arg13[%add3A_24, %dma_start3A_222] : memref<10240x128xf32, #tpu.memory_space<vmem_shared>> -> memref<16x128xf32, #tpu.memory_space<vmem_shared>>
      tpu.enqueue_dma source(%arg12 : memref<16x128xf32, #tpu.memory_space<vmem>>) target(%dma_start3A_223 : memref<16x128xf32, #tpu.memory_space<vmem_shared>>) target_semaphore(%run_scoped3A : memref<!tpu.dma_semaphore, #tpu.memory_space<semaphore_mem>>)
      %dma_wait3A_224 = arith.constant 0 : i32
      %dma_wait3A_225 = tpu.memref_slice %arg13[%add3A_24, %dma_wait3A_224] : memref<10240x128xf32, #tpu.memory_space<vmem_shared>> -> memref<16x128xf32, #tpu.memory_space<vmem_shared>>
      %dma_wait3A_226 = arith.constant 0 : i32
      %dma_wait3A_227 = tpu.memref_slice %arg13[%add3A_24, %dma_wait3A_226] : memref<10240x128xf32, #tpu.memory_space<vmem_shared>> -> memref<16x128xf32, #tpu.memory_space<vmem_shared>>
      tpu.wait_dma2 semaphore(%run_scoped3A : memref<!tpu.dma_semaphore, #tpu.memory_space<semaphore_mem>>) src(%arg12 : memref<16x128xf32, #tpu.memory_space<vmem>>) dst(%dma_wait3A_227 : memref<16x128xf32, #tpu.memory_space<vmem_shared>>)
      tpu.yield
    }) : () -> ()
    %mul3A_25 = arith.constant 640 : i32
    %mul3A_26 = arith.muli %arg1, %mul3A_25 : i32
    %add3A_27 = arith.constant 64 : i32
    %add3A_28 = arith.addi %mul3A_26, %add3A_27 : i32
    "tpu.region"() ({
      %run_scoped3A = tpu.sem_alloc : memref<!tpu.dma_semaphore, #tpu.memory_space<semaphore_mem>>
      %dma_start3A_220 = arith.constant 0 : i32
      %dma_start3A_221 = tpu.memref_slice %arg13[%add3A_28, %dma_start3A_220] : memref<10240x128xf32, #tpu.memory_space<vmem_shared>> -> memref<16x128xf32, #tpu.memory_space<vmem_shared>>
      %dma_start3A_222 = arith.constant 0 : i32
      %dma_start3A_223 = tpu.memref_slice %arg13[%add3A_28, %dma_start3A_222] : memref<10240x128xf32, #tpu.memory_space<vmem_shared>> -> memref<16x128xf32, #tpu.memory_space<vmem_shared>>
      tpu.enqueue_dma source(%arg12 : memref<16x128xf32, #tpu.memory_space<vmem>>) target(%dma_start3A_223 : memref<16x128xf32, #tpu.memory_space<vmem_shared>>) target_semaphore(%run_scoped3A : memref<!tpu.dma_semaphore, #tpu.memory_space<semaphore_mem>>)
      %dma_wait3A_224 = arith.constant 0 : i32
      %dma_wait3A_225 = tpu.memref_slice %arg13[%add3A_28, %dma_wait3A_224] : memref<10240x128xf32, #tpu.memory_space<vmem_shared>> -> memref<16x128xf32, #tpu.memory_space<vmem_shared>>
      %dma_wait3A_226 = arith.constant 0 : i32
      %dma_wait3A_227 = tpu.memref_slice %arg13[%add3A_28, %dma_wait3A_226] : memref<10240x128xf32, #tpu.memory_space<vmem_shared>> -> memref<16x128xf32, #tpu.memory_space<vmem_shared>>
      tpu.wait_dma2 semaphore(%run_scoped3A : memref<!tpu.dma_semaphore, #tpu.memory_space<semaphore_mem>>) src(%arg12 : memref<16x128xf32, #tpu.memory_space<vmem>>) dst(%dma_wait3A_227 : memref<16x128xf32, #tpu.memory_space<vmem_shared>>)
      tpu.yield
    }) : () -> ()
    %mul3A_29 = arith.constant 640 : i32
    %mul3A_30 = arith.muli %arg1, %mul3A_29 : i32
    %add3A_31 = arith.constant 80 : i32
    %add3A_32 = arith.addi %mul3A_30, %add3A_31 : i32
    "tpu.region"() ({
      %run_scoped3A = tpu.sem_alloc : memref<!tpu.dma_semaphore, #tpu.memory_space<semaphore_mem>>
      %dma_start3A_220 = arith.constant 0 : i32
      %dma_start3A_221 = tpu.memref_slice %arg13[%add3A_32, %dma_start3A_220] : memref<10240x128xf32, #tpu.memory_space<vmem_shared>> -> memref<16x128xf32, #tpu.memory_space<vmem_shared>>
      %dma_start3A_222 = arith.constant 0 : i32
      %dma_start3A_223 = tpu.memref_slice %arg13[%add3A_32, %dma_start3A_222] : memref<10240x128xf32, #tpu.memory_space<vmem_shared>> -> memref<16x128xf32, #tpu.memory_space<vmem_shared>>
      tpu.enqueue_dma source(%arg12 : memref<16x128xf32, #tpu.memory_space<vmem>>) target(%dma_start3A_223 : memref<16x128xf32, #tpu.memory_space<vmem_shared>>) target_semaphore(%run_scoped3A : memref<!tpu.dma_semaphore, #tpu.memory_space<semaphore_mem>>)
      %dma_wait3A_224 = arith.constant 0 : i32
      %dma_wait3A_225 = tpu.memref_slice %arg13[%add3A_32, %dma_wait3A_224] : memref<10240x128xf32, #tpu.memory_space<vmem_shared>> -> memref<16x128xf32, #tpu.memory_space<vmem_shared>>
      %dma_wait3A_226 = arith.constant 0 : i32
      %dma_wait3A_227 = tpu.memref_slice %arg13[%add3A_32, %dma_wait3A_226] : memref<10240x128xf32, #tpu.memory_space<vmem_shared>> -> memref<16x128xf32, #tpu.memory_space<vmem_shared>>
      tpu.wait_dma2 semaphore(%run_scoped3A : memref<!tpu.dma_semaphore, #tpu.memory_space<semaphore_mem>>) src(%arg12 : memref<16x128xf32, #tpu.memory_space<vmem>>) dst(%dma_wait3A_227 : memref<16x128xf32, #tpu.memory_space<vmem_shared>>)
      tpu.yield
    }) : () -> ()
    %mul3A_33 = arith.constant 640 : i32
    %mul3A_34 = arith.muli %arg1, %mul3A_33 : i32
    %add3A_35 = arith.constant 96 : i32
    %add3A_36 = arith.addi %mul3A_34, %add3A_35 : i32
    "tpu.region"() ({
      %run_scoped3A = tpu.sem_alloc : memref<!tpu.dma_semaphore, #tpu.memory_space<semaphore_mem>>
      %dma_start3A_220 = arith.constant 0 : i32
      %dma_start3A_221 = tpu.memref_slice %arg13[%add3A_36, %dma_start3A_220] : memref<10240x128xf32, #tpu.memory_space<vmem_shared>> -> memref<16x128xf32, #tpu.memory_space<vmem_shared>>
      %dma_start3A_222 = arith.constant 0 : i32
      %dma_start3A_223 = tpu.memref_slice %arg13[%add3A_36, %dma_start3A_222] : memref<10240x128xf32, #tpu.memory_space<vmem_shared>> -> memref<16x128xf32, #tpu.memory_space<vmem_shared>>
      tpu.enqueue_dma source(%arg12 : memref<16x128xf32, #tpu.memory_space<vmem>>) target(%dma_start3A_223 : memref<16x128xf32, #tpu.memory_space<vmem_shared>>) target_semaphore(%run_scoped3A : memref<!tpu.dma_semaphore, #tpu.memory_space<semaphore_mem>>)
      %dma_wait3A_224 = arith.constant 0 : i32
      %dma_wait3A_225 = tpu.memref_slice %arg13[%add3A_36, %dma_wait3A_224] : memref<10240x128xf32, #tpu.memory_space<vmem_shared>> -> memref<16x128xf32, #tpu.memory_space<vmem_shared>>
      %dma_wait3A_226 = arith.constant 0 : i32
      %dma_wait3A_227 = tpu.memref_slice %arg13[%add3A_36, %dma_wait3A_226] : memref<10240x128xf32, #tpu.memory_space<vmem_shared>> -> memref<16x128xf32, #tpu.memory_space<vmem_shared>>
      tpu.wait_dma2 semaphore(%run_scoped3A : memref<!tpu.dma_semaphore, #tpu.memory_space<semaphore_mem>>) src(%arg12 : memref<16x128xf32, #tpu.memory_space<vmem>>) dst(%dma_wait3A_227 : memref<16x128xf32, #tpu.memory_space<vmem_shared>>)
      tpu.yield
    }) : () -> ()
    %mul3A_37 = arith.constant 640 : i32
    %mul3A_38 = arith.muli %arg1, %mul3A_37 : i32
    %add3A_39 = arith.constant 112 : i32
    %add3A_40 = arith.addi %mul3A_38, %add3A_39 : i32
    "tpu.region"() ({
      %run_scoped3A = tpu.sem_alloc : memref<!tpu.dma_semaphore, #tpu.memory_space<semaphore_mem>>
      %dma_start3A_220 = arith.constant 0 : i32
      %dma_start3A_221 = tpu.memref_slice %arg13[%add3A_40, %dma_start3A_220] : memref<10240x128xf32, #tpu.memory_space<vmem_shared>> -> memref<16x128xf32, #tpu.memory_space<vmem_shared>>
      %dma_start3A_222 = arith.constant 0 : i32
      %dma_start3A_223 = tpu.memref_slice %arg13[%add3A_40, %dma_start3A_222] : memref<10240x128xf32, #tpu.memory_space<vmem_shared>> -> memref<16x128xf32, #tpu.memory_space<vmem_shared>>
      tpu.enqueue_dma source(%arg12 : memref<16x128xf32, #tpu.memory_space<vmem>>) target(%dma_start3A_223 : memref<16x128xf32, #tpu.memory_space<vmem_shared>>) target_semaphore(%run_scoped3A : memref<!tpu.dma_semaphore, #tpu.memory_space<semaphore_mem>>)
      %dma_wait3A_224 = arith.constant 0 : i32
      %dma_wait3A_225 = tpu.memref_slice %arg13[%add3A_40, %dma_wait3A_224] : memref<10240x128xf32, #tpu.memory_space<vmem_shared>> -> memref<16x128xf32, #tpu.memory_space<vmem_shared>>
      %dma_wait3A_226 = arith.constant 0 : i32
      %dma_wait3A_227 = tpu.memref_slice %arg13[%add3A_40, %dma_wait3A_226] : memref<10240x128xf32, #tpu.memory_space<vmem_shared>> -> memref<16x128xf32, #tpu.memory_space<vmem_shared>>
      tpu.wait_dma2 semaphore(%run_scoped3A : memref<!tpu.dma_semaphore, #tpu.memory_space<semaphore_mem>>) src(%arg12 : memref<16x128xf32, #tpu.memory_space<vmem>>) dst(%dma_wait3A_227 : memref<16x128xf32, #tpu.memory_space<vmem_shared>>)
      tpu.yield
    }) : () -> ()
    %mul3A_41 = arith.constant 640 : i32
    %mul3A_42 = arith.muli %arg1, %mul3A_41 : i32
    %add3A_43 = arith.constant 128 : i32
    %add3A_44 = arith.addi %mul3A_42, %add3A_43 : i32
    "tpu.region"() ({
      %run_scoped3A = tpu.sem_alloc : memref<!tpu.dma_semaphore, #tpu.memory_space<semaphore_mem>>
      %dma_start3A_220 = arith.constant 0 : i32
      %dma_start3A_221 = tpu.memref_slice %arg13[%add3A_44, %dma_start3A_220] : memref<10240x128xf32, #tpu.memory_space<vmem_shared>> -> memref<16x128xf32, #tpu.memory_space<vmem_shared>>
      %dma_start3A_222 = arith.constant 0 : i32
      %dma_start3A_223 = tpu.memref_slice %arg13[%add3A_44, %dma_start3A_222] : memref<10240x128xf32, #tpu.memory_space<vmem_shared>> -> memref<16x128xf32, #tpu.memory_space<vmem_shared>>
      tpu.enqueue_dma source(%arg12 : memref<16x128xf32, #tpu.memory_space<vmem>>) target(%dma_start3A_223 : memref<16x128xf32, #tpu.memory_space<vmem_shared>>) target_semaphore(%run_scoped3A : memref<!tpu.dma_semaphore, #tpu.memory_space<semaphore_mem>>)
      %dma_wait3A_224 = arith.constant 0 : i32
      %dma_wait3A_225 = tpu.memref_slice %arg13[%add3A_44, %dma_wait3A_224] : memref<10240x128xf32, #tpu.memory_space<vmem_shared>> -> memref<16x128xf32, #tpu.memory_space<vmem_shared>>
      %dma_wait3A_226 = arith.constant 0 : i32
      %dma_wait3A_227 = tpu.memref_slice %arg13[%add3A_44, %dma_wait3A_226] : memref<10240x128xf32, #tpu.memory_space<vmem_shared>> -> memref<16x128xf32, #tpu.memory_space<vmem_shared>>
      tpu.wait_dma2 semaphore(%run_scoped3A : memref<!tpu.dma_semaphore, #tpu.memory_space<semaphore_mem>>) src(%arg12 : memref<16x128xf32, #tpu.memory_space<vmem>>) dst(%dma_wait3A_227 : memref<16x128xf32, #tpu.memory_space<vmem_shared>>)
      tpu.yield
    }) : () -> ()
    %mul3A_45 = arith.constant 640 : i32
    %mul3A_46 = arith.muli %arg1, %mul3A_45 : i32
    %add3A_47 = arith.constant 144 : i32
    %add3A_48 = arith.addi %mul3A_46, %add3A_47 : i32
    "tpu.region"() ({
      %run_scoped3A = tpu.sem_alloc : memref<!tpu.dma_semaphore, #tpu.memory_space<semaphore_mem>>
      %dma_start3A_220 = arith.constant 0 : i32
      %dma_start3A_221 = tpu.memref_slice %arg13[%add3A_48, %dma_start3A_220] : memref<10240x128xf32, #tpu.memory_space<vmem_shared>> -> memref<16x128xf32, #tpu.memory_space<vmem_shared>>
      %dma_start3A_222 = arith.constant 0 : i32
      %dma_start3A_223 = tpu.memref_slice %arg13[%add3A_48, %dma_start3A_222] : memref<10240x128xf32, #tpu.memory_space<vmem_shared>> -> memref<16x128xf32, #tpu.memory_space<vmem_shared>>
      tpu.enqueue_dma source(%arg12 : memref<16x128xf32, #tpu.memory_space<vmem>>) target(%dma_start3A_223 : memref<16x128xf32, #tpu.memory_space<vmem_shared>>) target_semaphore(%run_scoped3A : memref<!tpu.dma_semaphore, #tpu.memory_space<semaphore_mem>>)
      %dma_wait3A_224 = arith.constant 0 : i32
      %dma_wait3A_225 = tpu.memref_slice %arg13[%add3A_48, %dma_wait3A_224] : memref<10240x128xf32, #tpu.memory_space<vmem_shared>> -> memref<16x128xf32, #tpu.memory_space<vmem_shared>>
      %dma_wait3A_226 = arith.constant 0 : i32
      %dma_wait3A_227 = tpu.memref_slice %arg13[%add3A_48, %dma_wait3A_226] : memref<10240x128xf32, #tpu.memory_space<vmem_shared>> -> memref<16x128xf32, #tpu.memory_space<vmem_shared>>
      tpu.wait_dma2 semaphore(%run_scoped3A : memref<!tpu.dma_semaphore, #tpu.memory_space<semaphore_mem>>) src(%arg12 : memref<16x128xf32, #tpu.memory_space<vmem>>) dst(%dma_wait3A_227 : memref<16x128xf32, #tpu.memory_space<vmem_shared>>)
      tpu.yield
    }) : () -> ()
    %mul3A_49 = arith.constant 640 : i32
    %mul3A_50 = arith.muli %arg1, %mul3A_49 : i32
    %add3A_51 = arith.constant 160 : i32
    %add3A_52 = arith.addi %mul3A_50, %add3A_51 : i32
    "tpu.region"() ({
      %run_scoped3A = tpu.sem_alloc : memref<!tpu.dma_semaphore, #tpu.memory_space<semaphore_mem>>
      %dma_start3A_220 = arith.constant 0 : i32
      %dma_start3A_221 = tpu.memref_slice %arg13[%add3A_52, %dma_start3A_220] : memref<10240x128xf32, #tpu.memory_space<vmem_shared>> -> memref<16x128xf32, #tpu.memory_space<vmem_shared>>
      %dma_start3A_222 = arith.constant 0 : i32
      %dma_start3A_223 = tpu.memref_slice %arg13[%add3A_52, %dma_start3A_222] : memref<10240x128xf32, #tpu.memory_space<vmem_shared>> -> memref<16x128xf32, #tpu.memory_space<vmem_shared>>
      tpu.enqueue_dma source(%arg12 : memref<16x128xf32, #tpu.memory_space<vmem>>) target(%dma_start3A_223 : memref<16x128xf32, #tpu.memory_space<vmem_shared>>) target_semaphore(%run_scoped3A : memref<!tpu.dma_semaphore, #tpu.memory_space<semaphore_mem>>)
      %dma_wait3A_224 = arith.constant 0 : i32
      %dma_wait3A_225 = tpu.memref_slice %arg13[%add3A_52, %dma_wait3A_224] : memref<10240x128xf32, #tpu.memory_space<vmem_shared>> -> memref<16x128xf32, #tpu.memory_space<vmem_shared>>
      %dma_wait3A_226 = arith.constant 0 : i32
      %dma_wait3A_227 = tpu.memref_slice %arg13[%add3A_52, %dma_wait3A_226] : memref<10240x128xf32, #tpu.memory_space<vmem_shared>> -> memref<16x128xf32, #tpu.memory_space<vmem_shared>>
      tpu.wait_dma2 semaphore(%run_scoped3A : memref<!tpu.dma_semaphore, #tpu.memory_space<semaphore_mem>>) src(%arg12 : memref<16x128xf32, #tpu.memory_space<vmem>>) dst(%dma_wait3A_227 : memref<16x128xf32, #tpu.memory_space<vmem_shared>>)
      tpu.yield
    }) : () -> ()
    %mul3A_53 = arith.constant 640 : i32
    %mul3A_54 = arith.muli %arg1, %mul3A_53 : i32
    %add3A_55 = arith.constant 176 : i32
    %add3A_56 = arith.addi %mul3A_54, %add3A_55 : i32
    "tpu.region"() ({
      %run_scoped3A = tpu.sem_alloc : memref<!tpu.dma_semaphore, #tpu.memory_space<semaphore_mem>>
      %dma_start3A_220 = arith.constant 0 : i32
      %dma_start3A_221 = tpu.memref_slice %arg13[%add3A_56, %dma_start3A_220] : memref<10240x128xf32, #tpu.memory_space<vmem_shared>> -> memref<16x128xf32, #tpu.memory_space<vmem_shared>>
      %dma_start3A_222 = arith.constant 0 : i32
      %dma_start3A_223 = tpu.memref_slice %arg13[%add3A_56, %dma_start3A_222] : memref<10240x128xf32, #tpu.memory_space<vmem_shared>> -> memref<16x128xf32, #tpu.memory_space<vmem_shared>>
      tpu.enqueue_dma source(%arg12 : memref<16x128xf32, #tpu.memory_space<vmem>>) target(%dma_start3A_223 : memref<16x128xf32, #tpu.memory_space<vmem_shared>>) target_semaphore(%run_scoped3A : memref<!tpu.dma_semaphore, #tpu.memory_space<semaphore_mem>>)
      %dma_wait3A_224 = arith.constant 0 : i32
      %dma_wait3A_225 = tpu.memref_slice %arg13[%add3A_56, %dma_wait3A_224] : memref<10240x128xf32, #tpu.memory_space<vmem_shared>> -> memref<16x128xf32, #tpu.memory_space<vmem_shared>>
      %dma_wait3A_226 = arith.constant 0 : i32
      %dma_wait3A_227 = tpu.memref_slice %arg13[%add3A_56, %dma_wait3A_226] : memref<10240x128xf32, #tpu.memory_space<vmem_shared>> -> memref<16x128xf32, #tpu.memory_space<vmem_shared>>
      tpu.wait_dma2 semaphore(%run_scoped3A : memref<!tpu.dma_semaphore, #tpu.memory_space<semaphore_mem>>) src(%arg12 : memref<16x128xf32, #tpu.memory_space<vmem>>) dst(%dma_wait3A_227 : memref<16x128xf32, #tpu.memory_space<vmem_shared>>)
      tpu.yield
    }) : () -> ()
    %mul3A_57 = arith.constant 640 : i32
    %mul3A_58 = arith.muli %arg1, %mul3A_57 : i32
    %add3A_59 = arith.constant 192 : i32
    %add3A_60 = arith.addi %mul3A_58, %add3A_59 : i32
    "tpu.region"() ({
      %run_scoped3A = tpu.sem_alloc : memref<!tpu.dma_semaphore, #tpu.memory_space<semaphore_mem>>
      %dma_start3A_220 = arith.constant 0 : i32
      %dma_start3A_221 = tpu.memref_slice %arg13[%add3A_60, %dma_start3A_220] : memref<10240x128xf32, #tpu.memory_space<vmem_shared>> -> memref<16x128xf32, #tpu.memory_space<vmem_shared>>
      %dma_start3A_222 = arith.constant 0 : i32
      %dma_start3A_223 = tpu.memref_slice %arg13[%add3A_60, %dma_start3A_222] : memref<10240x128xf32, #tpu.memory_space<vmem_shared>> -> memref<16x128xf32, #tpu.memory_space<vmem_shared>>
      tpu.enqueue_dma source(%arg12 : memref<16x128xf32, #tpu.memory_space<vmem>>) target(%dma_start3A_223 : memref<16x128xf32, #tpu.memory_space<vmem_shared>>) target_semaphore(%run_scoped3A : memref<!tpu.dma_semaphore, #tpu.memory_space<semaphore_mem>>)
      %dma_wait3A_224 = arith.constant 0 : i32
      %dma_wait3A_225 = tpu.memref_slice %arg13[%add3A_60, %dma_wait3A_224] : memref<10240x128xf32, #tpu.memory_space<vmem_shared>> -> memref<16x128xf32, #tpu.memory_space<vmem_shared>>
      %dma_wait3A_226 = arith.constant 0 : i32
      %dma_wait3A_227 = tpu.memref_slice %arg13[%add3A_60, %dma_wait3A_226] : memref<10240x128xf32, #tpu.memory_space<vmem_shared>> -> memref<16x128xf32, #tpu.memory_space<vmem_shared>>
      tpu.wait_dma2 semaphore(%run_scoped3A : memref<!tpu.dma_semaphore, #tpu.memory_space<semaphore_mem>>) src(%arg12 : memref<16x128xf32, #tpu.memory_space<vmem>>) dst(%dma_wait3A_227 : memref<16x128xf32, #tpu.memory_space<vmem_shared>>)
      tpu.yield
    }) : () -> ()
    %mul3A_61 = arith.constant 640 : i32
    %mul3A_62 = arith.muli %arg1, %mul3A_61 : i32
    %add3A_63 = arith.constant 208 : i32
    %add3A_64 = arith.addi %mul3A_62, %add3A_63 : i32
    "tpu.region"() ({
      %run_scoped3A = tpu.sem_alloc : memref<!tpu.dma_semaphore, #tpu.memory_space<semaphore_mem>>
      %dma_start3A_220 = arith.constant 0 : i32
      %dma_start3A_221 = tpu.memref_slice %arg13[%add3A_64, %dma_start3A_220] : memref<10240x128xf32, #tpu.memory_space<vmem_shared>> -> memref<16x128xf32, #tpu.memory_space<vmem_shared>>
      %dma_start3A_222 = arith.constant 0 : i32
      %dma_start3A_223 = tpu.memref_slice %arg13[%add3A_64, %dma_start3A_222] : memref<10240x128xf32, #tpu.memory_space<vmem_shared>> -> memref<16x128xf32, #tpu.memory_space<vmem_shared>>
      tpu.enqueue_dma source(%arg12 : memref<16x128xf32, #tpu.memory_space<vmem>>) target(%dma_start3A_223 : memref<16x128xf32, #tpu.memory_space<vmem_shared>>) target_semaphore(%run_scoped3A : memref<!tpu.dma_semaphore, #tpu.memory_space<semaphore_mem>>)
      %dma_wait3A_224 = arith.constant 0 : i32
      %dma_wait3A_225 = tpu.memref_slice %arg13[%add3A_64, %dma_wait3A_224] : memref<10240x128xf32, #tpu.memory_space<vmem_shared>> -> memref<16x128xf32, #tpu.memory_space<vmem_shared>>
      %dma_wait3A_226 = arith.constant 0 : i32
      %dma_wait3A_227 = tpu.memref_slice %arg13[%add3A_64, %dma_wait3A_226] : memref<10240x128xf32, #tpu.memory_space<vmem_shared>> -> memref<16x128xf32, #tpu.memory_space<vmem_shared>>
      tpu.wait_dma2 semaphore(%run_scoped3A : memref<!tpu.dma_semaphore, #tpu.memory_space<semaphore_mem>>) src(%arg12 : memref<16x128xf32, #tpu.memory_space<vmem>>) dst(%dma_wait3A_227 : memref<16x128xf32, #tpu.memory_space<vmem_shared>>)
      tpu.yield
    }) : () -> ()
    %mul3A_65 = arith.constant 640 : i32
    %mul3A_66 = arith.muli %arg1, %mul3A_65 : i32
    %add3A_67 = arith.constant 224 : i32
    %add3A_68 = arith.addi %mul3A_66, %add3A_67 : i32
    "tpu.region"() ({
      %run_scoped3A = tpu.sem_alloc : memref<!tpu.dma_semaphore, #tpu.memory_space<semaphore_mem>>
      %dma_start3A_220 = arith.constant 0 : i32
      %dma_start3A_221 = tpu.memref_slice %arg13[%add3A_68, %dma_start3A_220] : memref<10240x128xf32, #tpu.memory_space<vmem_shared>> -> memref<16x128xf32, #tpu.memory_space<vmem_shared>>
      %dma_start3A_222 = arith.constant 0 : i32
      %dma_start3A_223 = tpu.memref_slice %arg13[%add3A_68, %dma_start3A_222] : memref<10240x128xf32, #tpu.memory_space<vmem_shared>> -> memref<16x128xf32, #tpu.memory_space<vmem_shared>>
      tpu.enqueue_dma source(%arg12 : memref<16x128xf32, #tpu.memory_space<vmem>>) target(%dma_start3A_223 : memref<16x128xf32, #tpu.memory_space<vmem_shared>>) target_semaphore(%run_scoped3A : memref<!tpu.dma_semaphore, #tpu.memory_space<semaphore_mem>>)
      %dma_wait3A_224 = arith.constant 0 : i32
      %dma_wait3A_225 = tpu.memref_slice %arg13[%add3A_68, %dma_wait3A_224] : memref<10240x128xf32, #tpu.memory_space<vmem_shared>> -> memref<16x128xf32, #tpu.memory_space<vmem_shared>>
      %dma_wait3A_226 = arith.constant 0 : i32
      %dma_wait3A_227 = tpu.memref_slice %arg13[%add3A_68, %dma_wait3A_226] : memref<10240x128xf32, #tpu.memory_space<vmem_shared>> -> memref<16x128xf32, #tpu.memory_space<vmem_shared>>
      tpu.wait_dma2 semaphore(%run_scoped3A : memref<!tpu.dma_semaphore, #tpu.memory_space<semaphore_mem>>) src(%arg12 : memref<16x128xf32, #tpu.memory_space<vmem>>) dst(%dma_wait3A_227 : memref<16x128xf32, #tpu.memory_space<vmem_shared>>)
      tpu.yield
    }) : () -> ()
    %mul3A_69 = arith.constant 640 : i32
    %mul3A_70 = arith.muli %arg1, %mul3A_69 : i32
    %add3A_71 = arith.constant 240 : i32
    %add3A_72 = arith.addi %mul3A_70, %add3A_71 : i32
    "tpu.region"() ({
      %run_scoped3A = tpu.sem_alloc : memref<!tpu.dma_semaphore, #tpu.memory_space<semaphore_mem>>
      %dma_start3A_220 = arith.constant 0 : i32
      %dma_start3A_221 = tpu.memref_slice %arg13[%add3A_72, %dma_start3A_220] : memref<10240x128xf32, #tpu.memory_space<vmem_shared>> -> memref<16x128xf32, #tpu.memory_space<vmem_shared>>
      %dma_start3A_222 = arith.constant 0 : i32
      %dma_start3A_223 = tpu.memref_slice %arg13[%add3A_72, %dma_start3A_222] : memref<10240x128xf32, #tpu.memory_space<vmem_shared>> -> memref<16x128xf32, #tpu.memory_space<vmem_shared>>
      tpu.enqueue_dma source(%arg12 : memref<16x128xf32, #tpu.memory_space<vmem>>) target(%dma_start3A_223 : memref<16x128xf32, #tpu.memory_space<vmem_shared>>) target_semaphore(%run_scoped3A : memref<!tpu.dma_semaphore, #tpu.memory_space<semaphore_mem>>)
      %dma_wait3A_224 = arith.constant 0 : i32
      %dma_wait3A_225 = tpu.memref_slice %arg13[%add3A_72, %dma_wait3A_224] : memref<10240x128xf32, #tpu.memory_space<vmem_shared>> -> memref<16x128xf32, #tpu.memory_space<vmem_shared>>
      %dma_wait3A_226 = arith.constant 0 : i32
      %dma_wait3A_227 = tpu.memref_slice %arg13[%add3A_72, %dma_wait3A_226] : memref<10240x128xf32, #tpu.memory_space<vmem_shared>> -> memref<16x128xf32, #tpu.memory_space<vmem_shared>>
      tpu.wait_dma2 semaphore(%run_scoped3A : memref<!tpu.dma_semaphore, #tpu.memory_space<semaphore_mem>>) src(%arg12 : memref<16x128xf32, #tpu.memory_space<vmem>>) dst(%dma_wait3A_227 : memref<16x128xf32, #tpu.memory_space<vmem_shared>>)
      tpu.yield
    }) : () -> ()
    %mul3A_73 = arith.constant 640 : i32
    %mul3A_74 = arith.muli %arg1, %mul3A_73 : i32
    %add3A_75 = arith.constant 256 : i32
    %add3A_76 = arith.addi %mul3A_74, %add3A_75 : i32
    "tpu.region"() ({
      %run_scoped3A = tpu.sem_alloc : memref<!tpu.dma_semaphore, #tpu.memory_space<semaphore_mem>>
      %dma_start3A_220 = arith.constant 0 : i32
      %dma_start3A_221 = tpu.memref_slice %arg13[%add3A_76, %dma_start3A_220] : memref<10240x128xf32, #tpu.memory_space<vmem_shared>> -> memref<16x128xf32, #tpu.memory_space<vmem_shared>>
      %dma_start3A_222 = arith.constant 0 : i32
      %dma_start3A_223 = tpu.memref_slice %arg13[%add3A_76, %dma_start3A_222] : memref<10240x128xf32, #tpu.memory_space<vmem_shared>> -> memref<16x128xf32, #tpu.memory_space<vmem_shared>>
      tpu.enqueue_dma source(%arg12 : memref<16x128xf32, #tpu.memory_space<vmem>>) target(%dma_start3A_223 : memref<16x128xf32, #tpu.memory_space<vmem_shared>>) target_semaphore(%run_scoped3A : memref<!tpu.dma_semaphore, #tpu.memory_space<semaphore_mem>>)
      %dma_wait3A_224 = arith.constant 0 : i32
      %dma_wait3A_225 = tpu.memref_slice %arg13[%add3A_76, %dma_wait3A_224] : memref<10240x128xf32, #tpu.memory_space<vmem_shared>> -> memref<16x128xf32, #tpu.memory_space<vmem_shared>>
      %dma_wait3A_226 = arith.constant 0 : i32
      %dma_wait3A_227 = tpu.memref_slice %arg13[%add3A_76, %dma_wait3A_226] : memref<10240x128xf32, #tpu.memory_space<vmem_shared>> -> memref<16x128xf32, #tpu.memory_space<vmem_shared>>
      tpu.wait_dma2 semaphore(%run_scoped3A : memref<!tpu.dma_semaphore, #tpu.memory_space<semaphore_mem>>) src(%arg12 : memref<16x128xf32, #tpu.memory_space<vmem>>) dst(%dma_wait3A_227 : memref<16x128xf32, #tpu.memory_space<vmem_shared>>)
      tpu.yield
    }) : () -> ()
    %mul3A_77 = arith.constant 640 : i32
    %mul3A_78 = arith.muli %arg1, %mul3A_77 : i32
    %add3A_79 = arith.constant 272 : i32
    %add3A_80 = arith.addi %mul3A_78, %add3A_79 : i32
    "tpu.region"() ({
      %run_scoped3A = tpu.sem_alloc : memref<!tpu.dma_semaphore, #tpu.memory_space<semaphore_mem>>
      %dma_start3A_220 = arith.constant 0 : i32
      %dma_start3A_221 = tpu.memref_slice %arg13[%add3A_80, %dma_start3A_220] : memref<10240x128xf32, #tpu.memory_space<vmem_shared>> -> memref<16x128xf32, #tpu.memory_space<vmem_shared>>
      %dma_start3A_222 = arith.constant 0 : i32
      %dma_start3A_223 = tpu.memref_slice %arg13[%add3A_80, %dma_start3A_222] : memref<10240x128xf32, #tpu.memory_space<vmem_shared>> -> memref<16x128xf32, #tpu.memory_space<vmem_shared>>
      tpu.enqueue_dma source(%arg12 : memref<16x128xf32, #tpu.memory_space<vmem>>) target(%dma_start3A_223 : memref<16x128xf32, #tpu.memory_space<vmem_shared>>) target_semaphore(%run_scoped3A : memref<!tpu.dma_semaphore, #tpu.memory_space<semaphore_mem>>)
      %dma_wait3A_224 = arith.constant 0 : i32
      %dma_wait3A_225 = tpu.memref_slice %arg13[%add3A_80, %dma_wait3A_224] : memref<10240x128xf32, #tpu.memory_space<vmem_shared>> -> memref<16x128xf32, #tpu.memory_space<vmem_shared>>
      %dma_wait3A_226 = arith.constant 0 : i32
      %dma_wait3A_227 = tpu.memref_slice %arg13[%add3A_80, %dma_wait3A_226] : memref<10240x128xf32, #tpu.memory_space<vmem_shared>> -> memref<16x128xf32, #tpu.memory_space<vmem_shared>>
      tpu.wait_dma2 semaphore(%run_scoped3A : memref<!tpu.dma_semaphore, #tpu.memory_space<semaphore_mem>>) src(%arg12 : memref<16x128xf32, #tpu.memory_space<vmem>>) dst(%dma_wait3A_227 : memref<16x128xf32, #tpu.memory_space<vmem_shared>>)
      tpu.yield
    }) : () -> ()
    %mul3A_81 = arith.constant 640 : i32
    %mul3A_82 = arith.muli %arg1, %mul3A_81 : i32
    %add3A_83 = arith.constant 288 : i32
    %add3A_84 = arith.addi %mul3A_82, %add3A_83 : i32
    "tpu.region"() ({
      %run_scoped3A = tpu.sem_alloc : memref<!tpu.dma_semaphore, #tpu.memory_space<semaphore_mem>>
      %dma_start3A_220 = arith.constant 0 : i32
      %dma_start3A_221 = tpu.memref_slice %arg13[%add3A_84, %dma_start3A_220] : memref<10240x128xf32, #tpu.memory_space<vmem_shared>> -> memref<16x128xf32, #tpu.memory_space<vmem_shared>>
      %dma_start3A_222 = arith.constant 0 : i32
      %dma_start3A_223 = tpu.memref_slice %arg13[%add3A_84, %dma_start3A_222] : memref<10240x128xf32, #tpu.memory_space<vmem_shared>> -> memref<16x128xf32, #tpu.memory_space<vmem_shared>>
      tpu.enqueue_dma source(%arg12 : memref<16x128xf32, #tpu.memory_space<vmem>>) target(%dma_start3A_223 : memref<16x128xf32, #tpu.memory_space<vmem_shared>>) target_semaphore(%run_scoped3A : memref<!tpu.dma_semaphore, #tpu.memory_space<semaphore_mem>>)
      %dma_wait3A_224 = arith.constant 0 : i32
      %dma_wait3A_225 = tpu.memref_slice %arg13[%add3A_84, %dma_wait3A_224] : memref<10240x128xf32, #tpu.memory_space<vmem_shared>> -> memref<16x128xf32, #tpu.memory_space<vmem_shared>>
      %dma_wait3A_226 = arith.constant 0 : i32
      %dma_wait3A_227 = tpu.memref_slice %arg13[%add3A_84, %dma_wait3A_226] : memref<10240x128xf32, #tpu.memory_space<vmem_shared>> -> memref<16x128xf32, #tpu.memory_space<vmem_shared>>
      tpu.wait_dma2 semaphore(%run_scoped3A : memref<!tpu.dma_semaphore, #tpu.memory_space<semaphore_mem>>) src(%arg12 : memref<16x128xf32, #tpu.memory_space<vmem>>) dst(%dma_wait3A_227 : memref<16x128xf32, #tpu.memory_space<vmem_shared>>)
      tpu.yield
    }) : () -> ()
    %mul3A_85 = arith.constant 640 : i32
    %mul3A_86 = arith.muli %arg1, %mul3A_85 : i32
    %add3A_87 = arith.constant 304 : i32
    %add3A_88 = arith.addi %mul3A_86, %add3A_87 : i32
    "tpu.region"() ({
      %run_scoped3A = tpu.sem_alloc : memref<!tpu.dma_semaphore, #tpu.memory_space<semaphore_mem>>
      %dma_start3A_220 = arith.constant 0 : i32
      %dma_start3A_221 = tpu.memref_slice %arg13[%add3A_88, %dma_start3A_220] : memref<10240x128xf32, #tpu.memory_space<vmem_shared>> -> memref<16x128xf32, #tpu.memory_space<vmem_shared>>
      %dma_start3A_222 = arith.constant 0 : i32
      %dma_start3A_223 = tpu.memref_slice %arg13[%add3A_88, %dma_start3A_222] : memref<10240x128xf32, #tpu.memory_space<vmem_shared>> -> memref<16x128xf32, #tpu.memory_space<vmem_shared>>
      tpu.enqueue_dma source(%arg12 : memref<16x128xf32, #tpu.memory_space<vmem>>) target(%dma_start3A_223 : memref<16x128xf32, #tpu.memory_space<vmem_shared>>) target_semaphore(%run_scoped3A : memref<!tpu.dma_semaphore, #tpu.memory_space<semaphore_mem>>)
      %dma_wait3A_224 = arith.constant 0 : i32
      %dma_wait3A_225 = tpu.memref_slice %arg13[%add3A_88, %dma_wait3A_224] : memref<10240x128xf32, #tpu.memory_space<vmem_shared>> -> memref<16x128xf32, #tpu.memory_space<vmem_shared>>
      %dma_wait3A_226 = arith.constant 0 : i32
      %dma_wait3A_227 = tpu.memref_slice %arg13[%add3A_88, %dma_wait3A_226] : memref<10240x128xf32, #tpu.memory_space<vmem_shared>> -> memref<16x128xf32, #tpu.memory_space<vmem_shared>>
      tpu.wait_dma2 semaphore(%run_scoped3A : memref<!tpu.dma_semaphore, #tpu.memory_space<semaphore_mem>>) src(%arg12 : memref<16x128xf32, #tpu.memory_space<vmem>>) dst(%dma_wait3A_227 : memref<16x128xf32, #tpu.memory_space<vmem_shared>>)
      tpu.yield
    }) : () -> ()
    %mul3A_89 = arith.constant 640 : i32
    %mul3A_90 = arith.muli %arg1, %mul3A_89 : i32
    %add3A_91 = arith.constant 320 : i32
    %add3A_92 = arith.addi %mul3A_90, %add3A_91 : i32
    "tpu.region"() ({
      %run_scoped3A = tpu.sem_alloc : memref<!tpu.dma_semaphore, #tpu.memory_space<semaphore_mem>>
      %dma_start3A_220 = arith.constant 0 : i32
      %dma_start3A_221 = tpu.memref_slice %arg13[%add3A_92, %dma_start3A_220] : memref<10240x128xf32, #tpu.memory_space<vmem_shared>> -> memref<16x128xf32, #tpu.memory_space<vmem_shared>>
      %dma_start3A_222 = arith.constant 0 : i32
      %dma_start3A_223 = tpu.memref_slice %arg13[%add3A_92, %dma_start3A_222] : memref<10240x128xf32, #tpu.memory_space<vmem_shared>> -> memref<16x128xf32, #tpu.memory_space<vmem_shared>>
      tpu.enqueue_dma source(%arg12 : memref<16x128xf32, #tpu.memory_space<vmem>>) target(%dma_start3A_223 : memref<16x128xf32, #tpu.memory_space<vmem_shared>>) target_semaphore(%run_scoped3A : memref<!tpu.dma_semaphore, #tpu.memory_space<semaphore_mem>>)
      %dma_wait3A_224 = arith.constant 0 : i32
      %dma_wait3A_225 = tpu.memref_slice %arg13[%add3A_92, %dma_wait3A_224] : memref<10240x128xf32, #tpu.memory_space<vmem_shared>> -> memref<16x128xf32, #tpu.memory_space<vmem_shared>>
      %dma_wait3A_226 = arith.constant 0 : i32
      %dma_wait3A_227 = tpu.memref_slice %arg13[%add3A_92, %dma_wait3A_226] : memref<10240x128xf32, #tpu.memory_space<vmem_shared>> -> memref<16x128xf32, #tpu.memory_space<vmem_shared>>
      tpu.wait_dma2 semaphore(%run_scoped3A : memref<!tpu.dma_semaphore, #tpu.memory_space<semaphore_mem>>) src(%arg12 : memref<16x128xf32, #tpu.memory_space<vmem>>) dst(%dma_wait3A_227 : memref<16x128xf32, #tpu.memory_space<vmem_shared>>)
      tpu.yield
    }) : () -> ()
    %mul3A_93 = arith.constant 640 : i32
    %mul3A_94 = arith.muli %arg1, %mul3A_93 : i32
    %add3A_95 = arith.constant 336 : i32
    %add3A_96 = arith.addi %mul3A_94, %add3A_95 : i32
    "tpu.region"() ({
      %run_scoped3A = tpu.sem_alloc : memref<!tpu.dma_semaphore, #tpu.memory_space<semaphore_mem>>
      %dma_start3A_220 = arith.constant 0 : i32
      %dma_start3A_221 = tpu.memref_slice %arg13[%add3A_96, %dma_start3A_220] : memref<10240x128xf32, #tpu.memory_space<vmem_shared>> -> memref<16x128xf32, #tpu.memory_space<vmem_shared>>
      %dma_start3A_222 = arith.constant 0 : i32
      %dma_start3A_223 = tpu.memref_slice %arg13[%add3A_96, %dma_start3A_222] : memref<10240x128xf32, #tpu.memory_space<vmem_shared>> -> memref<16x128xf32, #tpu.memory_space<vmem_shared>>
      tpu.enqueue_dma source(%arg12 : memref<16x128xf32, #tpu.memory_space<vmem>>) target(%dma_start3A_223 : memref<16x128xf32, #tpu.memory_space<vmem_shared>>) target_semaphore(%run_scoped3A : memref<!tpu.dma_semaphore, #tpu.memory_space<semaphore_mem>>)
      %dma_wait3A_224 = arith.constant 0 : i32
      %dma_wait3A_225 = tpu.memref_slice %arg13[%add3A_96, %dma_wait3A_224] : memref<10240x128xf32, #tpu.memory_space<vmem_shared>> -> memref<16x128xf32, #tpu.memory_space<vmem_shared>>
      %dma_wait3A_226 = arith.constant 0 : i32
      %dma_wait3A_227 = tpu.memref_slice %arg13[%add3A_96, %dma_wait3A_226] : memref<10240x128xf32, #tpu.memory_space<vmem_shared>> -> memref<16x128xf32, #tpu.memory_space<vmem_shared>>
      tpu.wait_dma2 semaphore(%run_scoped3A : memref<!tpu.dma_semaphore, #tpu.memory_space<semaphore_mem>>) src(%arg12 : memref<16x128xf32, #tpu.memory_space<vmem>>) dst(%dma_wait3A_227 : memref<16x128xf32, #tpu.memory_space<vmem_shared>>)
      tpu.yield
    }) : () -> ()
    %mul3A_97 = arith.constant 640 : i32
    %mul3A_98 = arith.muli %arg1, %mul3A_97 : i32
    %add3A_99 = arith.constant 352 : i32
    %add3A_100 = arith.addi %mul3A_98, %add3A_99 : i32
    "tpu.region"() ({
      %run_scoped3A = tpu.sem_alloc : memref<!tpu.dma_semaphore, #tpu.memory_space<semaphore_mem>>
      %dma_start3A_220 = arith.constant 0 : i32
      %dma_start3A_221 = tpu.memref_slice %arg13[%add3A_100, %dma_start3A_220] : memref<10240x128xf32, #tpu.memory_space<vmem_shared>> -> memref<16x128xf32, #tpu.memory_space<vmem_shared>>
      %dma_start3A_222 = arith.constant 0 : i32
      %dma_start3A_223 = tpu.memref_slice %arg13[%add3A_100, %dma_start3A_222] : memref<10240x128xf32, #tpu.memory_space<vmem_shared>> -> memref<16x128xf32, #tpu.memory_space<vmem_shared>>
      tpu.enqueue_dma source(%arg12 : memref<16x128xf32, #tpu.memory_space<vmem>>) target(%dma_start3A_223 : memref<16x128xf32, #tpu.memory_space<vmem_shared>>) target_semaphore(%run_scoped3A : memref<!tpu.dma_semaphore, #tpu.memory_space<semaphore_mem>>)
      %dma_wait3A_224 = arith.constant 0 : i32
      %dma_wait3A_225 = tpu.memref_slice %arg13[%add3A_100, %dma_wait3A_224] : memref<10240x128xf32, #tpu.memory_space<vmem_shared>> -> memref<16x128xf32, #tpu.memory_space<vmem_shared>>
      %dma_wait3A_226 = arith.constant 0 : i32
      %dma_wait3A_227 = tpu.memref_slice %arg13[%add3A_100, %dma_wait3A_226] : memref<10240x128xf32, #tpu.memory_space<vmem_shared>> -> memref<16x128xf32, #tpu.memory_space<vmem_shared>>
      tpu.wait_dma2 semaphore(%run_scoped3A : memref<!tpu.dma_semaphore, #tpu.memory_space<semaphore_mem>>) src(%arg12 : memref<16x128xf32, #tpu.memory_space<vmem>>) dst(%dma_wait3A_227 : memref<16x128xf32, #tpu.memory_space<vmem_shared>>)
      tpu.yield
    }) : () -> ()
    %mul3A_101 = arith.constant 640 : i32
    %mul3A_102 = arith.muli %arg1, %mul3A_101 : i32
    %add3A_103 = arith.constant 368 : i32
    %add3A_104 = arith.addi %mul3A_102, %add3A_103 : i32
    "tpu.region"() ({
      %run_scoped3A = tpu.sem_alloc : memref<!tpu.dma_semaphore, #tpu.memory_space<semaphore_mem>>
      %dma_start3A_220 = arith.constant 0 : i32
      %dma_start3A_221 = tpu.memref_slice %arg13[%add3A_104, %dma_start3A_220] : memref<10240x128xf32, #tpu.memory_space<vmem_shared>> -> memref<16x128xf32, #tpu.memory_space<vmem_shared>>
      %dma_start3A_222 = arith.constant 0 : i32
      %dma_start3A_223 = tpu.memref_slice %arg13[%add3A_104, %dma_start3A_222] : memref<10240x128xf32, #tpu.memory_space<vmem_shared>> -> memref<16x128xf32, #tpu.memory_space<vmem_shared>>
      tpu.enqueue_dma source(%arg12 : memref<16x128xf32, #tpu.memory_space<vmem>>) target(%dma_start3A_223 : memref<16x128xf32, #tpu.memory_space<vmem_shared>>) target_semaphore(%run_scoped3A : memref<!tpu.dma_semaphore, #tpu.memory_space<semaphore_mem>>)
      %dma_wait3A_224 = arith.constant 0 : i32
      %dma_wait3A_225 = tpu.memref_slice %arg13[%add3A_104, %dma_wait3A_224] : memref<10240x128xf32, #tpu.memory_space<vmem_shared>> -> memref<16x128xf32, #tpu.memory_space<vmem_shared>>
      %dma_wait3A_226 = arith.constant 0 : i32
      %dma_wait3A_227 = tpu.memref_slice %arg13[%add3A_104, %dma_wait3A_226] : memref<10240x128xf32, #tpu.memory_space<vmem_shared>> -> memref<16x128xf32, #tpu.memory_space<vmem_shared>>
      tpu.wait_dma2 semaphore(%run_scoped3A : memref<!tpu.dma_semaphore, #tpu.memory_space<semaphore_mem>>) src(%arg12 : memref<16x128xf32, #tpu.memory_space<vmem>>) dst(%dma_wait3A_227 : memref<16x128xf32, #tpu.memory_space<vmem_shared>>)
      tpu.yield
    }) : () -> ()
    %mul3A_105 = arith.constant 640 : i32
    %mul3A_106 = arith.muli %arg1, %mul3A_105 : i32
    %add3A_107 = arith.constant 384 : i32
    %add3A_108 = arith.addi %mul3A_106, %add3A_107 : i32
    "tpu.region"() ({
      %run_scoped3A = tpu.sem_alloc : memref<!tpu.dma_semaphore, #tpu.memory_space<semaphore_mem>>
      %dma_start3A_220 = arith.constant 0 : i32
      %dma_start3A_221 = tpu.memref_slice %arg13[%add3A_108, %dma_start3A_220] : memref<10240x128xf32, #tpu.memory_space<vmem_shared>> -> memref<16x128xf32, #tpu.memory_space<vmem_shared>>
      %dma_start3A_222 = arith.constant 0 : i32
      %dma_start3A_223 = tpu.memref_slice %arg13[%add3A_108, %dma_start3A_222] : memref<10240x128xf32, #tpu.memory_space<vmem_shared>> -> memref<16x128xf32, #tpu.memory_space<vmem_shared>>
      tpu.enqueue_dma source(%arg12 : memref<16x128xf32, #tpu.memory_space<vmem>>) target(%dma_start3A_223 : memref<16x128xf32, #tpu.memory_space<vmem_shared>>) target_semaphore(%run_scoped3A : memref<!tpu.dma_semaphore, #tpu.memory_space<semaphore_mem>>)
      %dma_wait3A_224 = arith.constant 0 : i32
      %dma_wait3A_225 = tpu.memref_slice %arg13[%add3A_108, %dma_wait3A_224] : memref<10240x128xf32, #tpu.memory_space<vmem_shared>> -> memref<16x128xf32, #tpu.memory_space<vmem_shared>>
      %dma_wait3A_226 = arith.constant 0 : i32
      %dma_wait3A_227 = tpu.memref_slice %arg13[%add3A_108, %dma_wait3A_226] : memref<10240x128xf32, #tpu.memory_space<vmem_shared>> -> memref<16x128xf32, #tpu.memory_space<vmem_shared>>
      tpu.wait_dma2 semaphore(%run_scoped3A : memref<!tpu.dma_semaphore, #tpu.memory_space<semaphore_mem>>) src(%arg12 : memref<16x128xf32, #tpu.memory_space<vmem>>) dst(%dma_wait3A_227 : memref<16x128xf32, #tpu.memory_space<vmem_shared>>)
      tpu.yield
    }) : () -> ()
    %mul3A_109 = arith.constant 640 : i32
    %mul3A_110 = arith.muli %arg1, %mul3A_109 : i32
    %add3A_111 = arith.constant 400 : i32
    %add3A_112 = arith.addi %mul3A_110, %add3A_111 : i32
    "tpu.region"() ({
      %run_scoped3A = tpu.sem_alloc : memref<!tpu.dma_semaphore, #tpu.memory_space<semaphore_mem>>
      %dma_start3A_220 = arith.constant 0 : i32
      %dma_start3A_221 = tpu.memref_slice %arg13[%add3A_112, %dma_start3A_220] : memref<10240x128xf32, #tpu.memory_space<vmem_shared>> -> memref<16x128xf32, #tpu.memory_space<vmem_shared>>
      %dma_start3A_222 = arith.constant 0 : i32
      %dma_start3A_223 = tpu.memref_slice %arg13[%add3A_112, %dma_start3A_222] : memref<10240x128xf32, #tpu.memory_space<vmem_shared>> -> memref<16x128xf32, #tpu.memory_space<vmem_shared>>
      tpu.enqueue_dma source(%arg12 : memref<16x128xf32, #tpu.memory_space<vmem>>) target(%dma_start3A_223 : memref<16x128xf32, #tpu.memory_space<vmem_shared>>) target_semaphore(%run_scoped3A : memref<!tpu.dma_semaphore, #tpu.memory_space<semaphore_mem>>)
      %dma_wait3A_224 = arith.constant 0 : i32
      %dma_wait3A_225 = tpu.memref_slice %arg13[%add3A_112, %dma_wait3A_224] : memref<10240x128xf32, #tpu.memory_space<vmem_shared>> -> memref<16x128xf32, #tpu.memory_space<vmem_shared>>
      %dma_wait3A_226 = arith.constant 0 : i32
      %dma_wait3A_227 = tpu.memref_slice %arg13[%add3A_112, %dma_wait3A_226] : memref<10240x128xf32, #tpu.memory_space<vmem_shared>> -> memref<16x128xf32, #tpu.memory_space<vmem_shared>>
      tpu.wait_dma2 semaphore(%run_scoped3A : memref<!tpu.dma_semaphore, #tpu.memory_space<semaphore_mem>>) src(%arg12 : memref<16x128xf32, #tpu.memory_space<vmem>>) dst(%dma_wait3A_227 : memref<16x128xf32, #tpu.memory_space<vmem_shared>>)
      tpu.yield
    }) : () -> ()
    %mul3A_113 = arith.constant 640 : i32
    %mul3A_114 = arith.muli %arg1, %mul3A_113 : i32
    %add3A_115 = arith.constant 416 : i32
    %add3A_116 = arith.addi %mul3A_114, %add3A_115 : i32
    "tpu.region"() ({
      %run_scoped3A = tpu.sem_alloc : memref<!tpu.dma_semaphore, #tpu.memory_space<semaphore_mem>>
      %dma_start3A_220 = arith.constant 0 : i32
      %dma_start3A_221 = tpu.memref_slice %arg13[%add3A_116, %dma_start3A_220] : memref<10240x128xf32, #tpu.memory_space<vmem_shared>> -> memref<16x128xf32, #tpu.memory_space<vmem_shared>>
      %dma_start3A_222 = arith.constant 0 : i32
      %dma_start3A_223 = tpu.memref_slice %arg13[%add3A_116, %dma_start3A_222] : memref<10240x128xf32, #tpu.memory_space<vmem_shared>> -> memref<16x128xf32, #tpu.memory_space<vmem_shared>>
      tpu.enqueue_dma source(%arg12 : memref<16x128xf32, #tpu.memory_space<vmem>>) target(%dma_start3A_223 : memref<16x128xf32, #tpu.memory_space<vmem_shared>>) target_semaphore(%run_scoped3A : memref<!tpu.dma_semaphore, #tpu.memory_space<semaphore_mem>>)
      %dma_wait3A_224 = arith.constant 0 : i32
      %dma_wait3A_225 = tpu.memref_slice %arg13[%add3A_116, %dma_wait3A_224] : memref<10240x128xf32, #tpu.memory_space<vmem_shared>> -> memref<16x128xf32, #tpu.memory_space<vmem_shared>>
      %dma_wait3A_226 = arith.constant 0 : i32
      %dma_wait3A_227 = tpu.memref_slice %arg13[%add3A_116, %dma_wait3A_226] : memref<10240x128xf32, #tpu.memory_space<vmem_shared>> -> memref<16x128xf32, #tpu.memory_space<vmem_shared>>
      tpu.wait_dma2 semaphore(%run_scoped3A : memref<!tpu.dma_semaphore, #tpu.memory_space<semaphore_mem>>) src(%arg12 : memref<16x128xf32, #tpu.memory_space<vmem>>) dst(%dma_wait3A_227 : memref<16x128xf32, #tpu.memory_space<vmem_shared>>)
      tpu.yield
    }) : () -> ()
    %mul3A_117 = arith.constant 640 : i32
    %mul3A_118 = arith.muli %arg1, %mul3A_117 : i32
    %add3A_119 = arith.constant 432 : i32
    %add3A_120 = arith.addi %mul3A_118, %add3A_119 : i32
    "tpu.region"() ({
      %run_scoped3A = tpu.sem_alloc : memref<!tpu.dma_semaphore, #tpu.memory_space<semaphore_mem>>
      %dma_start3A_220 = arith.constant 0 : i32
      %dma_start3A_221 = tpu.memref_slice %arg13[%add3A_120, %dma_start3A_220] : memref<10240x128xf32, #tpu.memory_space<vmem_shared>> -> memref<16x128xf32, #tpu.memory_space<vmem_shared>>
      %dma_start3A_222 = arith.constant 0 : i32
      %dma_start3A_223 = tpu.memref_slice %arg13[%add3A_120, %dma_start3A_222] : memref<10240x128xf32, #tpu.memory_space<vmem_shared>> -> memref<16x128xf32, #tpu.memory_space<vmem_shared>>
      tpu.enqueue_dma source(%arg12 : memref<16x128xf32, #tpu.memory_space<vmem>>) target(%dma_start3A_223 : memref<16x128xf32, #tpu.memory_space<vmem_shared>>) target_semaphore(%run_scoped3A : memref<!tpu.dma_semaphore, #tpu.memory_space<semaphore_mem>>)
      %dma_wait3A_224 = arith.constant 0 : i32
      %dma_wait3A_225 = tpu.memref_slice %arg13[%add3A_120, %dma_wait3A_224] : memref<10240x128xf32, #tpu.memory_space<vmem_shared>> -> memref<16x128xf32, #tpu.memory_space<vmem_shared>>
      %dma_wait3A_226 = arith.constant 0 : i32
      %dma_wait3A_227 = tpu.memref_slice %arg13[%add3A_120, %dma_wait3A_226] : memref<10240x128xf32, #tpu.memory_space<vmem_shared>> -> memref<16x128xf32, #tpu.memory_space<vmem_shared>>
      tpu.wait_dma2 semaphore(%run_scoped3A : memref<!tpu.dma_semaphore, #tpu.memory_space<semaphore_mem>>) src(%arg12 : memref<16x128xf32, #tpu.memory_space<vmem>>) dst(%dma_wait3A_227 : memref<16x128xf32, #tpu.memory_space<vmem_shared>>)
      tpu.yield
    }) : () -> ()
    %mul3A_121 = arith.constant 640 : i32
    %mul3A_122 = arith.muli %arg1, %mul3A_121 : i32
    %add3A_123 = arith.constant 448 : i32
    %add3A_124 = arith.addi %mul3A_122, %add3A_123 : i32
    "tpu.region"() ({
      %run_scoped3A = tpu.sem_alloc : memref<!tpu.dma_semaphore, #tpu.memory_space<semaphore_mem>>
      %dma_start3A_220 = arith.constant 0 : i32
      %dma_start3A_221 = tpu.memref_slice %arg13[%add3A_124, %dma_start3A_220] : memref<10240x128xf32, #tpu.memory_space<vmem_shared>> -> memref<16x128xf32, #tpu.memory_space<vmem_shared>>
      %dma_start3A_222 = arith.constant 0 : i32
      %dma_start3A_223 = tpu.memref_slice %arg13[%add3A_124, %dma_start3A_222] : memref<10240x128xf32, #tpu.memory_space<vmem_shared>> -> memref<16x128xf32, #tpu.memory_space<vmem_shared>>
      tpu.enqueue_dma source(%arg12 : memref<16x128xf32, #tpu.memory_space<vmem>>) target(%dma_start3A_223 : memref<16x128xf32, #tpu.memory_space<vmem_shared>>) target_semaphore(%run_scoped3A : memref<!tpu.dma_semaphore, #tpu.memory_space<semaphore_mem>>)
      %dma_wait3A_224 = arith.constant 0 : i32
      %dma_wait3A_225 = tpu.memref_slice %arg13[%add3A_124, %dma_wait3A_224] : memref<10240x128xf32, #tpu.memory_space<vmem_shared>> -> memref<16x128xf32, #tpu.memory_space<vmem_shared>>
      %dma_wait3A_226 = arith.constant 0 : i32
      %dma_wait3A_227 = tpu.memref_slice %arg13[%add3A_124, %dma_wait3A_226] : memref<10240x128xf32, #tpu.memory_space<vmem_shared>> -> memref<16x128xf32, #tpu.memory_space<vmem_shared>>
      tpu.wait_dma2 semaphore(%run_scoped3A : memref<!tpu.dma_semaphore, #tpu.memory_space<semaphore_mem>>) src(%arg12 : memref<16x128xf32, #tpu.memory_space<vmem>>) dst(%dma_wait3A_227 : memref<16x128xf32, #tpu.memory_space<vmem_shared>>)
      tpu.yield
    }) : () -> ()
    %mul3A_125 = arith.constant 640 : i32
    %mul3A_126 = arith.muli %arg1, %mul3A_125 : i32
    %add3A_127 = arith.constant 464 : i32
    %add3A_128 = arith.addi %mul3A_126, %add3A_127 : i32
    "tpu.region"() ({
      %run_scoped3A = tpu.sem_alloc : memref<!tpu.dma_semaphore, #tpu.memory_space<semaphore_mem>>
      %dma_start3A_220 = arith.constant 0 : i32
      %dma_start3A_221 = tpu.memref_slice %arg13[%add3A_128, %dma_start3A_220] : memref<10240x128xf32, #tpu.memory_space<vmem_shared>> -> memref<16x128xf32, #tpu.memory_space<vmem_shared>>
      %dma_start3A_222 = arith.constant 0 : i32
      %dma_start3A_223 = tpu.memref_slice %arg13[%add3A_128, %dma_start3A_222] : memref<10240x128xf32, #tpu.memory_space<vmem_shared>> -> memref<16x128xf32, #tpu.memory_space<vmem_shared>>
      tpu.enqueue_dma source(%arg12 : memref<16x128xf32, #tpu.memory_space<vmem>>) target(%dma_start3A_223 : memref<16x128xf32, #tpu.memory_space<vmem_shared>>) target_semaphore(%run_scoped3A : memref<!tpu.dma_semaphore, #tpu.memory_space<semaphore_mem>>)
      %dma_wait3A_224 = arith.constant 0 : i32
      %dma_wait3A_225 = tpu.memref_slice %arg13[%add3A_128, %dma_wait3A_224] : memref<10240x128xf32, #tpu.memory_space<vmem_shared>> -> memref<16x128xf32, #tpu.memory_space<vmem_shared>>
      %dma_wait3A_226 = arith.constant 0 : i32
      %dma_wait3A_227 = tpu.memref_slice %arg13[%add3A_128, %dma_wait3A_226] : memref<10240x128xf32, #tpu.memory_space<vmem_shared>> -> memref<16x128xf32, #tpu.memory_space<vmem_shared>>
      tpu.wait_dma2 semaphore(%run_scoped3A : memref<!tpu.dma_semaphore, #tpu.memory_space<semaphore_mem>>) src(%arg12 : memref<16x128xf32, #tpu.memory_space<vmem>>) dst(%dma_wait3A_227 : memref<16x128xf32, #tpu.memory_space<vmem_shared>>)
      tpu.yield
    }) : () -> ()
    %mul3A_129 = arith.constant 640 : i32
    %mul3A_130 = arith.muli %arg1, %mul3A_129 : i32
    %add3A_131 = arith.constant 480 : i32
    %add3A_132 = arith.addi %mul3A_130, %add3A_131 : i32
    "tpu.region"() ({
      %run_scoped3A = tpu.sem_alloc : memref<!tpu.dma_semaphore, #tpu.memory_space<semaphore_mem>>
      %dma_start3A_220 = arith.constant 0 : i32
      %dma_start3A_221 = tpu.memref_slice %arg13[%add3A_132, %dma_start3A_220] : memref<10240x128xf32, #tpu.memory_space<vmem_shared>> -> memref<16x128xf32, #tpu.memory_space<vmem_shared>>
      %dma_start3A_222 = arith.constant 0 : i32
      %dma_start3A_223 = tpu.memref_slice %arg13[%add3A_132, %dma_start3A_222] : memref<10240x128xf32, #tpu.memory_space<vmem_shared>> -> memref<16x128xf32, #tpu.memory_space<vmem_shared>>
      tpu.enqueue_dma source(%arg12 : memref<16x128xf32, #tpu.memory_space<vmem>>) target(%dma_start3A_223 : memref<16x128xf32, #tpu.memory_space<vmem_shared>>) target_semaphore(%run_scoped3A : memref<!tpu.dma_semaphore, #tpu.memory_space<semaphore_mem>>)
      %dma_wait3A_224 = arith.constant 0 : i32
      %dma_wait3A_225 = tpu.memref_slice %arg13[%add3A_132, %dma_wait3A_224] : memref<10240x128xf32, #tpu.memory_space<vmem_shared>> -> memref<16x128xf32, #tpu.memory_space<vmem_shared>>
      %dma_wait3A_226 = arith.constant 0 : i32
      %dma_wait3A_227 = tpu.memref_slice %arg13[%add3A_132, %dma_wait3A_226] : memref<10240x128xf32, #tpu.memory_space<vmem_shared>> -> memref<16x128xf32, #tpu.memory_space<vmem_shared>>
      tpu.wait_dma2 semaphore(%run_scoped3A : memref<!tpu.dma_semaphore, #tpu.memory_space<semaphore_mem>>) src(%arg12 : memref<16x128xf32, #tpu.memory_space<vmem>>) dst(%dma_wait3A_227 : memref<16x128xf32, #tpu.memory_space<vmem_shared>>)
      tpu.yield
    }) : () -> ()
    %mul3A_133 = arith.constant 640 : i32
    %mul3A_134 = arith.muli %arg1, %mul3A_133 : i32
    %add3A_135 = arith.constant 496 : i32
    %add3A_136 = arith.addi %mul3A_134, %add3A_135 : i32
    "tpu.region"() ({
      %run_scoped3A = tpu.sem_alloc : memref<!tpu.dma_semaphore, #tpu.memory_space<semaphore_mem>>
      %dma_start3A_220 = arith.constant 0 : i32
      %dma_start3A_221 = tpu.memref_slice %arg13[%add3A_136, %dma_start3A_220] : memref<10240x128xf32, #tpu.memory_space<vmem_shared>> -> memref<16x128xf32, #tpu.memory_space<vmem_shared>>
      %dma_start3A_222 = arith.constant 0 : i32
      %dma_start3A_223 = tpu.memref_slice %arg13[%add3A_136, %dma_start3A_222] : memref<10240x128xf32, #tpu.memory_space<vmem_shared>> -> memref<16x128xf32, #tpu.memory_space<vmem_shared>>
      tpu.enqueue_dma source(%arg12 : memref<16x128xf32, #tpu.memory_space<vmem>>) target(%dma_start3A_223 : memref<16x128xf32, #tpu.memory_space<vmem_shared>>) target_semaphore(%run_scoped3A : memref<!tpu.dma_semaphore, #tpu.memory_space<semaphore_mem>>)
      %dma_wait3A_224 = arith.constant 0 : i32
      %dma_wait3A_225 = tpu.memref_slice %arg13[%add3A_136, %dma_wait3A_224] : memref<10240x128xf32, #tpu.memory_space<vmem_shared>> -> memref<16x128xf32, #tpu.memory_space<vmem_shared>>
      %dma_wait3A_226 = arith.constant 0 : i32
      %dma_wait3A_227 = tpu.memref_slice %arg13[%add3A_136, %dma_wait3A_226] : memref<10240x128xf32, #tpu.memory_space<vmem_shared>> -> memref<16x128xf32, #tpu.memory_space<vmem_shared>>
      tpu.wait_dma2 semaphore(%run_scoped3A : memref<!tpu.dma_semaphore, #tpu.memory_space<semaphore_mem>>) src(%arg12 : memref<16x128xf32, #tpu.memory_space<vmem>>) dst(%dma_wait3A_227 : memref<16x128xf32, #tpu.memory_space<vmem_shared>>)
      tpu.yield
    }) : () -> ()
    %mul3A_137 = arith.constant 640 : i32
    %mul3A_138 = arith.muli %arg1, %mul3A_137 : i32
    %add3A_139 = arith.constant 512 : i32
    %add3A_140 = arith.addi %mul3A_138, %add3A_139 : i32
    "tpu.region"() ({
      %run_scoped3A = tpu.sem_alloc : memref<!tpu.dma_semaphore, #tpu.memory_space<semaphore_mem>>
      %dma_start3A_220 = arith.constant 0 : i32
      %dma_start3A_221 = tpu.memref_slice %arg13[%add3A_140, %dma_start3A_220] : memref<10240x128xf32, #tpu.memory_space<vmem_shared>> -> memref<16x128xf32, #tpu.memory_space<vmem_shared>>
      %dma_start3A_222 = arith.constant 0 : i32
      %dma_start3A_223 = tpu.memref_slice %arg13[%add3A_140, %dma_start3A_222] : memref<10240x128xf32, #tpu.memory_space<vmem_shared>> -> memref<16x128xf32, #tpu.memory_space<vmem_shared>>
      tpu.enqueue_dma source(%arg12 : memref<16x128xf32, #tpu.memory_space<vmem>>) target(%dma_start3A_223 : memref<16x128xf32, #tpu.memory_space<vmem_shared>>) target_semaphore(%run_scoped3A : memref<!tpu.dma_semaphore, #tpu.memory_space<semaphore_mem>>)
      %dma_wait3A_224 = arith.constant 0 : i32
      %dma_wait3A_225 = tpu.memref_slice %arg13[%add3A_140, %dma_wait3A_224] : memref<10240x128xf32, #tpu.memory_space<vmem_shared>> -> memref<16x128xf32, #tpu.memory_space<vmem_shared>>
      %dma_wait3A_226 = arith.constant 0 : i32
      %dma_wait3A_227 = tpu.memref_slice %arg13[%add3A_140, %dma_wait3A_226] : memref<10240x128xf32, #tpu.memory_space<vmem_shared>> -> memref<16x128xf32, #tpu.memory_space<vmem_shared>>
      tpu.wait_dma2 semaphore(%run_scoped3A : memref<!tpu.dma_semaphore, #tpu.memory_space<semaphore_mem>>) src(%arg12 : memref<16x128xf32, #tpu.memory_space<vmem>>) dst(%dma_wait3A_227 : memref<16x128xf32, #tpu.memory_space<vmem_shared>>)
      tpu.yield
    }) : () -> ()
    %mul3A_141 = arith.constant 640 : i32
    %mul3A_142 = arith.muli %arg1, %mul3A_141 : i32
    %add3A_143 = arith.constant 528 : i32
    %add3A_144 = arith.addi %mul3A_142, %add3A_143 : i32
    "tpu.region"() ({
      %run_scoped3A = tpu.sem_alloc : memref<!tpu.dma_semaphore, #tpu.memory_space<semaphore_mem>>
      %dma_start3A_220 = arith.constant 0 : i32
      %dma_start3A_221 = tpu.memref_slice %arg13[%add3A_144, %dma_start3A_220] : memref<10240x128xf32, #tpu.memory_space<vmem_shared>> -> memref<16x128xf32, #tpu.memory_space<vmem_shared>>
      %dma_start3A_222 = arith.constant 0 : i32
      %dma_start3A_223 = tpu.memref_slice %arg13[%add3A_144, %dma_start3A_222] : memref<10240x128xf32, #tpu.memory_space<vmem_shared>> -> memref<16x128xf32, #tpu.memory_space<vmem_shared>>
      tpu.enqueue_dma source(%arg12 : memref<16x128xf32, #tpu.memory_space<vmem>>) target(%dma_start3A_223 : memref<16x128xf32, #tpu.memory_space<vmem_shared>>) target_semaphore(%run_scoped3A : memref<!tpu.dma_semaphore, #tpu.memory_space<semaphore_mem>>)
      %dma_wait3A_224 = arith.constant 0 : i32
      %dma_wait3A_225 = tpu.memref_slice %arg13[%add3A_144, %dma_wait3A_224] : memref<10240x128xf32, #tpu.memory_space<vmem_shared>> -> memref<16x128xf32, #tpu.memory_space<vmem_shared>>
      %dma_wait3A_226 = arith.constant 0 : i32
      %dma_wait3A_227 = tpu.memref_slice %arg13[%add3A_144, %dma_wait3A_226] : memref<10240x128xf32, #tpu.memory_space<vmem_shared>> -> memref<16x128xf32, #tpu.memory_space<vmem_shared>>
      tpu.wait_dma2 semaphore(%run_scoped3A : memref<!tpu.dma_semaphore, #tpu.memory_space<semaphore_mem>>) src(%arg12 : memref<16x128xf32, #tpu.memory_space<vmem>>) dst(%dma_wait3A_227 : memref<16x128xf32, #tpu.memory_space<vmem_shared>>)
      tpu.yield
    }) : () -> ()
    %mul3A_145 = arith.constant 640 : i32
    %mul3A_146 = arith.muli %arg1, %mul3A_145 : i32
    %add3A_147 = arith.constant 544 : i32
    %add3A_148 = arith.addi %mul3A_146, %add3A_147 : i32
    "tpu.region"() ({
      %run_scoped3A = tpu.sem_alloc : memref<!tpu.dma_semaphore, #tpu.memory_space<semaphore_mem>>
      %dma_start3A_220 = arith.constant 0 : i32
      %dma_start3A_221 = tpu.memref_slice %arg13[%add3A_148, %dma_start3A_220] : memref<10240x128xf32, #tpu.memory_space<vmem_shared>> -> memref<16x128xf32, #tpu.memory_space<vmem_shared>>
      %dma_start3A_222 = arith.constant 0 : i32
      %dma_start3A_223 = tpu.memref_slice %arg13[%add3A_148, %dma_start3A_222] : memref<10240x128xf32, #tpu.memory_space<vmem_shared>> -> memref<16x128xf32, #tpu.memory_space<vmem_shared>>
      tpu.enqueue_dma source(%arg12 : memref<16x128xf32, #tpu.memory_space<vmem>>) target(%dma_start3A_223 : memref<16x128xf32, #tpu.memory_space<vmem_shared>>) target_semaphore(%run_scoped3A : memref<!tpu.dma_semaphore, #tpu.memory_space<semaphore_mem>>)
      %dma_wait3A_224 = arith.constant 0 : i32
      %dma_wait3A_225 = tpu.memref_slice %arg13[%add3A_148, %dma_wait3A_224] : memref<10240x128xf32, #tpu.memory_space<vmem_shared>> -> memref<16x128xf32, #tpu.memory_space<vmem_shared>>
      %dma_wait3A_226 = arith.constant 0 : i32
      %dma_wait3A_227 = tpu.memref_slice %arg13[%add3A_148, %dma_wait3A_226] : memref<10240x128xf32, #tpu.memory_space<vmem_shared>> -> memref<16x128xf32, #tpu.memory_space<vmem_shared>>
      tpu.wait_dma2 semaphore(%run_scoped3A : memref<!tpu.dma_semaphore, #tpu.memory_space<semaphore_mem>>) src(%arg12 : memref<16x128xf32, #tpu.memory_space<vmem>>) dst(%dma_wait3A_227 : memref<16x128xf32, #tpu.memory_space<vmem_shared>>)
      tpu.yield
    }) : () -> ()
    %mul3A_149 = arith.constant 640 : i32
    %mul3A_150 = arith.muli %arg1, %mul3A_149 : i32
    %add3A_151 = arith.constant 560 : i32
    %add3A_152 = arith.addi %mul3A_150, %add3A_151 : i32
    "tpu.region"() ({
      %run_scoped3A = tpu.sem_alloc : memref<!tpu.dma_semaphore, #tpu.memory_space<semaphore_mem>>
      %dma_start3A_220 = arith.constant 0 : i32
      %dma_start3A_221 = tpu.memref_slice %arg13[%add3A_152, %dma_start3A_220] : memref<10240x128xf32, #tpu.memory_space<vmem_shared>> -> memref<16x128xf32, #tpu.memory_space<vmem_shared>>
      %dma_start3A_222 = arith.constant 0 : i32
      %dma_start3A_223 = tpu.memref_slice %arg13[%add3A_152, %dma_start3A_222] : memref<10240x128xf32, #tpu.memory_space<vmem_shared>> -> memref<16x128xf32, #tpu.memory_space<vmem_shared>>
      tpu.enqueue_dma source(%arg12 : memref<16x128xf32, #tpu.memory_space<vmem>>) target(%dma_start3A_223 : memref<16x128xf32, #tpu.memory_space<vmem_shared>>) target_semaphore(%run_scoped3A : memref<!tpu.dma_semaphore, #tpu.memory_space<semaphore_mem>>)
      %dma_wait3A_224 = arith.constant 0 : i32
      %dma_wait3A_225 = tpu.memref_slice %arg13[%add3A_152, %dma_wait3A_224] : memref<10240x128xf32, #tpu.memory_space<vmem_shared>> -> memref<16x128xf32, #tpu.memory_space<vmem_shared>>
      %dma_wait3A_226 = arith.constant 0 : i32
      %dma_wait3A_227 = tpu.memref_slice %arg13[%add3A_152, %dma_wait3A_226] : memref<10240x128xf32, #tpu.memory_space<vmem_shared>> -> memref<16x128xf32, #tpu.memory_space<vmem_shared>>
      tpu.wait_dma2 semaphore(%run_scoped3A : memref<!tpu.dma_semaphore, #tpu.memory_space<semaphore_mem>>) src(%arg12 : memref<16x128xf32, #tpu.memory_space<vmem>>) dst(%dma_wait3A_227 : memref<16x128xf32, #tpu.memory_space<vmem_shared>>)
      tpu.yield
    }) : () -> ()
    %mul3A_153 = arith.constant 640 : i32
    %mul3A_154 = arith.muli %arg1, %mul3A_153 : i32
    %add3A_155 = arith.constant 576 : i32
    %add3A_156 = arith.addi %mul3A_154, %add3A_155 : i32
    "tpu.region"() ({
      %run_scoped3A = tpu.sem_alloc : memref<!tpu.dma_semaphore, #tpu.memory_space<semaphore_mem>>
      %dma_start3A_220 = arith.constant 0 : i32
      %dma_start3A_221 = tpu.memref_slice %arg13[%add3A_156, %dma_start3A_220] : memref<10240x128xf32, #tpu.memory_space<vmem_shared>> -> memref<16x128xf32, #tpu.memory_space<vmem_shared>>
      %dma_start3A_222 = arith.constant 0 : i32
      %dma_start3A_223 = tpu.memref_slice %arg13[%add3A_156, %dma_start3A_222] : memref<10240x128xf32, #tpu.memory_space<vmem_shared>> -> memref<16x128xf32, #tpu.memory_space<vmem_shared>>
      tpu.enqueue_dma source(%arg12 : memref<16x128xf32, #tpu.memory_space<vmem>>) target(%dma_start3A_223 : memref<16x128xf32, #tpu.memory_space<vmem_shared>>) target_semaphore(%run_scoped3A : memref<!tpu.dma_semaphore, #tpu.memory_space<semaphore_mem>>)
      %dma_wait3A_224 = arith.constant 0 : i32
      %dma_wait3A_225 = tpu.memref_slice %arg13[%add3A_156, %dma_wait3A_224] : memref<10240x128xf32, #tpu.memory_space<vmem_shared>> -> memref<16x128xf32, #tpu.memory_space<vmem_shared>>
      %dma_wait3A_226 = arith.constant 0 : i32
      %dma_wait3A_227 = tpu.memref_slice %arg13[%add3A_156, %dma_wait3A_226] : memref<10240x128xf32, #tpu.memory_space<vmem_shared>> -> memref<16x128xf32, #tpu.memory_space<vmem_shared>>
      tpu.wait_dma2 semaphore(%run_scoped3A : memref<!tpu.dma_semaphore, #tpu.memory_space<semaphore_mem>>) src(%arg12 : memref<16x128xf32, #tpu.memory_space<vmem>>) dst(%dma_wait3A_227 : memref<16x128xf32, #tpu.memory_space<vmem_shared>>)
      tpu.yield
    }) : () -> ()
    %mul3A_157 = arith.constant 640 : i32
    %mul3A_158 = arith.muli %arg1, %mul3A_157 : i32
    %add3A_159 = arith.constant 592 : i32
    %add3A_160 = arith.addi %mul3A_158, %add3A_159 : i32
    "tpu.region"() ({
      %run_scoped3A = tpu.sem_alloc : memref<!tpu.dma_semaphore, #tpu.memory_space<semaphore_mem>>
      %dma_start3A_220 = arith.constant 0 : i32
      %dma_start3A_221 = tpu.memref_slice %arg13[%add3A_160, %dma_start3A_220] : memref<10240x128xf32, #tpu.memory_space<vmem_shared>> -> memref<16x128xf32, #tpu.memory_space<vmem_shared>>
      %dma_start3A_222 = arith.constant 0 : i32
      %dma_start3A_223 = tpu.memref_slice %arg13[%add3A_160, %dma_start3A_222] : memref<10240x128xf32, #tpu.memory_space<vmem_shared>> -> memref<16x128xf32, #tpu.memory_space<vmem_shared>>
      tpu.enqueue_dma source(%arg12 : memref<16x128xf32, #tpu.memory_space<vmem>>) target(%dma_start3A_223 : memref<16x128xf32, #tpu.memory_space<vmem_shared>>) target_semaphore(%run_scoped3A : memref<!tpu.dma_semaphore, #tpu.memory_space<semaphore_mem>>)
      %dma_wait3A_224 = arith.constant 0 : i32
      %dma_wait3A_225 = tpu.memref_slice %arg13[%add3A_160, %dma_wait3A_224] : memref<10240x128xf32, #tpu.memory_space<vmem_shared>> -> memref<16x128xf32, #tpu.memory_space<vmem_shared>>
      %dma_wait3A_226 = arith.constant 0 : i32
      %dma_wait3A_227 = tpu.memref_slice %arg13[%add3A_160, %dma_wait3A_226] : memref<10240x128xf32, #tpu.memory_space<vmem_shared>> -> memref<16x128xf32, #tpu.memory_space<vmem_shared>>
      tpu.wait_dma2 semaphore(%run_scoped3A : memref<!tpu.dma_semaphore, #tpu.memory_space<semaphore_mem>>) src(%arg12 : memref<16x128xf32, #tpu.memory_space<vmem>>) dst(%dma_wait3A_227 : memref<16x128xf32, #tpu.memory_space<vmem_shared>>)
      tpu.yield
    }) : () -> ()
    %mul3A_161 = arith.constant 640 : i32
    %mul3A_162 = arith.muli %arg1, %mul3A_161 : i32
    %add3A_163 = arith.constant 608 : i32
    %add3A_164 = arith.addi %mul3A_162, %add3A_163 : i32
    "tpu.region"() ({
      %run_scoped3A = tpu.sem_alloc : memref<!tpu.dma_semaphore, #tpu.memory_space<semaphore_mem>>
      %dma_start3A_220 = arith.constant 0 : i32
      %dma_start3A_221 = tpu.memref_slice %arg13[%add3A_164, %dma_start3A_220] : memref<10240x128xf32, #tpu.memory_space<vmem_shared>> -> memref<16x128xf32, #tpu.memory_space<vmem_shared>>
      %dma_start3A_222 = arith.constant 0 : i32
      %dma_start3A_223 = tpu.memref_slice %arg13[%add3A_164, %dma_start3A_222] : memref<10240x128xf32, #tpu.memory_space<vmem_shared>> -> memref<16x128xf32, #tpu.memory_space<vmem_shared>>
      tpu.enqueue_dma source(%arg12 : memref<16x128xf32, #tpu.memory_space<vmem>>) target(%dma_start3A_223 : memref<16x128xf32, #tpu.memory_space<vmem_shared>>) target_semaphore(%run_scoped3A : memref<!tpu.dma_semaphore, #tpu.memory_space<semaphore_mem>>)
      %dma_wait3A_224 = arith.constant 0 : i32
      %dma_wait3A_225 = tpu.memref_slice %arg13[%add3A_164, %dma_wait3A_224] : memref<10240x128xf32, #tpu.memory_space<vmem_shared>> -> memref<16x128xf32, #tpu.memory_space<vmem_shared>>
      %dma_wait3A_226 = arith.constant 0 : i32
      %dma_wait3A_227 = tpu.memref_slice %arg13[%add3A_164, %dma_wait3A_226] : memref<10240x128xf32, #tpu.memory_space<vmem_shared>> -> memref<16x128xf32, #tpu.memory_space<vmem_shared>>
      tpu.wait_dma2 semaphore(%run_scoped3A : memref<!tpu.dma_semaphore, #tpu.memory_space<semaphore_mem>>) src(%arg12 : memref<16x128xf32, #tpu.memory_space<vmem>>) dst(%dma_wait3A_227 : memref<16x128xf32, #tpu.memory_space<vmem_shared>>)
      tpu.yield
    }) : () -> ()
    %mul3A_165 = arith.constant 640 : i32
    %mul3A_166 = arith.muli %arg1, %mul3A_165 : i32
    %add3A_167 = arith.constant 624 : i32
    %add3A_168 = arith.addi %mul3A_166, %add3A_167 : i32
    "tpu.region"() ({
      %run_scoped3A = tpu.sem_alloc : memref<!tpu.dma_semaphore, #tpu.memory_space<semaphore_mem>>
      %dma_start3A_220 = arith.constant 0 : i32
      %dma_start3A_221 = tpu.memref_slice %arg13[%add3A_168, %dma_start3A_220] : memref<10240x128xf32, #tpu.memory_space<vmem_shared>> -> memref<16x128xf32, #tpu.memory_space<vmem_shared>>
      %dma_start3A_222 = arith.constant 0 : i32
      %dma_start3A_223 = tpu.memref_slice %arg13[%add3A_168, %dma_start3A_222] : memref<10240x128xf32, #tpu.memory_space<vmem_shared>> -> memref<16x128xf32, #tpu.memory_space<vmem_shared>>
      tpu.enqueue_dma source(%arg12 : memref<16x128xf32, #tpu.memory_space<vmem>>) target(%dma_start3A_223 : memref<16x128xf32, #tpu.memory_space<vmem_shared>>) target_semaphore(%run_scoped3A : memref<!tpu.dma_semaphore, #tpu.memory_space<semaphore_mem>>)
      %dma_wait3A_224 = arith.constant 0 : i32
      %dma_wait3A_225 = tpu.memref_slice %arg13[%add3A_168, %dma_wait3A_224] : memref<10240x128xf32, #tpu.memory_space<vmem_shared>> -> memref<16x128xf32, #tpu.memory_space<vmem_shared>>
      %dma_wait3A_226 = arith.constant 0 : i32
      %dma_wait3A_227 = tpu.memref_slice %arg13[%add3A_168, %dma_wait3A_226] : memref<10240x128xf32, #tpu.memory_space<vmem_shared>> -> memref<16x128xf32, #tpu.memory_space<vmem_shared>>
      tpu.wait_dma2 semaphore(%run_scoped3A : memref<!tpu.dma_semaphore, #tpu.memory_space<semaphore_mem>>) src(%arg12 : memref<16x128xf32, #tpu.memory_space<vmem>>) dst(%dma_wait3A_227 : memref<16x128xf32, #tpu.memory_space<vmem_shared>>)
      tpu.yield
    }) : () -> ()
    %barrier3A = arith.constant 0 : index
    tpu.barrier barrier_id(%barrier3A)
    %dma_start3A = arith.constant 0 : i32
    %dma_start3A_169 = arith.constant 0 : i32
    %dma_start3A_170 = arith.constant 0 : i32
    %dma_start3A_171 = tpu.memref_slice %arg4[%add3A, %dma_start3A, %dma_start3A_169, %dma_start3A_170] : memref<32x250x2x40xi32, #tpu.memory_space<hbm>> -> memref<1x1x2x40xi32, #tpu.memory_space<hbm>>
    %dma_start3A_172 = tpu.memref_squeeze %dma_start3A_171 : memref<1x1x2x40xi32, #tpu.memory_space<hbm>> -> memref<2x40xi32, #tpu.memory_space<hbm>>
    %dma_start3A_173 = arith.constant 0 : i32
    %dma_start3A_174 = arith.constant 0 : i32
    %dma_start3A_175 = tpu.memref_slice %arg4[%add3A, %dma_start3A, %dma_start3A_173, %dma_start3A_174] : memref<32x250x2x40xi32, #tpu.memory_space<hbm>> -> memref<1x1x2x40xi32, #tpu.memory_space<hbm>>
    %dma_start3A_176 = tpu.memref_squeeze %dma_start3A_175 : memref<1x1x2x40xi32, #tpu.memory_space<hbm>> -> memref<2x40xi32, #tpu.memory_space<hbm>>
    tpu.enqueue_dma source(%dma_start3A_176 : memref<2x40xi32, #tpu.memory_space<hbm>>) target(%arg6 : memref<2x40xi32, #tpu.memory_space<vmem>>) target_semaphore(%arg14 : memref<!tpu.dma_semaphore, #tpu.memory_space<semaphore_mem>>)
    %dma_start3A_177 = arith.constant 1 : i32
    %dma_start3A_178 = arith.constant 0 : i32
    %dma_start3A_179 = arith.constant 0 : i32
    %dma_start3A_180 = tpu.memref_slice %arg4[%add3A, %dma_start3A_177, %dma_start3A_178, %dma_start3A_179] : memref<32x250x2x40xi32, #tpu.memory_space<hbm>> -> memref<1x1x2x40xi32, #tpu.memory_space<hbm>>
    %dma_start3A_181 = tpu.memref_squeeze %dma_start3A_180 : memref<1x1x2x40xi32, #tpu.memory_space<hbm>> -> memref<2x40xi32, #tpu.memory_space<hbm>>
    %dma_start3A_182 = arith.constant 0 : i32
    %dma_start3A_183 = arith.constant 0 : i32
    %dma_start3A_184 = tpu.memref_slice %arg4[%add3A, %dma_start3A_177, %dma_start3A_182, %dma_start3A_183] : memref<32x250x2x40xi32, #tpu.memory_space<hbm>> -> memref<1x1x2x40xi32, #tpu.memory_space<hbm>>
    %dma_start3A_185 = tpu.memref_squeeze %dma_start3A_184 : memref<1x1x2x40xi32, #tpu.memory_space<hbm>> -> memref<2x40xi32, #tpu.memory_space<hbm>>
    tpu.enqueue_dma source(%dma_start3A_185 : memref<2x40xi32, #tpu.memory_space<hbm>>) target(%arg7 : memref<2x40xi32, #tpu.memory_space<vmem>>) target_semaphore(%arg15 : memref<!tpu.dma_semaphore, #tpu.memory_space<semaphore_mem>>)
    %dma_wait3A = arith.constant 0 : i32
    %dma_wait3A_186 = arith.constant 0 : i32
    %dma_wait3A_187 = arith.constant 0 : i32
    %dma_wait3A_188 = arith.constant 0 : i32
    %dma_wait3A_189 = tpu.memref_slice %arg4[%dma_wait3A, %dma_wait3A_186, %dma_wait3A_187, %dma_wait3A_188] : memref<32x250x2x40xi32, #tpu.memory_space<hbm>> -> memref<1x1x2x40xi32, #tpu.memory_space<hbm>>
    %dma_wait3A_190 = tpu.memref_squeeze %dma_wait3A_189 : memref<1x1x2x40xi32, #tpu.memory_space<hbm>> -> memref<2x40xi32, #tpu.memory_space<hbm>>
    %dma_wait3A_191 = arith.constant 0 : i32
    %dma_wait3A_192 = arith.constant 0 : i32
    %dma_wait3A_193 = tpu.memref_slice %arg4[%dma_wait3A, %dma_wait3A_186, %dma_wait3A_191, %dma_wait3A_192] : memref<32x250x2x40xi32, #tpu.memory_space<hbm>> -> memref<1x1x2x40xi32, #tpu.memory_space<hbm>>
    %dma_wait3A_194 = tpu.memref_squeeze %dma_wait3A_193 : memref<1x1x2x40xi32, #tpu.memory_space<hbm>> -> memref<2x40xi32, #tpu.memory_space<hbm>>
    tpu.wait_dma2 semaphore(%arg14 : memref<!tpu.dma_semaphore, #tpu.memory_space<semaphore_mem>>) src(%dma_wait3A_194 : memref<2x40xi32, #tpu.memory_space<hbm>>) dst(%arg6 : memref<2x40xi32, #tpu.memory_space<vmem>>)
    %dma_start3A_195 = arith.constant 0 : i32
    %dma_start3A_196 = arith.constant 0 : i32
    %dma_start3A_197 = tpu.memref_slice %arg6[%dma_start3A_195, %dma_start3A_196] : memref<2x40xi32, #tpu.memory_space<vmem>> -> memref<1x40xi32, #tpu.memory_space<vmem>>
    %dma_start3A_198 = tpu.memref_squeeze %dma_start3A_197 : memref<1x40xi32, #tpu.memory_space<vmem>> -> memref<40xi32, #tpu.memory_space<vmem>>
    %dma_start3A_199 = arith.constant 0 : i32
    %dma_start3A_200 = arith.constant 0 : i32
    %dma_start3A_201 = tpu.memref_slice %arg2[%dma_start3A_199, %dma_start3A_200] : memref<10000x128xf32, #tpu.memory_space<hbm>> -> memref<10000x128xf32, #tpu.memory_space<hbm>>
    tpu.enqueue_indirect_dma source(%dma_start3A_201 : memref<10000x128xf32, #tpu.memory_space<hbm>>) target(%arg8 : memref<40x128xf32, #tpu.memory_space<vmem>>) offsets(%dma_start3A_198 : memref<40xi32, #tpu.memory_space<vmem>>) semaphore(%arg16 : memref<!tpu.dma_semaphore, #tpu.memory_space<semaphore_mem>>)
    %add3A_202 = arith.constant 0 : i32
    %add3A_203 = arith.addi %mul3A_2, %add3A_202 : i32
    %dma_start3A_204 = arith.constant 0 : i32
    %dma_start3A_205 = tpu.memref_slice %arg3[%add3A_203, %dma_start3A_204] : memref<320000x128xf32, #tpu.memory_space<hbm>> -> memref<40x128xf32, #tpu.memory_space<hbm>>
    %dma_start3A_206 = arith.constant 0 : i32
    %dma_start3A_207 = tpu.memref_slice %arg3[%add3A_203, %dma_start3A_206] : memref<320000x128xf32, #tpu.memory_space<hbm>> -> memref<40x128xf32, #tpu.memory_space<hbm>>
    tpu.enqueue_dma source(%dma_start3A_207 : memref<40x128xf32, #tpu.memory_space<hbm>>) target(%arg10 : memref<40x128xf32, #tpu.memory_space<vmem>>) target_semaphore(%arg16 : memref<!tpu.dma_semaphore, #tpu.memory_space<semaphore_mem>>)
    %scan3A_208 = arith.constant 0 : i32
    %scan3A_209 = arith.constant 0 : i32
    %scan3A_210 = arith.constant 125 : i32
    %scan3A_211 = arith.addi %scan3A_209, %scan3A_210 : i32
    %scan3A_212 = arith.constant 1 : i32
    %scan3A_213 = scf.for %scan3A_220 = %scan3A_209 to %scan3A_211 step %scan3A_212 iter_args(%scan3A_221 = %scan3A_208) -> (i32)  : i32 {
      %mul3A_222 = arith.constant 2 : i32
      %mul3A_223 = arith.muli %mul3A_222, %scan3A_220 : i32
      %add3A_224 = arith.constant 1 : i32
      %add3A_225 = arith.addi %mul3A_223, %add3A_224 : i32
      %dma_wait3A_226 = arith.constant 0 : i32
      %dma_wait3A_227 = arith.constant 0 : i32
      %dma_wait3A_228 = arith.constant 0 : i32
      %dma_wait3A_229 = arith.constant 0 : i32
      %dma_wait3A_230 = tpu.memref_slice %arg4[%dma_wait3A_226, %dma_wait3A_227, %dma_wait3A_228, %dma_wait3A_229] : memref<32x250x2x40xi32, #tpu.memory_space<hbm>> -> memref<1x1x2x40xi32, #tpu.memory_space<hbm>>
      %dma_wait3A_231 = tpu.memref_squeeze %dma_wait3A_230 : memref<1x1x2x40xi32, #tpu.memory_space<hbm>> -> memref<2x40xi32, #tpu.memory_space<hbm>>
      %dma_wait3A_232 = arith.constant 0 : i32
      %dma_wait3A_233 = arith.constant 0 : i32
      %dma_wait3A_234 = tpu.memref_slice %arg4[%dma_wait3A_226, %dma_wait3A_227, %dma_wait3A_232, %dma_wait3A_233] : memref<32x250x2x40xi32, #tpu.memory_space<hbm>> -> memref<1x1x2x40xi32, #tpu.memory_space<hbm>>
      %dma_wait3A_235 = tpu.memref_squeeze %dma_wait3A_234 : memref<1x1x2x40xi32, #tpu.memory_space<hbm>> -> memref<2x40xi32, #tpu.memory_space<hbm>>
      tpu.wait_dma2 semaphore(%arg15 : memref<!tpu.dma_semaphore, #tpu.memory_space<semaphore_mem>>) src(%dma_wait3A_235 : memref<2x40xi32, #tpu.memory_space<hbm>>) dst(%arg7 : memref<2x40xi32, #tpu.memory_space<vmem>>)
      %dma_start3A_236 = arith.constant 0 : i32
      %dma_start3A_237 = arith.constant 0 : i32
      %dma_start3A_238 = tpu.memref_slice %arg7[%dma_start3A_236, %dma_start3A_237] : memref<2x40xi32, #tpu.memory_space<vmem>> -> memref<1x40xi32, #tpu.memory_space<vmem>>
      %dma_start3A_239 = tpu.memref_squeeze %dma_start3A_238 : memref<1x40xi32, #tpu.memory_space<vmem>> -> memref<40xi32, #tpu.memory_space<vmem>>
      %dma_start3A_240 = arith.constant 0 : i32
      %dma_start3A_241 = arith.constant 0 : i32
      %dma_start3A_242 = tpu.memref_slice %arg2[%dma_start3A_240, %dma_start3A_241] : memref<10000x128xf32, #tpu.memory_space<hbm>> -> memref<10000x128xf32, #tpu.memory_space<hbm>>
      tpu.enqueue_indirect_dma source(%dma_start3A_242 : memref<10000x128xf32, #tpu.memory_space<hbm>>) target(%arg9 : memref<40x128xf32, #tpu.memory_space<vmem>>) offsets(%dma_start3A_239 : memref<40xi32, #tpu.memory_space<vmem>>) semaphore(%arg17 : memref<!tpu.dma_semaphore, #tpu.memory_space<semaphore_mem>>)
      %mul3A_243 = arith.constant 40 : i32
      %mul3A_244 = arith.muli %add3A_225, %mul3A_243 : i32
      %add3A_245 = arith.addi %mul3A_2, %mul3A_244 : i32
      %dma_start3A_246 = arith.constant 0 : i32
      %dma_start3A_247 = tpu.memref_slice %arg3[%add3A_245, %dma_start3A_246] : memref<320000x128xf32, #tpu.memory_space<hbm>> -> memref<40x128xf32, #tpu.memory_space<hbm>>
      %dma_start3A_248 = arith.constant 0 : i32
      %dma_start3A_249 = tpu.memref_slice %arg3[%add3A_245, %dma_start3A_248] : memref<320000x128xf32, #tpu.memory_space<hbm>> -> memref<40x128xf32, #tpu.memory_space<hbm>>
      tpu.enqueue_dma source(%dma_start3A_249 : memref<40x128xf32, #tpu.memory_space<hbm>>) target(%arg11 : memref<40x128xf32, #tpu.memory_space<vmem>>) target_semaphore(%arg17 : memref<!tpu.dma_semaphore, #tpu.memory_space<semaphore_mem>>)
      %dma_wait3A_250 = arith.constant 0 : i32
      %dma_wait3A_251 = arith.constant 0 : i32
      %dma_wait3A_252 = tpu.memref_slice %arg3[%dma_wait3A_250, %dma_wait3A_251] : memref<320000x128xf32, #tpu.memory_space<hbm>> -> memref<40x128xf32, #tpu.memory_space<hbm>>
      %dma_wait3A_253 = arith.constant 0 : i32
      %dma_wait3A_254 = arith.constant 0 : i32
      %dma_wait3A_255 = tpu.memref_slice %arg3[%dma_wait3A_253, %dma_wait3A_254] : memref<320000x128xf32, #tpu.memory_space<hbm>> -> memref<40x128xf32, #tpu.memory_space<hbm>>
      tpu.wait_dma2 semaphore(%arg16 : memref<!tpu.dma_semaphore, #tpu.memory_space<semaphore_mem>>) src(%dma_wait3A_255 : memref<40x128xf32, #tpu.memory_space<hbm>>) dst(%arg8 : memref<40x128xf32, #tpu.memory_space<vmem>>)
      %dma_wait3A_256 = arith.constant 0 : i32
      %dma_wait3A_257 = arith.constant 0 : i32
      %dma_wait3A_258 = tpu.memref_slice %arg3[%dma_wait3A_256, %dma_wait3A_257] : memref<320000x128xf32, #tpu.memory_space<hbm>> -> memref<40x128xf32, #tpu.memory_space<hbm>>
      %dma_wait3A_259 = arith.constant 0 : i32
      %dma_wait3A_260 = arith.constant 0 : i32
      %dma_wait3A_261 = tpu.memref_slice %arg3[%dma_wait3A_259, %dma_wait3A_260] : memref<320000x128xf32, #tpu.memory_space<hbm>> -> memref<40x128xf32, #tpu.memory_space<hbm>>
      tpu.wait_dma2 semaphore(%arg16 : memref<!tpu.dma_semaphore, #tpu.memory_space<semaphore_mem>>) src(%dma_wait3A_261 : memref<40x128xf32, #tpu.memory_space<hbm>>) dst(%arg10 : memref<40x128xf32, #tpu.memory_space<vmem>>)
      %run_scoped3A = arith.constant 1 : i32
      "tpu.region"() ({
        %run_scoped3A_289 = tpu.sem_alloc : memref<!tpu.dma_semaphore, #tpu.memory_space<semaphore_mem>>
        %dma_start3A_290 = arith.constant 0 : i32
        %dma_start3A_291 = tpu.memref_slice %arg6[%run_scoped3A, %dma_start3A_290] : memref<2x40xi32, #tpu.memory_space<vmem>> -> memref<1x40xi32, #tpu.memory_space<vmem>>
        %dma_start3A_292 = tpu.memref_squeeze %dma_start3A_291 : memref<1x40xi32, #tpu.memory_space<vmem>> -> memref<40xi32, #tpu.memory_space<vmem>>
        %dma_start3A_293 = arith.constant 0 : i32
        %dma_start3A_294 = arith.constant 0 : i32
        %dma_start3A_295 = tpu.memref_slice %arg13[%dma_start3A_293, %dma_start3A_294] : memref<10240x128xf32, #tpu.memory_space<vmem_shared>> -> memref<10240x128xf32, #tpu.memory_space<vmem_shared>>
        tpu.enqueue_indirect_dma source(%arg8 : memref<40x128xf32, #tpu.memory_space<vmem>>) target(%dma_start3A_295 : memref<10240x128xf32, #tpu.memory_space<vmem_shared>>) offsets(%dma_start3A_292 : memref<40xi32, #tpu.memory_space<vmem>>) semaphore(%run_scoped3A_289 : memref<!tpu.dma_semaphore, #tpu.memory_space<semaphore_mem>>) {add = true}
        %dma_wait3A_296 = arith.constant 0 : i32
        %dma_wait3A_297 = tpu.memref_slice %arg6[%run_scoped3A, %dma_wait3A_296] : memref<2x40xi32, #tpu.memory_space<vmem>> -> memref<1x40xi32, #tpu.memory_space<vmem>>
        %dma_wait3A_298 = tpu.memref_squeeze %dma_wait3A_297 : memref<1x40xi32, #tpu.memory_space<vmem>> -> memref<40xi32, #tpu.memory_space<vmem>>
        %dma_wait3A_299 = arith.constant 0 : i32
        %dma_wait3A_300 = arith.constant 0 : i32
        %dma_wait3A_301 = tpu.memref_slice %arg13[%dma_wait3A_299, %dma_wait3A_300] : memref<10240x128xf32, #tpu.memory_space<vmem_shared>> -> memref<10240x128xf32, #tpu.memory_space<vmem_shared>>
        tpu.wait_indirect_dma semaphore(%run_scoped3A_289 : memref<!tpu.dma_semaphore, #tpu.memory_space<semaphore_mem>>) src(%arg8 : memref<40x128xf32, #tpu.memory_space<vmem>>) dst(%dma_wait3A_301 : memref<10240x128xf32, #tpu.memory_space<vmem_shared>>)
        tpu.yield
      }) : () -> ()
      %add3A_262 = arith.constant 2 : i32
      %add3A_263 = arith.addi %mul3A_223, %add3A_262 : i32
      %lt3A = arith.constant 250 : i32
      %lt3A_264 = arith.cmpi slt, %add3A_263, %lt3A : i32
      %convert_element_type3A = arith.extui %lt3A_264 : i1 to i32
      %cond3A = arith.constant 0 : i32
      %cond3A_265 = arith.cmpi ne, %convert_element_type3A, %cond3A : i32
      scf.if %cond3A_265 {
        %add3A_289 = arith.constant 2 : i32
        %add3A_290 = arith.addi %mul3A_223, %add3A_289 : i32
        %dma_start3A_291 = arith.constant 0 : i32
        %dma_start3A_292 = arith.constant 0 : i32
        %dma_start3A_293 = tpu.memref_slice %arg4[%add3A, %add3A_290, %dma_start3A_291, %dma_start3A_292] : memref<32x250x2x40xi32, #tpu.memory_space<hbm>> -> memref<1x1x2x40xi32, #tpu.memory_space<hbm>>
        %dma_start3A_294 = tpu.memref_squeeze %dma_start3A_293 : memref<1x1x2x40xi32, #tpu.memory_space<hbm>> -> memref<2x40xi32, #tpu.memory_space<hbm>>
        %dma_start3A_295 = arith.constant 0 : i32
        %dma_start3A_296 = arith.constant 0 : i32
        %dma_start3A_297 = tpu.memref_slice %arg4[%add3A, %add3A_290, %dma_start3A_295, %dma_start3A_296] : memref<32x250x2x40xi32, #tpu.memory_space<hbm>> -> memref<1x1x2x40xi32, #tpu.memory_space<hbm>>
        %dma_start3A_298 = tpu.memref_squeeze %dma_start3A_297 : memref<1x1x2x40xi32, #tpu.memory_space<hbm>> -> memref<2x40xi32, #tpu.memory_space<hbm>>
        tpu.enqueue_dma source(%dma_start3A_298 : memref<2x40xi32, #tpu.memory_space<hbm>>) target(%arg6 : memref<2x40xi32, #tpu.memory_space<vmem>>) target_semaphore(%arg14 : memref<!tpu.dma_semaphore, #tpu.memory_space<semaphore_mem>>)
        %add3A_299 = arith.constant 2 : i32
        %add3A_300 = arith.addi %mul3A_223, %add3A_299 : i32
        %dma_wait3A_301 = arith.constant 0 : i32
        %dma_wait3A_302 = arith.constant 0 : i32
        %dma_wait3A_303 = arith.constant 0 : i32
        %dma_wait3A_304 = arith.constant 0 : i32
        %dma_wait3A_305 = tpu.memref_slice %arg4[%dma_wait3A_301, %dma_wait3A_302, %dma_wait3A_303, %dma_wait3A_304] : memref<32x250x2x40xi32, #tpu.memory_space<hbm>> -> memref<1x1x2x40xi32, #tpu.memory_space<hbm>>
        %dma_wait3A_306 = tpu.memref_squeeze %dma_wait3A_305 : memref<1x1x2x40xi32, #tpu.memory_space<hbm>> -> memref<2x40xi32, #tpu.memory_space<hbm>>
        %dma_wait3A_307 = arith.constant 0 : i32
        %dma_wait3A_308 = arith.constant 0 : i32
        %dma_wait3A_309 = tpu.memref_slice %arg4[%dma_wait3A_301, %dma_wait3A_302, %dma_wait3A_307, %dma_wait3A_308] : memref<32x250x2x40xi32, #tpu.memory_space<hbm>> -> memref<1x1x2x40xi32, #tpu.memory_space<hbm>>
        %dma_wait3A_310 = tpu.memref_squeeze %dma_wait3A_309 : memref<1x1x2x40xi32, #tpu.memory_space<hbm>> -> memref<2x40xi32, #tpu.memory_space<hbm>>
        tpu.wait_dma2 semaphore(%arg14 : memref<!tpu.dma_semaphore, #tpu.memory_space<semaphore_mem>>) src(%dma_wait3A_310 : memref<2x40xi32, #tpu.memory_space<hbm>>) dst(%arg6 : memref<2x40xi32, #tpu.memory_space<vmem>>)
        %dma_start3A_311 = arith.constant 0 : i32
        %dma_start3A_312 = arith.constant 0 : i32
        %dma_start3A_313 = tpu.memref_slice %arg6[%dma_start3A_311, %dma_start3A_312] : memref<2x40xi32, #tpu.memory_space<vmem>> -> memref<1x40xi32, #tpu.memory_space<vmem>>
        %dma_start3A_314 = tpu.memref_squeeze %dma_start3A_313 : memref<1x40xi32, #tpu.memory_space<vmem>> -> memref<40xi32, #tpu.memory_space<vmem>>
        %dma_start3A_315 = arith.constant 0 : i32
        %dma_start3A_316 = arith.constant 0 : i32
        %dma_start3A_317 = tpu.memref_slice %arg2[%dma_start3A_315, %dma_start3A_316] : memref<10000x128xf32, #tpu.memory_space<hbm>> -> memref<10000x128xf32, #tpu.memory_space<hbm>>
        tpu.enqueue_indirect_dma source(%dma_start3A_317 : memref<10000x128xf32, #tpu.memory_space<hbm>>) target(%arg8 : memref<40x128xf32, #tpu.memory_space<vmem>>) offsets(%dma_start3A_314 : memref<40xi32, #tpu.memory_space<vmem>>) semaphore(%arg16 : memref<!tpu.dma_semaphore, #tpu.memory_space<semaphore_mem>>)
        %mul3A_318 = arith.constant 40 : i32
        %mul3A_319 = arith.muli %add3A_300, %mul3A_318 : i32
        %add3A_320 = arith.addi %mul3A_2, %mul3A_319 : i32
        %dma_start3A_321 = arith.constant 0 : i32
        %dma_start3A_322 = tpu.memref_slice %arg3[%add3A_320, %dma_start3A_321] : memref<320000x128xf32, #tpu.memory_space<hbm>> -> memref<40x128xf32, #tpu.memory_space<hbm>>
        %dma_start3A_323 = arith.constant 0 : i32
        %dma_start3A_324 = tpu.memref_slice %arg3[%add3A_320, %dma_start3A_323] : memref<320000x128xf32, #tpu.memory_space<hbm>> -> memref<40x128xf32, #tpu.memory_space<hbm>>
        tpu.enqueue_dma source(%dma_start3A_324 : memref<40x128xf32, #tpu.memory_space<hbm>>) target(%arg10 : memref<40x128xf32, #tpu.memory_space<vmem>>) target_semaphore(%arg16 : memref<!tpu.dma_semaphore, #tpu.memory_space<semaphore_mem>>)
      } else {
      }
      %add3A_266 = arith.constant 1 : i32
      %add3A_267 = arith.addi %mul3A_223, %add3A_266 : i32
      %dma_wait3A_268 = arith.constant 0 : i32
      %dma_wait3A_269 = arith.constant 0 : i32
      %dma_wait3A_270 = tpu.memref_slice %arg3[%dma_wait3A_268, %dma_wait3A_269] : memref<320000x128xf32, #tpu.memory_space<hbm>> -> memref<40x128xf32, #tpu.memory_space<hbm>>
      %dma_wait3A_271 = arith.constant 0 : i32
      %dma_wait3A_272 = arith.constant 0 : i32
      %dma_wait3A_273 = tpu.memref_slice %arg3[%dma_wait3A_271, %dma_wait3A_272] : memref<320000x128xf32, #tpu.memory_space<hbm>> -> memref<40x128xf32, #tpu.memory_space<hbm>>
      tpu.wait_dma2 semaphore(%arg17 : memref<!tpu.dma_semaphore, #tpu.memory_space<semaphore_mem>>) src(%dma_wait3A_273 : memref<40x128xf32, #tpu.memory_space<hbm>>) dst(%arg9 : memref<40x128xf32, #tpu.memory_space<vmem>>)
      %dma_wait3A_274 = arith.constant 0 : i32
      %dma_wait3A_275 = arith.constant 0 : i32
      %dma_wait3A_276 = tpu.memref_slice %arg3[%dma_wait3A_274, %dma_wait3A_275] : memref<320000x128xf32, #tpu.memory_space<hbm>> -> memref<40x128xf32, #tpu.memory_space<hbm>>
      %dma_wait3A_277 = arith.constant 0 : i32
      %dma_wait3A_278 = arith.constant 0 : i32
      %dma_wait3A_279 = tpu.memref_slice %arg3[%dma_wait3A_277, %dma_wait3A_278] : memref<320000x128xf32, #tpu.memory_space<hbm>> -> memref<40x128xf32, #tpu.memory_space<hbm>>
      tpu.wait_dma2 semaphore(%arg17 : memref<!tpu.dma_semaphore, #tpu.memory_space<semaphore_mem>>) src(%dma_wait3A_279 : memref<40x128xf32, #tpu.memory_space<hbm>>) dst(%arg11 : memref<40x128xf32, #tpu.memory_space<vmem>>)
      %run_scoped3A_280 = arith.constant 1 : i32
      "tpu.region"() ({
        %run_scoped3A_289 = tpu.sem_alloc : memref<!tpu.dma_semaphore, #tpu.memory_space<semaphore_mem>>
        %dma_start3A_290 = arith.constant 0 : i32
        %dma_start3A_291 = tpu.memref_slice %arg7[%run_scoped3A_280, %dma_start3A_290] : memref<2x40xi32, #tpu.memory_space<vmem>> -> memref<1x40xi32, #tpu.memory_space<vmem>>
        %dma_start3A_292 = tpu.memref_squeeze %dma_start3A_291 : memref<1x40xi32, #tpu.memory_space<vmem>> -> memref<40xi32, #tpu.memory_space<vmem>>
        %dma_start3A_293 = arith.constant 0 : i32
        %dma_start3A_294 = arith.constant 0 : i32
        %dma_start3A_295 = tpu.memref_slice %arg13[%dma_start3A_293, %dma_start3A_294] : memref<10240x128xf32, #tpu.memory_space<vmem_shared>> -> memref<10240x128xf32, #tpu.memory_space<vmem_shared>>
        tpu.enqueue_indirect_dma source(%arg9 : memref<40x128xf32, #tpu.memory_space<vmem>>) target(%dma_start3A_295 : memref<10240x128xf32, #tpu.memory_space<vmem_shared>>) offsets(%dma_start3A_292 : memref<40xi32, #tpu.memory_space<vmem>>) semaphore(%run_scoped3A_289 : memref<!tpu.dma_semaphore, #tpu.memory_space<semaphore_mem>>) {add = true}
        %dma_wait3A_296 = arith.constant 0 : i32
        %dma_wait3A_297 = tpu.memref_slice %arg7[%run_scoped3A_280, %dma_wait3A_296] : memref<2x40xi32, #tpu.memory_space<vmem>> -> memref<1x40xi32, #tpu.memory_space<vmem>>
        %dma_wait3A_298 = tpu.memref_squeeze %dma_wait3A_297 : memref<1x40xi32, #tpu.memory_space<vmem>> -> memref<40xi32, #tpu.memory_space<vmem>>
        %dma_wait3A_299 = arith.constant 0 : i32
        %dma_wait3A_300 = arith.constant 0 : i32
        %dma_wait3A_301 = tpu.memref_slice %arg13[%dma_wait3A_299, %dma_wait3A_300] : memref<10240x128xf32, #tpu.memory_space<vmem_shared>> -> memref<10240x128xf32, #tpu.memory_space<vmem_shared>>
        tpu.wait_indirect_dma semaphore(%run_scoped3A_289 : memref<!tpu.dma_semaphore, #tpu.memory_space<semaphore_mem>>) src(%arg9 : memref<40x128xf32, #tpu.memory_space<vmem>>) dst(%dma_wait3A_301 : memref<10240x128xf32, #tpu.memory_space<vmem_shared>>)
        tpu.yield
      }) : () -> ()
      %add3A_281 = arith.constant 3 : i32
      %add3A_282 = arith.addi %mul3A_223, %add3A_281 : i32
      %lt3A_283 = arith.constant 250 : i32
      %lt3A_284 = arith.cmpi slt, %add3A_282, %lt3A_283 : i32
      %convert_element_type3A_285 = arith.extui %lt3A_284 : i1 to i32
      %cond3A_286 = arith.constant 0 : i32
      %cond3A_287 = arith.cmpi ne, %convert_element_type3A_285, %cond3A_286 : i32
      scf.if %cond3A_287 {
        %add3A_289 = arith.constant 3 : i32
        %add3A_290 = arith.addi %mul3A_223, %add3A_289 : i32
        %dma_start3A_291 = arith.constant 0 : i32
        %dma_start3A_292 = arith.constant 0 : i32
        %dma_start3A_293 = tpu.memref_slice %arg4[%add3A, %add3A_290, %dma_start3A_291, %dma_start3A_292] : memref<32x250x2x40xi32, #tpu.memory_space<hbm>> -> memref<1x1x2x40xi32, #tpu.memory_space<hbm>>
        %dma_start3A_294 = tpu.memref_squeeze %dma_start3A_293 : memref<1x1x2x40xi32, #tpu.memory_space<hbm>> -> memref<2x40xi32, #tpu.memory_space<hbm>>
        %dma_start3A_295 = arith.constant 0 : i32
        %dma_start3A_296 = arith.constant 0 : i32
        %dma_start3A_297 = tpu.memref_slice %arg4[%add3A, %add3A_290, %dma_start3A_295, %dma_start3A_296] : memref<32x250x2x40xi32, #tpu.memory_space<hbm>> -> memref<1x1x2x40xi32, #tpu.memory_space<hbm>>
        %dma_start3A_298 = tpu.memref_squeeze %dma_start3A_297 : memref<1x1x2x40xi32, #tpu.memory_space<hbm>> -> memref<2x40xi32, #tpu.memory_space<hbm>>
        tpu.enqueue_dma source(%dma_start3A_298 : memref<2x40xi32, #tpu.memory_space<hbm>>) target(%arg7 : memref<2x40xi32, #tpu.memory_space<vmem>>) target_semaphore(%arg15 : memref<!tpu.dma_semaphore, #tpu.memory_space<semaphore_mem>>)
      } else {
      }
      %scan3A_288 = arith.constant 0 : i32
      scf.yield %scan3A_288 : i32
    }
    %scan3A_214 = arith.constant 125 : i32
    %barrier3A_215 = arith.constant 0 : index
    tpu.barrier barrier_id(%barrier3A_215)
    %mul3A_216 = arith.constant 640 : i32
    %mul3A_217 = arith.muli %arg1, %mul3A_216 : i32
    %mul3A_218 = arith.constant 640 : i32
    %mul3A_219 = arith.muli %arg1, %mul3A_218 : i32
    "tpu.region"() ({
      %run_scoped3A = tpu.sem_alloc : memref<!tpu.dma_semaphore, #tpu.memory_space<semaphore_mem>>
      %dma_start3A_220 = arith.constant 0 : i32
      %dma_start3A_221 = tpu.memref_slice %arg5[%arg0, %mul3A_219, %dma_start3A_220] : memref<2x10240x128xf32, #tpu.memory_space<hbm>> -> memref<1x640x128xf32, #tpu.memory_space<hbm>>
      %dma_start3A_222 = tpu.memref_squeeze %dma_start3A_221 : memref<1x640x128xf32, #tpu.memory_space<hbm>> -> memref<640x128xf32, #tpu.memory_space<hbm>>
      %dma_start3A_223 = arith.constant 0 : i32
      %dma_start3A_224 = tpu.memref_slice %arg13[%mul3A_217, %dma_start3A_223] : memref<10240x128xf32, #tpu.memory_space<vmem_shared>> -> memref<640x128xf32, #tpu.memory_space<vmem_shared>>
      tpu.enqueue_dma source(%dma_start3A_224 : memref<640x128xf32, #tpu.memory_space<vmem_shared>>) target(%dma_start3A_222 : memref<640x128xf32, #tpu.memory_space<hbm>>) target_semaphore(%run_scoped3A : memref<!tpu.dma_semaphore, #tpu.memory_space<semaphore_mem>>)
      %dma_wait3A_225 = arith.constant 0 : i32
      %dma_wait3A_226 = tpu.memref_slice %arg5[%arg0, %mul3A_219, %dma_wait3A_225] : memref<2x10240x128xf32, #tpu.memory_space<hbm>> -> memref<1x640x128xf32, #tpu.memory_space<hbm>>
      %dma_wait3A_227 = tpu.memref_squeeze %dma_wait3A_226 : memref<1x640x128xf32, #tpu.memory_space<hbm>> -> memref<640x128xf32, #tpu.memory_space<hbm>>
      %dma_wait3A_228 = arith.constant 0 : i32
      %dma_wait3A_229 = tpu.memref_slice %arg13[%mul3A_217, %dma_wait3A_228] : memref<10240x128xf32, #tpu.memory_space<vmem_shared>> -> memref<640x128xf32, #tpu.memory_space<vmem_shared>>
      tpu.wait_dma2 semaphore(%run_scoped3A : memref<!tpu.dma_semaphore, #tpu.memory_space<semaphore_mem>>) src(%dma_wait3A_229 : memref<640x128xf32, #tpu.memory_space<vmem_shared>>) dst(%dma_wait3A_227 : memref<640x128xf32, #tpu.memory_space<hbm>>)
      tpu.yield
    }) : () -> ()
    return
  }
}

#map = affine_map<(d0, d1) -> (0, 0)>
#map1 = affine_map<(d0, d1) -> (0, 0, 0, 0)>
#map2 = affine_map<(d0, d1) -> (0, 0, 0)>
module attributes {stable_mosaic.version = 14 : i64} {
  func.func @_sc_body(%arg0: i32, %arg1: i32, %arg2: memref<10000x128xf32, #tpu.memory_space<hbm>>, %arg3: memref<320000x128xf32, #tpu.memory_space<hbm>>, %arg4: memref<32x250x2x40xi32, #tpu.memory_space<hbm>>, %arg5: memref<2x10240x128xf32, #tpu.memory_space<hbm>>, %arg6: memref<2x40xi32, #tpu.memory_space<vmem>>, %arg7: memref<2x40xi32, #tpu.memory_space<vmem>>, %arg8: memref<40x128xf32, #tpu.memory_space<vmem>>, %arg9: memref<40x128xf32, #tpu.memory_space<vmem>>, %arg10: memref<40x128xf32, #tpu.memory_space<vmem>>, %arg11: memref<40x128xf32, #tpu.memory_space<vmem>>, %arg12: memref<16x128xf32, #tpu.memory_space<vmem>>, %arg13: memref<10240x128xf32, #tpu.memory_space<vmem_shared>>, %arg14: memref<!tpu.dma_semaphore, #tpu.memory_space<semaphore_mem>>, %arg15: memref<!tpu.dma_semaphore, #tpu.memory_space<semaphore_mem>>, %arg16: memref<!tpu.dma_semaphore, #tpu.memory_space<semaphore_mem>>, %arg17: memref<!tpu.dma_semaphore, #tpu.memory_space<semaphore_mem>>) attributes {dimension_semantics = [#tpu.dimension_semantics<core_parallel>, #tpu.dimension_semantics<subcore_parallel>], iteration_bounds = array<i64: 2, 16>, scalar_prefetch = 0 : i64, scratch_operands = 12 : i64, tpu.core_type = #tpu.core_type<sc_vector_subcore>, window_params = [{transform_indices = #map}, {transform_indices = #map}, {transform_indices = #map1}, {transform_indices = #map2}]} {
    %mul3A = arith.constant 2 : i32
    %mul3A_0 = arith.muli %arg1, %mul3A : i32
    %add3A = arith.addi %mul3A_0, %arg0 : i32
    %mul3A_1 = arith.constant 10000 : i32
    %mul3A_2 = arith.muli %add3A, %mul3A_1 : i32
    %scan3A = arith.constant 0 : i32
    %scan3A_3 = arith.constant 0 : i32
    %scan3A_4 = arith.constant 16 : i32
    %scan3A_5 = arith.addi %scan3A_3, %scan3A_4 : i32
    %scan3A_6 = arith.constant 1 : i32
    %scan3A_7 = scf.for %scan3A_220 = %scan3A_3 to %scan3A_5 step %scan3A_6 iter_args(%scan3A_221 = %scan3A) -> (i32)  : i32 {
      %broadcast_in_dim3A = arith.constant 0.000000e+00 : f32
      %broadcast_in_dim3A_222 = vector.broadcast %broadcast_in_dim3A : f32 to vector<16xf32>
      %swap3A = arith.index_cast %scan3A_220 : i32 to index
      %swap3A_223 = arith.constant 0 : index
      %swap3A_224 = tpu.vector_load %arg12[%swap3A, %swap3A_223] {strides = array<i32>} : memref<16x128xf32, #tpu.memory_space<vmem>>, vector<1x16xf32>,
      %swap3A_225 = vector.shape_cast %swap3A_224 : vector<1x16xf32> to vector<16xf32>
      %swap3A_226 = vector.shape_cast %broadcast_in_dim3A_222 : vector<16xf32> to vector<1x16xf32>
      tpu.vector_store %arg12[%swap3A, %swap3A_223], %swap3A_226 {strides = array<i32>} : memref<16x128xf32, #tpu.memory_space<vmem>>, vector<1x16xf32>,
      %broadcast_in_dim3A_227 = arith.constant 0.000000e+00 : f32
      %broadcast_in_dim3A_228 = vector.broadcast %broadcast_in_dim3A_227 : f32 to vector<16xf32>
      %swap3A_229 = arith.index_cast %scan3A_220 : i32 to index
      %swap3A_230 = arith.constant 16 : index
      %swap3A_231 = tpu.vector_load %arg12[%swap3A_229, %swap3A_230] {strides = array<i32>} : memref<16x128xf32, #tpu.memory_space<vmem>>, vector<1x16xf32>,
      %swap3A_232 = vector.shape_cast %swap3A_231 : vector<1x16xf32> to vector<16xf32>
      %swap3A_233 = vector.shape_cast %broadcast_in_dim3A_228 : vector<16xf32> to vector<1x16xf32>
      tpu.vector_store %arg12[%swap3A_229, %swap3A_230], %swap3A_233 {strides = array<i32>} : memref<16x128xf32, #tpu.memory_space<vmem>>, vector<1x16xf32>,
      %broadcast_in_dim3A_234 = arith.constant 0.000000e+00 : f32
      %broadcast_in_dim3A_235 = vector.broadcast %broadcast_in_dim3A_234 : f32 to vector<16xf32>
      %swap3A_236 = arith.index_cast %scan3A_220 : i32 to index
      %swap3A_237 = arith.constant 32 : index
      %swap3A_238 = tpu.vector_load %arg12[%swap3A_236, %swap3A_237] {strides = array<i32>} : memref<16x128xf32, #tpu.memory_space<vmem>>, vector<1x16xf32>,
      %swap3A_239 = vector.shape_cast %swap3A_238 : vector<1x16xf32> to vector<16xf32>
      %swap3A_240 = vector.shape_cast %broadcast_in_dim3A_235 : vector<16xf32> to vector<1x16xf32>
      tpu.vector_store %arg12[%swap3A_236, %swap3A_237], %swap3A_240 {strides = array<i32>} : memref<16x128xf32, #tpu.memory_space<vmem>>, vector<1x16xf32>,
      %broadcast_in_dim3A_241 = arith.constant 0.000000e+00 : f32
      %broadcast_in_dim3A_242 = vector.broadcast %broadcast_in_dim3A_241 : f32 to vector<16xf32>
      %swap3A_243 = arith.index_cast %scan3A_220 : i32 to index
      %swap3A_244 = arith.constant 48 : index
      %swap3A_245 = tpu.vector_load %arg12[%swap3A_243, %swap3A_244] {strides = array<i32>} : memref<16x128xf32, #tpu.memory_space<vmem>>, vector<1x16xf32>,
      %swap3A_246 = vector.shape_cast %swap3A_245 : vector<1x16xf32> to vector<16xf32>
      %swap3A_247 = vector.shape_cast %broadcast_in_dim3A_242 : vector<16xf32> to vector<1x16xf32>
      tpu.vector_store %arg12[%swap3A_243, %swap3A_244], %swap3A_247 {strides = array<i32>} : memref<16x128xf32, #tpu.memory_space<vmem>>, vector<1x16xf32>,
      %broadcast_in_dim3A_248 = arith.constant 0.000000e+00 : f32
      %broadcast_in_dim3A_249 = vector.broadcast %broadcast_in_dim3A_248 : f32 to vector<16xf32>
      %swap3A_250 = arith.index_cast %scan3A_220 : i32 to index
      %swap3A_251 = arith.constant 64 : index
      %swap3A_252 = tpu.vector_load %arg12[%swap3A_250, %swap3A_251] {strides = array<i32>} : memref<16x128xf32, #tpu.memory_space<vmem>>, vector<1x16xf32>,
      %swap3A_253 = vector.shape_cast %swap3A_252 : vector<1x16xf32> to vector<16xf32>
      %swap3A_254 = vector.shape_cast %broadcast_in_dim3A_249 : vector<16xf32> to vector<1x16xf32>
      tpu.vector_store %arg12[%swap3A_250, %swap3A_251], %swap3A_254 {strides = array<i32>} : memref<16x128xf32, #tpu.memory_space<vmem>>, vector<1x16xf32>,
      %broadcast_in_dim3A_255 = arith.constant 0.000000e+00 : f32
      %broadcast_in_dim3A_256 = vector.broadcast %broadcast_in_dim3A_255 : f32 to vector<16xf32>
      %swap3A_257 = arith.index_cast %scan3A_220 : i32 to index
      %swap3A_258 = arith.constant 80 : index
      %swap3A_259 = tpu.vector_load %arg12[%swap3A_257, %swap3A_258] {strides = array<i32>} : memref<16x128xf32, #tpu.memory_space<vmem>>, vector<1x16xf32>,
      %swap3A_260 = vector.shape_cast %swap3A_259 : vector<1x16xf32> to vector<16xf32>
      %swap3A_261 = vector.shape_cast %broadcast_in_dim3A_256 : vector<16xf32> to vector<1x16xf32>
      tpu.vector_store %arg12[%swap3A_257, %swap3A_258], %swap3A_261 {strides = array<i32>} : memref<16x128xf32, #tpu.memory_space<vmem>>, vector<1x16xf32>,
      %broadcast_in_dim3A_262 = arith.constant 0.000000e+00 : f32
      %broadcast_in_dim3A_263 = vector.broadcast %broadcast_in_dim3A_262 : f32 to vector<16xf32>
      %swap3A_264 = arith.index_cast %scan3A_220 : i32 to index
      %swap3A_265 = arith.constant 96 : index
      %swap3A_266 = tpu.vector_load %arg12[%swap3A_264, %swap3A_265] {strides = array<i32>} : memref<16x128xf32, #tpu.memory_space<vmem>>, vector<1x16xf32>,
      %swap3A_267 = vector.shape_cast %swap3A_266 : vector<1x16xf32> to vector<16xf32>
      %swap3A_268 = vector.shape_cast %broadcast_in_dim3A_263 : vector<16xf32> to vector<1x16xf32>
      tpu.vector_store %arg12[%swap3A_264, %swap3A_265], %swap3A_268 {strides = array<i32>} : memref<16x128xf32, #tpu.memory_space<vmem>>, vector<1x16xf32>,
      %broadcast_in_dim3A_269 = arith.constant 0.000000e+00 : f32
      %broadcast_in_dim3A_270 = vector.broadcast %broadcast_in_dim3A_269 : f32 to vector<16xf32>
      %swap3A_271 = arith.index_cast %scan3A_220 : i32 to index
      %swap3A_272 = arith.constant 112 : index
      %swap3A_273 = tpu.vector_load %arg12[%swap3A_271, %swap3A_272] {strides = array<i32>} : memref<16x128xf32, #tpu.memory_space<vmem>>, vector<1x16xf32>,
      %swap3A_274 = vector.shape_cast %swap3A_273 : vector<1x16xf32> to vector<16xf32>
      %swap3A_275 = vector.shape_cast %broadcast_in_dim3A_270 : vector<16xf32> to vector<1x16xf32>
      tpu.vector_store %arg12[%swap3A_271, %swap3A_272], %swap3A_275 {strides = array<i32>} : memref<16x128xf32, #tpu.memory_space<vmem>>, vector<1x16xf32>,
      %scan3A_276 = arith.constant 0 : i32
      scf.yield %scan3A_276 : i32
    }
    %scan3A_8 = arith.constant 16 : i32
    %mul3A_9 = arith.constant 640 : i32
    %mul3A_10 = arith.muli %arg1, %mul3A_9 : i32
    %add3A_11 = arith.constant 0 : i32
    %add3A_12 = arith.addi %mul3A_10, %add3A_11 : i32
    "tpu.region"() ({
      %run_scoped3A = tpu.sem_alloc : memref<!tpu.dma_semaphore, #tpu.memory_space<semaphore_mem>>
      %dma_start3A_220 = arith.constant 0 : i32
      %dma_start3A_221 = tpu.memref_slice %arg13[%add3A_12, %dma_start3A_220] : memref<10240x128xf32, #tpu.memory_space<vmem_shared>> -> memref<16x128xf32, #tpu.memory_space<vmem_shared>>
      %dma_start3A_222 = arith.constant 0 : i32
      %dma_start3A_223 = tpu.memref_slice %arg13[%add3A_12, %dma_start3A_222] : memref<10240x128xf32, #tpu.memory_space<vmem_shared>> -> memref<16x128xf32, #tpu.memory_space<vmem_shared>>
      tpu.enqueue_dma source(%arg12 : memref<16x128xf32, #tpu.memory_space<vmem>>) target(%dma_start3A_223 : memref<16x128xf32, #tpu.memory_space<vmem_shared>>) target_semaphore(%run_scoped3A : memref<!tpu.dma_semaphore, #tpu.memory_space<semaphore_mem>>)
      %dma_wait3A_224 = arith.constant 0 : i32
      %dma_wait3A_225 = tpu.memref_slice %arg13[%add3A_12, %dma_wait3A_224] : memref<10240x128xf32, #tpu.memory_space<vmem_shared>> -> memref<16x128xf32, #tpu.memory_space<vmem_shared>>
      %dma_wait3A_226 = arith.constant 0 : i32
      %dma_wait3A_227 = tpu.memref_slice %arg13[%add3A_12, %dma_wait3A_226] : memref<10240x128xf32, #tpu.memory_space<vmem_shared>> -> memref<16x128xf32, #tpu.memory_space<vmem_shared>>
      tpu.wait_dma2 semaphore(%run_scoped3A : memref<!tpu.dma_semaphore, #tpu.memory_space<semaphore_mem>>) src(%arg12 : memref<16x128xf32, #tpu.memory_space<vmem>>) dst(%dma_wait3A_227 : memref<16x128xf32, #tpu.memory_space<vmem_shared>>)
      tpu.yield
    }) : () -> ()
    %mul3A_13 = arith.constant 640 : i32
    %mul3A_14 = arith.muli %arg1, %mul3A_13 : i32
    %add3A_15 = arith.constant 16 : i32
    %add3A_16 = arith.addi %mul3A_14, %add3A_15 : i32
    "tpu.region"() ({
      %run_scoped3A = tpu.sem_alloc : memref<!tpu.dma_semaphore, #tpu.memory_space<semaphore_mem>>
      %dma_start3A_220 = arith.constant 0 : i32
      %dma_start3A_221 = tpu.memref_slice %arg13[%add3A_16, %dma_start3A_220] : memref<10240x128xf32, #tpu.memory_space<vmem_shared>> -> memref<16x128xf32, #tpu.memory_space<vmem_shared>>
      %dma_start3A_222 = arith.constant 0 : i32
      %dma_start3A_223 = tpu.memref_slice %arg13[%add3A_16, %dma_start3A_222] : memref<10240x128xf32, #tpu.memory_space<vmem_shared>> -> memref<16x128xf32, #tpu.memory_space<vmem_shared>>
      tpu.enqueue_dma source(%arg12 : memref<16x128xf32, #tpu.memory_space<vmem>>) target(%dma_start3A_223 : memref<16x128xf32, #tpu.memory_space<vmem_shared>>) target_semaphore(%run_scoped3A : memref<!tpu.dma_semaphore, #tpu.memory_space<semaphore_mem>>)
      %dma_wait3A_224 = arith.constant 0 : i32
      %dma_wait3A_225 = tpu.memref_slice %arg13[%add3A_16, %dma_wait3A_224] : memref<10240x128xf32, #tpu.memory_space<vmem_shared>> -> memref<16x128xf32, #tpu.memory_space<vmem_shared>>
      %dma_wait3A_226 = arith.constant 0 : i32
      %dma_wait3A_227 = tpu.memref_slice %arg13[%add3A_16, %dma_wait3A_226] : memref<10240x128xf32, #tpu.memory_space<vmem_shared>> -> memref<16x128xf32, #tpu.memory_space<vmem_shared>>
      tpu.wait_dma2 semaphore(%run_scoped3A : memref<!tpu.dma_semaphore, #tpu.memory_space<semaphore_mem>>) src(%arg12 : memref<16x128xf32, #tpu.memory_space<vmem>>) dst(%dma_wait3A_227 : memref<16x128xf32, #tpu.memory_space<vmem_shared>>)
      tpu.yield
    }) : () -> ()
    %mul3A_17 = arith.constant 640 : i32
    %mul3A_18 = arith.muli %arg1, %mul3A_17 : i32
    %add3A_19 = arith.constant 32 : i32
    %add3A_20 = arith.addi %mul3A_18, %add3A_19 : i32
    "tpu.region"() ({
      %run_scoped3A = tpu.sem_alloc : memref<!tpu.dma_semaphore, #tpu.memory_space<semaphore_mem>>
      %dma_start3A_220 = arith.constant 0 : i32
      %dma_start3A_221 = tpu.memref_slice %arg13[%add3A_20, %dma_start3A_220] : memref<10240x128xf32, #tpu.memory_space<vmem_shared>> -> memref<16x128xf32, #tpu.memory_space<vmem_shared>>
      %dma_start3A_222 = arith.constant 0 : i32
      %dma_start3A_223 = tpu.memref_slice %arg13[%add3A_20, %dma_start3A_222] : memref<10240x128xf32, #tpu.memory_space<vmem_shared>> -> memref<16x128xf32, #tpu.memory_space<vmem_shared>>
      tpu.enqueue_dma source(%arg12 : memref<16x128xf32, #tpu.memory_space<vmem>>) target(%dma_start3A_223 : memref<16x128xf32, #tpu.memory_space<vmem_shared>>) target_semaphore(%run_scoped3A : memref<!tpu.dma_semaphore, #tpu.memory_space<semaphore_mem>>)
      %dma_wait3A_224 = arith.constant 0 : i32
      %dma_wait3A_225 = tpu.memref_slice %arg13[%add3A_20, %dma_wait3A_224] : memref<10240x128xf32, #tpu.memory_space<vmem_shared>> -> memref<16x128xf32, #tpu.memory_space<vmem_shared>>
      %dma_wait3A_226 = arith.constant 0 : i32
      %dma_wait3A_227 = tpu.memref_slice %arg13[%add3A_20, %dma_wait3A_226] : memref<10240x128xf32, #tpu.memory_space<vmem_shared>> -> memref<16x128xf32, #tpu.memory_space<vmem_shared>>
      tpu.wait_dma2 semaphore(%run_scoped3A : memref<!tpu.dma_semaphore, #tpu.memory_space<semaphore_mem>>) src(%arg12 : memref<16x128xf32, #tpu.memory_space<vmem>>) dst(%dma_wait3A_227 : memref<16x128xf32, #tpu.memory_space<vmem_shared>>)
      tpu.yield
    }) : () -> ()
    %mul3A_21 = arith.constant 640 : i32
    %mul3A_22 = arith.muli %arg1, %mul3A_21 : i32
    %add3A_23 = arith.constant 48 : i32
    %add3A_24 = arith.addi %mul3A_22, %add3A_23 : i32
    "tpu.region"() ({
      %run_scoped3A = tpu.sem_alloc : memref<!tpu.dma_semaphore, #tpu.memory_space<semaphore_mem>>
      %dma_start3A_220 = arith.constant 0 : i32
      %dma_start3A_221 = tpu.memref_slice %arg13[%add3A_24, %dma_start3A_220] : memref<10240x128xf32, #tpu.memory_space<vmem_shared>> -> memref<16x128xf32, #tpu.memory_space<vmem_shared>>
      %dma_start3A_222 = arith.constant 0 : i32
      %dma_start3A_223 = tpu.memref_slice %arg13[%add3A_24, %dma_start3A_222] : memref<10240x128xf32, #tpu.memory_space<vmem_shared>> -> memref<16x128xf32, #tpu.memory_space<vmem_shared>>
      tpu.enqueue_dma source(%arg12 : memref<16x128xf32, #tpu.memory_space<vmem>>) target(%dma_start3A_223 : memref<16x128xf32, #tpu.memory_space<vmem_shared>>) target_semaphore(%run_scoped3A : memref<!tpu.dma_semaphore, #tpu.memory_space<semaphore_mem>>)
      %dma_wait3A_224 = arith.constant 0 : i32
      %dma_wait3A_225 = tpu.memref_slice %arg13[%add3A_24, %dma_wait3A_224] : memref<10240x128xf32, #tpu.memory_space<vmem_shared>> -> memref<16x128xf32, #tpu.memory_space<vmem_shared>>
      %dma_wait3A_226 = arith.constant 0 : i32
      %dma_wait3A_227 = tpu.memref_slice %arg13[%add3A_24, %dma_wait3A_226] : memref<10240x128xf32, #tpu.memory_space<vmem_shared>> -> memref<16x128xf32, #tpu.memory_space<vmem_shared>>
      tpu.wait_dma2 semaphore(%run_scoped3A : memref<!tpu.dma_semaphore, #tpu.memory_space<semaphore_mem>>) src(%arg12 : memref<16x128xf32, #tpu.memory_space<vmem>>) dst(%dma_wait3A_227 : memref<16x128xf32, #tpu.memory_space<vmem_shared>>)
      tpu.yield
    }) : () -> ()
    %mul3A_25 = arith.constant 640 : i32
    %mul3A_26 = arith.muli %arg1, %mul3A_25 : i32
    %add3A_27 = arith.constant 64 : i32
    %add3A_28 = arith.addi %mul3A_26, %add3A_27 : i32
    "tpu.region"() ({
      %run_scoped3A = tpu.sem_alloc : memref<!tpu.dma_semaphore, #tpu.memory_space<semaphore_mem>>
      %dma_start3A_220 = arith.constant 0 : i32
      %dma_start3A_221 = tpu.memref_slice %arg13[%add3A_28, %dma_start3A_220] : memref<10240x128xf32, #tpu.memory_space<vmem_shared>> -> memref<16x128xf32, #tpu.memory_space<vmem_shared>>
      %dma_start3A_222 = arith.constant 0 : i32
      %dma_start3A_223 = tpu.memref_slice %arg13[%add3A_28, %dma_start3A_222] : memref<10240x128xf32, #tpu.memory_space<vmem_shared>> -> memref<16x128xf32, #tpu.memory_space<vmem_shared>>
      tpu.enqueue_dma source(%arg12 : memref<16x128xf32, #tpu.memory_space<vmem>>) target(%dma_start3A_223 : memref<16x128xf32, #tpu.memory_space<vmem_shared>>) target_semaphore(%run_scoped3A : memref<!tpu.dma_semaphore, #tpu.memory_space<semaphore_mem>>)
      %dma_wait3A_224 = arith.constant 0 : i32
      %dma_wait3A_225 = tpu.memref_slice %arg13[%add3A_28, %dma_wait3A_224] : memref<10240x128xf32, #tpu.memory_space<vmem_shared>> -> memref<16x128xf32, #tpu.memory_space<vmem_shared>>
      %dma_wait3A_226 = arith.constant 0 : i32
      %dma_wait3A_227 = tpu.memref_slice %arg13[%add3A_28, %dma_wait3A_226] : memref<10240x128xf32, #tpu.memory_space<vmem_shared>> -> memref<16x128xf32, #tpu.memory_space<vmem_shared>>
      tpu.wait_dma2 semaphore(%run_scoped3A : memref<!tpu.dma_semaphore, #tpu.memory_space<semaphore_mem>>) src(%arg12 : memref<16x128xf32, #tpu.memory_space<vmem>>) dst(%dma_wait3A_227 : memref<16x128xf32, #tpu.memory_space<vmem_shared>>)
      tpu.yield
    }) : () -> ()
    %mul3A_29 = arith.constant 640 : i32
    %mul3A_30 = arith.muli %arg1, %mul3A_29 : i32
    %add3A_31 = arith.constant 80 : i32
    %add3A_32 = arith.addi %mul3A_30, %add3A_31 : i32
    "tpu.region"() ({
      %run_scoped3A = tpu.sem_alloc : memref<!tpu.dma_semaphore, #tpu.memory_space<semaphore_mem>>
      %dma_start3A_220 = arith.constant 0 : i32
      %dma_start3A_221 = tpu.memref_slice %arg13[%add3A_32, %dma_start3A_220] : memref<10240x128xf32, #tpu.memory_space<vmem_shared>> -> memref<16x128xf32, #tpu.memory_space<vmem_shared>>
      %dma_start3A_222 = arith.constant 0 : i32
      %dma_start3A_223 = tpu.memref_slice %arg13[%add3A_32, %dma_start3A_222] : memref<10240x128xf32, #tpu.memory_space<vmem_shared>> -> memref<16x128xf32, #tpu.memory_space<vmem_shared>>
      tpu.enqueue_dma source(%arg12 : memref<16x128xf32, #tpu.memory_space<vmem>>) target(%dma_start3A_223 : memref<16x128xf32, #tpu.memory_space<vmem_shared>>) target_semaphore(%run_scoped3A : memref<!tpu.dma_semaphore, #tpu.memory_space<semaphore_mem>>)
      %dma_wait3A_224 = arith.constant 0 : i32
      %dma_wait3A_225 = tpu.memref_slice %arg13[%add3A_32, %dma_wait3A_224] : memref<10240x128xf32, #tpu.memory_space<vmem_shared>> -> memref<16x128xf32, #tpu.memory_space<vmem_shared>>
      %dma_wait3A_226 = arith.constant 0 : i32
      %dma_wait3A_227 = tpu.memref_slice %arg13[%add3A_32, %dma_wait3A_226] : memref<10240x128xf32, #tpu.memory_space<vmem_shared>> -> memref<16x128xf32, #tpu.memory_space<vmem_shared>>
      tpu.wait_dma2 semaphore(%run_scoped3A : memref<!tpu.dma_semaphore, #tpu.memory_space<semaphore_mem>>) src(%arg12 : memref<16x128xf32, #tpu.memory_space<vmem>>) dst(%dma_wait3A_227 : memref<16x128xf32, #tpu.memory_space<vmem_shared>>)
      tpu.yield
    }) : () -> ()
    %mul3A_33 = arith.constant 640 : i32
    %mul3A_34 = arith.muli %arg1, %mul3A_33 : i32
    %add3A_35 = arith.constant 96 : i32
    %add3A_36 = arith.addi %mul3A_34, %add3A_35 : i32
    "tpu.region"() ({
      %run_scoped3A = tpu.sem_alloc : memref<!tpu.dma_semaphore, #tpu.memory_space<semaphore_mem>>
      %dma_start3A_220 = arith.constant 0 : i32
      %dma_start3A_221 = tpu.memref_slice %arg13[%add3A_36, %dma_start3A_220] : memref<10240x128xf32, #tpu.memory_space<vmem_shared>> -> memref<16x128xf32, #tpu.memory_space<vmem_shared>>
      %dma_start3A_222 = arith.constant 0 : i32
      %dma_start3A_223 = tpu.memref_slice %arg13[%add3A_36, %dma_start3A_222] : memref<10240x128xf32, #tpu.memory_space<vmem_shared>> -> memref<16x128xf32, #tpu.memory_space<vmem_shared>>
      tpu.enqueue_dma source(%arg12 : memref<16x128xf32, #tpu.memory_space<vmem>>) target(%dma_start3A_223 : memref<16x128xf32, #tpu.memory_space<vmem_shared>>) target_semaphore(%run_scoped3A : memref<!tpu.dma_semaphore, #tpu.memory_space<semaphore_mem>>)
      %dma_wait3A_224 = arith.constant 0 : i32
      %dma_wait3A_225 = tpu.memref_slice %arg13[%add3A_36, %dma_wait3A_224] : memref<10240x128xf32, #tpu.memory_space<vmem_shared>> -> memref<16x128xf32, #tpu.memory_space<vmem_shared>>
      %dma_wait3A_226 = arith.constant 0 : i32
      %dma_wait3A_227 = tpu.memref_slice %arg13[%add3A_36, %dma_wait3A_226] : memref<10240x128xf32, #tpu.memory_space<vmem_shared>> -> memref<16x128xf32, #tpu.memory_space<vmem_shared>>
      tpu.wait_dma2 semaphore(%run_scoped3A : memref<!tpu.dma_semaphore, #tpu.memory_space<semaphore_mem>>) src(%arg12 : memref<16x128xf32, #tpu.memory_space<vmem>>) dst(%dma_wait3A_227 : memref<16x128xf32, #tpu.memory_space<vmem_shared>>)
      tpu.yield
    }) : () -> ()
    %mul3A_37 = arith.constant 640 : i32
    %mul3A_38 = arith.muli %arg1, %mul3A_37 : i32
    %add3A_39 = arith.constant 112 : i32
    %add3A_40 = arith.addi %mul3A_38, %add3A_39 : i32
    "tpu.region"() ({
      %run_scoped3A = tpu.sem_alloc : memref<!tpu.dma_semaphore, #tpu.memory_space<semaphore_mem>>
      %dma_start3A_220 = arith.constant 0 : i32
      %dma_start3A_221 = tpu.memref_slice %arg13[%add3A_40, %dma_start3A_220] : memref<10240x128xf32, #tpu.memory_space<vmem_shared>> -> memref<16x128xf32, #tpu.memory_space<vmem_shared>>
      %dma_start3A_222 = arith.constant 0 : i32
      %dma_start3A_223 = tpu.memref_slice %arg13[%add3A_40, %dma_start3A_222] : memref<10240x128xf32, #tpu.memory_space<vmem_shared>> -> memref<16x128xf32, #tpu.memory_space<vmem_shared>>
      tpu.enqueue_dma source(%arg12 : memref<16x128xf32, #tpu.memory_space<vmem>>) target(%dma_start3A_223 : memref<16x128xf32, #tpu.memory_space<vmem_shared>>) target_semaphore(%run_scoped3A : memref<!tpu.dma_semaphore, #tpu.memory_space<semaphore_mem>>)
      %dma_wait3A_224 = arith.constant 0 : i32
      %dma_wait3A_225 = tpu.memref_slice %arg13[%add3A_40, %dma_wait3A_224] : memref<10240x128xf32, #tpu.memory_space<vmem_shared>> -> memref<16x128xf32, #tpu.memory_space<vmem_shared>>
      %dma_wait3A_226 = arith.constant 0 : i32
      %dma_wait3A_227 = tpu.memref_slice %arg13[%add3A_40, %dma_wait3A_226] : memref<10240x128xf32, #tpu.memory_space<vmem_shared>> -> memref<16x128xf32, #tpu.memory_space<vmem_shared>>
      tpu.wait_dma2 semaphore(%run_scoped3A : memref<!tpu.dma_semaphore, #tpu.memory_space<semaphore_mem>>) src(%arg12 : memref<16x128xf32, #tpu.memory_space<vmem>>) dst(%dma_wait3A_227 : memref<16x128xf32, #tpu.memory_space<vmem_shared>>)
      tpu.yield
    }) : () -> ()
    %mul3A_41 = arith.constant 640 : i32
    %mul3A_42 = arith.muli %arg1, %mul3A_41 : i32
    %add3A_43 = arith.constant 128 : i32
    %add3A_44 = arith.addi %mul3A_42, %add3A_43 : i32
    "tpu.region"() ({
      %run_scoped3A = tpu.sem_alloc : memref<!tpu.dma_semaphore, #tpu.memory_space<semaphore_mem>>
      %dma_start3A_220 = arith.constant 0 : i32
      %dma_start3A_221 = tpu.memref_slice %arg13[%add3A_44, %dma_start3A_220] : memref<10240x128xf32, #tpu.memory_space<vmem_shared>> -> memref<16x128xf32, #tpu.memory_space<vmem_shared>>
      %dma_start3A_222 = arith.constant 0 : i32
      %dma_start3A_223 = tpu.memref_slice %arg13[%add3A_44, %dma_start3A_222] : memref<10240x128xf32, #tpu.memory_space<vmem_shared>> -> memref<16x128xf32, #tpu.memory_space<vmem_shared>>
      tpu.enqueue_dma source(%arg12 : memref<16x128xf32, #tpu.memory_space<vmem>>) target(%dma_start3A_223 : memref<16x128xf32, #tpu.memory_space<vmem_shared>>) target_semaphore(%run_scoped3A : memref<!tpu.dma_semaphore, #tpu.memory_space<semaphore_mem>>)
      %dma_wait3A_224 = arith.constant 0 : i32
      %dma_wait3A_225 = tpu.memref_slice %arg13[%add3A_44, %dma_wait3A_224] : memref<10240x128xf32, #tpu.memory_space<vmem_shared>> -> memref<16x128xf32, #tpu.memory_space<vmem_shared>>
      %dma_wait3A_226 = arith.constant 0 : i32
      %dma_wait3A_227 = tpu.memref_slice %arg13[%add3A_44, %dma_wait3A_226] : memref<10240x128xf32, #tpu.memory_space<vmem_shared>> -> memref<16x128xf32, #tpu.memory_space<vmem_shared>>
      tpu.wait_dma2 semaphore(%run_scoped3A : memref<!tpu.dma_semaphore, #tpu.memory_space<semaphore_mem>>) src(%arg12 : memref<16x128xf32, #tpu.memory_space<vmem>>) dst(%dma_wait3A_227 : memref<16x128xf32, #tpu.memory_space<vmem_shared>>)
      tpu.yield
    }) : () -> ()
    %mul3A_45 = arith.constant 640 : i32
    %mul3A_46 = arith.muli %arg1, %mul3A_45 : i32
    %add3A_47 = arith.constant 144 : i32
    %add3A_48 = arith.addi %mul3A_46, %add3A_47 : i32
    "tpu.region"() ({
      %run_scoped3A = tpu.sem_alloc : memref<!tpu.dma_semaphore, #tpu.memory_space<semaphore_mem>>
      %dma_start3A_220 = arith.constant 0 : i32
      %dma_start3A_221 = tpu.memref_slice %arg13[%add3A_48, %dma_start3A_220] : memref<10240x128xf32, #tpu.memory_space<vmem_shared>> -> memref<16x128xf32, #tpu.memory_space<vmem_shared>>
      %dma_start3A_222 = arith.constant 0 : i32
      %dma_start3A_223 = tpu.memref_slice %arg13[%add3A_48, %dma_start3A_222] : memref<10240x128xf32, #tpu.memory_space<vmem_shared>> -> memref<16x128xf32, #tpu.memory_space<vmem_shared>>
      tpu.enqueue_dma source(%arg12 : memref<16x128xf32, #tpu.memory_space<vmem>>) target(%dma_start3A_223 : memref<16x128xf32, #tpu.memory_space<vmem_shared>>) target_semaphore(%run_scoped3A : memref<!tpu.dma_semaphore, #tpu.memory_space<semaphore_mem>>)
      %dma_wait3A_224 = arith.constant 0 : i32
      %dma_wait3A_225 = tpu.memref_slice %arg13[%add3A_48, %dma_wait3A_224] : memref<10240x128xf32, #tpu.memory_space<vmem_shared>> -> memref<16x128xf32, #tpu.memory_space<vmem_shared>>
      %dma_wait3A_226 = arith.constant 0 : i32
      %dma_wait3A_227 = tpu.memref_slice %arg13[%add3A_48, %dma_wait3A_226] : memref<10240x128xf32, #tpu.memory_space<vmem_shared>> -> memref<16x128xf32, #tpu.memory_space<vmem_shared>>
      tpu.wait_dma2 semaphore(%run_scoped3A : memref<!tpu.dma_semaphore, #tpu.memory_space<semaphore_mem>>) src(%arg12 : memref<16x128xf32, #tpu.memory_space<vmem>>) dst(%dma_wait3A_227 : memref<16x128xf32, #tpu.memory_space<vmem_shared>>)
      tpu.yield
    }) : () -> ()
    %mul3A_49 = arith.constant 640 : i32
    %mul3A_50 = arith.muli %arg1, %mul3A_49 : i32
    %add3A_51 = arith.constant 160 : i32
    %add3A_52 = arith.addi %mul3A_50, %add3A_51 : i32
    "tpu.region"() ({
      %run_scoped3A = tpu.sem_alloc : memref<!tpu.dma_semaphore, #tpu.memory_space<semaphore_mem>>
      %dma_start3A_220 = arith.constant 0 : i32
      %dma_start3A_221 = tpu.memref_slice %arg13[%add3A_52, %dma_start3A_220] : memref<10240x128xf32, #tpu.memory_space<vmem_shared>> -> memref<16x128xf32, #tpu.memory_space<vmem_shared>>
      %dma_start3A_222 = arith.constant 0 : i32
      %dma_start3A_223 = tpu.memref_slice %arg13[%add3A_52, %dma_start3A_222] : memref<10240x128xf32, #tpu.memory_space<vmem_shared>> -> memref<16x128xf32, #tpu.memory_space<vmem_shared>>
      tpu.enqueue_dma source(%arg12 : memref<16x128xf32, #tpu.memory_space<vmem>>) target(%dma_start3A_223 : memref<16x128xf32, #tpu.memory_space<vmem_shared>>) target_semaphore(%run_scoped3A : memref<!tpu.dma_semaphore, #tpu.memory_space<semaphore_mem>>)
      %dma_wait3A_224 = arith.constant 0 : i32
      %dma_wait3A_225 = tpu.memref_slice %arg13[%add3A_52, %dma_wait3A_224] : memref<10240x128xf32, #tpu.memory_space<vmem_shared>> -> memref<16x128xf32, #tpu.memory_space<vmem_shared>>
      %dma_wait3A_226 = arith.constant 0 : i32
      %dma_wait3A_227 = tpu.memref_slice %arg13[%add3A_52, %dma_wait3A_226] : memref<10240x128xf32, #tpu.memory_space<vmem_shared>> -> memref<16x128xf32, #tpu.memory_space<vmem_shared>>
      tpu.wait_dma2 semaphore(%run_scoped3A : memref<!tpu.dma_semaphore, #tpu.memory_space<semaphore_mem>>) src(%arg12 : memref<16x128xf32, #tpu.memory_space<vmem>>) dst(%dma_wait3A_227 : memref<16x128xf32, #tpu.memory_space<vmem_shared>>)
      tpu.yield
    }) : () -> ()
    %mul3A_53 = arith.constant 640 : i32
    %mul3A_54 = arith.muli %arg1, %mul3A_53 : i32
    %add3A_55 = arith.constant 176 : i32
    %add3A_56 = arith.addi %mul3A_54, %add3A_55 : i32
    "tpu.region"() ({
      %run_scoped3A = tpu.sem_alloc : memref<!tpu.dma_semaphore, #tpu.memory_space<semaphore_mem>>
      %dma_start3A_220 = arith.constant 0 : i32
      %dma_start3A_221 = tpu.memref_slice %arg13[%add3A_56, %dma_start3A_220] : memref<10240x128xf32, #tpu.memory_space<vmem_shared>> -> memref<16x128xf32, #tpu.memory_space<vmem_shared>>
      %dma_start3A_222 = arith.constant 0 : i32
      %dma_start3A_223 = tpu.memref_slice %arg13[%add3A_56, %dma_start3A_222] : memref<10240x128xf32, #tpu.memory_space<vmem_shared>> -> memref<16x128xf32, #tpu.memory_space<vmem_shared>>
      tpu.enqueue_dma source(%arg12 : memref<16x128xf32, #tpu.memory_space<vmem>>) target(%dma_start3A_223 : memref<16x128xf32, #tpu.memory_space<vmem_shared>>) target_semaphore(%run_scoped3A : memref<!tpu.dma_semaphore, #tpu.memory_space<semaphore_mem>>)
      %dma_wait3A_224 = arith.constant 0 : i32
      %dma_wait3A_225 = tpu.memref_slice %arg13[%add3A_56, %dma_wait3A_224] : memref<10240x128xf32, #tpu.memory_space<vmem_shared>> -> memref<16x128xf32, #tpu.memory_space<vmem_shared>>
      %dma_wait3A_226 = arith.constant 0 : i32
      %dma_wait3A_227 = tpu.memref_slice %arg13[%add3A_56, %dma_wait3A_226] : memref<10240x128xf32, #tpu.memory_space<vmem_shared>> -> memref<16x128xf32, #tpu.memory_space<vmem_shared>>
      tpu.wait_dma2 semaphore(%run_scoped3A : memref<!tpu.dma_semaphore, #tpu.memory_space<semaphore_mem>>) src(%arg12 : memref<16x128xf32, #tpu.memory_space<vmem>>) dst(%dma_wait3A_227 : memref<16x128xf32, #tpu.memory_space<vmem_shared>>)
      tpu.yield
    }) : () -> ()
    %mul3A_57 = arith.constant 640 : i32
    %mul3A_58 = arith.muli %arg1, %mul3A_57 : i32
    %add3A_59 = arith.constant 192 : i32
    %add3A_60 = arith.addi %mul3A_58, %add3A_59 : i32
    "tpu.region"() ({
      %run_scoped3A = tpu.sem_alloc : memref<!tpu.dma_semaphore, #tpu.memory_space<semaphore_mem>>
      %dma_start3A_220 = arith.constant 0 : i32
      %dma_start3A_221 = tpu.memref_slice %arg13[%add3A_60, %dma_start3A_220] : memref<10240x128xf32, #tpu.memory_space<vmem_shared>> -> memref<16x128xf32, #tpu.memory_space<vmem_shared>>
      %dma_start3A_222 = arith.constant 0 : i32
      %dma_start3A_223 = tpu.memref_slice %arg13[%add3A_60, %dma_start3A_222] : memref<10240x128xf32, #tpu.memory_space<vmem_shared>> -> memref<16x128xf32, #tpu.memory_space<vmem_shared>>
      tpu.enqueue_dma source(%arg12 : memref<16x128xf32, #tpu.memory_space<vmem>>) target(%dma_start3A_223 : memref<16x128xf32, #tpu.memory_space<vmem_shared>>) target_semaphore(%run_scoped3A : memref<!tpu.dma_semaphore, #tpu.memory_space<semaphore_mem>>)
      %dma_wait3A_224 = arith.constant 0 : i32
      %dma_wait3A_225 = tpu.memref_slice %arg13[%add3A_60, %dma_wait3A_224] : memref<10240x128xf32, #tpu.memory_space<vmem_shared>> -> memref<16x128xf32, #tpu.memory_space<vmem_shared>>
      %dma_wait3A_226 = arith.constant 0 : i32
      %dma_wait3A_227 = tpu.memref_slice %arg13[%add3A_60, %dma_wait3A_226] : memref<10240x128xf32, #tpu.memory_space<vmem_shared>> -> memref<16x128xf32, #tpu.memory_space<vmem_shared>>
      tpu.wait_dma2 semaphore(%run_scoped3A : memref<!tpu.dma_semaphore, #tpu.memory_space<semaphore_mem>>) src(%arg12 : memref<16x128xf32, #tpu.memory_space<vmem>>) dst(%dma_wait3A_227 : memref<16x128xf32, #tpu.memory_space<vmem_shared>>)
      tpu.yield
    }) : () -> ()
    %mul3A_61 = arith.constant 640 : i32
    %mul3A_62 = arith.muli %arg1, %mul3A_61 : i32
    %add3A_63 = arith.constant 208 : i32
    %add3A_64 = arith.addi %mul3A_62, %add3A_63 : i32
    "tpu.region"() ({
      %run_scoped3A = tpu.sem_alloc : memref<!tpu.dma_semaphore, #tpu.memory_space<semaphore_mem>>
      %dma_start3A_220 = arith.constant 0 : i32
      %dma_start3A_221 = tpu.memref_slice %arg13[%add3A_64, %dma_start3A_220] : memref<10240x128xf32, #tpu.memory_space<vmem_shared>> -> memref<16x128xf32, #tpu.memory_space<vmem_shared>>
      %dma_start3A_222 = arith.constant 0 : i32
      %dma_start3A_223 = tpu.memref_slice %arg13[%add3A_64, %dma_start3A_222] : memref<10240x128xf32, #tpu.memory_space<vmem_shared>> -> memref<16x128xf32, #tpu.memory_space<vmem_shared>>
      tpu.enqueue_dma source(%arg12 : memref<16x128xf32, #tpu.memory_space<vmem>>) target(%dma_start3A_223 : memref<16x128xf32, #tpu.memory_space<vmem_shared>>) target_semaphore(%run_scoped3A : memref<!tpu.dma_semaphore, #tpu.memory_space<semaphore_mem>>)
      %dma_wait3A_224 = arith.constant 0 : i32
      %dma_wait3A_225 = tpu.memref_slice %arg13[%add3A_64, %dma_wait3A_224] : memref<10240x128xf32, #tpu.memory_space<vmem_shared>> -> memref<16x128xf32, #tpu.memory_space<vmem_shared>>
      %dma_wait3A_226 = arith.constant 0 : i32
      %dma_wait3A_227 = tpu.memref_slice %arg13[%add3A_64, %dma_wait3A_226] : memref<10240x128xf32, #tpu.memory_space<vmem_shared>> -> memref<16x128xf32, #tpu.memory_space<vmem_shared>>
      tpu.wait_dma2 semaphore(%run_scoped3A : memref<!tpu.dma_semaphore, #tpu.memory_space<semaphore_mem>>) src(%arg12 : memref<16x128xf32, #tpu.memory_space<vmem>>) dst(%dma_wait3A_227 : memref<16x128xf32, #tpu.memory_space<vmem_shared>>)
      tpu.yield
    }) : () -> ()
    %mul3A_65 = arith.constant 640 : i32
    %mul3A_66 = arith.muli %arg1, %mul3A_65 : i32
    %add3A_67 = arith.constant 224 : i32
    %add3A_68 = arith.addi %mul3A_66, %add3A_67 : i32
    "tpu.region"() ({
      %run_scoped3A = tpu.sem_alloc : memref<!tpu.dma_semaphore, #tpu.memory_space<semaphore_mem>>
      %dma_start3A_220 = arith.constant 0 : i32
      %dma_start3A_221 = tpu.memref_slice %arg13[%add3A_68, %dma_start3A_220] : memref<10240x128xf32, #tpu.memory_space<vmem_shared>> -> memref<16x128xf32, #tpu.memory_space<vmem_shared>>
      %dma_start3A_222 = arith.constant 0 : i32
      %dma_start3A_223 = tpu.memref_slice %arg13[%add3A_68, %dma_start3A_222] : memref<10240x128xf32, #tpu.memory_space<vmem_shared>> -> memref<16x128xf32, #tpu.memory_space<vmem_shared>>
      tpu.enqueue_dma source(%arg12 : memref<16x128xf32, #tpu.memory_space<vmem>>) target(%dma_start3A_223 : memref<16x128xf32, #tpu.memory_space<vmem_shared>>) target_semaphore(%run_scoped3A : memref<!tpu.dma_semaphore, #tpu.memory_space<semaphore_mem>>)
      %dma_wait3A_224 = arith.constant 0 : i32
      %dma_wait3A_225 = tpu.memref_slice %arg13[%add3A_68, %dma_wait3A_224] : memref<10240x128xf32, #tpu.memory_space<vmem_shared>> -> memref<16x128xf32, #tpu.memory_space<vmem_shared>>
      %dma_wait3A_226 = arith.constant 0 : i32
      %dma_wait3A_227 = tpu.memref_slice %arg13[%add3A_68, %dma_wait3A_226] : memref<10240x128xf32, #tpu.memory_space<vmem_shared>> -> memref<16x128xf32, #tpu.memory_space<vmem_shared>>
      tpu.wait_dma2 semaphore(%run_scoped3A : memref<!tpu.dma_semaphore, #tpu.memory_space<semaphore_mem>>) src(%arg12 : memref<16x128xf32, #tpu.memory_space<vmem>>) dst(%dma_wait3A_227 : memref<16x128xf32, #tpu.memory_space<vmem_shared>>)
      tpu.yield
    }) : () -> ()
    %mul3A_69 = arith.constant 640 : i32
    %mul3A_70 = arith.muli %arg1, %mul3A_69 : i32
    %add3A_71 = arith.constant 240 : i32
    %add3A_72 = arith.addi %mul3A_70, %add3A_71 : i32
    "tpu.region"() ({
      %run_scoped3A = tpu.sem_alloc : memref<!tpu.dma_semaphore, #tpu.memory_space<semaphore_mem>>
      %dma_start3A_220 = arith.constant 0 : i32
      %dma_start3A_221 = tpu.memref_slice %arg13[%add3A_72, %dma_start3A_220] : memref<10240x128xf32, #tpu.memory_space<vmem_shared>> -> memref<16x128xf32, #tpu.memory_space<vmem_shared>>
      %dma_start3A_222 = arith.constant 0 : i32
      %dma_start3A_223 = tpu.memref_slice %arg13[%add3A_72, %dma_start3A_222] : memref<10240x128xf32, #tpu.memory_space<vmem_shared>> -> memref<16x128xf32, #tpu.memory_space<vmem_shared>>
      tpu.enqueue_dma source(%arg12 : memref<16x128xf32, #tpu.memory_space<vmem>>) target(%dma_start3A_223 : memref<16x128xf32, #tpu.memory_space<vmem_shared>>) target_semaphore(%run_scoped3A : memref<!tpu.dma_semaphore, #tpu.memory_space<semaphore_mem>>)
      %dma_wait3A_224 = arith.constant 0 : i32
      %dma_wait3A_225 = tpu.memref_slice %arg13[%add3A_72, %dma_wait3A_224] : memref<10240x128xf32, #tpu.memory_space<vmem_shared>> -> memref<16x128xf32, #tpu.memory_space<vmem_shared>>
      %dma_wait3A_226 = arith.constant 0 : i32
      %dma_wait3A_227 = tpu.memref_slice %arg13[%add3A_72, %dma_wait3A_226] : memref<10240x128xf32, #tpu.memory_space<vmem_shared>> -> memref<16x128xf32, #tpu.memory_space<vmem_shared>>
      tpu.wait_dma2 semaphore(%run_scoped3A : memref<!tpu.dma_semaphore, #tpu.memory_space<semaphore_mem>>) src(%arg12 : memref<16x128xf32, #tpu.memory_space<vmem>>) dst(%dma_wait3A_227 : memref<16x128xf32, #tpu.memory_space<vmem_shared>>)
      tpu.yield
    }) : () -> ()
    %mul3A_73 = arith.constant 640 : i32
    %mul3A_74 = arith.muli %arg1, %mul3A_73 : i32
    %add3A_75 = arith.constant 256 : i32
    %add3A_76 = arith.addi %mul3A_74, %add3A_75 : i32
    "tpu.region"() ({
      %run_scoped3A = tpu.sem_alloc : memref<!tpu.dma_semaphore, #tpu.memory_space<semaphore_mem>>
      %dma_start3A_220 = arith.constant 0 : i32
      %dma_start3A_221 = tpu.memref_slice %arg13[%add3A_76, %dma_start3A_220] : memref<10240x128xf32, #tpu.memory_space<vmem_shared>> -> memref<16x128xf32, #tpu.memory_space<vmem_shared>>
      %dma_start3A_222 = arith.constant 0 : i32
      %dma_start3A_223 = tpu.memref_slice %arg13[%add3A_76, %dma_start3A_222] : memref<10240x128xf32, #tpu.memory_space<vmem_shared>> -> memref<16x128xf32, #tpu.memory_space<vmem_shared>>
      tpu.enqueue_dma source(%arg12 : memref<16x128xf32, #tpu.memory_space<vmem>>) target(%dma_start3A_223 : memref<16x128xf32, #tpu.memory_space<vmem_shared>>) target_semaphore(%run_scoped3A : memref<!tpu.dma_semaphore, #tpu.memory_space<semaphore_mem>>)
      %dma_wait3A_224 = arith.constant 0 : i32
      %dma_wait3A_225 = tpu.memref_slice %arg13[%add3A_76, %dma_wait3A_224] : memref<10240x128xf32, #tpu.memory_space<vmem_shared>> -> memref<16x128xf32, #tpu.memory_space<vmem_shared>>
      %dma_wait3A_226 = arith.constant 0 : i32
      %dma_wait3A_227 = tpu.memref_slice %arg13[%add3A_76, %dma_wait3A_226] : memref<10240x128xf32, #tpu.memory_space<vmem_shared>> -> memref<16x128xf32, #tpu.memory_space<vmem_shared>>
      tpu.wait_dma2 semaphore(%run_scoped3A : memref<!tpu.dma_semaphore, #tpu.memory_space<semaphore_mem>>) src(%arg12 : memref<16x128xf32, #tpu.memory_space<vmem>>) dst(%dma_wait3A_227 : memref<16x128xf32, #tpu.memory_space<vmem_shared>>)
      tpu.yield
    }) : () -> ()
    %mul3A_77 = arith.constant 640 : i32
    %mul3A_78 = arith.muli %arg1, %mul3A_77 : i32
    %add3A_79 = arith.constant 272 : i32
    %add3A_80 = arith.addi %mul3A_78, %add3A_79 : i32
    "tpu.region"() ({
      %run_scoped3A = tpu.sem_alloc : memref<!tpu.dma_semaphore, #tpu.memory_space<semaphore_mem>>
      %dma_start3A_220 = arith.constant 0 : i32
      %dma_start3A_221 = tpu.memref_slice %arg13[%add3A_80, %dma_start3A_220] : memref<10240x128xf32, #tpu.memory_space<vmem_shared>> -> memref<16x128xf32, #tpu.memory_space<vmem_shared>>
      %dma_start3A_222 = arith.constant 0 : i32
      %dma_start3A_223 = tpu.memref_slice %arg13[%add3A_80, %dma_start3A_222] : memref<10240x128xf32, #tpu.memory_space<vmem_shared>> -> memref<16x128xf32, #tpu.memory_space<vmem_shared>>
      tpu.enqueue_dma source(%arg12 : memref<16x128xf32, #tpu.memory_space<vmem>>) target(%dma_start3A_223 : memref<16x128xf32, #tpu.memory_space<vmem_shared>>) target_semaphore(%run_scoped3A : memref<!tpu.dma_semaphore, #tpu.memory_space<semaphore_mem>>)
      %dma_wait3A_224 = arith.constant 0 : i32
      %dma_wait3A_225 = tpu.memref_slice %arg13[%add3A_80, %dma_wait3A_224] : memref<10240x128xf32, #tpu.memory_space<vmem_shared>> -> memref<16x128xf32, #tpu.memory_space<vmem_shared>>
      %dma_wait3A_226 = arith.constant 0 : i32
      %dma_wait3A_227 = tpu.memref_slice %arg13[%add3A_80, %dma_wait3A_226] : memref<10240x128xf32, #tpu.memory_space<vmem_shared>> -> memref<16x128xf32, #tpu.memory_space<vmem_shared>>
      tpu.wait_dma2 semaphore(%run_scoped3A : memref<!tpu.dma_semaphore, #tpu.memory_space<semaphore_mem>>) src(%arg12 : memref<16x128xf32, #tpu.memory_space<vmem>>) dst(%dma_wait3A_227 : memref<16x128xf32, #tpu.memory_space<vmem_shared>>)
      tpu.yield
    }) : () -> ()
    %mul3A_81 = arith.constant 640 : i32
    %mul3A_82 = arith.muli %arg1, %mul3A_81 : i32
    %add3A_83 = arith.constant 288 : i32
    %add3A_84 = arith.addi %mul3A_82, %add3A_83 : i32
    "tpu.region"() ({
      %run_scoped3A = tpu.sem_alloc : memref<!tpu.dma_semaphore, #tpu.memory_space<semaphore_mem>>
      %dma_start3A_220 = arith.constant 0 : i32
      %dma_start3A_221 = tpu.memref_slice %arg13[%add3A_84, %dma_start3A_220] : memref<10240x128xf32, #tpu.memory_space<vmem_shared>> -> memref<16x128xf32, #tpu.memory_space<vmem_shared>>
      %dma_start3A_222 = arith.constant 0 : i32
      %dma_start3A_223 = tpu.memref_slice %arg13[%add3A_84, %dma_start3A_222] : memref<10240x128xf32, #tpu.memory_space<vmem_shared>> -> memref<16x128xf32, #tpu.memory_space<vmem_shared>>
      tpu.enqueue_dma source(%arg12 : memref<16x128xf32, #tpu.memory_space<vmem>>) target(%dma_start3A_223 : memref<16x128xf32, #tpu.memory_space<vmem_shared>>) target_semaphore(%run_scoped3A : memref<!tpu.dma_semaphore, #tpu.memory_space<semaphore_mem>>)
      %dma_wait3A_224 = arith.constant 0 : i32
      %dma_wait3A_225 = tpu.memref_slice %arg13[%add3A_84, %dma_wait3A_224] : memref<10240x128xf32, #tpu.memory_space<vmem_shared>> -> memref<16x128xf32, #tpu.memory_space<vmem_shared>>
      %dma_wait3A_226 = arith.constant 0 : i32
      %dma_wait3A_227 = tpu.memref_slice %arg13[%add3A_84, %dma_wait3A_226] : memref<10240x128xf32, #tpu.memory_space<vmem_shared>> -> memref<16x128xf32, #tpu.memory_space<vmem_shared>>
      tpu.wait_dma2 semaphore(%run_scoped3A : memref<!tpu.dma_semaphore, #tpu.memory_space<semaphore_mem>>) src(%arg12 : memref<16x128xf32, #tpu.memory_space<vmem>>) dst(%dma_wait3A_227 : memref<16x128xf32, #tpu.memory_space<vmem_shared>>)
      tpu.yield
    }) : () -> ()
    %mul3A_85 = arith.constant 640 : i32
    %mul3A_86 = arith.muli %arg1, %mul3A_85 : i32
    %add3A_87 = arith.constant 304 : i32
    %add3A_88 = arith.addi %mul3A_86, %add3A_87 : i32
    "tpu.region"() ({
      %run_scoped3A = tpu.sem_alloc : memref<!tpu.dma_semaphore, #tpu.memory_space<semaphore_mem>>
      %dma_start3A_220 = arith.constant 0 : i32
      %dma_start3A_221 = tpu.memref_slice %arg13[%add3A_88, %dma_start3A_220] : memref<10240x128xf32, #tpu.memory_space<vmem_shared>> -> memref<16x128xf32, #tpu.memory_space<vmem_shared>>
      %dma_start3A_222 = arith.constant 0 : i32
      %dma_start3A_223 = tpu.memref_slice %arg13[%add3A_88, %dma_start3A_222] : memref<10240x128xf32, #tpu.memory_space<vmem_shared>> -> memref<16x128xf32, #tpu.memory_space<vmem_shared>>
      tpu.enqueue_dma source(%arg12 : memref<16x128xf32, #tpu.memory_space<vmem>>) target(%dma_start3A_223 : memref<16x128xf32, #tpu.memory_space<vmem_shared>>) target_semaphore(%run_scoped3A : memref<!tpu.dma_semaphore, #tpu.memory_space<semaphore_mem>>)
      %dma_wait3A_224 = arith.constant 0 : i32
      %dma_wait3A_225 = tpu.memref_slice %arg13[%add3A_88, %dma_wait3A_224] : memref<10240x128xf32, #tpu.memory_space<vmem_shared>> -> memref<16x128xf32, #tpu.memory_space<vmem_shared>>
      %dma_wait3A_226 = arith.constant 0 : i32
      %dma_wait3A_227 = tpu.memref_slice %arg13[%add3A_88, %dma_wait3A_226] : memref<10240x128xf32, #tpu.memory_space<vmem_shared>> -> memref<16x128xf32, #tpu.memory_space<vmem_shared>>
      tpu.wait_dma2 semaphore(%run_scoped3A : memref<!tpu.dma_semaphore, #tpu.memory_space<semaphore_mem>>) src(%arg12 : memref<16x128xf32, #tpu.memory_space<vmem>>) dst(%dma_wait3A_227 : memref<16x128xf32, #tpu.memory_space<vmem_shared>>)
      tpu.yield
    }) : () -> ()
    %mul3A_89 = arith.constant 640 : i32
    %mul3A_90 = arith.muli %arg1, %mul3A_89 : i32
    %add3A_91 = arith.constant 320 : i32
    %add3A_92 = arith.addi %mul3A_90, %add3A_91 : i32
    "tpu.region"() ({
      %run_scoped3A = tpu.sem_alloc : memref<!tpu.dma_semaphore, #tpu.memory_space<semaphore_mem>>
      %dma_start3A_220 = arith.constant 0 : i32
      %dma_start3A_221 = tpu.memref_slice %arg13[%add3A_92, %dma_start3A_220] : memref<10240x128xf32, #tpu.memory_space<vmem_shared>> -> memref<16x128xf32, #tpu.memory_space<vmem_shared>>
      %dma_start3A_222 = arith.constant 0 : i32
      %dma_start3A_223 = tpu.memref_slice %arg13[%add3A_92, %dma_start3A_222] : memref<10240x128xf32, #tpu.memory_space<vmem_shared>> -> memref<16x128xf32, #tpu.memory_space<vmem_shared>>
      tpu.enqueue_dma source(%arg12 : memref<16x128xf32, #tpu.memory_space<vmem>>) target(%dma_start3A_223 : memref<16x128xf32, #tpu.memory_space<vmem_shared>>) target_semaphore(%run_scoped3A : memref<!tpu.dma_semaphore, #tpu.memory_space<semaphore_mem>>)
      %dma_wait3A_224 = arith.constant 0 : i32
      %dma_wait3A_225 = tpu.memref_slice %arg13[%add3A_92, %dma_wait3A_224] : memref<10240x128xf32, #tpu.memory_space<vmem_shared>> -> memref<16x128xf32, #tpu.memory_space<vmem_shared>>
      %dma_wait3A_226 = arith.constant 0 : i32
      %dma_wait3A_227 = tpu.memref_slice %arg13[%add3A_92, %dma_wait3A_226] : memref<10240x128xf32, #tpu.memory_space<vmem_shared>> -> memref<16x128xf32, #tpu.memory_space<vmem_shared>>
      tpu.wait_dma2 semaphore(%run_scoped3A : memref<!tpu.dma_semaphore, #tpu.memory_space<semaphore_mem>>) src(%arg12 : memref<16x128xf32, #tpu.memory_space<vmem>>) dst(%dma_wait3A_227 : memref<16x128xf32, #tpu.memory_space<vmem_shared>>)
      tpu.yield
    }) : () -> ()
    %mul3A_93 = arith.constant 640 : i32
    %mul3A_94 = arith.muli %arg1, %mul3A_93 : i32
    %add3A_95 = arith.constant 336 : i32
    %add3A_96 = arith.addi %mul3A_94, %add3A_95 : i32
    "tpu.region"() ({
      %run_scoped3A = tpu.sem_alloc : memref<!tpu.dma_semaphore, #tpu.memory_space<semaphore_mem>>
      %dma_start3A_220 = arith.constant 0 : i32
      %dma_start3A_221 = tpu.memref_slice %arg13[%add3A_96, %dma_start3A_220] : memref<10240x128xf32, #tpu.memory_space<vmem_shared>> -> memref<16x128xf32, #tpu.memory_space<vmem_shared>>
      %dma_start3A_222 = arith.constant 0 : i32
      %dma_start3A_223 = tpu.memref_slice %arg13[%add3A_96, %dma_start3A_222] : memref<10240x128xf32, #tpu.memory_space<vmem_shared>> -> memref<16x128xf32, #tpu.memory_space<vmem_shared>>
      tpu.enqueue_dma source(%arg12 : memref<16x128xf32, #tpu.memory_space<vmem>>) target(%dma_start3A_223 : memref<16x128xf32, #tpu.memory_space<vmem_shared>>) target_semaphore(%run_scoped3A : memref<!tpu.dma_semaphore, #tpu.memory_space<semaphore_mem>>)
      %dma_wait3A_224 = arith.constant 0 : i32
      %dma_wait3A_225 = tpu.memref_slice %arg13[%add3A_96, %dma_wait3A_224] : memref<10240x128xf32, #tpu.memory_space<vmem_shared>> -> memref<16x128xf32, #tpu.memory_space<vmem_shared>>
      %dma_wait3A_226 = arith.constant 0 : i32
      %dma_wait3A_227 = tpu.memref_slice %arg13[%add3A_96, %dma_wait3A_226] : memref<10240x128xf32, #tpu.memory_space<vmem_shared>> -> memref<16x128xf32, #tpu.memory_space<vmem_shared>>
      tpu.wait_dma2 semaphore(%run_scoped3A : memref<!tpu.dma_semaphore, #tpu.memory_space<semaphore_mem>>) src(%arg12 : memref<16x128xf32, #tpu.memory_space<vmem>>) dst(%dma_wait3A_227 : memref<16x128xf32, #tpu.memory_space<vmem_shared>>)
      tpu.yield
    }) : () -> ()
    %mul3A_97 = arith.constant 640 : i32
    %mul3A_98 = arith.muli %arg1, %mul3A_97 : i32
    %add3A_99 = arith.constant 352 : i32
    %add3A_100 = arith.addi %mul3A_98, %add3A_99 : i32
    "tpu.region"() ({
      %run_scoped3A = tpu.sem_alloc : memref<!tpu.dma_semaphore, #tpu.memory_space<semaphore_mem>>
      %dma_start3A_220 = arith.constant 0 : i32
      %dma_start3A_221 = tpu.memref_slice %arg13[%add3A_100, %dma_start3A_220] : memref<10240x128xf32, #tpu.memory_space<vmem_shared>> -> memref<16x128xf32, #tpu.memory_space<vmem_shared>>
      %dma_start3A_222 = arith.constant 0 : i32
      %dma_start3A_223 = tpu.memref_slice %arg13[%add3A_100, %dma_start3A_222] : memref<10240x128xf32, #tpu.memory_space<vmem_shared>> -> memref<16x128xf32, #tpu.memory_space<vmem_shared>>
      tpu.enqueue_dma source(%arg12 : memref<16x128xf32, #tpu.memory_space<vmem>>) target(%dma_start3A_223 : memref<16x128xf32, #tpu.memory_space<vmem_shared>>) target_semaphore(%run_scoped3A : memref<!tpu.dma_semaphore, #tpu.memory_space<semaphore_mem>>)
      %dma_wait3A_224 = arith.constant 0 : i32
      %dma_wait3A_225 = tpu.memref_slice %arg13[%add3A_100, %dma_wait3A_224] : memref<10240x128xf32, #tpu.memory_space<vmem_shared>> -> memref<16x128xf32, #tpu.memory_space<vmem_shared>>
      %dma_wait3A_226 = arith.constant 0 : i32
      %dma_wait3A_227 = tpu.memref_slice %arg13[%add3A_100, %dma_wait3A_226] : memref<10240x128xf32, #tpu.memory_space<vmem_shared>> -> memref<16x128xf32, #tpu.memory_space<vmem_shared>>
      tpu.wait_dma2 semaphore(%run_scoped3A : memref<!tpu.dma_semaphore, #tpu.memory_space<semaphore_mem>>) src(%arg12 : memref<16x128xf32, #tpu.memory_space<vmem>>) dst(%dma_wait3A_227 : memref<16x128xf32, #tpu.memory_space<vmem_shared>>)
      tpu.yield
    }) : () -> ()
    %mul3A_101 = arith.constant 640 : i32
    %mul3A_102 = arith.muli %arg1, %mul3A_101 : i32
    %add3A_103 = arith.constant 368 : i32
    %add3A_104 = arith.addi %mul3A_102, %add3A_103 : i32
    "tpu.region"() ({
      %run_scoped3A = tpu.sem_alloc : memref<!tpu.dma_semaphore, #tpu.memory_space<semaphore_mem>>
      %dma_start3A_220 = arith.constant 0 : i32
      %dma_start3A_221 = tpu.memref_slice %arg13[%add3A_104, %dma_start3A_220] : memref<10240x128xf32, #tpu.memory_space<vmem_shared>> -> memref<16x128xf32, #tpu.memory_space<vmem_shared>>
      %dma_start3A_222 = arith.constant 0 : i32
      %dma_start3A_223 = tpu.memref_slice %arg13[%add3A_104, %dma_start3A_222] : memref<10240x128xf32, #tpu.memory_space<vmem_shared>> -> memref<16x128xf32, #tpu.memory_space<vmem_shared>>
      tpu.enqueue_dma source(%arg12 : memref<16x128xf32, #tpu.memory_space<vmem>>) target(%dma_start3A_223 : memref<16x128xf32, #tpu.memory_space<vmem_shared>>) target_semaphore(%run_scoped3A : memref<!tpu.dma_semaphore, #tpu.memory_space<semaphore_mem>>)
      %dma_wait3A_224 = arith.constant 0 : i32
      %dma_wait3A_225 = tpu.memref_slice %arg13[%add3A_104, %dma_wait3A_224] : memref<10240x128xf32, #tpu.memory_space<vmem_shared>> -> memref<16x128xf32, #tpu.memory_space<vmem_shared>>
      %dma_wait3A_226 = arith.constant 0 : i32
      %dma_wait3A_227 = tpu.memref_slice %arg13[%add3A_104, %dma_wait3A_226] : memref<10240x128xf32, #tpu.memory_space<vmem_shared>> -> memref<16x128xf32, #tpu.memory_space<vmem_shared>>
      tpu.wait_dma2 semaphore(%run_scoped3A : memref<!tpu.dma_semaphore, #tpu.memory_space<semaphore_mem>>) src(%arg12 : memref<16x128xf32, #tpu.memory_space<vmem>>) dst(%dma_wait3A_227 : memref<16x128xf32, #tpu.memory_space<vmem_shared>>)
      tpu.yield
    }) : () -> ()
    %mul3A_105 = arith.constant 640 : i32
    %mul3A_106 = arith.muli %arg1, %mul3A_105 : i32
    %add3A_107 = arith.constant 384 : i32
    %add3A_108 = arith.addi %mul3A_106, %add3A_107 : i32
    "tpu.region"() ({
      %run_scoped3A = tpu.sem_alloc : memref<!tpu.dma_semaphore, #tpu.memory_space<semaphore_mem>>
      %dma_start3A_220 = arith.constant 0 : i32
      %dma_start3A_221 = tpu.memref_slice %arg13[%add3A_108, %dma_start3A_220] : memref<10240x128xf32, #tpu.memory_space<vmem_shared>> -> memref<16x128xf32, #tpu.memory_space<vmem_shared>>
      %dma_start3A_222 = arith.constant 0 : i32
      %dma_start3A_223 = tpu.memref_slice %arg13[%add3A_108, %dma_start3A_222] : memref<10240x128xf32, #tpu.memory_space<vmem_shared>> -> memref<16x128xf32, #tpu.memory_space<vmem_shared>>
      tpu.enqueue_dma source(%arg12 : memref<16x128xf32, #tpu.memory_space<vmem>>) target(%dma_start3A_223 : memref<16x128xf32, #tpu.memory_space<vmem_shared>>) target_semaphore(%run_scoped3A : memref<!tpu.dma_semaphore, #tpu.memory_space<semaphore_mem>>)
      %dma_wait3A_224 = arith.constant 0 : i32
      %dma_wait3A_225 = tpu.memref_slice %arg13[%add3A_108, %dma_wait3A_224] : memref<10240x128xf32, #tpu.memory_space<vmem_shared>> -> memref<16x128xf32, #tpu.memory_space<vmem_shared>>
      %dma_wait3A_226 = arith.constant 0 : i32
      %dma_wait3A_227 = tpu.memref_slice %arg13[%add3A_108, %dma_wait3A_226] : memref<10240x128xf32, #tpu.memory_space<vmem_shared>> -> memref<16x128xf32, #tpu.memory_space<vmem_shared>>
      tpu.wait_dma2 semaphore(%run_scoped3A : memref<!tpu.dma_semaphore, #tpu.memory_space<semaphore_mem>>) src(%arg12 : memref<16x128xf32, #tpu.memory_space<vmem>>) dst(%dma_wait3A_227 : memref<16x128xf32, #tpu.memory_space<vmem_shared>>)
      tpu.yield
    }) : () -> ()
    %mul3A_109 = arith.constant 640 : i32
    %mul3A_110 = arith.muli %arg1, %mul3A_109 : i32
    %add3A_111 = arith.constant 400 : i32
    %add3A_112 = arith.addi %mul3A_110, %add3A_111 : i32
    "tpu.region"() ({
      %run_scoped3A = tpu.sem_alloc : memref<!tpu.dma_semaphore, #tpu.memory_space<semaphore_mem>>
      %dma_start3A_220 = arith.constant 0 : i32
      %dma_start3A_221 = tpu.memref_slice %arg13[%add3A_112, %dma_start3A_220] : memref<10240x128xf32, #tpu.memory_space<vmem_shared>> -> memref<16x128xf32, #tpu.memory_space<vmem_shared>>
      %dma_start3A_222 = arith.constant 0 : i32
      %dma_start3A_223 = tpu.memref_slice %arg13[%add3A_112, %dma_start3A_222] : memref<10240x128xf32, #tpu.memory_space<vmem_shared>> -> memref<16x128xf32, #tpu.memory_space<vmem_shared>>
      tpu.enqueue_dma source(%arg12 : memref<16x128xf32, #tpu.memory_space<vmem>>) target(%dma_start3A_223 : memref<16x128xf32, #tpu.memory_space<vmem_shared>>) target_semaphore(%run_scoped3A : memref<!tpu.dma_semaphore, #tpu.memory_space<semaphore_mem>>)
      %dma_wait3A_224 = arith.constant 0 : i32
      %dma_wait3A_225 = tpu.memref_slice %arg13[%add3A_112, %dma_wait3A_224] : memref<10240x128xf32, #tpu.memory_space<vmem_shared>> -> memref<16x128xf32, #tpu.memory_space<vmem_shared>>
      %dma_wait3A_226 = arith.constant 0 : i32
      %dma_wait3A_227 = tpu.memref_slice %arg13[%add3A_112, %dma_wait3A_226] : memref<10240x128xf32, #tpu.memory_space<vmem_shared>> -> memref<16x128xf32, #tpu.memory_space<vmem_shared>>
      tpu.wait_dma2 semaphore(%run_scoped3A : memref<!tpu.dma_semaphore, #tpu.memory_space<semaphore_mem>>) src(%arg12 : memref<16x128xf32, #tpu.memory_space<vmem>>) dst(%dma_wait3A_227 : memref<16x128xf32, #tpu.memory_space<vmem_shared>>)
      tpu.yield
    }) : () -> ()
    %mul3A_113 = arith.constant 640 : i32
    %mul3A_114 = arith.muli %arg1, %mul3A_113 : i32
    %add3A_115 = arith.constant 416 : i32
    %add3A_116 = arith.addi %mul3A_114, %add3A_115 : i32
    "tpu.region"() ({
      %run_scoped3A = tpu.sem_alloc : memref<!tpu.dma_semaphore, #tpu.memory_space<semaphore_mem>>
      %dma_start3A_220 = arith.constant 0 : i32
      %dma_start3A_221 = tpu.memref_slice %arg13[%add3A_116, %dma_start3A_220] : memref<10240x128xf32, #tpu.memory_space<vmem_shared>> -> memref<16x128xf32, #tpu.memory_space<vmem_shared>>
      %dma_start3A_222 = arith.constant 0 : i32
      %dma_start3A_223 = tpu.memref_slice %arg13[%add3A_116, %dma_start3A_222] : memref<10240x128xf32, #tpu.memory_space<vmem_shared>> -> memref<16x128xf32, #tpu.memory_space<vmem_shared>>
      tpu.enqueue_dma source(%arg12 : memref<16x128xf32, #tpu.memory_space<vmem>>) target(%dma_start3A_223 : memref<16x128xf32, #tpu.memory_space<vmem_shared>>) target_semaphore(%run_scoped3A : memref<!tpu.dma_semaphore, #tpu.memory_space<semaphore_mem>>)
      %dma_wait3A_224 = arith.constant 0 : i32
      %dma_wait3A_225 = tpu.memref_slice %arg13[%add3A_116, %dma_wait3A_224] : memref<10240x128xf32, #tpu.memory_space<vmem_shared>> -> memref<16x128xf32, #tpu.memory_space<vmem_shared>>
      %dma_wait3A_226 = arith.constant 0 : i32
      %dma_wait3A_227 = tpu.memref_slice %arg13[%add3A_116, %dma_wait3A_226] : memref<10240x128xf32, #tpu.memory_space<vmem_shared>> -> memref<16x128xf32, #tpu.memory_space<vmem_shared>>
      tpu.wait_dma2 semaphore(%run_scoped3A : memref<!tpu.dma_semaphore, #tpu.memory_space<semaphore_mem>>) src(%arg12 : memref<16x128xf32, #tpu.memory_space<vmem>>) dst(%dma_wait3A_227 : memref<16x128xf32, #tpu.memory_space<vmem_shared>>)
      tpu.yield
    }) : () -> ()
    %mul3A_117 = arith.constant 640 : i32
    %mul3A_118 = arith.muli %arg1, %mul3A_117 : i32
    %add3A_119 = arith.constant 432 : i32
    %add3A_120 = arith.addi %mul3A_118, %add3A_119 : i32
    "tpu.region"() ({
      %run_scoped3A = tpu.sem_alloc : memref<!tpu.dma_semaphore, #tpu.memory_space<semaphore_mem>>
      %dma_start3A_220 = arith.constant 0 : i32
      %dma_start3A_221 = tpu.memref_slice %arg13[%add3A_120, %dma_start3A_220] : memref<10240x128xf32, #tpu.memory_space<vmem_shared>> -> memref<16x128xf32, #tpu.memory_space<vmem_shared>>
      %dma_start3A_222 = arith.constant 0 : i32
      %dma_start3A_223 = tpu.memref_slice %arg13[%add3A_120, %dma_start3A_222] : memref<10240x128xf32, #tpu.memory_space<vmem_shared>> -> memref<16x128xf32, #tpu.memory_space<vmem_shared>>
      tpu.enqueue_dma source(%arg12 : memref<16x128xf32, #tpu.memory_space<vmem>>) target(%dma_start3A_223 : memref<16x128xf32, #tpu.memory_space<vmem_shared>>) target_semaphore(%run_scoped3A : memref<!tpu.dma_semaphore, #tpu.memory_space<semaphore_mem>>)
      %dma_wait3A_224 = arith.constant 0 : i32
      %dma_wait3A_225 = tpu.memref_slice %arg13[%add3A_120, %dma_wait3A_224] : memref<10240x128xf32, #tpu.memory_space<vmem_shared>> -> memref<16x128xf32, #tpu.memory_space<vmem_shared>>
      %dma_wait3A_226 = arith.constant 0 : i32
      %dma_wait3A_227 = tpu.memref_slice %arg13[%add3A_120, %dma_wait3A_226] : memref<10240x128xf32, #tpu.memory_space<vmem_shared>> -> memref<16x128xf32, #tpu.memory_space<vmem_shared>>
      tpu.wait_dma2 semaphore(%run_scoped3A : memref<!tpu.dma_semaphore, #tpu.memory_space<semaphore_mem>>) src(%arg12 : memref<16x128xf32, #tpu.memory_space<vmem>>) dst(%dma_wait3A_227 : memref<16x128xf32, #tpu.memory_space<vmem_shared>>)
      tpu.yield
    }) : () -> ()
    %mul3A_121 = arith.constant 640 : i32
    %mul3A_122 = arith.muli %arg1, %mul3A_121 : i32
    %add3A_123 = arith.constant 448 : i32
    %add3A_124 = arith.addi %mul3A_122, %add3A_123 : i32
    "tpu.region"() ({
      %run_scoped3A = tpu.sem_alloc : memref<!tpu.dma_semaphore, #tpu.memory_space<semaphore_mem>>
      %dma_start3A_220 = arith.constant 0 : i32
      %dma_start3A_221 = tpu.memref_slice %arg13[%add3A_124, %dma_start3A_220] : memref<10240x128xf32, #tpu.memory_space<vmem_shared>> -> memref<16x128xf32, #tpu.memory_space<vmem_shared>>
      %dma_start3A_222 = arith.constant 0 : i32
      %dma_start3A_223 = tpu.memref_slice %arg13[%add3A_124, %dma_start3A_222] : memref<10240x128xf32, #tpu.memory_space<vmem_shared>> -> memref<16x128xf32, #tpu.memory_space<vmem_shared>>
      tpu.enqueue_dma source(%arg12 : memref<16x128xf32, #tpu.memory_space<vmem>>) target(%dma_start3A_223 : memref<16x128xf32, #tpu.memory_space<vmem_shared>>) target_semaphore(%run_scoped3A : memref<!tpu.dma_semaphore, #tpu.memory_space<semaphore_mem>>)
      %dma_wait3A_224 = arith.constant 0 : i32
      %dma_wait3A_225 = tpu.memref_slice %arg13[%add3A_124, %dma_wait3A_224] : memref<10240x128xf32, #tpu.memory_space<vmem_shared>> -> memref<16x128xf32, #tpu.memory_space<vmem_shared>>
      %dma_wait3A_226 = arith.constant 0 : i32
      %dma_wait3A_227 = tpu.memref_slice %arg13[%add3A_124, %dma_wait3A_226] : memref<10240x128xf32, #tpu.memory_space<vmem_shared>> -> memref<16x128xf32, #tpu.memory_space<vmem_shared>>
      tpu.wait_dma2 semaphore(%run_scoped3A : memref<!tpu.dma_semaphore, #tpu.memory_space<semaphore_mem>>) src(%arg12 : memref<16x128xf32, #tpu.memory_space<vmem>>) dst(%dma_wait3A_227 : memref<16x128xf32, #tpu.memory_space<vmem_shared>>)
      tpu.yield
    }) : () -> ()
    %mul3A_125 = arith.constant 640 : i32
    %mul3A_126 = arith.muli %arg1, %mul3A_125 : i32
    %add3A_127 = arith.constant 464 : i32
    %add3A_128 = arith.addi %mul3A_126, %add3A_127 : i32
    "tpu.region"() ({
      %run_scoped3A = tpu.sem_alloc : memref<!tpu.dma_semaphore, #tpu.memory_space<semaphore_mem>>
      %dma_start3A_220 = arith.constant 0 : i32
      %dma_start3A_221 = tpu.memref_slice %arg13[%add3A_128, %dma_start3A_220] : memref<10240x128xf32, #tpu.memory_space<vmem_shared>> -> memref<16x128xf32, #tpu.memory_space<vmem_shared>>
      %dma_start3A_222 = arith.constant 0 : i32
      %dma_start3A_223 = tpu.memref_slice %arg13[%add3A_128, %dma_start3A_222] : memref<10240x128xf32, #tpu.memory_space<vmem_shared>> -> memref<16x128xf32, #tpu.memory_space<vmem_shared>>
      tpu.enqueue_dma source(%arg12 : memref<16x128xf32, #tpu.memory_space<vmem>>) target(%dma_start3A_223 : memref<16x128xf32, #tpu.memory_space<vmem_shared>>) target_semaphore(%run_scoped3A : memref<!tpu.dma_semaphore, #tpu.memory_space<semaphore_mem>>)
      %dma_wait3A_224 = arith.constant 0 : i32
      %dma_wait3A_225 = tpu.memref_slice %arg13[%add3A_128, %dma_wait3A_224] : memref<10240x128xf32, #tpu.memory_space<vmem_shared>> -> memref<16x128xf32, #tpu.memory_space<vmem_shared>>
      %dma_wait3A_226 = arith.constant 0 : i32
      %dma_wait3A_227 = tpu.memref_slice %arg13[%add3A_128, %dma_wait3A_226] : memref<10240x128xf32, #tpu.memory_space<vmem_shared>> -> memref<16x128xf32, #tpu.memory_space<vmem_shared>>
      tpu.wait_dma2 semaphore(%run_scoped3A : memref<!tpu.dma_semaphore, #tpu.memory_space<semaphore_mem>>) src(%arg12 : memref<16x128xf32, #tpu.memory_space<vmem>>) dst(%dma_wait3A_227 : memref<16x128xf32, #tpu.memory_space<vmem_shared>>)
      tpu.yield
    }) : () -> ()
    %mul3A_129 = arith.constant 640 : i32
    %mul3A_130 = arith.muli %arg1, %mul3A_129 : i32
    %add3A_131 = arith.constant 480 : i32
    %add3A_132 = arith.addi %mul3A_130, %add3A_131 : i32
    "tpu.region"() ({
      %run_scoped3A = tpu.sem_alloc : memref<!tpu.dma_semaphore, #tpu.memory_space<semaphore_mem>>
      %dma_start3A_220 = arith.constant 0 : i32
      %dma_start3A_221 = tpu.memref_slice %arg13[%add3A_132, %dma_start3A_220] : memref<10240x128xf32, #tpu.memory_space<vmem_shared>> -> memref<16x128xf32, #tpu.memory_space<vmem_shared>>
      %dma_start3A_222 = arith.constant 0 : i32
      %dma_start3A_223 = tpu.memref_slice %arg13[%add3A_132, %dma_start3A_222] : memref<10240x128xf32, #tpu.memory_space<vmem_shared>> -> memref<16x128xf32, #tpu.memory_space<vmem_shared>>
      tpu.enqueue_dma source(%arg12 : memref<16x128xf32, #tpu.memory_space<vmem>>) target(%dma_start3A_223 : memref<16x128xf32, #tpu.memory_space<vmem_shared>>) target_semaphore(%run_scoped3A : memref<!tpu.dma_semaphore, #tpu.memory_space<semaphore_mem>>)
      %dma_wait3A_224 = arith.constant 0 : i32
      %dma_wait3A_225 = tpu.memref_slice %arg13[%add3A_132, %dma_wait3A_224] : memref<10240x128xf32, #tpu.memory_space<vmem_shared>> -> memref<16x128xf32, #tpu.memory_space<vmem_shared>>
      %dma_wait3A_226 = arith.constant 0 : i32
      %dma_wait3A_227 = tpu.memref_slice %arg13[%add3A_132, %dma_wait3A_226] : memref<10240x128xf32, #tpu.memory_space<vmem_shared>> -> memref<16x128xf32, #tpu.memory_space<vmem_shared>>
      tpu.wait_dma2 semaphore(%run_scoped3A : memref<!tpu.dma_semaphore, #tpu.memory_space<semaphore_mem>>) src(%arg12 : memref<16x128xf32, #tpu.memory_space<vmem>>) dst(%dma_wait3A_227 : memref<16x128xf32, #tpu.memory_space<vmem_shared>>)
      tpu.yield
    }) : () -> ()
    %mul3A_133 = arith.constant 640 : i32
    %mul3A_134 = arith.muli %arg1, %mul3A_133 : i32
    %add3A_135 = arith.constant 496 : i32
    %add3A_136 = arith.addi %mul3A_134, %add3A_135 : i32
    "tpu.region"() ({
      %run_scoped3A = tpu.sem_alloc : memref<!tpu.dma_semaphore, #tpu.memory_space<semaphore_mem>>
      %dma_start3A_220 = arith.constant 0 : i32
      %dma_start3A_221 = tpu.memref_slice %arg13[%add3A_136, %dma_start3A_220] : memref<10240x128xf32, #tpu.memory_space<vmem_shared>> -> memref<16x128xf32, #tpu.memory_space<vmem_shared>>
      %dma_start3A_222 = arith.constant 0 : i32
      %dma_start3A_223 = tpu.memref_slice %arg13[%add3A_136, %dma_start3A_222] : memref<10240x128xf32, #tpu.memory_space<vmem_shared>> -> memref<16x128xf32, #tpu.memory_space<vmem_shared>>
      tpu.enqueue_dma source(%arg12 : memref<16x128xf32, #tpu.memory_space<vmem>>) target(%dma_start3A_223 : memref<16x128xf32, #tpu.memory_space<vmem_shared>>) target_semaphore(%run_scoped3A : memref<!tpu.dma_semaphore, #tpu.memory_space<semaphore_mem>>)
      %dma_wait3A_224 = arith.constant 0 : i32
      %dma_wait3A_225 = tpu.memref_slice %arg13[%add3A_136, %dma_wait3A_224] : memref<10240x128xf32, #tpu.memory_space<vmem_shared>> -> memref<16x128xf32, #tpu.memory_space<vmem_shared>>
      %dma_wait3A_226 = arith.constant 0 : i32
      %dma_wait3A_227 = tpu.memref_slice %arg13[%add3A_136, %dma_wait3A_226] : memref<10240x128xf32, #tpu.memory_space<vmem_shared>> -> memref<16x128xf32, #tpu.memory_space<vmem_shared>>
      tpu.wait_dma2 semaphore(%run_scoped3A : memref<!tpu.dma_semaphore, #tpu.memory_space<semaphore_mem>>) src(%arg12 : memref<16x128xf32, #tpu.memory_space<vmem>>) dst(%dma_wait3A_227 : memref<16x128xf32, #tpu.memory_space<vmem_shared>>)
      tpu.yield
    }) : () -> ()
    %mul3A_137 = arith.constant 640 : i32
    %mul3A_138 = arith.muli %arg1, %mul3A_137 : i32
    %add3A_139 = arith.constant 512 : i32
    %add3A_140 = arith.addi %mul3A_138, %add3A_139 : i32
    "tpu.region"() ({
      %run_scoped3A = tpu.sem_alloc : memref<!tpu.dma_semaphore, #tpu.memory_space<semaphore_mem>>
      %dma_start3A_220 = arith.constant 0 : i32
      %dma_start3A_221 = tpu.memref_slice %arg13[%add3A_140, %dma_start3A_220] : memref<10240x128xf32, #tpu.memory_space<vmem_shared>> -> memref<16x128xf32, #tpu.memory_space<vmem_shared>>
      %dma_start3A_222 = arith.constant 0 : i32
      %dma_start3A_223 = tpu.memref_slice %arg13[%add3A_140, %dma_start3A_222] : memref<10240x128xf32, #tpu.memory_space<vmem_shared>> -> memref<16x128xf32, #tpu.memory_space<vmem_shared>>
      tpu.enqueue_dma source(%arg12 : memref<16x128xf32, #tpu.memory_space<vmem>>) target(%dma_start3A_223 : memref<16x128xf32, #tpu.memory_space<vmem_shared>>) target_semaphore(%run_scoped3A : memref<!tpu.dma_semaphore, #tpu.memory_space<semaphore_mem>>)
      %dma_wait3A_224 = arith.constant 0 : i32
      %dma_wait3A_225 = tpu.memref_slice %arg13[%add3A_140, %dma_wait3A_224] : memref<10240x128xf32, #tpu.memory_space<vmem_shared>> -> memref<16x128xf32, #tpu.memory_space<vmem_shared>>
      %dma_wait3A_226 = arith.constant 0 : i32
      %dma_wait3A_227 = tpu.memref_slice %arg13[%add3A_140, %dma_wait3A_226] : memref<10240x128xf32, #tpu.memory_space<vmem_shared>> -> memref<16x128xf32, #tpu.memory_space<vmem_shared>>
      tpu.wait_dma2 semaphore(%run_scoped3A : memref<!tpu.dma_semaphore, #tpu.memory_space<semaphore_mem>>) src(%arg12 : memref<16x128xf32, #tpu.memory_space<vmem>>) dst(%dma_wait3A_227 : memref<16x128xf32, #tpu.memory_space<vmem_shared>>)
      tpu.yield
    }) : () -> ()
    %mul3A_141 = arith.constant 640 : i32
    %mul3A_142 = arith.muli %arg1, %mul3A_141 : i32
    %add3A_143 = arith.constant 528 : i32
    %add3A_144 = arith.addi %mul3A_142, %add3A_143 : i32
    "tpu.region"() ({
      %run_scoped3A = tpu.sem_alloc : memref<!tpu.dma_semaphore, #tpu.memory_space<semaphore_mem>>
      %dma_start3A_220 = arith.constant 0 : i32
      %dma_start3A_221 = tpu.memref_slice %arg13[%add3A_144, %dma_start3A_220] : memref<10240x128xf32, #tpu.memory_space<vmem_shared>> -> memref<16x128xf32, #tpu.memory_space<vmem_shared>>
      %dma_start3A_222 = arith.constant 0 : i32
      %dma_start3A_223 = tpu.memref_slice %arg13[%add3A_144, %dma_start3A_222] : memref<10240x128xf32, #tpu.memory_space<vmem_shared>> -> memref<16x128xf32, #tpu.memory_space<vmem_shared>>
      tpu.enqueue_dma source(%arg12 : memref<16x128xf32, #tpu.memory_space<vmem>>) target(%dma_start3A_223 : memref<16x128xf32, #tpu.memory_space<vmem_shared>>) target_semaphore(%run_scoped3A : memref<!tpu.dma_semaphore, #tpu.memory_space<semaphore_mem>>)
      %dma_wait3A_224 = arith.constant 0 : i32
      %dma_wait3A_225 = tpu.memref_slice %arg13[%add3A_144, %dma_wait3A_224] : memref<10240x128xf32, #tpu.memory_space<vmem_shared>> -> memref<16x128xf32, #tpu.memory_space<vmem_shared>>
      %dma_wait3A_226 = arith.constant 0 : i32
      %dma_wait3A_227 = tpu.memref_slice %arg13[%add3A_144, %dma_wait3A_226] : memref<10240x128xf32, #tpu.memory_space<vmem_shared>> -> memref<16x128xf32, #tpu.memory_space<vmem_shared>>
      tpu.wait_dma2 semaphore(%run_scoped3A : memref<!tpu.dma_semaphore, #tpu.memory_space<semaphore_mem>>) src(%arg12 : memref<16x128xf32, #tpu.memory_space<vmem>>) dst(%dma_wait3A_227 : memref<16x128xf32, #tpu.memory_space<vmem_shared>>)
      tpu.yield
    }) : () -> ()
    %mul3A_145 = arith.constant 640 : i32
    %mul3A_146 = arith.muli %arg1, %mul3A_145 : i32
    %add3A_147 = arith.constant 544 : i32
    %add3A_148 = arith.addi %mul3A_146, %add3A_147 : i32
    "tpu.region"() ({
      %run_scoped3A = tpu.sem_alloc : memref<!tpu.dma_semaphore, #tpu.memory_space<semaphore_mem>>
      %dma_start3A_220 = arith.constant 0 : i32
      %dma_start3A_221 = tpu.memref_slice %arg13[%add3A_148, %dma_start3A_220] : memref<10240x128xf32, #tpu.memory_space<vmem_shared>> -> memref<16x128xf32, #tpu.memory_space<vmem_shared>>
      %dma_start3A_222 = arith.constant 0 : i32
      %dma_start3A_223 = tpu.memref_slice %arg13[%add3A_148, %dma_start3A_222] : memref<10240x128xf32, #tpu.memory_space<vmem_shared>> -> memref<16x128xf32, #tpu.memory_space<vmem_shared>>
      tpu.enqueue_dma source(%arg12 : memref<16x128xf32, #tpu.memory_space<vmem>>) target(%dma_start3A_223 : memref<16x128xf32, #tpu.memory_space<vmem_shared>>) target_semaphore(%run_scoped3A : memref<!tpu.dma_semaphore, #tpu.memory_space<semaphore_mem>>)
      %dma_wait3A_224 = arith.constant 0 : i32
      %dma_wait3A_225 = tpu.memref_slice %arg13[%add3A_148, %dma_wait3A_224] : memref<10240x128xf32, #tpu.memory_space<vmem_shared>> -> memref<16x128xf32, #tpu.memory_space<vmem_shared>>
      %dma_wait3A_226 = arith.constant 0 : i32
      %dma_wait3A_227 = tpu.memref_slice %arg13[%add3A_148, %dma_wait3A_226] : memref<10240x128xf32, #tpu.memory_space<vmem_shared>> -> memref<16x128xf32, #tpu.memory_space<vmem_shared>>
      tpu.wait_dma2 semaphore(%run_scoped3A : memref<!tpu.dma_semaphore, #tpu.memory_space<semaphore_mem>>) src(%arg12 : memref<16x128xf32, #tpu.memory_space<vmem>>) dst(%dma_wait3A_227 : memref<16x128xf32, #tpu.memory_space<vmem_shared>>)
      tpu.yield
    }) : () -> ()
    %mul3A_149 = arith.constant 640 : i32
    %mul3A_150 = arith.muli %arg1, %mul3A_149 : i32
    %add3A_151 = arith.constant 560 : i32
    %add3A_152 = arith.addi %mul3A_150, %add3A_151 : i32
    "tpu.region"() ({
      %run_scoped3A = tpu.sem_alloc : memref<!tpu.dma_semaphore, #tpu.memory_space<semaphore_mem>>
      %dma_start3A_220 = arith.constant 0 : i32
      %dma_start3A_221 = tpu.memref_slice %arg13[%add3A_152, %dma_start3A_220] : memref<10240x128xf32, #tpu.memory_space<vmem_shared>> -> memref<16x128xf32, #tpu.memory_space<vmem_shared>>
      %dma_start3A_222 = arith.constant 0 : i32
      %dma_start3A_223 = tpu.memref_slice %arg13[%add3A_152, %dma_start3A_222] : memref<10240x128xf32, #tpu.memory_space<vmem_shared>> -> memref<16x128xf32, #tpu.memory_space<vmem_shared>>
      tpu.enqueue_dma source(%arg12 : memref<16x128xf32, #tpu.memory_space<vmem>>) target(%dma_start3A_223 : memref<16x128xf32, #tpu.memory_space<vmem_shared>>) target_semaphore(%run_scoped3A : memref<!tpu.dma_semaphore, #tpu.memory_space<semaphore_mem>>)
      %dma_wait3A_224 = arith.constant 0 : i32
      %dma_wait3A_225 = tpu.memref_slice %arg13[%add3A_152, %dma_wait3A_224] : memref<10240x128xf32, #tpu.memory_space<vmem_shared>> -> memref<16x128xf32, #tpu.memory_space<vmem_shared>>
      %dma_wait3A_226 = arith.constant 0 : i32
      %dma_wait3A_227 = tpu.memref_slice %arg13[%add3A_152, %dma_wait3A_226] : memref<10240x128xf32, #tpu.memory_space<vmem_shared>> -> memref<16x128xf32, #tpu.memory_space<vmem_shared>>
      tpu.wait_dma2 semaphore(%run_scoped3A : memref<!tpu.dma_semaphore, #tpu.memory_space<semaphore_mem>>) src(%arg12 : memref<16x128xf32, #tpu.memory_space<vmem>>) dst(%dma_wait3A_227 : memref<16x128xf32, #tpu.memory_space<vmem_shared>>)
      tpu.yield
    }) : () -> ()
    %mul3A_153 = arith.constant 640 : i32
    %mul3A_154 = arith.muli %arg1, %mul3A_153 : i32
    %add3A_155 = arith.constant 576 : i32
    %add3A_156 = arith.addi %mul3A_154, %add3A_155 : i32
    "tpu.region"() ({
      %run_scoped3A = tpu.sem_alloc : memref<!tpu.dma_semaphore, #tpu.memory_space<semaphore_mem>>
      %dma_start3A_220 = arith.constant 0 : i32
      %dma_start3A_221 = tpu.memref_slice %arg13[%add3A_156, %dma_start3A_220] : memref<10240x128xf32, #tpu.memory_space<vmem_shared>> -> memref<16x128xf32, #tpu.memory_space<vmem_shared>>
      %dma_start3A_222 = arith.constant 0 : i32
      %dma_start3A_223 = tpu.memref_slice %arg13[%add3A_156, %dma_start3A_222] : memref<10240x128xf32, #tpu.memory_space<vmem_shared>> -> memref<16x128xf32, #tpu.memory_space<vmem_shared>>
      tpu.enqueue_dma source(%arg12 : memref<16x128xf32, #tpu.memory_space<vmem>>) target(%dma_start3A_223 : memref<16x128xf32, #tpu.memory_space<vmem_shared>>) target_semaphore(%run_scoped3A : memref<!tpu.dma_semaphore, #tpu.memory_space<semaphore_mem>>)
      %dma_wait3A_224 = arith.constant 0 : i32
      %dma_wait3A_225 = tpu.memref_slice %arg13[%add3A_156, %dma_wait3A_224] : memref<10240x128xf32, #tpu.memory_space<vmem_shared>> -> memref<16x128xf32, #tpu.memory_space<vmem_shared>>
      %dma_wait3A_226 = arith.constant 0 : i32
      %dma_wait3A_227 = tpu.memref_slice %arg13[%add3A_156, %dma_wait3A_226] : memref<10240x128xf32, #tpu.memory_space<vmem_shared>> -> memref<16x128xf32, #tpu.memory_space<vmem_shared>>
      tpu.wait_dma2 semaphore(%run_scoped3A : memref<!tpu.dma_semaphore, #tpu.memory_space<semaphore_mem>>) src(%arg12 : memref<16x128xf32, #tpu.memory_space<vmem>>) dst(%dma_wait3A_227 : memref<16x128xf32, #tpu.memory_space<vmem_shared>>)
      tpu.yield
    }) : () -> ()
    %mul3A_157 = arith.constant 640 : i32
    %mul3A_158 = arith.muli %arg1, %mul3A_157 : i32
    %add3A_159 = arith.constant 592 : i32
    %add3A_160 = arith.addi %mul3A_158, %add3A_159 : i32
    "tpu.region"() ({
      %run_scoped3A = tpu.sem_alloc : memref<!tpu.dma_semaphore, #tpu.memory_space<semaphore_mem>>
      %dma_start3A_220 = arith.constant 0 : i32
      %dma_start3A_221 = tpu.memref_slice %arg13[%add3A_160, %dma_start3A_220] : memref<10240x128xf32, #tpu.memory_space<vmem_shared>> -> memref<16x128xf32, #tpu.memory_space<vmem_shared>>
      %dma_start3A_222 = arith.constant 0 : i32
      %dma_start3A_223 = tpu.memref_slice %arg13[%add3A_160, %dma_start3A_222] : memref<10240x128xf32, #tpu.memory_space<vmem_shared>> -> memref<16x128xf32, #tpu.memory_space<vmem_shared>>
      tpu.enqueue_dma source(%arg12 : memref<16x128xf32, #tpu.memory_space<vmem>>) target(%dma_start3A_223 : memref<16x128xf32, #tpu.memory_space<vmem_shared>>) target_semaphore(%run_scoped3A : memref<!tpu.dma_semaphore, #tpu.memory_space<semaphore_mem>>)
      %dma_wait3A_224 = arith.constant 0 : i32
      %dma_wait3A_225 = tpu.memref_slice %arg13[%add3A_160, %dma_wait3A_224] : memref<10240x128xf32, #tpu.memory_space<vmem_shared>> -> memref<16x128xf32, #tpu.memory_space<vmem_shared>>
      %dma_wait3A_226 = arith.constant 0 : i32
      %dma_wait3A_227 = tpu.memref_slice %arg13[%add3A_160, %dma_wait3A_226] : memref<10240x128xf32, #tpu.memory_space<vmem_shared>> -> memref<16x128xf32, #tpu.memory_space<vmem_shared>>
      tpu.wait_dma2 semaphore(%run_scoped3A : memref<!tpu.dma_semaphore, #tpu.memory_space<semaphore_mem>>) src(%arg12 : memref<16x128xf32, #tpu.memory_space<vmem>>) dst(%dma_wait3A_227 : memref<16x128xf32, #tpu.memory_space<vmem_shared>>)
      tpu.yield
    }) : () -> ()
    %mul3A_161 = arith.constant 640 : i32
    %mul3A_162 = arith.muli %arg1, %mul3A_161 : i32
    %add3A_163 = arith.constant 608 : i32
    %add3A_164 = arith.addi %mul3A_162, %add3A_163 : i32
    "tpu.region"() ({
      %run_scoped3A = tpu.sem_alloc : memref<!tpu.dma_semaphore, #tpu.memory_space<semaphore_mem>>
      %dma_start3A_220 = arith.constant 0 : i32
      %dma_start3A_221 = tpu.memref_slice %arg13[%add3A_164, %dma_start3A_220] : memref<10240x128xf32, #tpu.memory_space<vmem_shared>> -> memref<16x128xf32, #tpu.memory_space<vmem_shared>>
      %dma_start3A_222 = arith.constant 0 : i32
      %dma_start3A_223 = tpu.memref_slice %arg13[%add3A_164, %dma_start3A_222] : memref<10240x128xf32, #tpu.memory_space<vmem_shared>> -> memref<16x128xf32, #tpu.memory_space<vmem_shared>>
      tpu.enqueue_dma source(%arg12 : memref<16x128xf32, #tpu.memory_space<vmem>>) target(%dma_start3A_223 : memref<16x128xf32, #tpu.memory_space<vmem_shared>>) target_semaphore(%run_scoped3A : memref<!tpu.dma_semaphore, #tpu.memory_space<semaphore_mem>>)
      %dma_wait3A_224 = arith.constant 0 : i32
      %dma_wait3A_225 = tpu.memref_slice %arg13[%add3A_164, %dma_wait3A_224] : memref<10240x128xf32, #tpu.memory_space<vmem_shared>> -> memref<16x128xf32, #tpu.memory_space<vmem_shared>>
      %dma_wait3A_226 = arith.constant 0 : i32
      %dma_wait3A_227 = tpu.memref_slice %arg13[%add3A_164, %dma_wait3A_226] : memref<10240x128xf32, #tpu.memory_space<vmem_shared>> -> memref<16x128xf32, #tpu.memory_space<vmem_shared>>
      tpu.wait_dma2 semaphore(%run_scoped3A : memref<!tpu.dma_semaphore, #tpu.memory_space<semaphore_mem>>) src(%arg12 : memref<16x128xf32, #tpu.memory_space<vmem>>) dst(%dma_wait3A_227 : memref<16x128xf32, #tpu.memory_space<vmem_shared>>)
      tpu.yield
    }) : () -> ()
    %mul3A_165 = arith.constant 640 : i32
    %mul3A_166 = arith.muli %arg1, %mul3A_165 : i32
    %add3A_167 = arith.constant 624 : i32
    %add3A_168 = arith.addi %mul3A_166, %add3A_167 : i32
    "tpu.region"() ({
      %run_scoped3A = tpu.sem_alloc : memref<!tpu.dma_semaphore, #tpu.memory_space<semaphore_mem>>
      %dma_start3A_220 = arith.constant 0 : i32
      %dma_start3A_221 = tpu.memref_slice %arg13[%add3A_168, %dma_start3A_220] : memref<10240x128xf32, #tpu.memory_space<vmem_shared>> -> memref<16x128xf32, #tpu.memory_space<vmem_shared>>
      %dma_start3A_222 = arith.constant 0 : i32
      %dma_start3A_223 = tpu.memref_slice %arg13[%add3A_168, %dma_start3A_222] : memref<10240x128xf32, #tpu.memory_space<vmem_shared>> -> memref<16x128xf32, #tpu.memory_space<vmem_shared>>
      tpu.enqueue_dma source(%arg12 : memref<16x128xf32, #tpu.memory_space<vmem>>) target(%dma_start3A_223 : memref<16x128xf32, #tpu.memory_space<vmem_shared>>) target_semaphore(%run_scoped3A : memref<!tpu.dma_semaphore, #tpu.memory_space<semaphore_mem>>)
      %dma_wait3A_224 = arith.constant 0 : i32
      %dma_wait3A_225 = tpu.memref_slice %arg13[%add3A_168, %dma_wait3A_224] : memref<10240x128xf32, #tpu.memory_space<vmem_shared>> -> memref<16x128xf32, #tpu.memory_space<vmem_shared>>
      %dma_wait3A_226 = arith.constant 0 : i32
      %dma_wait3A_227 = tpu.memref_slice %arg13[%add3A_168, %dma_wait3A_226] : memref<10240x128xf32, #tpu.memory_space<vmem_shared>> -> memref<16x128xf32, #tpu.memory_space<vmem_shared>>
      tpu.wait_dma2 semaphore(%run_scoped3A : memref<!tpu.dma_semaphore, #tpu.memory_space<semaphore_mem>>) src(%arg12 : memref<16x128xf32, #tpu.memory_space<vmem>>) dst(%dma_wait3A_227 : memref<16x128xf32, #tpu.memory_space<vmem_shared>>)
      tpu.yield
    }) : () -> ()
    %barrier3A = arith.constant 0 : index
    tpu.barrier barrier_id(%barrier3A)
    %dma_start3A = arith.constant 0 : i32
    %dma_start3A_169 = arith.constant 0 : i32
    %dma_start3A_170 = arith.constant 0 : i32
    %dma_start3A_171 = tpu.memref_slice %arg4[%add3A, %dma_start3A, %dma_start3A_169, %dma_start3A_170] : memref<32x250x2x40xi32, #tpu.memory_space<hbm>> -> memref<1x1x2x40xi32, #tpu.memory_space<hbm>>
    %dma_start3A_172 = tpu.memref_squeeze %dma_start3A_171 : memref<1x1x2x40xi32, #tpu.memory_space<hbm>> -> memref<2x40xi32, #tpu.memory_space<hbm>>
    %dma_start3A_173 = arith.constant 0 : i32
    %dma_start3A_174 = arith.constant 0 : i32
    %dma_start3A_175 = tpu.memref_slice %arg4[%add3A, %dma_start3A, %dma_start3A_173, %dma_start3A_174] : memref<32x250x2x40xi32, #tpu.memory_space<hbm>> -> memref<1x1x2x40xi32, #tpu.memory_space<hbm>>
    %dma_start3A_176 = tpu.memref_squeeze %dma_start3A_175 : memref<1x1x2x40xi32, #tpu.memory_space<hbm>> -> memref<2x40xi32, #tpu.memory_space<hbm>>
    tpu.enqueue_dma source(%dma_start3A_176 : memref<2x40xi32, #tpu.memory_space<hbm>>) target(%arg6 : memref<2x40xi32, #tpu.memory_space<vmem>>) target_semaphore(%arg14 : memref<!tpu.dma_semaphore, #tpu.memory_space<semaphore_mem>>)
    %dma_start3A_177 = arith.constant 1 : i32
    %dma_start3A_178 = arith.constant 0 : i32
    %dma_start3A_179 = arith.constant 0 : i32
    %dma_start3A_180 = tpu.memref_slice %arg4[%add3A, %dma_start3A_177, %dma_start3A_178, %dma_start3A_179] : memref<32x250x2x40xi32, #tpu.memory_space<hbm>> -> memref<1x1x2x40xi32, #tpu.memory_space<hbm>>
    %dma_start3A_181 = tpu.memref_squeeze %dma_start3A_180 : memref<1x1x2x40xi32, #tpu.memory_space<hbm>> -> memref<2x40xi32, #tpu.memory_space<hbm>>
    %dma_start3A_182 = arith.constant 0 : i32
    %dma_start3A_183 = arith.constant 0 : i32
    %dma_start3A_184 = tpu.memref_slice %arg4[%add3A, %dma_start3A_177, %dma_start3A_182, %dma_start3A_183] : memref<32x250x2x40xi32, #tpu.memory_space<hbm>> -> memref<1x1x2x40xi32, #tpu.memory_space<hbm>>
    %dma_start3A_185 = tpu.memref_squeeze %dma_start3A_184 : memref<1x1x2x40xi32, #tpu.memory_space<hbm>> -> memref<2x40xi32, #tpu.memory_space<hbm>>
    tpu.enqueue_dma source(%dma_start3A_185 : memref<2x40xi32, #tpu.memory_space<hbm>>) target(%arg7 : memref<2x40xi32, #tpu.memory_space<vmem>>) target_semaphore(%arg15 : memref<!tpu.dma_semaphore, #tpu.memory_space<semaphore_mem>>)
    %dma_wait3A = arith.constant 0 : i32
    %dma_wait3A_186 = arith.constant 0 : i32
    %dma_wait3A_187 = arith.constant 0 : i32
    %dma_wait3A_188 = arith.constant 0 : i32
    %dma_wait3A_189 = tpu.memref_slice %arg4[%dma_wait3A, %dma_wait3A_186, %dma_wait3A_187, %dma_wait3A_188] : memref<32x250x2x40xi32, #tpu.memory_space<hbm>> -> memref<1x1x2x40xi32, #tpu.memory_space<hbm>>
    %dma_wait3A_190 = tpu.memref_squeeze %dma_wait3A_189 : memref<1x1x2x40xi32, #tpu.memory_space<hbm>> -> memref<2x40xi32, #tpu.memory_space<hbm>>
    %dma_wait3A_191 = arith.constant 0 : i32
    %dma_wait3A_192 = arith.constant 0 : i32
    %dma_wait3A_193 = tpu.memref_slice %arg4[%dma_wait3A, %dma_wait3A_186, %dma_wait3A_191, %dma_wait3A_192] : memref<32x250x2x40xi32, #tpu.memory_space<hbm>> -> memref<1x1x2x40xi32, #tpu.memory_space<hbm>>
    %dma_wait3A_194 = tpu.memref_squeeze %dma_wait3A_193 : memref<1x1x2x40xi32, #tpu.memory_space<hbm>> -> memref<2x40xi32, #tpu.memory_space<hbm>>
    tpu.wait_dma2 semaphore(%arg14 : memref<!tpu.dma_semaphore, #tpu.memory_space<semaphore_mem>>) src(%dma_wait3A_194 : memref<2x40xi32, #tpu.memory_space<hbm>>) dst(%arg6 : memref<2x40xi32, #tpu.memory_space<vmem>>)
    %dma_start3A_195 = arith.constant 0 : i32
    %dma_start3A_196 = arith.constant 0 : i32
    %dma_start3A_197 = tpu.memref_slice %arg6[%dma_start3A_195, %dma_start3A_196] : memref<2x40xi32, #tpu.memory_space<vmem>> -> memref<1x40xi32, #tpu.memory_space<vmem>>
    %dma_start3A_198 = tpu.memref_squeeze %dma_start3A_197 : memref<1x40xi32, #tpu.memory_space<vmem>> -> memref<40xi32, #tpu.memory_space<vmem>>
    %dma_start3A_199 = arith.constant 0 : i32
    %dma_start3A_200 = arith.constant 0 : i32
    %dma_start3A_201 = tpu.memref_slice %arg2[%dma_start3A_199, %dma_start3A_200] : memref<10000x128xf32, #tpu.memory_space<hbm>> -> memref<10000x128xf32, #tpu.memory_space<hbm>>
    tpu.enqueue_indirect_dma source(%dma_start3A_201 : memref<10000x128xf32, #tpu.memory_space<hbm>>) target(%arg8 : memref<40x128xf32, #tpu.memory_space<vmem>>) offsets(%dma_start3A_198 : memref<40xi32, #tpu.memory_space<vmem>>) semaphore(%arg16 : memref<!tpu.dma_semaphore, #tpu.memory_space<semaphore_mem>>)
    %add3A_202 = arith.constant 0 : i32
    %add3A_203 = arith.addi %mul3A_2, %add3A_202 : i32
    %dma_start3A_204 = arith.constant 0 : i32
    %dma_start3A_205 = tpu.memref_slice %arg3[%add3A_203, %dma_start3A_204] : memref<320000x128xf32, #tpu.memory_space<hbm>> -> memref<40x128xf32, #tpu.memory_space<hbm>>
    %dma_start3A_206 = arith.constant 0 : i32
    %dma_start3A_207 = tpu.memref_slice %arg3[%add3A_203, %dma_start3A_206] : memref<320000x128xf32, #tpu.memory_space<hbm>> -> memref<40x128xf32, #tpu.memory_space<hbm>>
    tpu.enqueue_dma source(%dma_start3A_207 : memref<40x128xf32, #tpu.memory_space<hbm>>) target(%arg10 : memref<40x128xf32, #tpu.memory_space<vmem>>) target_semaphore(%arg16 : memref<!tpu.dma_semaphore, #tpu.memory_space<semaphore_mem>>)
    %scan3A_208 = arith.constant 0 : i32
    %scan3A_209 = arith.constant 0 : i32
    %scan3A_210 = arith.constant 125 : i32
    %scan3A_211 = arith.addi %scan3A_209, %scan3A_210 : i32
    %scan3A_212 = arith.constant 1 : i32
    %scan3A_213 = scf.for %scan3A_220 = %scan3A_209 to %scan3A_211 step %scan3A_212 iter_args(%scan3A_221 = %scan3A_208) -> (i32)  : i32 {
      %mul3A_222 = arith.constant 2 : i32
      %mul3A_223 = arith.muli %mul3A_222, %scan3A_220 : i32
      %add3A_224 = arith.constant 1 : i32
      %add3A_225 = arith.addi %mul3A_223, %add3A_224 : i32
      %dma_wait3A_226 = arith.constant 0 : i32
      %dma_wait3A_227 = arith.constant 0 : i32
      %dma_wait3A_228 = arith.constant 0 : i32
      %dma_wait3A_229 = arith.constant 0 : i32
      %dma_wait3A_230 = tpu.memref_slice %arg4[%dma_wait3A_226, %dma_wait3A_227, %dma_wait3A_228, %dma_wait3A_229] : memref<32x250x2x40xi32, #tpu.memory_space<hbm>> -> memref<1x1x2x40xi32, #tpu.memory_space<hbm>>
      %dma_wait3A_231 = tpu.memref_squeeze %dma_wait3A_230 : memref<1x1x2x40xi32, #tpu.memory_space<hbm>> -> memref<2x40xi32, #tpu.memory_space<hbm>>
      %dma_wait3A_232 = arith.constant 0 : i32
      %dma_wait3A_233 = arith.constant 0 : i32
      %dma_wait3A_234 = tpu.memref_slice %arg4[%dma_wait3A_226, %dma_wait3A_227, %dma_wait3A_232, %dma_wait3A_233] : memref<32x250x2x40xi32, #tpu.memory_space<hbm>> -> memref<1x1x2x40xi32, #tpu.memory_space<hbm>>
      %dma_wait3A_235 = tpu.memref_squeeze %dma_wait3A_234 : memref<1x1x2x40xi32, #tpu.memory_space<hbm>> -> memref<2x40xi32, #tpu.memory_space<hbm>>
      tpu.wait_dma2 semaphore(%arg15 : memref<!tpu.dma_semaphore, #tpu.memory_space<semaphore_mem>>) src(%dma_wait3A_235 : memref<2x40xi32, #tpu.memory_space<hbm>>) dst(%arg7 : memref<2x40xi32, #tpu.memory_space<vmem>>)
      %dma_start3A_236 = arith.constant 0 : i32
      %dma_start3A_237 = arith.constant 0 : i32
      %dma_start3A_238 = tpu.memref_slice %arg7[%dma_start3A_236, %dma_start3A_237] : memref<2x40xi32, #tpu.memory_space<vmem>> -> memref<1x40xi32, #tpu.memory_space<vmem>>
      %dma_start3A_239 = tpu.memref_squeeze %dma_start3A_238 : memref<1x40xi32, #tpu.memory_space<vmem>> -> memref<40xi32, #tpu.memory_space<vmem>>
      %dma_start3A_240 = arith.constant 0 : i32
      %dma_start3A_241 = arith.constant 0 : i32
      %dma_start3A_242 = tpu.memref_slice %arg2[%dma_start3A_240, %dma_start3A_241] : memref<10000x128xf32, #tpu.memory_space<hbm>> -> memref<10000x128xf32, #tpu.memory_space<hbm>>
      tpu.enqueue_indirect_dma source(%dma_start3A_242 : memref<10000x128xf32, #tpu.memory_space<hbm>>) target(%arg9 : memref<40x128xf32, #tpu.memory_space<vmem>>) offsets(%dma_start3A_239 : memref<40xi32, #tpu.memory_space<vmem>>) semaphore(%arg17 : memref<!tpu.dma_semaphore, #tpu.memory_space<semaphore_mem>>)
      %mul3A_243 = arith.constant 40 : i32
      %mul3A_244 = arith.muli %add3A_225, %mul3A_243 : i32
      %add3A_245 = arith.addi %mul3A_2, %mul3A_244 : i32
      %dma_start3A_246 = arith.constant 0 : i32
      %dma_start3A_247 = tpu.memref_slice %arg3[%add3A_245, %dma_start3A_246] : memref<320000x128xf32, #tpu.memory_space<hbm>> -> memref<40x128xf32, #tpu.memory_space<hbm>>
      %dma_start3A_248 = arith.constant 0 : i32
      %dma_start3A_249 = tpu.memref_slice %arg3[%add3A_245, %dma_start3A_248] : memref<320000x128xf32, #tpu.memory_space<hbm>> -> memref<40x128xf32, #tpu.memory_space<hbm>>
      tpu.enqueue_dma source(%dma_start3A_249 : memref<40x128xf32, #tpu.memory_space<hbm>>) target(%arg11 : memref<40x128xf32, #tpu.memory_space<vmem>>) target_semaphore(%arg17 : memref<!tpu.dma_semaphore, #tpu.memory_space<semaphore_mem>>)
      %dma_wait3A_250 = arith.constant 0 : i32
      %dma_wait3A_251 = arith.constant 0 : i32
      %dma_wait3A_252 = tpu.memref_slice %arg3[%dma_wait3A_250, %dma_wait3A_251] : memref<320000x128xf32, #tpu.memory_space<hbm>> -> memref<40x128xf32, #tpu.memory_space<hbm>>
      %dma_wait3A_253 = arith.constant 0 : i32
      %dma_wait3A_254 = arith.constant 0 : i32
      %dma_wait3A_255 = tpu.memref_slice %arg3[%dma_wait3A_253, %dma_wait3A_254] : memref<320000x128xf32, #tpu.memory_space<hbm>> -> memref<40x128xf32, #tpu.memory_space<hbm>>
      tpu.wait_dma2 semaphore(%arg16 : memref<!tpu.dma_semaphore, #tpu.memory_space<semaphore_mem>>) src(%dma_wait3A_255 : memref<40x128xf32, #tpu.memory_space<hbm>>) dst(%arg8 : memref<40x128xf32, #tpu.memory_space<vmem>>)
      %dma_wait3A_256 = arith.constant 0 : i32
      %dma_wait3A_257 = arith.constant 0 : i32
      %dma_wait3A_258 = tpu.memref_slice %arg3[%dma_wait3A_256, %dma_wait3A_257] : memref<320000x128xf32, #tpu.memory_space<hbm>> -> memref<40x128xf32, #tpu.memory_space<hbm>>
      %dma_wait3A_259 = arith.constant 0 : i32
      %dma_wait3A_260 = arith.constant 0 : i32
      %dma_wait3A_261 = tpu.memref_slice %arg3[%dma_wait3A_259, %dma_wait3A_260] : memref<320000x128xf32, #tpu.memory_space<hbm>> -> memref<40x128xf32, #tpu.memory_space<hbm>>
      tpu.wait_dma2 semaphore(%arg16 : memref<!tpu.dma_semaphore, #tpu.memory_space<semaphore_mem>>) src(%dma_wait3A_261 : memref<40x128xf32, #tpu.memory_space<hbm>>) dst(%arg10 : memref<40x128xf32, #tpu.memory_space<vmem>>)
      %run_scoped3A = arith.constant 1 : i32
      "tpu.region"() ({
        %run_scoped3A_289 = tpu.sem_alloc : memref<!tpu.dma_semaphore, #tpu.memory_space<semaphore_mem>>
        %dma_start3A_290 = arith.constant 0 : i32
        %dma_start3A_291 = tpu.memref_slice %arg6[%run_scoped3A, %dma_start3A_290] : memref<2x40xi32, #tpu.memory_space<vmem>> -> memref<1x40xi32, #tpu.memory_space<vmem>>
        %dma_start3A_292 = tpu.memref_squeeze %dma_start3A_291 : memref<1x40xi32, #tpu.memory_space<vmem>> -> memref<40xi32, #tpu.memory_space<vmem>>
        %dma_start3A_293 = arith.constant 0 : i32
        %dma_start3A_294 = arith.constant 0 : i32
        %dma_start3A_295 = tpu.memref_slice %arg13[%dma_start3A_293, %dma_start3A_294] : memref<10240x128xf32, #tpu.memory_space<vmem_shared>> -> memref<10240x128xf32, #tpu.memory_space<vmem_shared>>
        tpu.enqueue_indirect_dma source(%arg8 : memref<40x128xf32, #tpu.memory_space<vmem>>) target(%dma_start3A_295 : memref<10240x128xf32, #tpu.memory_space<vmem_shared>>) offsets(%dma_start3A_292 : memref<40xi32, #tpu.memory_space<vmem>>) semaphore(%run_scoped3A_289 : memref<!tpu.dma_semaphore, #tpu.memory_space<semaphore_mem>>) {add = true}
        %dma_wait3A_296 = arith.constant 0 : i32
        %dma_wait3A_297 = tpu.memref_slice %arg6[%run_scoped3A, %dma_wait3A_296] : memref<2x40xi32, #tpu.memory_space<vmem>> -> memref<1x40xi32, #tpu.memory_space<vmem>>
        %dma_wait3A_298 = tpu.memref_squeeze %dma_wait3A_297 : memref<1x40xi32, #tpu.memory_space<vmem>> -> memref<40xi32, #tpu.memory_space<vmem>>
        %dma_wait3A_299 = arith.constant 0 : i32
        %dma_wait3A_300 = arith.constant 0 : i32
        %dma_wait3A_301 = tpu.memref_slice %arg13[%dma_wait3A_299, %dma_wait3A_300] : memref<10240x128xf32, #tpu.memory_space<vmem_shared>> -> memref<10240x128xf32, #tpu.memory_space<vmem_shared>>
        tpu.wait_indirect_dma semaphore(%run_scoped3A_289 : memref<!tpu.dma_semaphore, #tpu.memory_space<semaphore_mem>>) src(%arg8 : memref<40x128xf32, #tpu.memory_space<vmem>>) dst(%dma_wait3A_301 : memref<10240x128xf32, #tpu.memory_space<vmem_shared>>)
        tpu.yield
      }) : () -> ()
      %add3A_262 = arith.constant 2 : i32
      %add3A_263 = arith.addi %mul3A_223, %add3A_262 : i32
      %lt3A = arith.constant 250 : i32
      %lt3A_264 = arith.cmpi slt, %add3A_263, %lt3A : i32
      %convert_element_type3A = arith.extui %lt3A_264 : i1 to i32
      %cond3A = arith.constant 0 : i32
      %cond3A_265 = arith.cmpi ne, %convert_element_type3A, %cond3A : i32
      scf.if %cond3A_265 {
        %add3A_289 = arith.constant 2 : i32
        %add3A_290 = arith.addi %mul3A_223, %add3A_289 : i32
        %dma_start3A_291 = arith.constant 0 : i32
        %dma_start3A_292 = arith.constant 0 : i32
        %dma_start3A_293 = tpu.memref_slice %arg4[%add3A, %add3A_290, %dma_start3A_291, %dma_start3A_292] : memref<32x250x2x40xi32, #tpu.memory_space<hbm>> -> memref<1x1x2x40xi32, #tpu.memory_space<hbm>>
        %dma_start3A_294 = tpu.memref_squeeze %dma_start3A_293 : memref<1x1x2x40xi32, #tpu.memory_space<hbm>> -> memref<2x40xi32, #tpu.memory_space<hbm>>
        %dma_start3A_295 = arith.constant 0 : i32
        %dma_start3A_296 = arith.constant 0 : i32
        %dma_start3A_297 = tpu.memref_slice %arg4[%add3A, %add3A_290, %dma_start3A_295, %dma_start3A_296] : memref<32x250x2x40xi32, #tpu.memory_space<hbm>> -> memref<1x1x2x40xi32, #tpu.memory_space<hbm>>
        %dma_start3A_298 = tpu.memref_squeeze %dma_start3A_297 : memref<1x1x2x40xi32, #tpu.memory_space<hbm>> -> memref<2x40xi32, #tpu.memory_space<hbm>>
        tpu.enqueue_dma source(%dma_start3A_298 : memref<2x40xi32, #tpu.memory_space<hbm>>) target(%arg6 : memref<2x40xi32, #tpu.memory_space<vmem>>) target_semaphore(%arg14 : memref<!tpu.dma_semaphore, #tpu.memory_space<semaphore_mem>>)
        %add3A_299 = arith.constant 2 : i32
        %add3A_300 = arith.addi %mul3A_223, %add3A_299 : i32
        %dma_wait3A_301 = arith.constant 0 : i32
        %dma_wait3A_302 = arith.constant 0 : i32
        %dma_wait3A_303 = arith.constant 0 : i32
        %dma_wait3A_304 = arith.constant 0 : i32
        %dma_wait3A_305 = tpu.memref_slice %arg4[%dma_wait3A_301, %dma_wait3A_302, %dma_wait3A_303, %dma_wait3A_304] : memref<32x250x2x40xi32, #tpu.memory_space<hbm>> -> memref<1x1x2x40xi32, #tpu.memory_space<hbm>>
        %dma_wait3A_306 = tpu.memref_squeeze %dma_wait3A_305 : memref<1x1x2x40xi32, #tpu.memory_space<hbm>> -> memref<2x40xi32, #tpu.memory_space<hbm>>
        %dma_wait3A_307 = arith.constant 0 : i32
        %dma_wait3A_308 = arith.constant 0 : i32
        %dma_wait3A_309 = tpu.memref_slice %arg4[%dma_wait3A_301, %dma_wait3A_302, %dma_wait3A_307, %dma_wait3A_308] : memref<32x250x2x40xi32, #tpu.memory_space<hbm>> -> memref<1x1x2x40xi32, #tpu.memory_space<hbm>>
        %dma_wait3A_310 = tpu.memref_squeeze %dma_wait3A_309 : memref<1x1x2x40xi32, #tpu.memory_space<hbm>> -> memref<2x40xi32, #tpu.memory_space<hbm>>
        tpu.wait_dma2 semaphore(%arg14 : memref<!tpu.dma_semaphore, #tpu.memory_space<semaphore_mem>>) src(%dma_wait3A_310 : memref<2x40xi32, #tpu.memory_space<hbm>>) dst(%arg6 : memref<2x40xi32, #tpu.memory_space<vmem>>)
        %dma_start3A_311 = arith.constant 0 : i32
        %dma_start3A_312 = arith.constant 0 : i32
        %dma_start3A_313 = tpu.memref_slice %arg6[%dma_start3A_311, %dma_start3A_312] : memref<2x40xi32, #tpu.memory_space<vmem>> -> memref<1x40xi32, #tpu.memory_space<vmem>>
        %dma_start3A_314 = tpu.memref_squeeze %dma_start3A_313 : memref<1x40xi32, #tpu.memory_space<vmem>> -> memref<40xi32, #tpu.memory_space<vmem>>
        %dma_start3A_315 = arith.constant 0 : i32
        %dma_start3A_316 = arith.constant 0 : i32
        %dma_start3A_317 = tpu.memref_slice %arg2[%dma_start3A_315, %dma_start3A_316] : memref<10000x128xf32, #tpu.memory_space<hbm>> -> memref<10000x128xf32, #tpu.memory_space<hbm>>
        tpu.enqueue_indirect_dma source(%dma_start3A_317 : memref<10000x128xf32, #tpu.memory_space<hbm>>) target(%arg8 : memref<40x128xf32, #tpu.memory_space<vmem>>) offsets(%dma_start3A_314 : memref<40xi32, #tpu.memory_space<vmem>>) semaphore(%arg16 : memref<!tpu.dma_semaphore, #tpu.memory_space<semaphore_mem>>)
        %mul3A_318 = arith.constant 40 : i32
        %mul3A_319 = arith.muli %add3A_300, %mul3A_318 : i32
        %add3A_320 = arith.addi %mul3A_2, %mul3A_319 : i32
        %dma_start3A_321 = arith.constant 0 : i32
        %dma_start3A_322 = tpu.memref_slice %arg3[%add3A_320, %dma_start3A_321] : memref<320000x128xf32, #tpu.memory_space<hbm>> -> memref<40x128xf32, #tpu.memory_space<hbm>>
        %dma_start3A_323 = arith.constant 0 : i32
        %dma_start3A_324 = tpu.memref_slice %arg3[%add3A_320, %dma_start3A_323] : memref<320000x128xf32, #tpu.memory_space<hbm>> -> memref<40x128xf32, #tpu.memory_space<hbm>>
        tpu.enqueue_dma source(%dma_start3A_324 : memref<40x128xf32, #tpu.memory_space<hbm>>) target(%arg10 : memref<40x128xf32, #tpu.memory_space<vmem>>) target_semaphore(%arg16 : memref<!tpu.dma_semaphore, #tpu.memory_space<semaphore_mem>>)
      } else {
      }
      %add3A_266 = arith.constant 1 : i32
      %add3A_267 = arith.addi %mul3A_223, %add3A_266 : i32
      %dma_wait3A_268 = arith.constant 0 : i32
      %dma_wait3A_269 = arith.constant 0 : i32
      %dma_wait3A_270 = tpu.memref_slice %arg3[%dma_wait3A_268, %dma_wait3A_269] : memref<320000x128xf32, #tpu.memory_space<hbm>> -> memref<40x128xf32, #tpu.memory_space<hbm>>
      %dma_wait3A_271 = arith.constant 0 : i32
      %dma_wait3A_272 = arith.constant 0 : i32
      %dma_wait3A_273 = tpu.memref_slice %arg3[%dma_wait3A_271, %dma_wait3A_272] : memref<320000x128xf32, #tpu.memory_space<hbm>> -> memref<40x128xf32, #tpu.memory_space<hbm>>
      tpu.wait_dma2 semaphore(%arg17 : memref<!tpu.dma_semaphore, #tpu.memory_space<semaphore_mem>>) src(%dma_wait3A_273 : memref<40x128xf32, #tpu.memory_space<hbm>>) dst(%arg9 : memref<40x128xf32, #tpu.memory_space<vmem>>)
      %dma_wait3A_274 = arith.constant 0 : i32
      %dma_wait3A_275 = arith.constant 0 : i32
      %dma_wait3A_276 = tpu.memref_slice %arg3[%dma_wait3A_274, %dma_wait3A_275] : memref<320000x128xf32, #tpu.memory_space<hbm>> -> memref<40x128xf32, #tpu.memory_space<hbm>>
      %dma_wait3A_277 = arith.constant 0 : i32
      %dma_wait3A_278 = arith.constant 0 : i32
      %dma_wait3A_279 = tpu.memref_slice %arg3[%dma_wait3A_277, %dma_wait3A_278] : memref<320000x128xf32, #tpu.memory_space<hbm>> -> memref<40x128xf32, #tpu.memory_space<hbm>>
      tpu.wait_dma2 semaphore(%arg17 : memref<!tpu.dma_semaphore, #tpu.memory_space<semaphore_mem>>) src(%dma_wait3A_279 : memref<40x128xf32, #tpu.memory_space<hbm>>) dst(%arg11 : memref<40x128xf32, #tpu.memory_space<vmem>>)
      %run_scoped3A_280 = arith.constant 1 : i32
      "tpu.region"() ({
        %run_scoped3A_289 = tpu.sem_alloc : memref<!tpu.dma_semaphore, #tpu.memory_space<semaphore_mem>>
        %dma_start3A_290 = arith.constant 0 : i32
        %dma_start3A_291 = tpu.memref_slice %arg7[%run_scoped3A_280, %dma_start3A_290] : memref<2x40xi32, #tpu.memory_space<vmem>> -> memref<1x40xi32, #tpu.memory_space<vmem>>
        %dma_start3A_292 = tpu.memref_squeeze %dma_start3A_291 : memref<1x40xi32, #tpu.memory_space<vmem>> -> memref<40xi32, #tpu.memory_space<vmem>>
        %dma_start3A_293 = arith.constant 0 : i32
        %dma_start3A_294 = arith.constant 0 : i32
        %dma_start3A_295 = tpu.memref_slice %arg13[%dma_start3A_293, %dma_start3A_294] : memref<10240x128xf32, #tpu.memory_space<vmem_shared>> -> memref<10240x128xf32, #tpu.memory_space<vmem_shared>>
        tpu.enqueue_indirect_dma source(%arg9 : memref<40x128xf32, #tpu.memory_space<vmem>>) target(%dma_start3A_295 : memref<10240x128xf32, #tpu.memory_space<vmem_shared>>) offsets(%dma_start3A_292 : memref<40xi32, #tpu.memory_space<vmem>>) semaphore(%run_scoped3A_289 : memref<!tpu.dma_semaphore, #tpu.memory_space<semaphore_mem>>) {add = true}
        %dma_wait3A_296 = arith.constant 0 : i32
        %dma_wait3A_297 = tpu.memref_slice %arg7[%run_scoped3A_280, %dma_wait3A_296] : memref<2x40xi32, #tpu.memory_space<vmem>> -> memref<1x40xi32, #tpu.memory_space<vmem>>
        %dma_wait3A_298 = tpu.memref_squeeze %dma_wait3A_297 : memref<1x40xi32, #tpu.memory_space<vmem>> -> memref<40xi32, #tpu.memory_space<vmem>>
        %dma_wait3A_299 = arith.constant 0 : i32
        %dma_wait3A_300 = arith.constant 0 : i32
        %dma_wait3A_301 = tpu.memref_slice %arg13[%dma_wait3A_299, %dma_wait3A_300] : memref<10240x128xf32, #tpu.memory_space<vmem_shared>> -> memref<10240x128xf32, #tpu.memory_space<vmem_shared>>
        tpu.wait_indirect_dma semaphore(%run_scoped3A_289 : memref<!tpu.dma_semaphore, #tpu.memory_space<semaphore_mem>>) src(%arg9 : memref<40x128xf32, #tpu.memory_space<vmem>>) dst(%dma_wait3A_301 : memref<10240x128xf32, #tpu.memory_space<vmem_shared>>)
        tpu.yield
      }) : () -> ()
      %add3A_281 = arith.constant 3 : i32
      %add3A_282 = arith.addi %mul3A_223, %add3A_281 : i32
      %lt3A_283 = arith.constant 250 : i32
      %lt3A_284 = arith.cmpi slt, %add3A_282, %lt3A_283 : i32
      %convert_element_type3A_285 = arith.extui %lt3A_284 : i1 to i32
      %cond3A_286 = arith.constant 0 : i32
      %cond3A_287 = arith.cmpi ne, %convert_element_type3A_285, %cond3A_286 : i32
      scf.if %cond3A_287 {
        %add3A_289 = arith.constant 3 : i32
        %add3A_290 = arith.addi %mul3A_223, %add3A_289 : i32
        %dma_start3A_291 = arith.constant 0 : i32
        %dma_start3A_292 = arith.constant 0 : i32
        %dma_start3A_293 = tpu.memref_slice %arg4[%add3A, %add3A_290, %dma_start3A_291, %dma_start3A_292] : memref<32x250x2x40xi32, #tpu.memory_space<hbm>> -> memref<1x1x2x40xi32, #tpu.memory_space<hbm>>
        %dma_start3A_294 = tpu.memref_squeeze %dma_start3A_293 : memref<1x1x2x40xi32, #tpu.memory_space<hbm>> -> memref<2x40xi32, #tpu.memory_space<hbm>>
        %dma_start3A_295 = arith.constant 0 : i32
        %dma_start3A_296 = arith.constant 0 : i32
        %dma_start3A_297 = tpu.memref_slice %arg4[%add3A, %add3A_290, %dma_start3A_295, %dma_start3A_296] : memref<32x250x2x40xi32, #tpu.memory_space<hbm>> -> memref<1x1x2x40xi32, #tpu.memory_space<hbm>>
        %dma_start3A_298 = tpu.memref_squeeze %dma_start3A_297 : memref<1x1x2x40xi32, #tpu.memory_space<hbm>> -> memref<2x40xi32, #tpu.memory_space<hbm>>
        tpu.enqueue_dma source(%dma_start3A_298 : memref<2x40xi32, #tpu.memory_space<hbm>>) target(%arg7 : memref<2x40xi32, #tpu.memory_space<vmem>>) target_semaphore(%arg15 : memref<!tpu.dma_semaphore, #tpu.memory_space<semaphore_mem>>)
      } else {
      }
      %scan3A_288 = arith.constant 0 : i32
      scf.yield %scan3A_288 : i32
    }
    %scan3A_214 = arith.constant 125 : i32
    %barrier3A_215 = arith.constant 0 : index
    tpu.barrier barrier_id(%barrier3A_215)
    %mul3A_216 = arith.constant 640 : i32
    %mul3A_217 = arith.muli %arg1, %mul3A_216 : i32
    %mul3A_218 = arith.constant 640 : i32
    %mul3A_219 = arith.muli %arg1, %mul3A_218 : i32
    "tpu.region"() ({
      %run_scoped3A = tpu.sem_alloc : memref<!tpu.dma_semaphore, #tpu.memory_space<semaphore_mem>>
      %dma_start3A_220 = arith.constant 0 : i32
      %dma_start3A_221 = tpu.memref_slice %arg5[%arg0, %mul3A_219, %dma_start3A_220] : memref<2x10240x128xf32, #tpu.memory_space<hbm>> -> memref<1x640x128xf32, #tpu.memory_space<hbm>>
      %dma_start3A_222 = tpu.memref_squeeze %dma_start3A_221 : memref<1x640x128xf32, #tpu.memory_space<hbm>> -> memref<640x128xf32, #tpu.memory_space<hbm>>
      %dma_start3A_223 = arith.constant 0 : i32
      %dma_start3A_224 = tpu.memref_slice %arg13[%mul3A_217, %dma_start3A_223] : memref<10240x128xf32, #tpu.memory_space<vmem_shared>> -> memref<640x128xf32, #tpu.memory_space<vmem_shared>>
      tpu.enqueue_dma source(%dma_start3A_224 : memref<640x128xf32, #tpu.memory_space<vmem_shared>>) target(%dma_start3A_222 : memref<640x128xf32, #tpu.memory_space<hbm>>) target_semaphore(%run_scoped3A : memref<!tpu.dma_semaphore, #tpu.memory_space<semaphore_mem>>)
      %dma_wait3A_225 = arith.constant 0 : i32
      %dma_wait3A_226 = tpu.memref_slice %arg5[%arg0, %mul3A_219, %dma_wait3A_225] : memref<2x10240x128xf32, #tpu.memory_space<hbm>> -> memref<1x640x128xf32, #tpu.memory_space<hbm>>
      %dma_wait3A_227 = tpu.memref_squeeze %dma_wait3A_226 : memref<1x640x128xf32, #tpu.memory_space<hbm>> -> memref<640x128xf32, #tpu.memory_space<hbm>>
      %dma_wait3A_228 = arith.constant 0 : i32
      %dma_wait3A_229 = tpu.memref_slice %arg13[%mul3A_217, %dma_wait3A_228] : memref<10240x128xf32, #tpu.memory_space<vmem_shared>> -> memref<640x128xf32, #tpu.memory_space<vmem_shared>>
      tpu.wait_dma2 semaphore(%run_scoped3A : memref<!tpu.dma_semaphore, #tpu.memory_space<semaphore_mem>>) src(%dma_wait3A_229 : memref<640x128xf32, #tpu.memory_space<vmem_shared>>) dst(%dma_wait3A_227 : memref<640x128xf32, #tpu.memory_space<hbm>>)
      tpu.yield
    }) : () -> ()
    return
  }
}

#map = affine_map<(d0, d1) -> (0, 0)>
#map1 = affine_map<(d0, d1) -> (0, 0, 0, 0)>
#map2 = affine_map<(d0, d1) -> (0, 0, 0)>
module attributes {stable_mosaic.version = 14 : i64} {
  func.func @_sc_body(%arg0: i32, %arg1: i32, %arg2: memref<10000x128xf32, #tpu.memory_space<hbm>>, %arg3: memref<320000x128xf32, #tpu.memory_space<hbm>>, %arg4: memref<32x250x2x40xi32, #tpu.memory_space<hbm>>, %arg5: memref<2x10240x128xf32, #tpu.memory_space<hbm>>, %arg6: memref<2x40xi32, #tpu.memory_space<vmem>>, %arg7: memref<2x40xi32, #tpu.memory_space<vmem>>, %arg8: memref<40x128xf32, #tpu.memory_space<vmem>>, %arg9: memref<40x128xf32, #tpu.memory_space<vmem>>, %arg10: memref<40x128xf32, #tpu.memory_space<vmem>>, %arg11: memref<40x128xf32, #tpu.memory_space<vmem>>, %arg12: memref<16x128xf32, #tpu.memory_space<vmem>>, %arg13: memref<10240x128xf32, #tpu.memory_space<vmem_shared>>, %arg14: memref<!tpu.dma_semaphore, #tpu.memory_space<semaphore_mem>>, %arg15: memref<!tpu.dma_semaphore, #tpu.memory_space<semaphore_mem>>, %arg16: memref<!tpu.dma_semaphore, #tpu.memory_space<semaphore_mem>>, %arg17: memref<!tpu.dma_semaphore, #tpu.memory_space<semaphore_mem>>) attributes {dimension_semantics = [#tpu.dimension_semantics<core_parallel>, #tpu.dimension_semantics<subcore_parallel>], iteration_bounds = array<i64: 2, 16>, scalar_prefetch = 0 : i64, scratch_operands = 12 : i64, tpu.core_type = #tpu.core_type<sc_vector_subcore>, window_params = [{transform_indices = #map}, {transform_indices = #map}, {transform_indices = #map1}, {transform_indices = #map2}]} {
    %mul3A = arith.constant 2 : i32
    %mul3A_0 = arith.muli %arg1, %mul3A : i32
    %add3A = arith.addi %mul3A_0, %arg0 : i32
    %mul3A_1 = arith.constant 10000 : i32
    %mul3A_2 = arith.muli %add3A, %mul3A_1 : i32
    %scan3A = arith.constant 0 : i32
    %scan3A_3 = arith.constant 0 : i32
    %scan3A_4 = arith.constant 16 : i32
    %scan3A_5 = arith.addi %scan3A_3, %scan3A_4 : i32
    %scan3A_6 = arith.constant 1 : i32
    %scan3A_7 = scf.for %scan3A_220 = %scan3A_3 to %scan3A_5 step %scan3A_6 iter_args(%scan3A_221 = %scan3A) -> (i32)  : i32 {
      %broadcast_in_dim3A = arith.constant 0.000000e+00 : f32
      %broadcast_in_dim3A_222 = vector.broadcast %broadcast_in_dim3A : f32 to vector<16xf32>
      %swap3A = arith.index_cast %scan3A_220 : i32 to index
      %swap3A_223 = arith.constant 0 : index
      %swap3A_224 = tpu.vector_load %arg12[%swap3A, %swap3A_223] {strides = array<i32>} : memref<16x128xf32, #tpu.memory_space<vmem>>, vector<1x16xf32>,
      %swap3A_225 = vector.shape_cast %swap3A_224 : vector<1x16xf32> to vector<16xf32>
      %swap3A_226 = vector.shape_cast %broadcast_in_dim3A_222 : vector<16xf32> to vector<1x16xf32>
      tpu.vector_store %arg12[%swap3A, %swap3A_223], %swap3A_226 {strides = array<i32>} : memref<16x128xf32, #tpu.memory_space<vmem>>, vector<1x16xf32>,
      %broadcast_in_dim3A_227 = arith.constant 0.000000e+00 : f32
      %broadcast_in_dim3A_228 = vector.broadcast %broadcast_in_dim3A_227 : f32 to vector<16xf32>
      %swap3A_229 = arith.index_cast %scan3A_220 : i32 to index
      %swap3A_230 = arith.constant 16 : index
      %swap3A_231 = tpu.vector_load %arg12[%swap3A_229, %swap3A_230] {strides = array<i32>} : memref<16x128xf32, #tpu.memory_space<vmem>>, vector<1x16xf32>,
      %swap3A_232 = vector.shape_cast %swap3A_231 : vector<1x16xf32> to vector<16xf32>
      %swap3A_233 = vector.shape_cast %broadcast_in_dim3A_228 : vector<16xf32> to vector<1x16xf32>
      tpu.vector_store %arg12[%swap3A_229, %swap3A_230], %swap3A_233 {strides = array<i32>} : memref<16x128xf32, #tpu.memory_space<vmem>>, vector<1x16xf32>,
      %broadcast_in_dim3A_234 = arith.constant 0.000000e+00 : f32
      %broadcast_in_dim3A_235 = vector.broadcast %broadcast_in_dim3A_234 : f32 to vector<16xf32>
      %swap3A_236 = arith.index_cast %scan3A_220 : i32 to index
      %swap3A_237 = arith.constant 32 : index
      %swap3A_238 = tpu.vector_load %arg12[%swap3A_236, %swap3A_237] {strides = array<i32>} : memref<16x128xf32, #tpu.memory_space<vmem>>, vector<1x16xf32>,
      %swap3A_239 = vector.shape_cast %swap3A_238 : vector<1x16xf32> to vector<16xf32>
      %swap3A_240 = vector.shape_cast %broadcast_in_dim3A_235 : vector<16xf32> to vector<1x16xf32>
      tpu.vector_store %arg12[%swap3A_236, %swap3A_237], %swap3A_240 {strides = array<i32>} : memref<16x128xf32, #tpu.memory_space<vmem>>, vector<1x16xf32>,
      %broadcast_in_dim3A_241 = arith.constant 0.000000e+00 : f32
      %broadcast_in_dim3A_242 = vector.broadcast %broadcast_in_dim3A_241 : f32 to vector<16xf32>
      %swap3A_243 = arith.index_cast %scan3A_220 : i32 to index
      %swap3A_244 = arith.constant 48 : index
      %swap3A_245 = tpu.vector_load %arg12[%swap3A_243, %swap3A_244] {strides = array<i32>} : memref<16x128xf32, #tpu.memory_space<vmem>>, vector<1x16xf32>,
      %swap3A_246 = vector.shape_cast %swap3A_245 : vector<1x16xf32> to vector<16xf32>
      %swap3A_247 = vector.shape_cast %broadcast_in_dim3A_242 : vector<16xf32> to vector<1x16xf32>
      tpu.vector_store %arg12[%swap3A_243, %swap3A_244], %swap3A_247 {strides = array<i32>} : memref<16x128xf32, #tpu.memory_space<vmem>>, vector<1x16xf32>,
      %broadcast_in_dim3A_248 = arith.constant 0.000000e+00 : f32
      %broadcast_in_dim3A_249 = vector.broadcast %broadcast_in_dim3A_248 : f32 to vector<16xf32>
      %swap3A_250 = arith.index_cast %scan3A_220 : i32 to index
      %swap3A_251 = arith.constant 64 : index
      %swap3A_252 = tpu.vector_load %arg12[%swap3A_250, %swap3A_251] {strides = array<i32>} : memref<16x128xf32, #tpu.memory_space<vmem>>, vector<1x16xf32>,
      %swap3A_253 = vector.shape_cast %swap3A_252 : vector<1x16xf32> to vector<16xf32>
      %swap3A_254 = vector.shape_cast %broadcast_in_dim3A_249 : vector<16xf32> to vector<1x16xf32>
      tpu.vector_store %arg12[%swap3A_250, %swap3A_251], %swap3A_254 {strides = array<i32>} : memref<16x128xf32, #tpu.memory_space<vmem>>, vector<1x16xf32>,
      %broadcast_in_dim3A_255 = arith.constant 0.000000e+00 : f32
      %broadcast_in_dim3A_256 = vector.broadcast %broadcast_in_dim3A_255 : f32 to vector<16xf32>
      %swap3A_257 = arith.index_cast %scan3A_220 : i32 to index
      %swap3A_258 = arith.constant 80 : index
      %swap3A_259 = tpu.vector_load %arg12[%swap3A_257, %swap3A_258] {strides = array<i32>} : memref<16x128xf32, #tpu.memory_space<vmem>>, vector<1x16xf32>,
      %swap3A_260 = vector.shape_cast %swap3A_259 : vector<1x16xf32> to vector<16xf32>
      %swap3A_261 = vector.shape_cast %broadcast_in_dim3A_256 : vector<16xf32> to vector<1x16xf32>
      tpu.vector_store %arg12[%swap3A_257, %swap3A_258], %swap3A_261 {strides = array<i32>} : memref<16x128xf32, #tpu.memory_space<vmem>>, vector<1x16xf32>,
      %broadcast_in_dim3A_262 = arith.constant 0.000000e+00 : f32
      %broadcast_in_dim3A_263 = vector.broadcast %broadcast_in_dim3A_262 : f32 to vector<16xf32>
      %swap3A_264 = arith.index_cast %scan3A_220 : i32 to index
      %swap3A_265 = arith.constant 96 : index
      %swap3A_266 = tpu.vector_load %arg12[%swap3A_264, %swap3A_265] {strides = array<i32>} : memref<16x128xf32, #tpu.memory_space<vmem>>, vector<1x16xf32>,
      %swap3A_267 = vector.shape_cast %swap3A_266 : vector<1x16xf32> to vector<16xf32>
      %swap3A_268 = vector.shape_cast %broadcast_in_dim3A_263 : vector<16xf32> to vector<1x16xf32>
      tpu.vector_store %arg12[%swap3A_264, %swap3A_265], %swap3A_268 {strides = array<i32>} : memref<16x128xf32, #tpu.memory_space<vmem>>, vector<1x16xf32>,
      %broadcast_in_dim3A_269 = arith.constant 0.000000e+00 : f32
      %broadcast_in_dim3A_270 = vector.broadcast %broadcast_in_dim3A_269 : f32 to vector<16xf32>
      %swap3A_271 = arith.index_cast %scan3A_220 : i32 to index
      %swap3A_272 = arith.constant 112 : index
      %swap3A_273 = tpu.vector_load %arg12[%swap3A_271, %swap3A_272] {strides = array<i32>} : memref<16x128xf32, #tpu.memory_space<vmem>>, vector<1x16xf32>,
      %swap3A_274 = vector.shape_cast %swap3A_273 : vector<1x16xf32> to vector<16xf32>
      %swap3A_275 = vector.shape_cast %broadcast_in_dim3A_270 : vector<16xf32> to vector<1x16xf32>
      tpu.vector_store %arg12[%swap3A_271, %swap3A_272], %swap3A_275 {strides = array<i32>} : memref<16x128xf32, #tpu.memory_space<vmem>>, vector<1x16xf32>,
      %scan3A_276 = arith.constant 0 : i32
      scf.yield %scan3A_276 : i32
    }
    %scan3A_8 = arith.constant 16 : i32
    %mul3A_9 = arith.constant 640 : i32
    %mul3A_10 = arith.muli %arg1, %mul3A_9 : i32
    %add3A_11 = arith.constant 0 : i32
    %add3A_12 = arith.addi %mul3A_10, %add3A_11 : i32
    "tpu.region"() ({
      %run_scoped3A = tpu.sem_alloc : memref<!tpu.dma_semaphore, #tpu.memory_space<semaphore_mem>>
      %dma_start3A_220 = arith.constant 0 : i32
      %dma_start3A_221 = tpu.memref_slice %arg13[%add3A_12, %dma_start3A_220] : memref<10240x128xf32, #tpu.memory_space<vmem_shared>> -> memref<16x128xf32, #tpu.memory_space<vmem_shared>>
      %dma_start3A_222 = arith.constant 0 : i32
      %dma_start3A_223 = tpu.memref_slice %arg13[%add3A_12, %dma_start3A_222] : memref<10240x128xf32, #tpu.memory_space<vmem_shared>> -> memref<16x128xf32, #tpu.memory_space<vmem_shared>>
      tpu.enqueue_dma source(%arg12 : memref<16x128xf32, #tpu.memory_space<vmem>>) target(%dma_start3A_223 : memref<16x128xf32, #tpu.memory_space<vmem_shared>>) target_semaphore(%run_scoped3A : memref<!tpu.dma_semaphore, #tpu.memory_space<semaphore_mem>>)
      %dma_wait3A_224 = arith.constant 0 : i32
      %dma_wait3A_225 = tpu.memref_slice %arg13[%add3A_12, %dma_wait3A_224] : memref<10240x128xf32, #tpu.memory_space<vmem_shared>> -> memref<16x128xf32, #tpu.memory_space<vmem_shared>>
      %dma_wait3A_226 = arith.constant 0 : i32
      %dma_wait3A_227 = tpu.memref_slice %arg13[%add3A_12, %dma_wait3A_226] : memref<10240x128xf32, #tpu.memory_space<vmem_shared>> -> memref<16x128xf32, #tpu.memory_space<vmem_shared>>
      tpu.wait_dma2 semaphore(%run_scoped3A : memref<!tpu.dma_semaphore, #tpu.memory_space<semaphore_mem>>) src(%arg12 : memref<16x128xf32, #tpu.memory_space<vmem>>) dst(%dma_wait3A_227 : memref<16x128xf32, #tpu.memory_space<vmem_shared>>)
      tpu.yield
    }) : () -> ()
    %mul3A_13 = arith.constant 640 : i32
    %mul3A_14 = arith.muli %arg1, %mul3A_13 : i32
    %add3A_15 = arith.constant 16 : i32
    %add3A_16 = arith.addi %mul3A_14, %add3A_15 : i32
    "tpu.region"() ({
      %run_scoped3A = tpu.sem_alloc : memref<!tpu.dma_semaphore, #tpu.memory_space<semaphore_mem>>
      %dma_start3A_220 = arith.constant 0 : i32
      %dma_start3A_221 = tpu.memref_slice %arg13[%add3A_16, %dma_start3A_220] : memref<10240x128xf32, #tpu.memory_space<vmem_shared>> -> memref<16x128xf32, #tpu.memory_space<vmem_shared>>
      %dma_start3A_222 = arith.constant 0 : i32
      %dma_start3A_223 = tpu.memref_slice %arg13[%add3A_16, %dma_start3A_222] : memref<10240x128xf32, #tpu.memory_space<vmem_shared>> -> memref<16x128xf32, #tpu.memory_space<vmem_shared>>
      tpu.enqueue_dma source(%arg12 : memref<16x128xf32, #tpu.memory_space<vmem>>) target(%dma_start3A_223 : memref<16x128xf32, #tpu.memory_space<vmem_shared>>) target_semaphore(%run_scoped3A : memref<!tpu.dma_semaphore, #tpu.memory_space<semaphore_mem>>)
      %dma_wait3A_224 = arith.constant 0 : i32
      %dma_wait3A_225 = tpu.memref_slice %arg13[%add3A_16, %dma_wait3A_224] : memref<10240x128xf32, #tpu.memory_space<vmem_shared>> -> memref<16x128xf32, #tpu.memory_space<vmem_shared>>
      %dma_wait3A_226 = arith.constant 0 : i32
      %dma_wait3A_227 = tpu.memref_slice %arg13[%add3A_16, %dma_wait3A_226] : memref<10240x128xf32, #tpu.memory_space<vmem_shared>> -> memref<16x128xf32, #tpu.memory_space<vmem_shared>>
      tpu.wait_dma2 semaphore(%run_scoped3A : memref<!tpu.dma_semaphore, #tpu.memory_space<semaphore_mem>>) src(%arg12 : memref<16x128xf32, #tpu.memory_space<vmem>>) dst(%dma_wait3A_227 : memref<16x128xf32, #tpu.memory_space<vmem_shared>>)
      tpu.yield
    }) : () -> ()
    %mul3A_17 = arith.constant 640 : i32
    %mul3A_18 = arith.muli %arg1, %mul3A_17 : i32
    %add3A_19 = arith.constant 32 : i32
    %add3A_20 = arith.addi %mul3A_18, %add3A_19 : i32
    "tpu.region"() ({
      %run_scoped3A = tpu.sem_alloc : memref<!tpu.dma_semaphore, #tpu.memory_space<semaphore_mem>>
      %dma_start3A_220 = arith.constant 0 : i32
      %dma_start3A_221 = tpu.memref_slice %arg13[%add3A_20, %dma_start3A_220] : memref<10240x128xf32, #tpu.memory_space<vmem_shared>> -> memref<16x128xf32, #tpu.memory_space<vmem_shared>>
      %dma_start3A_222 = arith.constant 0 : i32
      %dma_start3A_223 = tpu.memref_slice %arg13[%add3A_20, %dma_start3A_222] : memref<10240x128xf32, #tpu.memory_space<vmem_shared>> -> memref<16x128xf32, #tpu.memory_space<vmem_shared>>
      tpu.enqueue_dma source(%arg12 : memref<16x128xf32, #tpu.memory_space<vmem>>) target(%dma_start3A_223 : memref<16x128xf32, #tpu.memory_space<vmem_shared>>) target_semaphore(%run_scoped3A : memref<!tpu.dma_semaphore, #tpu.memory_space<semaphore_mem>>)
      %dma_wait3A_224 = arith.constant 0 : i32
      %dma_wait3A_225 = tpu.memref_slice %arg13[%add3A_20, %dma_wait3A_224] : memref<10240x128xf32, #tpu.memory_space<vmem_shared>> -> memref<16x128xf32, #tpu.memory_space<vmem_shared>>
      %dma_wait3A_226 = arith.constant 0 : i32
      %dma_wait3A_227 = tpu.memref_slice %arg13[%add3A_20, %dma_wait3A_226] : memref<10240x128xf32, #tpu.memory_space<vmem_shared>> -> memref<16x128xf32, #tpu.memory_space<vmem_shared>>
      tpu.wait_dma2 semaphore(%run_scoped3A : memref<!tpu.dma_semaphore, #tpu.memory_space<semaphore_mem>>) src(%arg12 : memref<16x128xf32, #tpu.memory_space<vmem>>) dst(%dma_wait3A_227 : memref<16x128xf32, #tpu.memory_space<vmem_shared>>)
      tpu.yield
    }) : () -> ()
    %mul3A_21 = arith.constant 640 : i32
    %mul3A_22 = arith.muli %arg1, %mul3A_21 : i32
    %add3A_23 = arith.constant 48 : i32
    %add3A_24 = arith.addi %mul3A_22, %add3A_23 : i32
    "tpu.region"() ({
      %run_scoped3A = tpu.sem_alloc : memref<!tpu.dma_semaphore, #tpu.memory_space<semaphore_mem>>
      %dma_start3A_220 = arith.constant 0 : i32
      %dma_start3A_221 = tpu.memref_slice %arg13[%add3A_24, %dma_start3A_220] : memref<10240x128xf32, #tpu.memory_space<vmem_shared>> -> memref<16x128xf32, #tpu.memory_space<vmem_shared>>
      %dma_start3A_222 = arith.constant 0 : i32
      %dma_start3A_223 = tpu.memref_slice %arg13[%add3A_24, %dma_start3A_222] : memref<10240x128xf32, #tpu.memory_space<vmem_shared>> -> memref<16x128xf32, #tpu.memory_space<vmem_shared>>
      tpu.enqueue_dma source(%arg12 : memref<16x128xf32, #tpu.memory_space<vmem>>) target(%dma_start3A_223 : memref<16x128xf32, #tpu.memory_space<vmem_shared>>) target_semaphore(%run_scoped3A : memref<!tpu.dma_semaphore, #tpu.memory_space<semaphore_mem>>)
      %dma_wait3A_224 = arith.constant 0 : i32
      %dma_wait3A_225 = tpu.memref_slice %arg13[%add3A_24, %dma_wait3A_224] : memref<10240x128xf32, #tpu.memory_space<vmem_shared>> -> memref<16x128xf32, #tpu.memory_space<vmem_shared>>
      %dma_wait3A_226 = arith.constant 0 : i32
      %dma_wait3A_227 = tpu.memref_slice %arg13[%add3A_24, %dma_wait3A_226] : memref<10240x128xf32, #tpu.memory_space<vmem_shared>> -> memref<16x128xf32, #tpu.memory_space<vmem_shared>>
      tpu.wait_dma2 semaphore(%run_scoped3A : memref<!tpu.dma_semaphore, #tpu.memory_space<semaphore_mem>>) src(%arg12 : memref<16x128xf32, #tpu.memory_space<vmem>>) dst(%dma_wait3A_227 : memref<16x128xf32, #tpu.memory_space<vmem_shared>>)
      tpu.yield
    }) : () -> ()
    %mul3A_25 = arith.constant 640 : i32
    %mul3A_26 = arith.muli %arg1, %mul3A_25 : i32
    %add3A_27 = arith.constant 64 : i32
    %add3A_28 = arith.addi %mul3A_26, %add3A_27 : i32
    "tpu.region"() ({
      %run_scoped3A = tpu.sem_alloc : memref<!tpu.dma_semaphore, #tpu.memory_space<semaphore_mem>>
      %dma_start3A_220 = arith.constant 0 : i32
      %dma_start3A_221 = tpu.memref_slice %arg13[%add3A_28, %dma_start3A_220] : memref<10240x128xf32, #tpu.memory_space<vmem_shared>> -> memref<16x128xf32, #tpu.memory_space<vmem_shared>>
      %dma_start3A_222 = arith.constant 0 : i32
      %dma_start3A_223 = tpu.memref_slice %arg13[%add3A_28, %dma_start3A_222] : memref<10240x128xf32, #tpu.memory_space<vmem_shared>> -> memref<16x128xf32, #tpu.memory_space<vmem_shared>>
      tpu.enqueue_dma source(%arg12 : memref<16x128xf32, #tpu.memory_space<vmem>>) target(%dma_start3A_223 : memref<16x128xf32, #tpu.memory_space<vmem_shared>>) target_semaphore(%run_scoped3A : memref<!tpu.dma_semaphore, #tpu.memory_space<semaphore_mem>>)
      %dma_wait3A_224 = arith.constant 0 : i32
      %dma_wait3A_225 = tpu.memref_slice %arg13[%add3A_28, %dma_wait3A_224] : memref<10240x128xf32, #tpu.memory_space<vmem_shared>> -> memref<16x128xf32, #tpu.memory_space<vmem_shared>>
      %dma_wait3A_226 = arith.constant 0 : i32
      %dma_wait3A_227 = tpu.memref_slice %arg13[%add3A_28, %dma_wait3A_226] : memref<10240x128xf32, #tpu.memory_space<vmem_shared>> -> memref<16x128xf32, #tpu.memory_space<vmem_shared>>
      tpu.wait_dma2 semaphore(%run_scoped3A : memref<!tpu.dma_semaphore, #tpu.memory_space<semaphore_mem>>) src(%arg12 : memref<16x128xf32, #tpu.memory_space<vmem>>) dst(%dma_wait3A_227 : memref<16x128xf32, #tpu.memory_space<vmem_shared>>)
      tpu.yield
    }) : () -> ()
    %mul3A_29 = arith.constant 640 : i32
    %mul3A_30 = arith.muli %arg1, %mul3A_29 : i32
    %add3A_31 = arith.constant 80 : i32
    %add3A_32 = arith.addi %mul3A_30, %add3A_31 : i32
    "tpu.region"() ({
      %run_scoped3A = tpu.sem_alloc : memref<!tpu.dma_semaphore, #tpu.memory_space<semaphore_mem>>
      %dma_start3A_220 = arith.constant 0 : i32
      %dma_start3A_221 = tpu.memref_slice %arg13[%add3A_32, %dma_start3A_220] : memref<10240x128xf32, #tpu.memory_space<vmem_shared>> -> memref<16x128xf32, #tpu.memory_space<vmem_shared>>
      %dma_start3A_222 = arith.constant 0 : i32
      %dma_start3A_223 = tpu.memref_slice %arg13[%add3A_32, %dma_start3A_222] : memref<10240x128xf32, #tpu.memory_space<vmem_shared>> -> memref<16x128xf32, #tpu.memory_space<vmem_shared>>
      tpu.enqueue_dma source(%arg12 : memref<16x128xf32, #tpu.memory_space<vmem>>) target(%dma_start3A_223 : memref<16x128xf32, #tpu.memory_space<vmem_shared>>) target_semaphore(%run_scoped3A : memref<!tpu.dma_semaphore, #tpu.memory_space<semaphore_mem>>)
      %dma_wait3A_224 = arith.constant 0 : i32
      %dma_wait3A_225 = tpu.memref_slice %arg13[%add3A_32, %dma_wait3A_224] : memref<10240x128xf32, #tpu.memory_space<vmem_shared>> -> memref<16x128xf32, #tpu.memory_space<vmem_shared>>
      %dma_wait3A_226 = arith.constant 0 : i32
      %dma_wait3A_227 = tpu.memref_slice %arg13[%add3A_32, %dma_wait3A_226] : memref<10240x128xf32, #tpu.memory_space<vmem_shared>> -> memref<16x128xf32, #tpu.memory_space<vmem_shared>>
      tpu.wait_dma2 semaphore(%run_scoped3A : memref<!tpu.dma_semaphore, #tpu.memory_space<semaphore_mem>>) src(%arg12 : memref<16x128xf32, #tpu.memory_space<vmem>>) dst(%dma_wait3A_227 : memref<16x128xf32, #tpu.memory_space<vmem_shared>>)
      tpu.yield
    }) : () -> ()
    %mul3A_33 = arith.constant 640 : i32
    %mul3A_34 = arith.muli %arg1, %mul3A_33 : i32
    %add3A_35 = arith.constant 96 : i32
    %add3A_36 = arith.addi %mul3A_34, %add3A_35 : i32
    "tpu.region"() ({
      %run_scoped3A = tpu.sem_alloc : memref<!tpu.dma_semaphore, #tpu.memory_space<semaphore_mem>>
      %dma_start3A_220 = arith.constant 0 : i32
      %dma_start3A_221 = tpu.memref_slice %arg13[%add3A_36, %dma_start3A_220] : memref<10240x128xf32, #tpu.memory_space<vmem_shared>> -> memref<16x128xf32, #tpu.memory_space<vmem_shared>>
      %dma_start3A_222 = arith.constant 0 : i32
      %dma_start3A_223 = tpu.memref_slice %arg13[%add3A_36, %dma_start3A_222] : memref<10240x128xf32, #tpu.memory_space<vmem_shared>> -> memref<16x128xf32, #tpu.memory_space<vmem_shared>>
      tpu.enqueue_dma source(%arg12 : memref<16x128xf32, #tpu.memory_space<vmem>>) target(%dma_start3A_223 : memref<16x128xf32, #tpu.memory_space<vmem_shared>>) target_semaphore(%run_scoped3A : memref<!tpu.dma_semaphore, #tpu.memory_space<semaphore_mem>>)
      %dma_wait3A_224 = arith.constant 0 : i32
      %dma_wait3A_225 = tpu.memref_slice %arg13[%add3A_36, %dma_wait3A_224] : memref<10240x128xf32, #tpu.memory_space<vmem_shared>> -> memref<16x128xf32, #tpu.memory_space<vmem_shared>>
      %dma_wait3A_226 = arith.constant 0 : i32
      %dma_wait3A_227 = tpu.memref_slice %arg13[%add3A_36, %dma_wait3A_226] : memref<10240x128xf32, #tpu.memory_space<vmem_shared>> -> memref<16x128xf32, #tpu.memory_space<vmem_shared>>
      tpu.wait_dma2 semaphore(%run_scoped3A : memref<!tpu.dma_semaphore, #tpu.memory_space<semaphore_mem>>) src(%arg12 : memref<16x128xf32, #tpu.memory_space<vmem>>) dst(%dma_wait3A_227 : memref<16x128xf32, #tpu.memory_space<vmem_shared>>)
      tpu.yield
    }) : () -> ()
    %mul3A_37 = arith.constant 640 : i32
    %mul3A_38 = arith.muli %arg1, %mul3A_37 : i32
    %add3A_39 = arith.constant 112 : i32
    %add3A_40 = arith.addi %mul3A_38, %add3A_39 : i32
    "tpu.region"() ({
      %run_scoped3A = tpu.sem_alloc : memref<!tpu.dma_semaphore, #tpu.memory_space<semaphore_mem>>
      %dma_start3A_220 = arith.constant 0 : i32
      %dma_start3A_221 = tpu.memref_slice %arg13[%add3A_40, %dma_start3A_220] : memref<10240x128xf32, #tpu.memory_space<vmem_shared>> -> memref<16x128xf32, #tpu.memory_space<vmem_shared>>
      %dma_start3A_222 = arith.constant 0 : i32
      %dma_start3A_223 = tpu.memref_slice %arg13[%add3A_40, %dma_start3A_222] : memref<10240x128xf32, #tpu.memory_space<vmem_shared>> -> memref<16x128xf32, #tpu.memory_space<vmem_shared>>
      tpu.enqueue_dma source(%arg12 : memref<16x128xf32, #tpu.memory_space<vmem>>) target(%dma_start3A_223 : memref<16x128xf32, #tpu.memory_space<vmem_shared>>) target_semaphore(%run_scoped3A : memref<!tpu.dma_semaphore, #tpu.memory_space<semaphore_mem>>)
      %dma_wait3A_224 = arith.constant 0 : i32
      %dma_wait3A_225 = tpu.memref_slice %arg13[%add3A_40, %dma_wait3A_224] : memref<10240x128xf32, #tpu.memory_space<vmem_shared>> -> memref<16x128xf32, #tpu.memory_space<vmem_shared>>
      %dma_wait3A_226 = arith.constant 0 : i32
      %dma_wait3A_227 = tpu.memref_slice %arg13[%add3A_40, %dma_wait3A_226] : memref<10240x128xf32, #tpu.memory_space<vmem_shared>> -> memref<16x128xf32, #tpu.memory_space<vmem_shared>>
      tpu.wait_dma2 semaphore(%run_scoped3A : memref<!tpu.dma_semaphore, #tpu.memory_space<semaphore_mem>>) src(%arg12 : memref<16x128xf32, #tpu.memory_space<vmem>>) dst(%dma_wait3A_227 : memref<16x128xf32, #tpu.memory_space<vmem_shared>>)
      tpu.yield
    }) : () -> ()
    %mul3A_41 = arith.constant 640 : i32
    %mul3A_42 = arith.muli %arg1, %mul3A_41 : i32
    %add3A_43 = arith.constant 128 : i32
    %add3A_44 = arith.addi %mul3A_42, %add3A_43 : i32
    "tpu.region"() ({
      %run_scoped3A = tpu.sem_alloc : memref<!tpu.dma_semaphore, #tpu.memory_space<semaphore_mem>>
      %dma_start3A_220 = arith.constant 0 : i32
      %dma_start3A_221 = tpu.memref_slice %arg13[%add3A_44, %dma_start3A_220] : memref<10240x128xf32, #tpu.memory_space<vmem_shared>> -> memref<16x128xf32, #tpu.memory_space<vmem_shared>>
      %dma_start3A_222 = arith.constant 0 : i32
      %dma_start3A_223 = tpu.memref_slice %arg13[%add3A_44, %dma_start3A_222] : memref<10240x128xf32, #tpu.memory_space<vmem_shared>> -> memref<16x128xf32, #tpu.memory_space<vmem_shared>>
      tpu.enqueue_dma source(%arg12 : memref<16x128xf32, #tpu.memory_space<vmem>>) target(%dma_start3A_223 : memref<16x128xf32, #tpu.memory_space<vmem_shared>>) target_semaphore(%run_scoped3A : memref<!tpu.dma_semaphore, #tpu.memory_space<semaphore_mem>>)
      %dma_wait3A_224 = arith.constant 0 : i32
      %dma_wait3A_225 = tpu.memref_slice %arg13[%add3A_44, %dma_wait3A_224] : memref<10240x128xf32, #tpu.memory_space<vmem_shared>> -> memref<16x128xf32, #tpu.memory_space<vmem_shared>>
      %dma_wait3A_226 = arith.constant 0 : i32
      %dma_wait3A_227 = tpu.memref_slice %arg13[%add3A_44, %dma_wait3A_226] : memref<10240x128xf32, #tpu.memory_space<vmem_shared>> -> memref<16x128xf32, #tpu.memory_space<vmem_shared>>
      tpu.wait_dma2 semaphore(%run_scoped3A : memref<!tpu.dma_semaphore, #tpu.memory_space<semaphore_mem>>) src(%arg12 : memref<16x128xf32, #tpu.memory_space<vmem>>) dst(%dma_wait3A_227 : memref<16x128xf32, #tpu.memory_space<vmem_shared>>)
      tpu.yield
    }) : () -> ()
    %mul3A_45 = arith.constant 640 : i32
    %mul3A_46 = arith.muli %arg1, %mul3A_45 : i32
    %add3A_47 = arith.constant 144 : i32
    %add3A_48 = arith.addi %mul3A_46, %add3A_47 : i32
    "tpu.region"() ({
      %run_scoped3A = tpu.sem_alloc : memref<!tpu.dma_semaphore, #tpu.memory_space<semaphore_mem>>
      %dma_start3A_220 = arith.constant 0 : i32
      %dma_start3A_221 = tpu.memref_slice %arg13[%add3A_48, %dma_start3A_220] : memref<10240x128xf32, #tpu.memory_space<vmem_shared>> -> memref<16x128xf32, #tpu.memory_space<vmem_shared>>
      %dma_start3A_222 = arith.constant 0 : i32
      %dma_start3A_223 = tpu.memref_slice %arg13[%add3A_48, %dma_start3A_222] : memref<10240x128xf32, #tpu.memory_space<vmem_shared>> -> memref<16x128xf32, #tpu.memory_space<vmem_shared>>
      tpu.enqueue_dma source(%arg12 : memref<16x128xf32, #tpu.memory_space<vmem>>) target(%dma_start3A_223 : memref<16x128xf32, #tpu.memory_space<vmem_shared>>) target_semaphore(%run_scoped3A : memref<!tpu.dma_semaphore, #tpu.memory_space<semaphore_mem>>)
      %dma_wait3A_224 = arith.constant 0 : i32
      %dma_wait3A_225 = tpu.memref_slice %arg13[%add3A_48, %dma_wait3A_224] : memref<10240x128xf32, #tpu.memory_space<vmem_shared>> -> memref<16x128xf32, #tpu.memory_space<vmem_shared>>
      %dma_wait3A_226 = arith.constant 0 : i32
      %dma_wait3A_227 = tpu.memref_slice %arg13[%add3A_48, %dma_wait3A_226] : memref<10240x128xf32, #tpu.memory_space<vmem_shared>> -> memref<16x128xf32, #tpu.memory_space<vmem_shared>>
      tpu.wait_dma2 semaphore(%run_scoped3A : memref<!tpu.dma_semaphore, #tpu.memory_space<semaphore_mem>>) src(%arg12 : memref<16x128xf32, #tpu.memory_space<vmem>>) dst(%dma_wait3A_227 : memref<16x128xf32, #tpu.memory_space<vmem_shared>>)
      tpu.yield
    }) : () -> ()
    %mul3A_49 = arith.constant 640 : i32
    %mul3A_50 = arith.muli %arg1, %mul3A_49 : i32
    %add3A_51 = arith.constant 160 : i32
    %add3A_52 = arith.addi %mul3A_50, %add3A_51 : i32
    "tpu.region"() ({
      %run_scoped3A = tpu.sem_alloc : memref<!tpu.dma_semaphore, #tpu.memory_space<semaphore_mem>>
      %dma_start3A_220 = arith.constant 0 : i32
      %dma_start3A_221 = tpu.memref_slice %arg13[%add3A_52, %dma_start3A_220] : memref<10240x128xf32, #tpu.memory_space<vmem_shared>> -> memref<16x128xf32, #tpu.memory_space<vmem_shared>>
      %dma_start3A_222 = arith.constant 0 : i32
      %dma_start3A_223 = tpu.memref_slice %arg13[%add3A_52, %dma_start3A_222] : memref<10240x128xf32, #tpu.memory_space<vmem_shared>> -> memref<16x128xf32, #tpu.memory_space<vmem_shared>>
      tpu.enqueue_dma source(%arg12 : memref<16x128xf32, #tpu.memory_space<vmem>>) target(%dma_start3A_223 : memref<16x128xf32, #tpu.memory_space<vmem_shared>>) target_semaphore(%run_scoped3A : memref<!tpu.dma_semaphore, #tpu.memory_space<semaphore_mem>>)
      %dma_wait3A_224 = arith.constant 0 : i32
      %dma_wait3A_225 = tpu.memref_slice %arg13[%add3A_52, %dma_wait3A_224] : memref<10240x128xf32, #tpu.memory_space<vmem_shared>> -> memref<16x128xf32, #tpu.memory_space<vmem_shared>>
      %dma_wait3A_226 = arith.constant 0 : i32
      %dma_wait3A_227 = tpu.memref_slice %arg13[%add3A_52, %dma_wait3A_226] : memref<10240x128xf32, #tpu.memory_space<vmem_shared>> -> memref<16x128xf32, #tpu.memory_space<vmem_shared>>
      tpu.wait_dma2 semaphore(%run_scoped3A : memref<!tpu.dma_semaphore, #tpu.memory_space<semaphore_mem>>) src(%arg12 : memref<16x128xf32, #tpu.memory_space<vmem>>) dst(%dma_wait3A_227 : memref<16x128xf32, #tpu.memory_space<vmem_shared>>)
      tpu.yield
    }) : () -> ()
    %mul3A_53 = arith.constant 640 : i32
    %mul3A_54 = arith.muli %arg1, %mul3A_53 : i32
    %add3A_55 = arith.constant 176 : i32
    %add3A_56 = arith.addi %mul3A_54, %add3A_55 : i32
    "tpu.region"() ({
      %run_scoped3A = tpu.sem_alloc : memref<!tpu.dma_semaphore, #tpu.memory_space<semaphore_mem>>
      %dma_start3A_220 = arith.constant 0 : i32
      %dma_start3A_221 = tpu.memref_slice %arg13[%add3A_56, %dma_start3A_220] : memref<10240x128xf32, #tpu.memory_space<vmem_shared>> -> memref<16x128xf32, #tpu.memory_space<vmem_shared>>
      %dma_start3A_222 = arith.constant 0 : i32
      %dma_start3A_223 = tpu.memref_slice %arg13[%add3A_56, %dma_start3A_222] : memref<10240x128xf32, #tpu.memory_space<vmem_shared>> -> memref<16x128xf32, #tpu.memory_space<vmem_shared>>
      tpu.enqueue_dma source(%arg12 : memref<16x128xf32, #tpu.memory_space<vmem>>) target(%dma_start3A_223 : memref<16x128xf32, #tpu.memory_space<vmem_shared>>) target_semaphore(%run_scoped3A : memref<!tpu.dma_semaphore, #tpu.memory_space<semaphore_mem>>)
      %dma_wait3A_224 = arith.constant 0 : i32
      %dma_wait3A_225 = tpu.memref_slice %arg13[%add3A_56, %dma_wait3A_224] : memref<10240x128xf32, #tpu.memory_space<vmem_shared>> -> memref<16x128xf32, #tpu.memory_space<vmem_shared>>
      %dma_wait3A_226 = arith.constant 0 : i32
      %dma_wait3A_227 = tpu.memref_slice %arg13[%add3A_56, %dma_wait3A_226] : memref<10240x128xf32, #tpu.memory_space<vmem_shared>> -> memref<16x128xf32, #tpu.memory_space<vmem_shared>>
      tpu.wait_dma2 semaphore(%run_scoped3A : memref<!tpu.dma_semaphore, #tpu.memory_space<semaphore_mem>>) src(%arg12 : memref<16x128xf32, #tpu.memory_space<vmem>>) dst(%dma_wait3A_227 : memref<16x128xf32, #tpu.memory_space<vmem_shared>>)
      tpu.yield
    }) : () -> ()
    %mul3A_57 = arith.constant 640 : i32
    %mul3A_58 = arith.muli %arg1, %mul3A_57 : i32
    %add3A_59 = arith.constant 192 : i32
    %add3A_60 = arith.addi %mul3A_58, %add3A_59 : i32
    "tpu.region"() ({
      %run_scoped3A = tpu.sem_alloc : memref<!tpu.dma_semaphore, #tpu.memory_space<semaphore_mem>>
      %dma_start3A_220 = arith.constant 0 : i32
      %dma_start3A_221 = tpu.memref_slice %arg13[%add3A_60, %dma_start3A_220] : memref<10240x128xf32, #tpu.memory_space<vmem_shared>> -> memref<16x128xf32, #tpu.memory_space<vmem_shared>>
      %dma_start3A_222 = arith.constant 0 : i32
      %dma_start3A_223 = tpu.memref_slice %arg13[%add3A_60, %dma_start3A_222] : memref<10240x128xf32, #tpu.memory_space<vmem_shared>> -> memref<16x128xf32, #tpu.memory_space<vmem_shared>>
      tpu.enqueue_dma source(%arg12 : memref<16x128xf32, #tpu.memory_space<vmem>>) target(%dma_start3A_223 : memref<16x128xf32, #tpu.memory_space<vmem_shared>>) target_semaphore(%run_scoped3A : memref<!tpu.dma_semaphore, #tpu.memory_space<semaphore_mem>>)
      %dma_wait3A_224 = arith.constant 0 : i32
      %dma_wait3A_225 = tpu.memref_slice %arg13[%add3A_60, %dma_wait3A_224] : memref<10240x128xf32, #tpu.memory_space<vmem_shared>> -> memref<16x128xf32, #tpu.memory_space<vmem_shared>>
      %dma_wait3A_226 = arith.constant 0 : i32
      %dma_wait3A_227 = tpu.memref_slice %arg13[%add3A_60, %dma_wait3A_226] : memref<10240x128xf32, #tpu.memory_space<vmem_shared>> -> memref<16x128xf32, #tpu.memory_space<vmem_shared>>
      tpu.wait_dma2 semaphore(%run_scoped3A : memref<!tpu.dma_semaphore, #tpu.memory_space<semaphore_mem>>) src(%arg12 : memref<16x128xf32, #tpu.memory_space<vmem>>) dst(%dma_wait3A_227 : memref<16x128xf32, #tpu.memory_space<vmem_shared>>)
      tpu.yield
    }) : () -> ()
    %mul3A_61 = arith.constant 640 : i32
    %mul3A_62 = arith.muli %arg1, %mul3A_61 : i32
    %add3A_63 = arith.constant 208 : i32
    %add3A_64 = arith.addi %mul3A_62, %add3A_63 : i32
    "tpu.region"() ({
      %run_scoped3A = tpu.sem_alloc : memref<!tpu.dma_semaphore, #tpu.memory_space<semaphore_mem>>
      %dma_start3A_220 = arith.constant 0 : i32
      %dma_start3A_221 = tpu.memref_slice %arg13[%add3A_64, %dma_start3A_220] : memref<10240x128xf32, #tpu.memory_space<vmem_shared>> -> memref<16x128xf32, #tpu.memory_space<vmem_shared>>
      %dma_start3A_222 = arith.constant 0 : i32
      %dma_start3A_223 = tpu.memref_slice %arg13[%add3A_64, %dma_start3A_222] : memref<10240x128xf32, #tpu.memory_space<vmem_shared>> -> memref<16x128xf32, #tpu.memory_space<vmem_shared>>
      tpu.enqueue_dma source(%arg12 : memref<16x128xf32, #tpu.memory_space<vmem>>) target(%dma_start3A_223 : memref<16x128xf32, #tpu.memory_space<vmem_shared>>) target_semaphore(%run_scoped3A : memref<!tpu.dma_semaphore, #tpu.memory_space<semaphore_mem>>)
      %dma_wait3A_224 = arith.constant 0 : i32
      %dma_wait3A_225 = tpu.memref_slice %arg13[%add3A_64, %dma_wait3A_224] : memref<10240x128xf32, #tpu.memory_space<vmem_shared>> -> memref<16x128xf32, #tpu.memory_space<vmem_shared>>
      %dma_wait3A_226 = arith.constant 0 : i32
      %dma_wait3A_227 = tpu.memref_slice %arg13[%add3A_64, %dma_wait3A_226] : memref<10240x128xf32, #tpu.memory_space<vmem_shared>> -> memref<16x128xf32, #tpu.memory_space<vmem_shared>>
      tpu.wait_dma2 semaphore(%run_scoped3A : memref<!tpu.dma_semaphore, #tpu.memory_space<semaphore_mem>>) src(%arg12 : memref<16x128xf32, #tpu.memory_space<vmem>>) dst(%dma_wait3A_227 : memref<16x128xf32, #tpu.memory_space<vmem_shared>>)
      tpu.yield
    }) : () -> ()
    %mul3A_65 = arith.constant 640 : i32
    %mul3A_66 = arith.muli %arg1, %mul3A_65 : i32
    %add3A_67 = arith.constant 224 : i32
    %add3A_68 = arith.addi %mul3A_66, %add3A_67 : i32
    "tpu.region"() ({
      %run_scoped3A = tpu.sem_alloc : memref<!tpu.dma_semaphore, #tpu.memory_space<semaphore_mem>>
      %dma_start3A_220 = arith.constant 0 : i32
      %dma_start3A_221 = tpu.memref_slice %arg13[%add3A_68, %dma_start3A_220] : memref<10240x128xf32, #tpu.memory_space<vmem_shared>> -> memref<16x128xf32, #tpu.memory_space<vmem_shared>>
      %dma_start3A_222 = arith.constant 0 : i32
      %dma_start3A_223 = tpu.memref_slice %arg13[%add3A_68, %dma_start3A_222] : memref<10240x128xf32, #tpu.memory_space<vmem_shared>> -> memref<16x128xf32, #tpu.memory_space<vmem_shared>>
      tpu.enqueue_dma source(%arg12 : memref<16x128xf32, #tpu.memory_space<vmem>>) target(%dma_start3A_223 : memref<16x128xf32, #tpu.memory_space<vmem_shared>>) target_semaphore(%run_scoped3A : memref<!tpu.dma_semaphore, #tpu.memory_space<semaphore_mem>>)
      %dma_wait3A_224 = arith.constant 0 : i32
      %dma_wait3A_225 = tpu.memref_slice %arg13[%add3A_68, %dma_wait3A_224] : memref<10240x128xf32, #tpu.memory_space<vmem_shared>> -> memref<16x128xf32, #tpu.memory_space<vmem_shared>>
      %dma_wait3A_226 = arith.constant 0 : i32
      %dma_wait3A_227 = tpu.memref_slice %arg13[%add3A_68, %dma_wait3A_226] : memref<10240x128xf32, #tpu.memory_space<vmem_shared>> -> memref<16x128xf32, #tpu.memory_space<vmem_shared>>
      tpu.wait_dma2 semaphore(%run_scoped3A : memref<!tpu.dma_semaphore, #tpu.memory_space<semaphore_mem>>) src(%arg12 : memref<16x128xf32, #tpu.memory_space<vmem>>) dst(%dma_wait3A_227 : memref<16x128xf32, #tpu.memory_space<vmem_shared>>)
      tpu.yield
    }) : () -> ()
    %mul3A_69 = arith.constant 640 : i32
    %mul3A_70 = arith.muli %arg1, %mul3A_69 : i32
    %add3A_71 = arith.constant 240 : i32
    %add3A_72 = arith.addi %mul3A_70, %add3A_71 : i32
    "tpu.region"() ({
      %run_scoped3A = tpu.sem_alloc : memref<!tpu.dma_semaphore, #tpu.memory_space<semaphore_mem>>
      %dma_start3A_220 = arith.constant 0 : i32
      %dma_start3A_221 = tpu.memref_slice %arg13[%add3A_72, %dma_start3A_220] : memref<10240x128xf32, #tpu.memory_space<vmem_shared>> -> memref<16x128xf32, #tpu.memory_space<vmem_shared>>
      %dma_start3A_222 = arith.constant 0 : i32
      %dma_start3A_223 = tpu.memref_slice %arg13[%add3A_72, %dma_start3A_222] : memref<10240x128xf32, #tpu.memory_space<vmem_shared>> -> memref<16x128xf32, #tpu.memory_space<vmem_shared>>
      tpu.enqueue_dma source(%arg12 : memref<16x128xf32, #tpu.memory_space<vmem>>) target(%dma_start3A_223 : memref<16x128xf32, #tpu.memory_space<vmem_shared>>) target_semaphore(%run_scoped3A : memref<!tpu.dma_semaphore, #tpu.memory_space<semaphore_mem>>)
      %dma_wait3A_224 = arith.constant 0 : i32
      %dma_wait3A_225 = tpu.memref_slice %arg13[%add3A_72, %dma_wait3A_224] : memref<10240x128xf32, #tpu.memory_space<vmem_shared>> -> memref<16x128xf32, #tpu.memory_space<vmem_shared>>
      %dma_wait3A_226 = arith.constant 0 : i32
      %dma_wait3A_227 = tpu.memref_slice %arg13[%add3A_72, %dma_wait3A_226] : memref<10240x128xf32, #tpu.memory_space<vmem_shared>> -> memref<16x128xf32, #tpu.memory_space<vmem_shared>>
      tpu.wait_dma2 semaphore(%run_scoped3A : memref<!tpu.dma_semaphore, #tpu.memory_space<semaphore_mem>>) src(%arg12 : memref<16x128xf32, #tpu.memory_space<vmem>>) dst(%dma_wait3A_227 : memref<16x128xf32, #tpu.memory_space<vmem_shared>>)
      tpu.yield
    }) : () -> ()
    %mul3A_73 = arith.constant 640 : i32
    %mul3A_74 = arith.muli %arg1, %mul3A_73 : i32
    %add3A_75 = arith.constant 256 : i32
    %add3A_76 = arith.addi %mul3A_74, %add3A_75 : i32
    "tpu.region"() ({
      %run_scoped3A = tpu.sem_alloc : memref<!tpu.dma_semaphore, #tpu.memory_space<semaphore_mem>>
      %dma_start3A_220 = arith.constant 0 : i32
      %dma_start3A_221 = tpu.memref_slice %arg13[%add3A_76, %dma_start3A_220] : memref<10240x128xf32, #tpu.memory_space<vmem_shared>> -> memref<16x128xf32, #tpu.memory_space<vmem_shared>>
      %dma_start3A_222 = arith.constant 0 : i32
      %dma_start3A_223 = tpu.memref_slice %arg13[%add3A_76, %dma_start3A_222] : memref<10240x128xf32, #tpu.memory_space<vmem_shared>> -> memref<16x128xf32, #tpu.memory_space<vmem_shared>>
      tpu.enqueue_dma source(%arg12 : memref<16x128xf32, #tpu.memory_space<vmem>>) target(%dma_start3A_223 : memref<16x128xf32, #tpu.memory_space<vmem_shared>>) target_semaphore(%run_scoped3A : memref<!tpu.dma_semaphore, #tpu.memory_space<semaphore_mem>>)
      %dma_wait3A_224 = arith.constant 0 : i32
      %dma_wait3A_225 = tpu.memref_slice %arg13[%add3A_76, %dma_wait3A_224] : memref<10240x128xf32, #tpu.memory_space<vmem_shared>> -> memref<16x128xf32, #tpu.memory_space<vmem_shared>>
      %dma_wait3A_226 = arith.constant 0 : i32
      %dma_wait3A_227 = tpu.memref_slice %arg13[%add3A_76, %dma_wait3A_226] : memref<10240x128xf32, #tpu.memory_space<vmem_shared>> -> memref<16x128xf32, #tpu.memory_space<vmem_shared>>
      tpu.wait_dma2 semaphore(%run_scoped3A : memref<!tpu.dma_semaphore, #tpu.memory_space<semaphore_mem>>) src(%arg12 : memref<16x128xf32, #tpu.memory_space<vmem>>) dst(%dma_wait3A_227 : memref<16x128xf32, #tpu.memory_space<vmem_shared>>)
      tpu.yield
    }) : () -> ()
    %mul3A_77 = arith.constant 640 : i32
    %mul3A_78 = arith.muli %arg1, %mul3A_77 : i32
    %add3A_79 = arith.constant 272 : i32
    %add3A_80 = arith.addi %mul3A_78, %add3A_79 : i32
    "tpu.region"() ({
      %run_scoped3A = tpu.sem_alloc : memref<!tpu.dma_semaphore, #tpu.memory_space<semaphore_mem>>
      %dma_start3A_220 = arith.constant 0 : i32
      %dma_start3A_221 = tpu.memref_slice %arg13[%add3A_80, %dma_start3A_220] : memref<10240x128xf32, #tpu.memory_space<vmem_shared>> -> memref<16x128xf32, #tpu.memory_space<vmem_shared>>
      %dma_start3A_222 = arith.constant 0 : i32
      %dma_start3A_223 = tpu.memref_slice %arg13[%add3A_80, %dma_start3A_222] : memref<10240x128xf32, #tpu.memory_space<vmem_shared>> -> memref<16x128xf32, #tpu.memory_space<vmem_shared>>
      tpu.enqueue_dma source(%arg12 : memref<16x128xf32, #tpu.memory_space<vmem>>) target(%dma_start3A_223 : memref<16x128xf32, #tpu.memory_space<vmem_shared>>) target_semaphore(%run_scoped3A : memref<!tpu.dma_semaphore, #tpu.memory_space<semaphore_mem>>)
      %dma_wait3A_224 = arith.constant 0 : i32
      %dma_wait3A_225 = tpu.memref_slice %arg13[%add3A_80, %dma_wait3A_224] : memref<10240x128xf32, #tpu.memory_space<vmem_shared>> -> memref<16x128xf32, #tpu.memory_space<vmem_shared>>
      %dma_wait3A_226 = arith.constant 0 : i32
      %dma_wait3A_227 = tpu.memref_slice %arg13[%add3A_80, %dma_wait3A_226] : memref<10240x128xf32, #tpu.memory_space<vmem_shared>> -> memref<16x128xf32, #tpu.memory_space<vmem_shared>>
      tpu.wait_dma2 semaphore(%run_scoped3A : memref<!tpu.dma_semaphore, #tpu.memory_space<semaphore_mem>>) src(%arg12 : memref<16x128xf32, #tpu.memory_space<vmem>>) dst(%dma_wait3A_227 : memref<16x128xf32, #tpu.memory_space<vmem_shared>>)
      tpu.yield
    }) : () -> ()
    %mul3A_81 = arith.constant 640 : i32
    %mul3A_82 = arith.muli %arg1, %mul3A_81 : i32
    %add3A_83 = arith.constant 288 : i32
    %add3A_84 = arith.addi %mul3A_82, %add3A_83 : i32
    "tpu.region"() ({
      %run_scoped3A = tpu.sem_alloc : memref<!tpu.dma_semaphore, #tpu.memory_space<semaphore_mem>>
      %dma_start3A_220 = arith.constant 0 : i32
      %dma_start3A_221 = tpu.memref_slice %arg13[%add3A_84, %dma_start3A_220] : memref<10240x128xf32, #tpu.memory_space<vmem_shared>> -> memref<16x128xf32, #tpu.memory_space<vmem_shared>>
      %dma_start3A_222 = arith.constant 0 : i32
      %dma_start3A_223 = tpu.memref_slice %arg13[%add3A_84, %dma_start3A_222] : memref<10240x128xf32, #tpu.memory_space<vmem_shared>> -> memref<16x128xf32, #tpu.memory_space<vmem_shared>>
      tpu.enqueue_dma source(%arg12 : memref<16x128xf32, #tpu.memory_space<vmem>>) target(%dma_start3A_223 : memref<16x128xf32, #tpu.memory_space<vmem_shared>>) target_semaphore(%run_scoped3A : memref<!tpu.dma_semaphore, #tpu.memory_space<semaphore_mem>>)
      %dma_wait3A_224 = arith.constant 0 : i32
      %dma_wait3A_225 = tpu.memref_slice %arg13[%add3A_84, %dma_wait3A_224] : memref<10240x128xf32, #tpu.memory_space<vmem_shared>> -> memref<16x128xf32, #tpu.memory_space<vmem_shared>>
      %dma_wait3A_226 = arith.constant 0 : i32
      %dma_wait3A_227 = tpu.memref_slice %arg13[%add3A_84, %dma_wait3A_226] : memref<10240x128xf32, #tpu.memory_space<vmem_shared>> -> memref<16x128xf32, #tpu.memory_space<vmem_shared>>
      tpu.wait_dma2 semaphore(%run_scoped3A : memref<!tpu.dma_semaphore, #tpu.memory_space<semaphore_mem>>) src(%arg12 : memref<16x128xf32, #tpu.memory_space<vmem>>) dst(%dma_wait3A_227 : memref<16x128xf32, #tpu.memory_space<vmem_shared>>)
      tpu.yield
    }) : () -> ()
    %mul3A_85 = arith.constant 640 : i32
    %mul3A_86 = arith.muli %arg1, %mul3A_85 : i32
    %add3A_87 = arith.constant 304 : i32
    %add3A_88 = arith.addi %mul3A_86, %add3A_87 : i32
    "tpu.region"() ({
      %run_scoped3A = tpu.sem_alloc : memref<!tpu.dma_semaphore, #tpu.memory_space<semaphore_mem>>
      %dma_start3A_220 = arith.constant 0 : i32
      %dma_start3A_221 = tpu.memref_slice %arg13[%add3A_88, %dma_start3A_220] : memref<10240x128xf32, #tpu.memory_space<vmem_shared>> -> memref<16x128xf32, #tpu.memory_space<vmem_shared>>
      %dma_start3A_222 = arith.constant 0 : i32
      %dma_start3A_223 = tpu.memref_slice %arg13[%add3A_88, %dma_start3A_222] : memref<10240x128xf32, #tpu.memory_space<vmem_shared>> -> memref<16x128xf32, #tpu.memory_space<vmem_shared>>
      tpu.enqueue_dma source(%arg12 : memref<16x128xf32, #tpu.memory_space<vmem>>) target(%dma_start3A_223 : memref<16x128xf32, #tpu.memory_space<vmem_shared>>) target_semaphore(%run_scoped3A : memref<!tpu.dma_semaphore, #tpu.memory_space<semaphore_mem>>)
      %dma_wait3A_224 = arith.constant 0 : i32
      %dma_wait3A_225 = tpu.memref_slice %arg13[%add3A_88, %dma_wait3A_224] : memref<10240x128xf32, #tpu.memory_space<vmem_shared>> -> memref<16x128xf32, #tpu.memory_space<vmem_shared>>
      %dma_wait3A_226 = arith.constant 0 : i32
      %dma_wait3A_227 = tpu.memref_slice %arg13[%add3A_88, %dma_wait3A_226] : memref<10240x128xf32, #tpu.memory_space<vmem_shared>> -> memref<16x128xf32, #tpu.memory_space<vmem_shared>>
      tpu.wait_dma2 semaphore(%run_scoped3A : memref<!tpu.dma_semaphore, #tpu.memory_space<semaphore_mem>>) src(%arg12 : memref<16x128xf32, #tpu.memory_space<vmem>>) dst(%dma_wait3A_227 : memref<16x128xf32, #tpu.memory_space<vmem_shared>>)
      tpu.yield
    }) : () -> ()
    %mul3A_89 = arith.constant 640 : i32
    %mul3A_90 = arith.muli %arg1, %mul3A_89 : i32
    %add3A_91 = arith.constant 320 : i32
    %add3A_92 = arith.addi %mul3A_90, %add3A_91 : i32
    "tpu.region"() ({
      %run_scoped3A = tpu.sem_alloc : memref<!tpu.dma_semaphore, #tpu.memory_space<semaphore_mem>>
      %dma_start3A_220 = arith.constant 0 : i32
      %dma_start3A_221 = tpu.memref_slice %arg13[%add3A_92, %dma_start3A_220] : memref<10240x128xf32, #tpu.memory_space<vmem_shared>> -> memref<16x128xf32, #tpu.memory_space<vmem_shared>>
      %dma_start3A_222 = arith.constant 0 : i32
      %dma_start3A_223 = tpu.memref_slice %arg13[%add3A_92, %dma_start3A_222] : memref<10240x128xf32, #tpu.memory_space<vmem_shared>> -> memref<16x128xf32, #tpu.memory_space<vmem_shared>>
      tpu.enqueue_dma source(%arg12 : memref<16x128xf32, #tpu.memory_space<vmem>>) target(%dma_start3A_223 : memref<16x128xf32, #tpu.memory_space<vmem_shared>>) target_semaphore(%run_scoped3A : memref<!tpu.dma_semaphore, #tpu.memory_space<semaphore_mem>>)
      %dma_wait3A_224 = arith.constant 0 : i32
      %dma_wait3A_225 = tpu.memref_slice %arg13[%add3A_92, %dma_wait3A_224] : memref<10240x128xf32, #tpu.memory_space<vmem_shared>> -> memref<16x128xf32, #tpu.memory_space<vmem_shared>>
      %dma_wait3A_226 = arith.constant 0 : i32
      %dma_wait3A_227 = tpu.memref_slice %arg13[%add3A_92, %dma_wait3A_226] : memref<10240x128xf32, #tpu.memory_space<vmem_shared>> -> memref<16x128xf32, #tpu.memory_space<vmem_shared>>
      tpu.wait_dma2 semaphore(%run_scoped3A : memref<!tpu.dma_semaphore, #tpu.memory_space<semaphore_mem>>) src(%arg12 : memref<16x128xf32, #tpu.memory_space<vmem>>) dst(%dma_wait3A_227 : memref<16x128xf32, #tpu.memory_space<vmem_shared>>)
      tpu.yield
    }) : () -> ()
    %mul3A_93 = arith.constant 640 : i32
    %mul3A_94 = arith.muli %arg1, %mul3A_93 : i32
    %add3A_95 = arith.constant 336 : i32
    %add3A_96 = arith.addi %mul3A_94, %add3A_95 : i32
    "tpu.region"() ({
      %run_scoped3A = tpu.sem_alloc : memref<!tpu.dma_semaphore, #tpu.memory_space<semaphore_mem>>
      %dma_start3A_220 = arith.constant 0 : i32
      %dma_start3A_221 = tpu.memref_slice %arg13[%add3A_96, %dma_start3A_220] : memref<10240x128xf32, #tpu.memory_space<vmem_shared>> -> memref<16x128xf32, #tpu.memory_space<vmem_shared>>
      %dma_start3A_222 = arith.constant 0 : i32
      %dma_start3A_223 = tpu.memref_slice %arg13[%add3A_96, %dma_start3A_222] : memref<10240x128xf32, #tpu.memory_space<vmem_shared>> -> memref<16x128xf32, #tpu.memory_space<vmem_shared>>
      tpu.enqueue_dma source(%arg12 : memref<16x128xf32, #tpu.memory_space<vmem>>) target(%dma_start3A_223 : memref<16x128xf32, #tpu.memory_space<vmem_shared>>) target_semaphore(%run_scoped3A : memref<!tpu.dma_semaphore, #tpu.memory_space<semaphore_mem>>)
      %dma_wait3A_224 = arith.constant 0 : i32
      %dma_wait3A_225 = tpu.memref_slice %arg13[%add3A_96, %dma_wait3A_224] : memref<10240x128xf32, #tpu.memory_space<vmem_shared>> -> memref<16x128xf32, #tpu.memory_space<vmem_shared>>
      %dma_wait3A_226 = arith.constant 0 : i32
      %dma_wait3A_227 = tpu.memref_slice %arg13[%add3A_96, %dma_wait3A_226] : memref<10240x128xf32, #tpu.memory_space<vmem_shared>> -> memref<16x128xf32, #tpu.memory_space<vmem_shared>>
      tpu.wait_dma2 semaphore(%run_scoped3A : memref<!tpu.dma_semaphore, #tpu.memory_space<semaphore_mem>>) src(%arg12 : memref<16x128xf32, #tpu.memory_space<vmem>>) dst(%dma_wait3A_227 : memref<16x128xf32, #tpu.memory_space<vmem_shared>>)
      tpu.yield
    }) : () -> ()
    %mul3A_97 = arith.constant 640 : i32
    %mul3A_98 = arith.muli %arg1, %mul3A_97 : i32
    %add3A_99 = arith.constant 352 : i32
    %add3A_100 = arith.addi %mul3A_98, %add3A_99 : i32
    "tpu.region"() ({
      %run_scoped3A = tpu.sem_alloc : memref<!tpu.dma_semaphore, #tpu.memory_space<semaphore_mem>>
      %dma_start3A_220 = arith.constant 0 : i32
      %dma_start3A_221 = tpu.memref_slice %arg13[%add3A_100, %dma_start3A_220] : memref<10240x128xf32, #tpu.memory_space<vmem_shared>> -> memref<16x128xf32, #tpu.memory_space<vmem_shared>>
      %dma_start3A_222 = arith.constant 0 : i32
      %dma_start3A_223 = tpu.memref_slice %arg13[%add3A_100, %dma_start3A_222] : memref<10240x128xf32, #tpu.memory_space<vmem_shared>> -> memref<16x128xf32, #tpu.memory_space<vmem_shared>>
      tpu.enqueue_dma source(%arg12 : memref<16x128xf32, #tpu.memory_space<vmem>>) target(%dma_start3A_223 : memref<16x128xf32, #tpu.memory_space<vmem_shared>>) target_semaphore(%run_scoped3A : memref<!tpu.dma_semaphore, #tpu.memory_space<semaphore_mem>>)
      %dma_wait3A_224 = arith.constant 0 : i32
      %dma_wait3A_225 = tpu.memref_slice %arg13[%add3A_100, %dma_wait3A_224] : memref<10240x128xf32, #tpu.memory_space<vmem_shared>> -> memref<16x128xf32, #tpu.memory_space<vmem_shared>>
      %dma_wait3A_226 = arith.constant 0 : i32
      %dma_wait3A_227 = tpu.memref_slice %arg13[%add3A_100, %dma_wait3A_226] : memref<10240x128xf32, #tpu.memory_space<vmem_shared>> -> memref<16x128xf32, #tpu.memory_space<vmem_shared>>
      tpu.wait_dma2 semaphore(%run_scoped3A : memref<!tpu.dma_semaphore, #tpu.memory_space<semaphore_mem>>) src(%arg12 : memref<16x128xf32, #tpu.memory_space<vmem>>) dst(%dma_wait3A_227 : memref<16x128xf32, #tpu.memory_space<vmem_shared>>)
      tpu.yield
    }) : () -> ()
    %mul3A_101 = arith.constant 640 : i32
    %mul3A_102 = arith.muli %arg1, %mul3A_101 : i32
    %add3A_103 = arith.constant 368 : i32
    %add3A_104 = arith.addi %mul3A_102, %add3A_103 : i32
    "tpu.region"() ({
      %run_scoped3A = tpu.sem_alloc : memref<!tpu.dma_semaphore, #tpu.memory_space<semaphore_mem>>
      %dma_start3A_220 = arith.constant 0 : i32
      %dma_start3A_221 = tpu.memref_slice %arg13[%add3A_104, %dma_start3A_220] : memref<10240x128xf32, #tpu.memory_space<vmem_shared>> -> memref<16x128xf32, #tpu.memory_space<vmem_shared>>
      %dma_start3A_222 = arith.constant 0 : i32
      %dma_start3A_223 = tpu.memref_slice %arg13[%add3A_104, %dma_start3A_222] : memref<10240x128xf32, #tpu.memory_space<vmem_shared>> -> memref<16x128xf32, #tpu.memory_space<vmem_shared>>
      tpu.enqueue_dma source(%arg12 : memref<16x128xf32, #tpu.memory_space<vmem>>) target(%dma_start3A_223 : memref<16x128xf32, #tpu.memory_space<vmem_shared>>) target_semaphore(%run_scoped3A : memref<!tpu.dma_semaphore, #tpu.memory_space<semaphore_mem>>)
      %dma_wait3A_224 = arith.constant 0 : i32
      %dma_wait3A_225 = tpu.memref_slice %arg13[%add3A_104, %dma_wait3A_224] : memref<10240x128xf32, #tpu.memory_space<vmem_shared>> -> memref<16x128xf32, #tpu.memory_space<vmem_shared>>
      %dma_wait3A_226 = arith.constant 0 : i32
      %dma_wait3A_227 = tpu.memref_slice %arg13[%add3A_104, %dma_wait3A_226] : memref<10240x128xf32, #tpu.memory_space<vmem_shared>> -> memref<16x128xf32, #tpu.memory_space<vmem_shared>>
      tpu.wait_dma2 semaphore(%run_scoped3A : memref<!tpu.dma_semaphore, #tpu.memory_space<semaphore_mem>>) src(%arg12 : memref<16x128xf32, #tpu.memory_space<vmem>>) dst(%dma_wait3A_227 : memref<16x128xf32, #tpu.memory_space<vmem_shared>>)
      tpu.yield
    }) : () -> ()
    %mul3A_105 = arith.constant 640 : i32
    %mul3A_106 = arith.muli %arg1, %mul3A_105 : i32
    %add3A_107 = arith.constant 384 : i32
    %add3A_108 = arith.addi %mul3A_106, %add3A_107 : i32
    "tpu.region"() ({
      %run_scoped3A = tpu.sem_alloc : memref<!tpu.dma_semaphore, #tpu.memory_space<semaphore_mem>>
      %dma_start3A_220 = arith.constant 0 : i32
      %dma_start3A_221 = tpu.memref_slice %arg13[%add3A_108, %dma_start3A_220] : memref<10240x128xf32, #tpu.memory_space<vmem_shared>> -> memref<16x128xf32, #tpu.memory_space<vmem_shared>>
      %dma_start3A_222 = arith.constant 0 : i32
      %dma_start3A_223 = tpu.memref_slice %arg13[%add3A_108, %dma_start3A_222] : memref<10240x128xf32, #tpu.memory_space<vmem_shared>> -> memref<16x128xf32, #tpu.memory_space<vmem_shared>>
      tpu.enqueue_dma source(%arg12 : memref<16x128xf32, #tpu.memory_space<vmem>>) target(%dma_start3A_223 : memref<16x128xf32, #tpu.memory_space<vmem_shared>>) target_semaphore(%run_scoped3A : memref<!tpu.dma_semaphore, #tpu.memory_space<semaphore_mem>>)
      %dma_wait3A_224 = arith.constant 0 : i32
      %dma_wait3A_225 = tpu.memref_slice %arg13[%add3A_108, %dma_wait3A_224] : memref<10240x128xf32, #tpu.memory_space<vmem_shared>> -> memref<16x128xf32, #tpu.memory_space<vmem_shared>>
      %dma_wait3A_226 = arith.constant 0 : i32
      %dma_wait3A_227 = tpu.memref_slice %arg13[%add3A_108, %dma_wait3A_226] : memref<10240x128xf32, #tpu.memory_space<vmem_shared>> -> memref<16x128xf32, #tpu.memory_space<vmem_shared>>
      tpu.wait_dma2 semaphore(%run_scoped3A : memref<!tpu.dma_semaphore, #tpu.memory_space<semaphore_mem>>) src(%arg12 : memref<16x128xf32, #tpu.memory_space<vmem>>) dst(%dma_wait3A_227 : memref<16x128xf32, #tpu.memory_space<vmem_shared>>)
      tpu.yield
    }) : () -> ()
    %mul3A_109 = arith.constant 640 : i32
    %mul3A_110 = arith.muli %arg1, %mul3A_109 : i32
    %add3A_111 = arith.constant 400 : i32
    %add3A_112 = arith.addi %mul3A_110, %add3A_111 : i32
    "tpu.region"() ({
      %run_scoped3A = tpu.sem_alloc : memref<!tpu.dma_semaphore, #tpu.memory_space<semaphore_mem>>
      %dma_start3A_220 = arith.constant 0 : i32
      %dma_start3A_221 = tpu.memref_slice %arg13[%add3A_112, %dma_start3A_220] : memref<10240x128xf32, #tpu.memory_space<vmem_shared>> -> memref<16x128xf32, #tpu.memory_space<vmem_shared>>
      %dma_start3A_222 = arith.constant 0 : i32
      %dma_start3A_223 = tpu.memref_slice %arg13[%add3A_112, %dma_start3A_222] : memref<10240x128xf32, #tpu.memory_space<vmem_shared>> -> memref<16x128xf32, #tpu.memory_space<vmem_shared>>
      tpu.enqueue_dma source(%arg12 : memref<16x128xf32, #tpu.memory_space<vmem>>) target(%dma_start3A_223 : memref<16x128xf32, #tpu.memory_space<vmem_shared>>) target_semaphore(%run_scoped3A : memref<!tpu.dma_semaphore, #tpu.memory_space<semaphore_mem>>)
      %dma_wait3A_224 = arith.constant 0 : i32
      %dma_wait3A_225 = tpu.memref_slice %arg13[%add3A_112, %dma_wait3A_224] : memref<10240x128xf32, #tpu.memory_space<vmem_shared>> -> memref<16x128xf32, #tpu.memory_space<vmem_shared>>
      %dma_wait3A_226 = arith.constant 0 : i32
      %dma_wait3A_227 = tpu.memref_slice %arg13[%add3A_112, %dma_wait3A_226] : memref<10240x128xf32, #tpu.memory_space<vmem_shared>> -> memref<16x128xf32, #tpu.memory_space<vmem_shared>>
      tpu.wait_dma2 semaphore(%run_scoped3A : memref<!tpu.dma_semaphore, #tpu.memory_space<semaphore_mem>>) src(%arg12 : memref<16x128xf32, #tpu.memory_space<vmem>>) dst(%dma_wait3A_227 : memref<16x128xf32, #tpu.memory_space<vmem_shared>>)
      tpu.yield
    }) : () -> ()
    %mul3A_113 = arith.constant 640 : i32
    %mul3A_114 = arith.muli %arg1, %mul3A_113 : i32
    %add3A_115 = arith.constant 416 : i32
    %add3A_116 = arith.addi %mul3A_114, %add3A_115 : i32
    "tpu.region"() ({
      %run_scoped3A = tpu.sem_alloc : memref<!tpu.dma_semaphore, #tpu.memory_space<semaphore_mem>>
      %dma_start3A_220 = arith.constant 0 : i32
      %dma_start3A_221 = tpu.memref_slice %arg13[%add3A_116, %dma_start3A_220] : memref<10240x128xf32, #tpu.memory_space<vmem_shared>> -> memref<16x128xf32, #tpu.memory_space<vmem_shared>>
      %dma_start3A_222 = arith.constant 0 : i32
      %dma_start3A_223 = tpu.memref_slice %arg13[%add3A_116, %dma_start3A_222] : memref<10240x128xf32, #tpu.memory_space<vmem_shared>> -> memref<16x128xf32, #tpu.memory_space<vmem_shared>>
      tpu.enqueue_dma source(%arg12 : memref<16x128xf32, #tpu.memory_space<vmem>>) target(%dma_start3A_223 : memref<16x128xf32, #tpu.memory_space<vmem_shared>>) target_semaphore(%run_scoped3A : memref<!tpu.dma_semaphore, #tpu.memory_space<semaphore_mem>>)
      %dma_wait3A_224 = arith.constant 0 : i32
      %dma_wait3A_225 = tpu.memref_slice %arg13[%add3A_116, %dma_wait3A_224] : memref<10240x128xf32, #tpu.memory_space<vmem_shared>> -> memref<16x128xf32, #tpu.memory_space<vmem_shared>>
      %dma_wait3A_226 = arith.constant 0 : i32
      %dma_wait3A_227 = tpu.memref_slice %arg13[%add3A_116, %dma_wait3A_226] : memref<10240x128xf32, #tpu.memory_space<vmem_shared>> -> memref<16x128xf32, #tpu.memory_space<vmem_shared>>
      tpu.wait_dma2 semaphore(%run_scoped3A : memref<!tpu.dma_semaphore, #tpu.memory_space<semaphore_mem>>) src(%arg12 : memref<16x128xf32, #tpu.memory_space<vmem>>) dst(%dma_wait3A_227 : memref<16x128xf32, #tpu.memory_space<vmem_shared>>)
      tpu.yield
    }) : () -> ()
    %mul3A_117 = arith.constant 640 : i32
    %mul3A_118 = arith.muli %arg1, %mul3A_117 : i32
    %add3A_119 = arith.constant 432 : i32
    %add3A_120 = arith.addi %mul3A_118, %add3A_119 : i32
    "tpu.region"() ({
      %run_scoped3A = tpu.sem_alloc : memref<!tpu.dma_semaphore, #tpu.memory_space<semaphore_mem>>
      %dma_start3A_220 = arith.constant 0 : i32
      %dma_start3A_221 = tpu.memref_slice %arg13[%add3A_120, %dma_start3A_220] : memref<10240x128xf32, #tpu.memory_space<vmem_shared>> -> memref<16x128xf32, #tpu.memory_space<vmem_shared>>
      %dma_start3A_222 = arith.constant 0 : i32
      %dma_start3A_223 = tpu.memref_slice %arg13[%add3A_120, %dma_start3A_222] : memref<10240x128xf32, #tpu.memory_space<vmem_shared>> -> memref<16x128xf32, #tpu.memory_space<vmem_shared>>
      tpu.enqueue_dma source(%arg12 : memref<16x128xf32, #tpu.memory_space<vmem>>) target(%dma_start3A_223 : memref<16x128xf32, #tpu.memory_space<vmem_shared>>) target_semaphore(%run_scoped3A : memref<!tpu.dma_semaphore, #tpu.memory_space<semaphore_mem>>)
      %dma_wait3A_224 = arith.constant 0 : i32
      %dma_wait3A_225 = tpu.memref_slice %arg13[%add3A_120, %dma_wait3A_224] : memref<10240x128xf32, #tpu.memory_space<vmem_shared>> -> memref<16x128xf32, #tpu.memory_space<vmem_shared>>
      %dma_wait3A_226 = arith.constant 0 : i32
      %dma_wait3A_227 = tpu.memref_slice %arg13[%add3A_120, %dma_wait3A_226] : memref<10240x128xf32, #tpu.memory_space<vmem_shared>> -> memref<16x128xf32, #tpu.memory_space<vmem_shared>>
      tpu.wait_dma2 semaphore(%run_scoped3A : memref<!tpu.dma_semaphore, #tpu.memory_space<semaphore_mem>>) src(%arg12 : memref<16x128xf32, #tpu.memory_space<vmem>>) dst(%dma_wait3A_227 : memref<16x128xf32, #tpu.memory_space<vmem_shared>>)
      tpu.yield
    }) : () -> ()
    %mul3A_121 = arith.constant 640 : i32
    %mul3A_122 = arith.muli %arg1, %mul3A_121 : i32
    %add3A_123 = arith.constant 448 : i32
    %add3A_124 = arith.addi %mul3A_122, %add3A_123 : i32
    "tpu.region"() ({
      %run_scoped3A = tpu.sem_alloc : memref<!tpu.dma_semaphore, #tpu.memory_space<semaphore_mem>>
      %dma_start3A_220 = arith.constant 0 : i32
      %dma_start3A_221 = tpu.memref_slice %arg13[%add3A_124, %dma_start3A_220] : memref<10240x128xf32, #tpu.memory_space<vmem_shared>> -> memref<16x128xf32, #tpu.memory_space<vmem_shared>>
      %dma_start3A_222 = arith.constant 0 : i32
      %dma_start3A_223 = tpu.memref_slice %arg13[%add3A_124, %dma_start3A_222] : memref<10240x128xf32, #tpu.memory_space<vmem_shared>> -> memref<16x128xf32, #tpu.memory_space<vmem_shared>>
      tpu.enqueue_dma source(%arg12 : memref<16x128xf32, #tpu.memory_space<vmem>>) target(%dma_start3A_223 : memref<16x128xf32, #tpu.memory_space<vmem_shared>>) target_semaphore(%run_scoped3A : memref<!tpu.dma_semaphore, #tpu.memory_space<semaphore_mem>>)
      %dma_wait3A_224 = arith.constant 0 : i32
      %dma_wait3A_225 = tpu.memref_slice %arg13[%add3A_124, %dma_wait3A_224] : memref<10240x128xf32, #tpu.memory_space<vmem_shared>> -> memref<16x128xf32, #tpu.memory_space<vmem_shared>>
      %dma_wait3A_226 = arith.constant 0 : i32
      %dma_wait3A_227 = tpu.memref_slice %arg13[%add3A_124, %dma_wait3A_226] : memref<10240x128xf32, #tpu.memory_space<vmem_shared>> -> memref<16x128xf32, #tpu.memory_space<vmem_shared>>
      tpu.wait_dma2 semaphore(%run_scoped3A : memref<!tpu.dma_semaphore, #tpu.memory_space<semaphore_mem>>) src(%arg12 : memref<16x128xf32, #tpu.memory_space<vmem>>) dst(%dma_wait3A_227 : memref<16x128xf32, #tpu.memory_space<vmem_shared>>)
      tpu.yield
    }) : () -> ()
    %mul3A_125 = arith.constant 640 : i32
    %mul3A_126 = arith.muli %arg1, %mul3A_125 : i32
    %add3A_127 = arith.constant 464 : i32
    %add3A_128 = arith.addi %mul3A_126, %add3A_127 : i32
    "tpu.region"() ({
      %run_scoped3A = tpu.sem_alloc : memref<!tpu.dma_semaphore, #tpu.memory_space<semaphore_mem>>
      %dma_start3A_220 = arith.constant 0 : i32
      %dma_start3A_221 = tpu.memref_slice %arg13[%add3A_128, %dma_start3A_220] : memref<10240x128xf32, #tpu.memory_space<vmem_shared>> -> memref<16x128xf32, #tpu.memory_space<vmem_shared>>
      %dma_start3A_222 = arith.constant 0 : i32
      %dma_start3A_223 = tpu.memref_slice %arg13[%add3A_128, %dma_start3A_222] : memref<10240x128xf32, #tpu.memory_space<vmem_shared>> -> memref<16x128xf32, #tpu.memory_space<vmem_shared>>
      tpu.enqueue_dma source(%arg12 : memref<16x128xf32, #tpu.memory_space<vmem>>) target(%dma_start3A_223 : memref<16x128xf32, #tpu.memory_space<vmem_shared>>) target_semaphore(%run_scoped3A : memref<!tpu.dma_semaphore, #tpu.memory_space<semaphore_mem>>)
      %dma_wait3A_224 = arith.constant 0 : i32
      %dma_wait3A_225 = tpu.memref_slice %arg13[%add3A_128, %dma_wait3A_224] : memref<10240x128xf32, #tpu.memory_space<vmem_shared>> -> memref<16x128xf32, #tpu.memory_space<vmem_shared>>
      %dma_wait3A_226 = arith.constant 0 : i32
      %dma_wait3A_227 = tpu.memref_slice %arg13[%add3A_128, %dma_wait3A_226] : memref<10240x128xf32, #tpu.memory_space<vmem_shared>> -> memref<16x128xf32, #tpu.memory_space<vmem_shared>>
      tpu.wait_dma2 semaphore(%run_scoped3A : memref<!tpu.dma_semaphore, #tpu.memory_space<semaphore_mem>>) src(%arg12 : memref<16x128xf32, #tpu.memory_space<vmem>>) dst(%dma_wait3A_227 : memref<16x128xf32, #tpu.memory_space<vmem_shared>>)
      tpu.yield
    }) : () -> ()
    %mul3A_129 = arith.constant 640 : i32
    %mul3A_130 = arith.muli %arg1, %mul3A_129 : i32
    %add3A_131 = arith.constant 480 : i32
    %add3A_132 = arith.addi %mul3A_130, %add3A_131 : i32
    "tpu.region"() ({
      %run_scoped3A = tpu.sem_alloc : memref<!tpu.dma_semaphore, #tpu.memory_space<semaphore_mem>>
      %dma_start3A_220 = arith.constant 0 : i32
      %dma_start3A_221 = tpu.memref_slice %arg13[%add3A_132, %dma_start3A_220] : memref<10240x128xf32, #tpu.memory_space<vmem_shared>> -> memref<16x128xf32, #tpu.memory_space<vmem_shared>>
      %dma_start3A_222 = arith.constant 0 : i32
      %dma_start3A_223 = tpu.memref_slice %arg13[%add3A_132, %dma_start3A_222] : memref<10240x128xf32, #tpu.memory_space<vmem_shared>> -> memref<16x128xf32, #tpu.memory_space<vmem_shared>>
      tpu.enqueue_dma source(%arg12 : memref<16x128xf32, #tpu.memory_space<vmem>>) target(%dma_start3A_223 : memref<16x128xf32, #tpu.memory_space<vmem_shared>>) target_semaphore(%run_scoped3A : memref<!tpu.dma_semaphore, #tpu.memory_space<semaphore_mem>>)
      %dma_wait3A_224 = arith.constant 0 : i32
      %dma_wait3A_225 = tpu.memref_slice %arg13[%add3A_132, %dma_wait3A_224] : memref<10240x128xf32, #tpu.memory_space<vmem_shared>> -> memref<16x128xf32, #tpu.memory_space<vmem_shared>>
      %dma_wait3A_226 = arith.constant 0 : i32
      %dma_wait3A_227 = tpu.memref_slice %arg13[%add3A_132, %dma_wait3A_226] : memref<10240x128xf32, #tpu.memory_space<vmem_shared>> -> memref<16x128xf32, #tpu.memory_space<vmem_shared>>
      tpu.wait_dma2 semaphore(%run_scoped3A : memref<!tpu.dma_semaphore, #tpu.memory_space<semaphore_mem>>) src(%arg12 : memref<16x128xf32, #tpu.memory_space<vmem>>) dst(%dma_wait3A_227 : memref<16x128xf32, #tpu.memory_space<vmem_shared>>)
      tpu.yield
    }) : () -> ()
    %mul3A_133 = arith.constant 640 : i32
    %mul3A_134 = arith.muli %arg1, %mul3A_133 : i32
    %add3A_135 = arith.constant 496 : i32
    %add3A_136 = arith.addi %mul3A_134, %add3A_135 : i32
    "tpu.region"() ({
      %run_scoped3A = tpu.sem_alloc : memref<!tpu.dma_semaphore, #tpu.memory_space<semaphore_mem>>
      %dma_start3A_220 = arith.constant 0 : i32
      %dma_start3A_221 = tpu.memref_slice %arg13[%add3A_136, %dma_start3A_220] : memref<10240x128xf32, #tpu.memory_space<vmem_shared>> -> memref<16x128xf32, #tpu.memory_space<vmem_shared>>
      %dma_start3A_222 = arith.constant 0 : i32
      %dma_start3A_223 = tpu.memref_slice %arg13[%add3A_136, %dma_start3A_222] : memref<10240x128xf32, #tpu.memory_space<vmem_shared>> -> memref<16x128xf32, #tpu.memory_space<vmem_shared>>
      tpu.enqueue_dma source(%arg12 : memref<16x128xf32, #tpu.memory_space<vmem>>) target(%dma_start3A_223 : memref<16x128xf32, #tpu.memory_space<vmem_shared>>) target_semaphore(%run_scoped3A : memref<!tpu.dma_semaphore, #tpu.memory_space<semaphore_mem>>)
      %dma_wait3A_224 = arith.constant 0 : i32
      %dma_wait3A_225 = tpu.memref_slice %arg13[%add3A_136, %dma_wait3A_224] : memref<10240x128xf32, #tpu.memory_space<vmem_shared>> -> memref<16x128xf32, #tpu.memory_space<vmem_shared>>
      %dma_wait3A_226 = arith.constant 0 : i32
      %dma_wait3A_227 = tpu.memref_slice %arg13[%add3A_136, %dma_wait3A_226] : memref<10240x128xf32, #tpu.memory_space<vmem_shared>> -> memref<16x128xf32, #tpu.memory_space<vmem_shared>>
      tpu.wait_dma2 semaphore(%run_scoped3A : memref<!tpu.dma_semaphore, #tpu.memory_space<semaphore_mem>>) src(%arg12 : memref<16x128xf32, #tpu.memory_space<vmem>>) dst(%dma_wait3A_227 : memref<16x128xf32, #tpu.memory_space<vmem_shared>>)
      tpu.yield
    }) : () -> ()
    %mul3A_137 = arith.constant 640 : i32
    %mul3A_138 = arith.muli %arg1, %mul3A_137 : i32
    %add3A_139 = arith.constant 512 : i32
    %add3A_140 = arith.addi %mul3A_138, %add3A_139 : i32
    "tpu.region"() ({
      %run_scoped3A = tpu.sem_alloc : memref<!tpu.dma_semaphore, #tpu.memory_space<semaphore_mem>>
      %dma_start3A_220 = arith.constant 0 : i32
      %dma_start3A_221 = tpu.memref_slice %arg13[%add3A_140, %dma_start3A_220] : memref<10240x128xf32, #tpu.memory_space<vmem_shared>> -> memref<16x128xf32, #tpu.memory_space<vmem_shared>>
      %dma_start3A_222 = arith.constant 0 : i32
      %dma_start3A_223 = tpu.memref_slice %arg13[%add3A_140, %dma_start3A_222] : memref<10240x128xf32, #tpu.memory_space<vmem_shared>> -> memref<16x128xf32, #tpu.memory_space<vmem_shared>>
      tpu.enqueue_dma source(%arg12 : memref<16x128xf32, #tpu.memory_space<vmem>>) target(%dma_start3A_223 : memref<16x128xf32, #tpu.memory_space<vmem_shared>>) target_semaphore(%run_scoped3A : memref<!tpu.dma_semaphore, #tpu.memory_space<semaphore_mem>>)
      %dma_wait3A_224 = arith.constant 0 : i32
      %dma_wait3A_225 = tpu.memref_slice %arg13[%add3A_140, %dma_wait3A_224] : memref<10240x128xf32, #tpu.memory_space<vmem_shared>> -> memref<16x128xf32, #tpu.memory_space<vmem_shared>>
      %dma_wait3A_226 = arith.constant 0 : i32
      %dma_wait3A_227 = tpu.memref_slice %arg13[%add3A_140, %dma_wait3A_226] : memref<10240x128xf32, #tpu.memory_space<vmem_shared>> -> memref<16x128xf32, #tpu.memory_space<vmem_shared>>
      tpu.wait_dma2 semaphore(%run_scoped3A : memref<!tpu.dma_semaphore, #tpu.memory_space<semaphore_mem>>) src(%arg12 : memref<16x128xf32, #tpu.memory_space<vmem>>) dst(%dma_wait3A_227 : memref<16x128xf32, #tpu.memory_space<vmem_shared>>)
      tpu.yield
    }) : () -> ()
    %mul3A_141 = arith.constant 640 : i32
    %mul3A_142 = arith.muli %arg1, %mul3A_141 : i32
    %add3A_143 = arith.constant 528 : i32
    %add3A_144 = arith.addi %mul3A_142, %add3A_143 : i32
    "tpu.region"() ({
      %run_scoped3A = tpu.sem_alloc : memref<!tpu.dma_semaphore, #tpu.memory_space<semaphore_mem>>
      %dma_start3A_220 = arith.constant 0 : i32
      %dma_start3A_221 = tpu.memref_slice %arg13[%add3A_144, %dma_start3A_220] : memref<10240x128xf32, #tpu.memory_space<vmem_shared>> -> memref<16x128xf32, #tpu.memory_space<vmem_shared>>
      %dma_start3A_222 = arith.constant 0 : i32
      %dma_start3A_223 = tpu.memref_slice %arg13[%add3A_144, %dma_start3A_222] : memref<10240x128xf32, #tpu.memory_space<vmem_shared>> -> memref<16x128xf32, #tpu.memory_space<vmem_shared>>
      tpu.enqueue_dma source(%arg12 : memref<16x128xf32, #tpu.memory_space<vmem>>) target(%dma_start3A_223 : memref<16x128xf32, #tpu.memory_space<vmem_shared>>) target_semaphore(%run_scoped3A : memref<!tpu.dma_semaphore, #tpu.memory_space<semaphore_mem>>)
      %dma_wait3A_224 = arith.constant 0 : i32
      %dma_wait3A_225 = tpu.memref_slice %arg13[%add3A_144, %dma_wait3A_224] : memref<10240x128xf32, #tpu.memory_space<vmem_shared>> -> memref<16x128xf32, #tpu.memory_space<vmem_shared>>
      %dma_wait3A_226 = arith.constant 0 : i32
      %dma_wait3A_227 = tpu.memref_slice %arg13[%add3A_144, %dma_wait3A_226] : memref<10240x128xf32, #tpu.memory_space<vmem_shared>> -> memref<16x128xf32, #tpu.memory_space<vmem_shared>>
      tpu.wait_dma2 semaphore(%run_scoped3A : memref<!tpu.dma_semaphore, #tpu.memory_space<semaphore_mem>>) src(%arg12 : memref<16x128xf32, #tpu.memory_space<vmem>>) dst(%dma_wait3A_227 : memref<16x128xf32, #tpu.memory_space<vmem_shared>>)
      tpu.yield
    }) : () -> ()
    %mul3A_145 = arith.constant 640 : i32
    %mul3A_146 = arith.muli %arg1, %mul3A_145 : i32
    %add3A_147 = arith.constant 544 : i32
    %add3A_148 = arith.addi %mul3A_146, %add3A_147 : i32
    "tpu.region"() ({
      %run_scoped3A = tpu.sem_alloc : memref<!tpu.dma_semaphore, #tpu.memory_space<semaphore_mem>>
      %dma_start3A_220 = arith.constant 0 : i32
      %dma_start3A_221 = tpu.memref_slice %arg13[%add3A_148, %dma_start3A_220] : memref<10240x128xf32, #tpu.memory_space<vmem_shared>> -> memref<16x128xf32, #tpu.memory_space<vmem_shared>>
      %dma_start3A_222 = arith.constant 0 : i32
      %dma_start3A_223 = tpu.memref_slice %arg13[%add3A_148, %dma_start3A_222] : memref<10240x128xf32, #tpu.memory_space<vmem_shared>> -> memref<16x128xf32, #tpu.memory_space<vmem_shared>>
      tpu.enqueue_dma source(%arg12 : memref<16x128xf32, #tpu.memory_space<vmem>>) target(%dma_start3A_223 : memref<16x128xf32, #tpu.memory_space<vmem_shared>>) target_semaphore(%run_scoped3A : memref<!tpu.dma_semaphore, #tpu.memory_space<semaphore_mem>>)
      %dma_wait3A_224 = arith.constant 0 : i32
      %dma_wait3A_225 = tpu.memref_slice %arg13[%add3A_148, %dma_wait3A_224] : memref<10240x128xf32, #tpu.memory_space<vmem_shared>> -> memref<16x128xf32, #tpu.memory_space<vmem_shared>>
      %dma_wait3A_226 = arith.constant 0 : i32
      %dma_wait3A_227 = tpu.memref_slice %arg13[%add3A_148, %dma_wait3A_226] : memref<10240x128xf32, #tpu.memory_space<vmem_shared>> -> memref<16x128xf32, #tpu.memory_space<vmem_shared>>
      tpu.wait_dma2 semaphore(%run_scoped3A : memref<!tpu.dma_semaphore, #tpu.memory_space<semaphore_mem>>) src(%arg12 : memref<16x128xf32, #tpu.memory_space<vmem>>) dst(%dma_wait3A_227 : memref<16x128xf32, #tpu.memory_space<vmem_shared>>)
      tpu.yield
    }) : () -> ()
    %mul3A_149 = arith.constant 640 : i32
    %mul3A_150 = arith.muli %arg1, %mul3A_149 : i32
    %add3A_151 = arith.constant 560 : i32
    %add3A_152 = arith.addi %mul3A_150, %add3A_151 : i32
    "tpu.region"() ({
      %run_scoped3A = tpu.sem_alloc : memref<!tpu.dma_semaphore, #tpu.memory_space<semaphore_mem>>
      %dma_start3A_220 = arith.constant 0 : i32
      %dma_start3A_221 = tpu.memref_slice %arg13[%add3A_152, %dma_start3A_220] : memref<10240x128xf32, #tpu.memory_space<vmem_shared>> -> memref<16x128xf32, #tpu.memory_space<vmem_shared>>
      %dma_start3A_222 = arith.constant 0 : i32
      %dma_start3A_223 = tpu.memref_slice %arg13[%add3A_152, %dma_start3A_222] : memref<10240x128xf32, #tpu.memory_space<vmem_shared>> -> memref<16x128xf32, #tpu.memory_space<vmem_shared>>
      tpu.enqueue_dma source(%arg12 : memref<16x128xf32, #tpu.memory_space<vmem>>) target(%dma_start3A_223 : memref<16x128xf32, #tpu.memory_space<vmem_shared>>) target_semaphore(%run_scoped3A : memref<!tpu.dma_semaphore, #tpu.memory_space<semaphore_mem>>)
      %dma_wait3A_224 = arith.constant 0 : i32
      %dma_wait3A_225 = tpu.memref_slice %arg13[%add3A_152, %dma_wait3A_224] : memref<10240x128xf32, #tpu.memory_space<vmem_shared>> -> memref<16x128xf32, #tpu.memory_space<vmem_shared>>
      %dma_wait3A_226 = arith.constant 0 : i32
      %dma_wait3A_227 = tpu.memref_slice %arg13[%add3A_152, %dma_wait3A_226] : memref<10240x128xf32, #tpu.memory_space<vmem_shared>> -> memref<16x128xf32, #tpu.memory_space<vmem_shared>>
      tpu.wait_dma2 semaphore(%run_scoped3A : memref<!tpu.dma_semaphore, #tpu.memory_space<semaphore_mem>>) src(%arg12 : memref<16x128xf32, #tpu.memory_space<vmem>>) dst(%dma_wait3A_227 : memref<16x128xf32, #tpu.memory_space<vmem_shared>>)
      tpu.yield
    }) : () -> ()
    %mul3A_153 = arith.constant 640 : i32
    %mul3A_154 = arith.muli %arg1, %mul3A_153 : i32
    %add3A_155 = arith.constant 576 : i32
    %add3A_156 = arith.addi %mul3A_154, %add3A_155 : i32
    "tpu.region"() ({
      %run_scoped3A = tpu.sem_alloc : memref<!tpu.dma_semaphore, #tpu.memory_space<semaphore_mem>>
      %dma_start3A_220 = arith.constant 0 : i32
      %dma_start3A_221 = tpu.memref_slice %arg13[%add3A_156, %dma_start3A_220] : memref<10240x128xf32, #tpu.memory_space<vmem_shared>> -> memref<16x128xf32, #tpu.memory_space<vmem_shared>>
      %dma_start3A_222 = arith.constant 0 : i32
      %dma_start3A_223 = tpu.memref_slice %arg13[%add3A_156, %dma_start3A_222] : memref<10240x128xf32, #tpu.memory_space<vmem_shared>> -> memref<16x128xf32, #tpu.memory_space<vmem_shared>>
      tpu.enqueue_dma source(%arg12 : memref<16x128xf32, #tpu.memory_space<vmem>>) target(%dma_start3A_223 : memref<16x128xf32, #tpu.memory_space<vmem_shared>>) target_semaphore(%run_scoped3A : memref<!tpu.dma_semaphore, #tpu.memory_space<semaphore_mem>>)
      %dma_wait3A_224 = arith.constant 0 : i32
      %dma_wait3A_225 = tpu.memref_slice %arg13[%add3A_156, %dma_wait3A_224] : memref<10240x128xf32, #tpu.memory_space<vmem_shared>> -> memref<16x128xf32, #tpu.memory_space<vmem_shared>>
      %dma_wait3A_226 = arith.constant 0 : i32
      %dma_wait3A_227 = tpu.memref_slice %arg13[%add3A_156, %dma_wait3A_226] : memref<10240x128xf32, #tpu.memory_space<vmem_shared>> -> memref<16x128xf32, #tpu.memory_space<vmem_shared>>
      tpu.wait_dma2 semaphore(%run_scoped3A : memref<!tpu.dma_semaphore, #tpu.memory_space<semaphore_mem>>) src(%arg12 : memref<16x128xf32, #tpu.memory_space<vmem>>) dst(%dma_wait3A_227 : memref<16x128xf32, #tpu.memory_space<vmem_shared>>)
      tpu.yield
    }) : () -> ()
    %mul3A_157 = arith.constant 640 : i32
    %mul3A_158 = arith.muli %arg1, %mul3A_157 : i32
    %add3A_159 = arith.constant 592 : i32
    %add3A_160 = arith.addi %mul3A_158, %add3A_159 : i32
    "tpu.region"() ({
      %run_scoped3A = tpu.sem_alloc : memref<!tpu.dma_semaphore, #tpu.memory_space<semaphore_mem>>
      %dma_start3A_220 = arith.constant 0 : i32
      %dma_start3A_221 = tpu.memref_slice %arg13[%add3A_160, %dma_start3A_220] : memref<10240x128xf32, #tpu.memory_space<vmem_shared>> -> memref<16x128xf32, #tpu.memory_space<vmem_shared>>
      %dma_start3A_222 = arith.constant 0 : i32
      %dma_start3A_223 = tpu.memref_slice %arg13[%add3A_160, %dma_start3A_222] : memref<10240x128xf32, #tpu.memory_space<vmem_shared>> -> memref<16x128xf32, #tpu.memory_space<vmem_shared>>
      tpu.enqueue_dma source(%arg12 : memref<16x128xf32, #tpu.memory_space<vmem>>) target(%dma_start3A_223 : memref<16x128xf32, #tpu.memory_space<vmem_shared>>) target_semaphore(%run_scoped3A : memref<!tpu.dma_semaphore, #tpu.memory_space<semaphore_mem>>)
      %dma_wait3A_224 = arith.constant 0 : i32
      %dma_wait3A_225 = tpu.memref_slice %arg13[%add3A_160, %dma_wait3A_224] : memref<10240x128xf32, #tpu.memory_space<vmem_shared>> -> memref<16x128xf32, #tpu.memory_space<vmem_shared>>
      %dma_wait3A_226 = arith.constant 0 : i32
      %dma_wait3A_227 = tpu.memref_slice %arg13[%add3A_160, %dma_wait3A_226] : memref<10240x128xf32, #tpu.memory_space<vmem_shared>> -> memref<16x128xf32, #tpu.memory_space<vmem_shared>>
      tpu.wait_dma2 semaphore(%run_scoped3A : memref<!tpu.dma_semaphore, #tpu.memory_space<semaphore_mem>>) src(%arg12 : memref<16x128xf32, #tpu.memory_space<vmem>>) dst(%dma_wait3A_227 : memref<16x128xf32, #tpu.memory_space<vmem_shared>>)
      tpu.yield
    }) : () -> ()
    %mul3A_161 = arith.constant 640 : i32
    %mul3A_162 = arith.muli %arg1, %mul3A_161 : i32
    %add3A_163 = arith.constant 608 : i32
    %add3A_164 = arith.addi %mul3A_162, %add3A_163 : i32
    "tpu.region"() ({
      %run_scoped3A = tpu.sem_alloc : memref<!tpu.dma_semaphore, #tpu.memory_space<semaphore_mem>>
      %dma_start3A_220 = arith.constant 0 : i32
      %dma_start3A_221 = tpu.memref_slice %arg13[%add3A_164, %dma_start3A_220] : memref<10240x128xf32, #tpu.memory_space<vmem_shared>> -> memref<16x128xf32, #tpu.memory_space<vmem_shared>>
      %dma_start3A_222 = arith.constant 0 : i32
      %dma_start3A_223 = tpu.memref_slice %arg13[%add3A_164, %dma_start3A_222] : memref<10240x128xf32, #tpu.memory_space<vmem_shared>> -> memref<16x128xf32, #tpu.memory_space<vmem_shared>>
      tpu.enqueue_dma source(%arg12 : memref<16x128xf32, #tpu.memory_space<vmem>>) target(%dma_start3A_223 : memref<16x128xf32, #tpu.memory_space<vmem_shared>>) target_semaphore(%run_scoped3A : memref<!tpu.dma_semaphore, #tpu.memory_space<semaphore_mem>>)
      %dma_wait3A_224 = arith.constant 0 : i32
      %dma_wait3A_225 = tpu.memref_slice %arg13[%add3A_164, %dma_wait3A_224] : memref<10240x128xf32, #tpu.memory_space<vmem_shared>> -> memref<16x128xf32, #tpu.memory_space<vmem_shared>>
      %dma_wait3A_226 = arith.constant 0 : i32
      %dma_wait3A_227 = tpu.memref_slice %arg13[%add3A_164, %dma_wait3A_226] : memref<10240x128xf32, #tpu.memory_space<vmem_shared>> -> memref<16x128xf32, #tpu.memory_space<vmem_shared>>
      tpu.wait_dma2 semaphore(%run_scoped3A : memref<!tpu.dma_semaphore, #tpu.memory_space<semaphore_mem>>) src(%arg12 : memref<16x128xf32, #tpu.memory_space<vmem>>) dst(%dma_wait3A_227 : memref<16x128xf32, #tpu.memory_space<vmem_shared>>)
      tpu.yield
    }) : () -> ()
    %mul3A_165 = arith.constant 640 : i32
    %mul3A_166 = arith.muli %arg1, %mul3A_165 : i32
    %add3A_167 = arith.constant 624 : i32
    %add3A_168 = arith.addi %mul3A_166, %add3A_167 : i32
    "tpu.region"() ({
      %run_scoped3A = tpu.sem_alloc : memref<!tpu.dma_semaphore, #tpu.memory_space<semaphore_mem>>
      %dma_start3A_220 = arith.constant 0 : i32
      %dma_start3A_221 = tpu.memref_slice %arg13[%add3A_168, %dma_start3A_220] : memref<10240x128xf32, #tpu.memory_space<vmem_shared>> -> memref<16x128xf32, #tpu.memory_space<vmem_shared>>
      %dma_start3A_222 = arith.constant 0 : i32
      %dma_start3A_223 = tpu.memref_slice %arg13[%add3A_168, %dma_start3A_222] : memref<10240x128xf32, #tpu.memory_space<vmem_shared>> -> memref<16x128xf32, #tpu.memory_space<vmem_shared>>
      tpu.enqueue_dma source(%arg12 : memref<16x128xf32, #tpu.memory_space<vmem>>) target(%dma_start3A_223 : memref<16x128xf32, #tpu.memory_space<vmem_shared>>) target_semaphore(%run_scoped3A : memref<!tpu.dma_semaphore, #tpu.memory_space<semaphore_mem>>)
      %dma_wait3A_224 = arith.constant 0 : i32
      %dma_wait3A_225 = tpu.memref_slice %arg13[%add3A_168, %dma_wait3A_224] : memref<10240x128xf32, #tpu.memory_space<vmem_shared>> -> memref<16x128xf32, #tpu.memory_space<vmem_shared>>
      %dma_wait3A_226 = arith.constant 0 : i32
      %dma_wait3A_227 = tpu.memref_slice %arg13[%add3A_168, %dma_wait3A_226] : memref<10240x128xf32, #tpu.memory_space<vmem_shared>> -> memref<16x128xf32, #tpu.memory_space<vmem_shared>>
      tpu.wait_dma2 semaphore(%run_scoped3A : memref<!tpu.dma_semaphore, #tpu.memory_space<semaphore_mem>>) src(%arg12 : memref<16x128xf32, #tpu.memory_space<vmem>>) dst(%dma_wait3A_227 : memref<16x128xf32, #tpu.memory_space<vmem_shared>>)
      tpu.yield
    }) : () -> ()
    %barrier3A = arith.constant 0 : index
    tpu.barrier barrier_id(%barrier3A)
    %dma_start3A = arith.constant 0 : i32
    %dma_start3A_169 = arith.constant 0 : i32
    %dma_start3A_170 = arith.constant 0 : i32
    %dma_start3A_171 = tpu.memref_slice %arg4[%add3A, %dma_start3A, %dma_start3A_169, %dma_start3A_170] : memref<32x250x2x40xi32, #tpu.memory_space<hbm>> -> memref<1x1x2x40xi32, #tpu.memory_space<hbm>>
    %dma_start3A_172 = tpu.memref_squeeze %dma_start3A_171 : memref<1x1x2x40xi32, #tpu.memory_space<hbm>> -> memref<2x40xi32, #tpu.memory_space<hbm>>
    %dma_start3A_173 = arith.constant 0 : i32
    %dma_start3A_174 = arith.constant 0 : i32
    %dma_start3A_175 = tpu.memref_slice %arg4[%add3A, %dma_start3A, %dma_start3A_173, %dma_start3A_174] : memref<32x250x2x40xi32, #tpu.memory_space<hbm>> -> memref<1x1x2x40xi32, #tpu.memory_space<hbm>>
    %dma_start3A_176 = tpu.memref_squeeze %dma_start3A_175 : memref<1x1x2x40xi32, #tpu.memory_space<hbm>> -> memref<2x40xi32, #tpu.memory_space<hbm>>
    tpu.enqueue_dma source(%dma_start3A_176 : memref<2x40xi32, #tpu.memory_space<hbm>>) target(%arg6 : memref<2x40xi32, #tpu.memory_space<vmem>>) target_semaphore(%arg14 : memref<!tpu.dma_semaphore, #tpu.memory_space<semaphore_mem>>)
    %dma_start3A_177 = arith.constant 1 : i32
    %dma_start3A_178 = arith.constant 0 : i32
    %dma_start3A_179 = arith.constant 0 : i32
    %dma_start3A_180 = tpu.memref_slice %arg4[%add3A, %dma_start3A_177, %dma_start3A_178, %dma_start3A_179] : memref<32x250x2x40xi32, #tpu.memory_space<hbm>> -> memref<1x1x2x40xi32, #tpu.memory_space<hbm>>
    %dma_start3A_181 = tpu.memref_squeeze %dma_start3A_180 : memref<1x1x2x40xi32, #tpu.memory_space<hbm>> -> memref<2x40xi32, #tpu.memory_space<hbm>>
    %dma_start3A_182 = arith.constant 0 : i32
    %dma_start3A_183 = arith.constant 0 : i32
    %dma_start3A_184 = tpu.memref_slice %arg4[%add3A, %dma_start3A_177, %dma_start3A_182, %dma_start3A_183] : memref<32x250x2x40xi32, #tpu.memory_space<hbm>> -> memref<1x1x2x40xi32, #tpu.memory_space<hbm>>
    %dma_start3A_185 = tpu.memref_squeeze %dma_start3A_184 : memref<1x1x2x40xi32, #tpu.memory_space<hbm>> -> memref<2x40xi32, #tpu.memory_space<hbm>>
    tpu.enqueue_dma source(%dma_start3A_185 : memref<2x40xi32, #tpu.memory_space<hbm>>) target(%arg7 : memref<2x40xi32, #tpu.memory_space<vmem>>) target_semaphore(%arg15 : memref<!tpu.dma_semaphore, #tpu.memory_space<semaphore_mem>>)
    %dma_wait3A = arith.constant 0 : i32
    %dma_wait3A_186 = arith.constant 0 : i32
    %dma_wait3A_187 = arith.constant 0 : i32
    %dma_wait3A_188 = arith.constant 0 : i32
    %dma_wait3A_189 = tpu.memref_slice %arg4[%dma_wait3A, %dma_wait3A_186, %dma_wait3A_187, %dma_wait3A_188] : memref<32x250x2x40xi32, #tpu.memory_space<hbm>> -> memref<1x1x2x40xi32, #tpu.memory_space<hbm>>
    %dma_wait3A_190 = tpu.memref_squeeze %dma_wait3A_189 : memref<1x1x2x40xi32, #tpu.memory_space<hbm>> -> memref<2x40xi32, #tpu.memory_space<hbm>>
    %dma_wait3A_191 = arith.constant 0 : i32
    %dma_wait3A_192 = arith.constant 0 : i32
    %dma_wait3A_193 = tpu.memref_slice %arg4[%dma_wait3A, %dma_wait3A_186, %dma_wait3A_191, %dma_wait3A_192] : memref<32x250x2x40xi32, #tpu.memory_space<hbm>> -> memref<1x1x2x40xi32, #tpu.memory_space<hbm>>
    %dma_wait3A_194 = tpu.memref_squeeze %dma_wait3A_193 : memref<1x1x2x40xi32, #tpu.memory_space<hbm>> -> memref<2x40xi32, #tpu.memory_space<hbm>>
    tpu.wait_dma2 semaphore(%arg14 : memref<!tpu.dma_semaphore, #tpu.memory_space<semaphore_mem>>) src(%dma_wait3A_194 : memref<2x40xi32, #tpu.memory_space<hbm>>) dst(%arg6 : memref<2x40xi32, #tpu.memory_space<vmem>>)
    %dma_start3A_195 = arith.constant 0 : i32
    %dma_start3A_196 = arith.constant 0 : i32
    %dma_start3A_197 = tpu.memref_slice %arg6[%dma_start3A_195, %dma_start3A_196] : memref<2x40xi32, #tpu.memory_space<vmem>> -> memref<1x40xi32, #tpu.memory_space<vmem>>
    %dma_start3A_198 = tpu.memref_squeeze %dma_start3A_197 : memref<1x40xi32, #tpu.memory_space<vmem>> -> memref<40xi32, #tpu.memory_space<vmem>>
    %dma_start3A_199 = arith.constant 0 : i32
    %dma_start3A_200 = arith.constant 0 : i32
    %dma_start3A_201 = tpu.memref_slice %arg2[%dma_start3A_199, %dma_start3A_200] : memref<10000x128xf32, #tpu.memory_space<hbm>> -> memref<10000x128xf32, #tpu.memory_space<hbm>>
    tpu.enqueue_indirect_dma source(%dma_start3A_201 : memref<10000x128xf32, #tpu.memory_space<hbm>>) target(%arg8 : memref<40x128xf32, #tpu.memory_space<vmem>>) offsets(%dma_start3A_198 : memref<40xi32, #tpu.memory_space<vmem>>) semaphore(%arg16 : memref<!tpu.dma_semaphore, #tpu.memory_space<semaphore_mem>>)
    %add3A_202 = arith.constant 0 : i32
    %add3A_203 = arith.addi %mul3A_2, %add3A_202 : i32
    %dma_start3A_204 = arith.constant 0 : i32
    %dma_start3A_205 = tpu.memref_slice %arg3[%add3A_203, %dma_start3A_204] : memref<320000x128xf32, #tpu.memory_space<hbm>> -> memref<40x128xf32, #tpu.memory_space<hbm>>
    %dma_start3A_206 = arith.constant 0 : i32
    %dma_start3A_207 = tpu.memref_slice %arg3[%add3A_203, %dma_start3A_206] : memref<320000x128xf32, #tpu.memory_space<hbm>> -> memref<40x128xf32, #tpu.memory_space<hbm>>
    tpu.enqueue_dma source(%dma_start3A_207 : memref<40x128xf32, #tpu.memory_space<hbm>>) target(%arg10 : memref<40x128xf32, #tpu.memory_space<vmem>>) target_semaphore(%arg16 : memref<!tpu.dma_semaphore, #tpu.memory_space<semaphore_mem>>)
    %scan3A_208 = arith.constant 0 : i32
    %scan3A_209 = arith.constant 0 : i32
    %scan3A_210 = arith.constant 125 : i32
    %scan3A_211 = arith.addi %scan3A_209, %scan3A_210 : i32
    %scan3A_212 = arith.constant 1 : i32
    %scan3A_213 = scf.for %scan3A_220 = %scan3A_209 to %scan3A_211 step %scan3A_212 iter_args(%scan3A_221 = %scan3A_208) -> (i32)  : i32 {
      %mul3A_222 = arith.constant 2 : i32
      %mul3A_223 = arith.muli %mul3A_222, %scan3A_220 : i32
      %add3A_224 = arith.constant 1 : i32
      %add3A_225 = arith.addi %mul3A_223, %add3A_224 : i32
      %dma_wait3A_226 = arith.constant 0 : i32
      %dma_wait3A_227 = arith.constant 0 : i32
      %dma_wait3A_228 = arith.constant 0 : i32
      %dma_wait3A_229 = arith.constant 0 : i32
      %dma_wait3A_230 = tpu.memref_slice %arg4[%dma_wait3A_226, %dma_wait3A_227, %dma_wait3A_228, %dma_wait3A_229] : memref<32x250x2x40xi32, #tpu.memory_space<hbm>> -> memref<1x1x2x40xi32, #tpu.memory_space<hbm>>
      %dma_wait3A_231 = tpu.memref_squeeze %dma_wait3A_230 : memref<1x1x2x40xi32, #tpu.memory_space<hbm>> -> memref<2x40xi32, #tpu.memory_space<hbm>>
      %dma_wait3A_232 = arith.constant 0 : i32
      %dma_wait3A_233 = arith.constant 0 : i32
      %dma_wait3A_234 = tpu.memref_slice %arg4[%dma_wait3A_226, %dma_wait3A_227, %dma_wait3A_232, %dma_wait3A_233] : memref<32x250x2x40xi32, #tpu.memory_space<hbm>> -> memref<1x1x2x40xi32, #tpu.memory_space<hbm>>
      %dma_wait3A_235 = tpu.memref_squeeze %dma_wait3A_234 : memref<1x1x2x40xi32, #tpu.memory_space<hbm>> -> memref<2x40xi32, #tpu.memory_space<hbm>>
      tpu.wait_dma2 semaphore(%arg15 : memref<!tpu.dma_semaphore, #tpu.memory_space<semaphore_mem>>) src(%dma_wait3A_235 : memref<2x40xi32, #tpu.memory_space<hbm>>) dst(%arg7 : memref<2x40xi32, #tpu.memory_space<vmem>>)
      %dma_start3A_236 = arith.constant 0 : i32
      %dma_start3A_237 = arith.constant 0 : i32
      %dma_start3A_238 = tpu.memref_slice %arg7[%dma_start3A_236, %dma_start3A_237] : memref<2x40xi32, #tpu.memory_space<vmem>> -> memref<1x40xi32, #tpu.memory_space<vmem>>
      %dma_start3A_239 = tpu.memref_squeeze %dma_start3A_238 : memref<1x40xi32, #tpu.memory_space<vmem>> -> memref<40xi32, #tpu.memory_space<vmem>>
      %dma_start3A_240 = arith.constant 0 : i32
      %dma_start3A_241 = arith.constant 0 : i32
      %dma_start3A_242 = tpu.memref_slice %arg2[%dma_start3A_240, %dma_start3A_241] : memref<10000x128xf32, #tpu.memory_space<hbm>> -> memref<10000x128xf32, #tpu.memory_space<hbm>>
      tpu.enqueue_indirect_dma source(%dma_start3A_242 : memref<10000x128xf32, #tpu.memory_space<hbm>>) target(%arg9 : memref<40x128xf32, #tpu.memory_space<vmem>>) offsets(%dma_start3A_239 : memref<40xi32, #tpu.memory_space<vmem>>) semaphore(%arg17 : memref<!tpu.dma_semaphore, #tpu.memory_space<semaphore_mem>>)
      %mul3A_243 = arith.constant 40 : i32
      %mul3A_244 = arith.muli %add3A_225, %mul3A_243 : i32
      %add3A_245 = arith.addi %mul3A_2, %mul3A_244 : i32
      %dma_start3A_246 = arith.constant 0 : i32
      %dma_start3A_247 = tpu.memref_slice %arg3[%add3A_245, %dma_start3A_246] : memref<320000x128xf32, #tpu.memory_space<hbm>> -> memref<40x128xf32, #tpu.memory_space<hbm>>
      %dma_start3A_248 = arith.constant 0 : i32
      %dma_start3A_249 = tpu.memref_slice %arg3[%add3A_245, %dma_start3A_248] : memref<320000x128xf32, #tpu.memory_space<hbm>> -> memref<40x128xf32, #tpu.memory_space<hbm>>
      tpu.enqueue_dma source(%dma_start3A_249 : memref<40x128xf32, #tpu.memory_space<hbm>>) target(%arg11 : memref<40x128xf32, #tpu.memory_space<vmem>>) target_semaphore(%arg17 : memref<!tpu.dma_semaphore, #tpu.memory_space<semaphore_mem>>)
      %dma_wait3A_250 = arith.constant 0 : i32
      %dma_wait3A_251 = arith.constant 0 : i32
      %dma_wait3A_252 = tpu.memref_slice %arg3[%dma_wait3A_250, %dma_wait3A_251] : memref<320000x128xf32, #tpu.memory_space<hbm>> -> memref<40x128xf32, #tpu.memory_space<hbm>>
      %dma_wait3A_253 = arith.constant 0 : i32
      %dma_wait3A_254 = arith.constant 0 : i32
      %dma_wait3A_255 = tpu.memref_slice %arg3[%dma_wait3A_253, %dma_wait3A_254] : memref<320000x128xf32, #tpu.memory_space<hbm>> -> memref<40x128xf32, #tpu.memory_space<hbm>>
      tpu.wait_dma2 semaphore(%arg16 : memref<!tpu.dma_semaphore, #tpu.memory_space<semaphore_mem>>) src(%dma_wait3A_255 : memref<40x128xf32, #tpu.memory_space<hbm>>) dst(%arg8 : memref<40x128xf32, #tpu.memory_space<vmem>>)
      %dma_wait3A_256 = arith.constant 0 : i32
      %dma_wait3A_257 = arith.constant 0 : i32
      %dma_wait3A_258 = tpu.memref_slice %arg3[%dma_wait3A_256, %dma_wait3A_257] : memref<320000x128xf32, #tpu.memory_space<hbm>> -> memref<40x128xf32, #tpu.memory_space<hbm>>
      %dma_wait3A_259 = arith.constant 0 : i32
      %dma_wait3A_260 = arith.constant 0 : i32
      %dma_wait3A_261 = tpu.memref_slice %arg3[%dma_wait3A_259, %dma_wait3A_260] : memref<320000x128xf32, #tpu.memory_space<hbm>> -> memref<40x128xf32, #tpu.memory_space<hbm>>
      tpu.wait_dma2 semaphore(%arg16 : memref<!tpu.dma_semaphore, #tpu.memory_space<semaphore_mem>>) src(%dma_wait3A_261 : memref<40x128xf32, #tpu.memory_space<hbm>>) dst(%arg10 : memref<40x128xf32, #tpu.memory_space<vmem>>)
      %run_scoped3A = arith.constant 1 : i32
      "tpu.region"() ({
        %run_scoped3A_289 = tpu.sem_alloc : memref<!tpu.dma_semaphore, #tpu.memory_space<semaphore_mem>>
        %dma_start3A_290 = arith.constant 0 : i32
        %dma_start3A_291 = tpu.memref_slice %arg6[%run_scoped3A, %dma_start3A_290] : memref<2x40xi32, #tpu.memory_space<vmem>> -> memref<1x40xi32, #tpu.memory_space<vmem>>
        %dma_start3A_292 = tpu.memref_squeeze %dma_start3A_291 : memref<1x40xi32, #tpu.memory_space<vmem>> -> memref<40xi32, #tpu.memory_space<vmem>>
        %dma_start3A_293 = arith.constant 0 : i32
        %dma_start3A_294 = arith.constant 0 : i32
        %dma_start3A_295 = tpu.memref_slice %arg13[%dma_start3A_293, %dma_start3A_294] : memref<10240x128xf32, #tpu.memory_space<vmem_shared>> -> memref<10240x128xf32, #tpu.memory_space<vmem_shared>>
        tpu.enqueue_indirect_dma source(%arg8 : memref<40x128xf32, #tpu.memory_space<vmem>>) target(%dma_start3A_295 : memref<10240x128xf32, #tpu.memory_space<vmem_shared>>) offsets(%dma_start3A_292 : memref<40xi32, #tpu.memory_space<vmem>>) semaphore(%run_scoped3A_289 : memref<!tpu.dma_semaphore, #tpu.memory_space<semaphore_mem>>) {add = true}
        %dma_wait3A_296 = arith.constant 0 : i32
        %dma_wait3A_297 = tpu.memref_slice %arg6[%run_scoped3A, %dma_wait3A_296] : memref<2x40xi32, #tpu.memory_space<vmem>> -> memref<1x40xi32, #tpu.memory_space<vmem>>
        %dma_wait3A_298 = tpu.memref_squeeze %dma_wait3A_297 : memref<1x40xi32, #tpu.memory_space<vmem>> -> memref<40xi32, #tpu.memory_space<vmem>>
        %dma_wait3A_299 = arith.constant 0 : i32
        %dma_wait3A_300 = arith.constant 0 : i32
        %dma_wait3A_301 = tpu.memref_slice %arg13[%dma_wait3A_299, %dma_wait3A_300] : memref<10240x128xf32, #tpu.memory_space<vmem_shared>> -> memref<10240x128xf32, #tpu.memory_space<vmem_shared>>
        tpu.wait_indirect_dma semaphore(%run_scoped3A_289 : memref<!tpu.dma_semaphore, #tpu.memory_space<semaphore_mem>>) src(%arg8 : memref<40x128xf32, #tpu.memory_space<vmem>>) dst(%dma_wait3A_301 : memref<10240x128xf32, #tpu.memory_space<vmem_shared>>)
        tpu.yield
      }) : () -> ()
      %add3A_262 = arith.constant 2 : i32
      %add3A_263 = arith.addi %mul3A_223, %add3A_262 : i32
      %lt3A = arith.constant 250 : i32
      %lt3A_264 = arith.cmpi slt, %add3A_263, %lt3A : i32
      %convert_element_type3A = arith.extui %lt3A_264 : i1 to i32
      %cond3A = arith.constant 0 : i32
      %cond3A_265 = arith.cmpi ne, %convert_element_type3A, %cond3A : i32
      scf.if %cond3A_265 {
        %add3A_289 = arith.constant 2 : i32
        %add3A_290 = arith.addi %mul3A_223, %add3A_289 : i32
        %dma_start3A_291 = arith.constant 0 : i32
        %dma_start3A_292 = arith.constant 0 : i32
        %dma_start3A_293 = tpu.memref_slice %arg4[%add3A, %add3A_290, %dma_start3A_291, %dma_start3A_292] : memref<32x250x2x40xi32, #tpu.memory_space<hbm>> -> memref<1x1x2x40xi32, #tpu.memory_space<hbm>>
        %dma_start3A_294 = tpu.memref_squeeze %dma_start3A_293 : memref<1x1x2x40xi32, #tpu.memory_space<hbm>> -> memref<2x40xi32, #tpu.memory_space<hbm>>
        %dma_start3A_295 = arith.constant 0 : i32
        %dma_start3A_296 = arith.constant 0 : i32
        %dma_start3A_297 = tpu.memref_slice %arg4[%add3A, %add3A_290, %dma_start3A_295, %dma_start3A_296] : memref<32x250x2x40xi32, #tpu.memory_space<hbm>> -> memref<1x1x2x40xi32, #tpu.memory_space<hbm>>
        %dma_start3A_298 = tpu.memref_squeeze %dma_start3A_297 : memref<1x1x2x40xi32, #tpu.memory_space<hbm>> -> memref<2x40xi32, #tpu.memory_space<hbm>>
        tpu.enqueue_dma source(%dma_start3A_298 : memref<2x40xi32, #tpu.memory_space<hbm>>) target(%arg6 : memref<2x40xi32, #tpu.memory_space<vmem>>) target_semaphore(%arg14 : memref<!tpu.dma_semaphore, #tpu.memory_space<semaphore_mem>>)
        %add3A_299 = arith.constant 2 : i32
        %add3A_300 = arith.addi %mul3A_223, %add3A_299 : i32
        %dma_wait3A_301 = arith.constant 0 : i32
        %dma_wait3A_302 = arith.constant 0 : i32
        %dma_wait3A_303 = arith.constant 0 : i32
        %dma_wait3A_304 = arith.constant 0 : i32
        %dma_wait3A_305 = tpu.memref_slice %arg4[%dma_wait3A_301, %dma_wait3A_302, %dma_wait3A_303, %dma_wait3A_304] : memref<32x250x2x40xi32, #tpu.memory_space<hbm>> -> memref<1x1x2x40xi32, #tpu.memory_space<hbm>>
        %dma_wait3A_306 = tpu.memref_squeeze %dma_wait3A_305 : memref<1x1x2x40xi32, #tpu.memory_space<hbm>> -> memref<2x40xi32, #tpu.memory_space<hbm>>
        %dma_wait3A_307 = arith.constant 0 : i32
        %dma_wait3A_308 = arith.constant 0 : i32
        %dma_wait3A_309 = tpu.memref_slice %arg4[%dma_wait3A_301, %dma_wait3A_302, %dma_wait3A_307, %dma_wait3A_308] : memref<32x250x2x40xi32, #tpu.memory_space<hbm>> -> memref<1x1x2x40xi32, #tpu.memory_space<hbm>>
        %dma_wait3A_310 = tpu.memref_squeeze %dma_wait3A_309 : memref<1x1x2x40xi32, #tpu.memory_space<hbm>> -> memref<2x40xi32, #tpu.memory_space<hbm>>
        tpu.wait_dma2 semaphore(%arg14 : memref<!tpu.dma_semaphore, #tpu.memory_space<semaphore_mem>>) src(%dma_wait3A_310 : memref<2x40xi32, #tpu.memory_space<hbm>>) dst(%arg6 : memref<2x40xi32, #tpu.memory_space<vmem>>)
        %dma_start3A_311 = arith.constant 0 : i32
        %dma_start3A_312 = arith.constant 0 : i32
        %dma_start3A_313 = tpu.memref_slice %arg6[%dma_start3A_311, %dma_start3A_312] : memref<2x40xi32, #tpu.memory_space<vmem>> -> memref<1x40xi32, #tpu.memory_space<vmem>>
        %dma_start3A_314 = tpu.memref_squeeze %dma_start3A_313 : memref<1x40xi32, #tpu.memory_space<vmem>> -> memref<40xi32, #tpu.memory_space<vmem>>
        %dma_start3A_315 = arith.constant 0 : i32
        %dma_start3A_316 = arith.constant 0 : i32
        %dma_start3A_317 = tpu.memref_slice %arg2[%dma_start3A_315, %dma_start3A_316] : memref<10000x128xf32, #tpu.memory_space<hbm>> -> memref<10000x128xf32, #tpu.memory_space<hbm>>
        tpu.enqueue_indirect_dma source(%dma_start3A_317 : memref<10000x128xf32, #tpu.memory_space<hbm>>) target(%arg8 : memref<40x128xf32, #tpu.memory_space<vmem>>) offsets(%dma_start3A_314 : memref<40xi32, #tpu.memory_space<vmem>>) semaphore(%arg16 : memref<!tpu.dma_semaphore, #tpu.memory_space<semaphore_mem>>)
        %mul3A_318 = arith.constant 40 : i32
        %mul3A_319 = arith.muli %add3A_300, %mul3A_318 : i32
        %add3A_320 = arith.addi %mul3A_2, %mul3A_319 : i32
        %dma_start3A_321 = arith.constant 0 : i32
        %dma_start3A_322 = tpu.memref_slice %arg3[%add3A_320, %dma_start3A_321] : memref<320000x128xf32, #tpu.memory_space<hbm>> -> memref<40x128xf32, #tpu.memory_space<hbm>>
        %dma_start3A_323 = arith.constant 0 : i32
        %dma_start3A_324 = tpu.memref_slice %arg3[%add3A_320, %dma_start3A_323] : memref<320000x128xf32, #tpu.memory_space<hbm>> -> memref<40x128xf32, #tpu.memory_space<hbm>>
        tpu.enqueue_dma source(%dma_start3A_324 : memref<40x128xf32, #tpu.memory_space<hbm>>) target(%arg10 : memref<40x128xf32, #tpu.memory_space<vmem>>) target_semaphore(%arg16 : memref<!tpu.dma_semaphore, #tpu.memory_space<semaphore_mem>>)
      } else {
      }
      %add3A_266 = arith.constant 1 : i32
      %add3A_267 = arith.addi %mul3A_223, %add3A_266 : i32
      %dma_wait3A_268 = arith.constant 0 : i32
      %dma_wait3A_269 = arith.constant 0 : i32
      %dma_wait3A_270 = tpu.memref_slice %arg3[%dma_wait3A_268, %dma_wait3A_269] : memref<320000x128xf32, #tpu.memory_space<hbm>> -> memref<40x128xf32, #tpu.memory_space<hbm>>
      %dma_wait3A_271 = arith.constant 0 : i32
      %dma_wait3A_272 = arith.constant 0 : i32
      %dma_wait3A_273 = tpu.memref_slice %arg3[%dma_wait3A_271, %dma_wait3A_272] : memref<320000x128xf32, #tpu.memory_space<hbm>> -> memref<40x128xf32, #tpu.memory_space<hbm>>
      tpu.wait_dma2 semaphore(%arg17 : memref<!tpu.dma_semaphore, #tpu.memory_space<semaphore_mem>>) src(%dma_wait3A_273 : memref<40x128xf32, #tpu.memory_space<hbm>>) dst(%arg9 : memref<40x128xf32, #tpu.memory_space<vmem>>)
      %dma_wait3A_274 = arith.constant 0 : i32
      %dma_wait3A_275 = arith.constant 0 : i32
      %dma_wait3A_276 = tpu.memref_slice %arg3[%dma_wait3A_274, %dma_wait3A_275] : memref<320000x128xf32, #tpu.memory_space<hbm>> -> memref<40x128xf32, #tpu.memory_space<hbm>>
      %dma_wait3A_277 = arith.constant 0 : i32
      %dma_wait3A_278 = arith.constant 0 : i32
      %dma_wait3A_279 = tpu.memref_slice %arg3[%dma_wait3A_277, %dma_wait3A_278] : memref<320000x128xf32, #tpu.memory_space<hbm>> -> memref<40x128xf32, #tpu.memory_space<hbm>>
      tpu.wait_dma2 semaphore(%arg17 : memref<!tpu.dma_semaphore, #tpu.memory_space<semaphore_mem>>) src(%dma_wait3A_279 : memref<40x128xf32, #tpu.memory_space<hbm>>) dst(%arg11 : memref<40x128xf32, #tpu.memory_space<vmem>>)
      %run_scoped3A_280 = arith.constant 1 : i32
      "tpu.region"() ({
        %run_scoped3A_289 = tpu.sem_alloc : memref<!tpu.dma_semaphore, #tpu.memory_space<semaphore_mem>>
        %dma_start3A_290 = arith.constant 0 : i32
        %dma_start3A_291 = tpu.memref_slice %arg7[%run_scoped3A_280, %dma_start3A_290] : memref<2x40xi32, #tpu.memory_space<vmem>> -> memref<1x40xi32, #tpu.memory_space<vmem>>
        %dma_start3A_292 = tpu.memref_squeeze %dma_start3A_291 : memref<1x40xi32, #tpu.memory_space<vmem>> -> memref<40xi32, #tpu.memory_space<vmem>>
        %dma_start3A_293 = arith.constant 0 : i32
        %dma_start3A_294 = arith.constant 0 : i32
        %dma_start3A_295 = tpu.memref_slice %arg13[%dma_start3A_293, %dma_start3A_294] : memref<10240x128xf32, #tpu.memory_space<vmem_shared>> -> memref<10240x128xf32, #tpu.memory_space<vmem_shared>>
        tpu.enqueue_indirect_dma source(%arg9 : memref<40x128xf32, #tpu.memory_space<vmem>>) target(%dma_start3A_295 : memref<10240x128xf32, #tpu.memory_space<vmem_shared>>) offsets(%dma_start3A_292 : memref<40xi32, #tpu.memory_space<vmem>>) semaphore(%run_scoped3A_289 : memref<!tpu.dma_semaphore, #tpu.memory_space<semaphore_mem>>) {add = true}
        %dma_wait3A_296 = arith.constant 0 : i32
        %dma_wait3A_297 = tpu.memref_slice %arg7[%run_scoped3A_280, %dma_wait3A_296] : memref<2x40xi32, #tpu.memory_space<vmem>> -> memref<1x40xi32, #tpu.memory_space<vmem>>
        %dma_wait3A_298 = tpu.memref_squeeze %dma_wait3A_297 : memref<1x40xi32, #tpu.memory_space<vmem>> -> memref<40xi32, #tpu.memory_space<vmem>>
        %dma_wait3A_299 = arith.constant 0 : i32
        %dma_wait3A_300 = arith.constant 0 : i32
        %dma_wait3A_301 = tpu.memref_slice %arg13[%dma_wait3A_299, %dma_wait3A_300] : memref<10240x128xf32, #tpu.memory_space<vmem_shared>> -> memref<10240x128xf32, #tpu.memory_space<vmem_shared>>
        tpu.wait_indirect_dma semaphore(%run_scoped3A_289 : memref<!tpu.dma_semaphore, #tpu.memory_space<semaphore_mem>>) src(%arg9 : memref<40x128xf32, #tpu.memory_space<vmem>>) dst(%dma_wait3A_301 : memref<10240x128xf32, #tpu.memory_space<vmem_shared>>)
        tpu.yield
      }) : () -> ()
      %add3A_281 = arith.constant 3 : i32
      %add3A_282 = arith.addi %mul3A_223, %add3A_281 : i32
      %lt3A_283 = arith.constant 250 : i32
      %lt3A_284 = arith.cmpi slt, %add3A_282, %lt3A_283 : i32
      %convert_element_type3A_285 = arith.extui %lt3A_284 : i1 to i32
      %cond3A_286 = arith.constant 0 : i32
      %cond3A_287 = arith.cmpi ne, %convert_element_type3A_285, %cond3A_286 : i32
      scf.if %cond3A_287 {
        %add3A_289 = arith.constant 3 : i32
        %add3A_290 = arith.addi %mul3A_223, %add3A_289 : i32
        %dma_start3A_291 = arith.constant 0 : i32
        %dma_start3A_292 = arith.constant 0 : i32
        %dma_start3A_293 = tpu.memref_slice %arg4[%add3A, %add3A_290, %dma_start3A_291, %dma_start3A_292] : memref<32x250x2x40xi32, #tpu.memory_space<hbm>> -> memref<1x1x2x40xi32, #tpu.memory_space<hbm>>
        %dma_start3A_294 = tpu.memref_squeeze %dma_start3A_293 : memref<1x1x2x40xi32, #tpu.memory_space<hbm>> -> memref<2x40xi32, #tpu.memory_space<hbm>>
        %dma_start3A_295 = arith.constant 0 : i32
        %dma_start3A_296 = arith.constant 0 : i32
        %dma_start3A_297 = tpu.memref_slice %arg4[%add3A, %add3A_290, %dma_start3A_295, %dma_start3A_296] : memref<32x250x2x40xi32, #tpu.memory_space<hbm>> -> memref<1x1x2x40xi32, #tpu.memory_space<hbm>>
        %dma_start3A_298 = tpu.memref_squeeze %dma_start3A_297 : memref<1x1x2x40xi32, #tpu.memory_space<hbm>> -> memref<2x40xi32, #tpu.memory_space<hbm>>
        tpu.enqueue_dma source(%dma_start3A_298 : memref<2x40xi32, #tpu.memory_space<hbm>>) target(%arg7 : memref<2x40xi32, #tpu.memory_space<vmem>>) target_semaphore(%arg15 : memref<!tpu.dma_semaphore, #tpu.memory_space<semaphore_mem>>)
      } else {
      }
      %scan3A_288 = arith.constant 0 : i32
      scf.yield %scan3A_288 : i32
    }
    %scan3A_214 = arith.constant 125 : i32
    %barrier3A_215 = arith.constant 0 : index
    tpu.barrier barrier_id(%barrier3A_215)
    %mul3A_216 = arith.constant 640 : i32
    %mul3A_217 = arith.muli %arg1, %mul3A_216 : i32
    %mul3A_218 = arith.constant 640 : i32
    %mul3A_219 = arith.muli %arg1, %mul3A_218 : i32
    "tpu.region"() ({
      %run_scoped3A = tpu.sem_alloc : memref<!tpu.dma_semaphore, #tpu.memory_space<semaphore_mem>>
      %dma_start3A_220 = arith.constant 0 : i32
      %dma_start3A_221 = tpu.memref_slice %arg5[%arg0, %mul3A_219, %dma_start3A_220] : memref<2x10240x128xf32, #tpu.memory_space<hbm>> -> memref<1x640x128xf32, #tpu.memory_space<hbm>>
      %dma_start3A_222 = tpu.memref_squeeze %dma_start3A_221 : memref<1x640x128xf32, #tpu.memory_space<hbm>> -> memref<640x128xf32, #tpu.memory_space<hbm>>
      %dma_start3A_223 = arith.constant 0 : i32
      %dma_start3A_224 = tpu.memref_slice %arg13[%mul3A_217, %dma_start3A_223] : memref<10240x128xf32, #tpu.memory_space<vmem_shared>> -> memref<640x128xf32, #tpu.memory_space<vmem_shared>>
      tpu.enqueue_dma source(%dma_start3A_224 : memref<640x128xf32, #tpu.memory_space<vmem_shared>>) target(%dma_start3A_222 : memref<640x128xf32, #tpu.memory_space<hbm>>) target_semaphore(%run_scoped3A : memref<!tpu.dma_semaphore, #tpu.memory_space<semaphore_mem>>)
      %dma_wait3A_225 = arith.constant 0 : i32
      %dma_wait3A_226 = tpu.memref_slice %arg5[%arg0, %mul3A_219, %dma_wait3A_225] : memref<2x10240x128xf32, #tpu.memory_space<hbm>> -> memref<1x640x128xf32, #tpu.memory_space<hbm>>
      %dma_wait3A_227 = tpu.memref_squeeze %dma_wait3A_226 : memref<1x640x128xf32, #tpu.memory_space<hbm>> -> memref<640x128xf32, #tpu.memory_space<hbm>>
      %dma_wait3A_228 = arith.constant 0 : i32
      %dma_wait3A_229 = tpu.memref_slice %arg13[%mul3A_217, %dma_wait3A_228] : memref<10240x128xf32, #tpu.memory_space<vmem_shared>> -> memref<640x128xf32, #tpu.memory_space<vmem_shared>>
      tpu.wait_dma2 semaphore(%run_scoped3A : memref<!tpu.dma_semaphore, #tpu.memory_space<semaphore_mem>>) src(%dma_wait3A_229 : memref<640x128xf32, #tpu.memory_space<vmem_shared>>) dst(%dma_wait3A_227 : memref<640x128xf32, #tpu.memory_space<hbm>>)
      tpu.yield
    }) : () -> ()
    return
  }
}

module attributes {stable_mosaic.version = 14 : i64} {
  func.func @_edge_mm_body(%arg0: i32, %arg1: memref<4000x16xf32, #tpu.memory_space<vmem>>, %arg2: memref<3x16x128xf32, #tpu.memory_space<vmem>>, %arg3: memref<3x1x128xf32, #tpu.memory_space<vmem>>, %arg4: memref<4000x128xf32, #tpu.memory_space<vmem>>, %arg5: memref<4000x128xf32, #tpu.memory_space<vmem>>, %arg6: memref<4000x128xf32, #tpu.memory_space<vmem>>) attributes {dimension_semantics = [#tpu.dimension_semantics<arbitrary>], iteration_bounds = array<i64: 80>, scalar_prefetch = 0 : i64, scratch_operands = 0 : i64, tpu.core_type = #tpu.core_type<tc>, window_params = [{transform_indices = @transform_0, window_bounds = array<i64: 4000, 16>}, {pipeline_mode = #tpu.pipeline_mode<synchronous>, transform_indices = @transform_1, window_bounds = array<i64: 3, 16, 128>}, {pipeline_mode = #tpu.pipeline_mode<synchronous>, transform_indices = @transform_2, window_bounds = array<i64: 3, 1, 128>}, {transform_indices = @transform_3, window_bounds = array<i64: 4000, 128>}, {transform_indices = @transform_4, window_bounds = array<i64: 4000, 128>}, {transform_indices = @transform_5, window_bounds = array<i64: 4000, 128>}]} {
    %get3A = arith.constant 0 : index
    %get3A_0 = arith.constant 0 : index
    %get3A_1 = vector.load %arg1[%get3A, %get3A_0] : memref<4000x16xf32, #tpu.memory_space<vmem>>, vector<4000x16xf32>
    %get3A_2 = arith.constant 0 : index
    %get3A_3 = arith.constant 0 : index
    %get3A_4 = arith.constant 0 : index
    %get3A_5 = vector.load %arg2[%get3A_2, %get3A_3, %get3A_4] : memref<3x16x128xf32, #tpu.memory_space<vmem>>, vector<1x16x128xf32>
    %get3A_6 = vector.shape_cast %get3A_5 : vector<1x16x128xf32> to vector<16x128xf32>
    %dot_general3A = arith.constant dense<0.000000e+00> : vector<4000x128xf32>
    %dot_general3A_7 = tpu.matmul %get3A_1, %get3A_6, %dot_general3A {dimension_numbers = #tpu.dot_dimension_numbers<[1], [0], [0], [1], [0, 0, 1, 1], [], []>, transpose_lhs_hint = false} : vector<4000x16xf32>, vector<16x128xf32>, vector<4000x128xf32> -> vector<4000x128xf32>
    %get3A_8 = arith.constant 0 : index
    %get3A_9 = arith.constant 0 : index
    %get3A_10 = arith.constant 0 : index
    %get3A_11 = vector.load %arg3[%get3A_8, %get3A_9, %get3A_10] : memref<3x1x128xf32, #tpu.memory_space<vmem>>, vector<1x1x128xf32>
    %get3A_12 = vector.shape_cast %get3A_11 : vector<1x1x128xf32> to vector<1x128xf32>
    %add3A = vector.broadcast %get3A_12 : vector<1x128xf32> to vector<4000x128xf32>
    %add3A_13 = arith.addf %dot_general3A_7, %add3A : vector<4000x128xf32>
    %swap3A = arith.constant 0 : index
    %swap3A_14 = arith.constant 0 : index
    %swap3A_15 = vector.load %arg4[%swap3A, %swap3A_14] : memref<4000x128xf32, #tpu.memory_space<vmem>>, vector<4000x128xf32>
    tpu.vector_store %arg4[%swap3A, %swap3A_14], %add3A_13 {strides = array<i32>} : memref<4000x128xf32, #tpu.memory_space<vmem>>, vector<4000x128xf32>,
    %get3A_16 = arith.constant 1 : index
    %get3A_17 = arith.constant 0 : index
    %get3A_18 = arith.constant 0 : index
    %get3A_19 = vector.load %arg2[%get3A_16, %get3A_17, %get3A_18] : memref<3x16x128xf32, #tpu.memory_space<vmem>>, vector<1x16x128xf32>
    %get3A_20 = vector.shape_cast %get3A_19 : vector<1x16x128xf32> to vector<16x128xf32>
    %dot_general3A_21 = arith.constant dense<0.000000e+00> : vector<4000x128xf32>
    %dot_general3A_22 = tpu.matmul %get3A_1, %get3A_20, %dot_general3A_21 {dimension_numbers = #tpu.dot_dimension_numbers<[1], [0], [0], [1], [0, 0, 1, 1], [], []>, transpose_lhs_hint = false} : vector<4000x16xf32>, vector<16x128xf32>, vector<4000x128xf32> -> vector<4000x128xf32>
    %get3A_23 = arith.constant 1 : index
    %get3A_24 = arith.constant 0 : index
    %get3A_25 = arith.constant 0 : index
    %get3A_26 = vector.load %arg3[%get3A_23, %get3A_24, %get3A_25] : memref<3x1x128xf32, #tpu.memory_space<vmem>>, vector<1x1x128xf32>
    %get3A_27 = vector.shape_cast %get3A_26 : vector<1x1x128xf32> to vector<1x128xf32>
    %add3A_28 = vector.broadcast %get3A_27 : vector<1x128xf32> to vector<4000x128xf32>
    %add3A_29 = arith.addf %dot_general3A_22, %add3A_28 : vector<4000x128xf32>
    %swap3A_30 = arith.constant 0 : index
    %swap3A_31 = arith.constant 0 : index
    %swap3A_32 = vector.load %arg5[%swap3A_30, %swap3A_31] : memref<4000x128xf32, #tpu.memory_space<vmem>>, vector<4000x128xf32>
    tpu.vector_store %arg5[%swap3A_30, %swap3A_31], %add3A_29 {strides = array<i32>} : memref<4000x128xf32, #tpu.memory_space<vmem>>, vector<4000x128xf32>,
    %get3A_33 = arith.constant 2 : index
    %get3A_34 = arith.constant 0 : index
    %get3A_35 = arith.constant 0 : index
    %get3A_36 = vector.load %arg2[%get3A_33, %get3A_34, %get3A_35] : memref<3x16x128xf32, #tpu.memory_space<vmem>>, vector<1x16x128xf32>
    %get3A_37 = vector.shape_cast %get3A_36 : vector<1x16x128xf32> to vector<16x128xf32>
    %dot_general3A_38 = arith.constant dense<0.000000e+00> : vector<4000x128xf32>
    %dot_general3A_39 = tpu.matmul %get3A_1, %get3A_37, %dot_general3A_38 {dimension_numbers = #tpu.dot_dimension_numbers<[1], [0], [0], [1], [0, 0, 1, 1], [], []>, transpose_lhs_hint = false} : vector<4000x16xf32>, vector<16x128xf32>, vector<4000x128xf32> -> vector<4000x128xf32>
    %get3A_40 = arith.constant 2 : index
    %get3A_41 = arith.constant 0 : index
    %get3A_42 = arith.constant 0 : index
    %get3A_43 = vector.load %arg3[%get3A_40, %get3A_41, %get3A_42] : memref<3x1x128xf32, #tpu.memory_space<vmem>>, vector<1x1x128xf32>
    %get3A_44 = vector.shape_cast %get3A_43 : vector<1x1x128xf32> to vector<1x128xf32>
    %add3A_45 = vector.broadcast %get3A_44 : vector<1x128xf32> to vector<4000x128xf32>
    %add3A_46 = arith.addf %dot_general3A_39, %add3A_45 : vector<4000x128xf32>
    %swap3A_47 = arith.constant 0 : index
    %swap3A_48 = arith.constant 0 : index
    %swap3A_49 = vector.load %arg6[%swap3A_47, %swap3A_48] : memref<4000x128xf32, #tpu.memory_space<vmem>>, vector<4000x128xf32>
    tpu.vector_store %arg6[%swap3A_47, %swap3A_48], %add3A_46 {strides = array<i32>} : memref<4000x128xf32, #tpu.memory_space<vmem>>, vector<4000x128xf32>,
    return
  }
  func.func @transform_0(%arg0: i32) -> (i32, i32) {
    %c0_i32 = arith.constant 0 : i32
    %c0_i32_0 = arith.constant 0 : i32
    return %arg0, %c0_i32 : i32, i32
  }
  func.func @transform_1(%arg0: i32) -> (i32, i32, i32) {
    %c0_i32 = arith.constant 0 : i32
    %c0_i32_0 = arith.constant 0 : i32
    %c0_i32_1 = arith.constant 0 : i32
    %c0_i32_2 = arith.constant 0 : i32
    return %c0_i32, %c0_i32_0, %c0_i32_1 : i32, i32, i32
  }
  func.func @transform_2(%arg0: i32) -> (i32, i32, i32) {
    %c0_i32 = arith.constant 0 : i32
    %c0_i32_0 = arith.constant 0 : i32
    %c0_i32_1 = arith.constant 0 : i32
    %c0_i32_2 = arith.constant 0 : i32
    return %c0_i32, %c0_i32_0, %c0_i32_1 : i32, i32, i32
  }
  func.func @transform_3(%arg0: i32) -> (i32, i32) {
    %c0_i32 = arith.constant 0 : i32
    %c0_i32_0 = arith.constant 0 : i32
    return %arg0, %c0_i32 : i32, i32
  }
  func.func @transform_4(%arg0: i32) -> (i32, i32) {
    %c0_i32 = arith.constant 0 : i32
    %c0_i32_0 = arith.constant 0 : i32
    return %arg0, %c0_i32 : i32, i32
  }
  func.func @transform_5(%arg0: i32) -> (i32, i32) {
    %c0_i32 = arith.constant 0 : i32
    %c0_i32_0 = arith.constant 0 : i32
    return %arg0, %c0_i32 : i32, i32
  }
}

module attributes {stable_mosaic.version = 14 : i64} {
  func.func @_mlp_body(%arg0: i32, %arg1: memref<2000x128xf32, #tpu.memory_space<vmem>>, %arg2: memref<2000x128xf32, #tpu.memory_space<vmem>>, %arg3: memref<2000x128xf32, #tpu.memory_space<vmem>>, %arg4: memref<128x128xf32, #tpu.memory_space<vmem>>, %arg5: memref<1x128xf32, #tpu.memory_space<vmem>>, %arg6: memref<128x128xf32, #tpu.memory_space<vmem>>, %arg7: memref<1x128xf32, #tpu.memory_space<vmem>>, %arg8: memref<2000x128xf32, #tpu.memory_space<vmem>>) attributes {dimension_semantics = [#tpu.dimension_semantics<arbitrary>], iteration_bounds = array<i64: 5>, scalar_prefetch = 0 : i64, scratch_operands = 0 : i64, tpu.core_type = #tpu.core_type<tc>, window_params = [{transform_indices = @transform_0, window_bounds = array<i64: 2000, 128>}, {transform_indices = @transform_1, window_bounds = array<i64: 2000, 128>}, {transform_indices = @transform_2, window_bounds = array<i64: 2000, 128>}, {pipeline_mode = #tpu.pipeline_mode<synchronous>, transform_indices = @transform_3, window_bounds = array<i64: 128, 128>}, {pipeline_mode = #tpu.pipeline_mode<synchronous>, transform_indices = @transform_4, window_bounds = array<i64: 1, 128>}, {pipeline_mode = #tpu.pipeline_mode<synchronous>, transform_indices = @transform_5, window_bounds = array<i64: 128, 128>}, {pipeline_mode = #tpu.pipeline_mode<synchronous>, transform_indices = @transform_6, window_bounds = array<i64: 1, 128>}, {transform_indices = @transform_7, window_bounds = array<i64: 2000, 128>}]} {
    %get3A = arith.constant 0 : index
    %get3A_0 = arith.constant 0 : index
    %get3A_1 = vector.load %arg1[%get3A, %get3A_0] : memref<2000x128xf32, #tpu.memory_space<vmem>>, vector<2000x128xf32>
    %get3A_2 = arith.constant 0 : index
    %get3A_3 = arith.constant 0 : index
    %get3A_4 = vector.load %arg2[%get3A_2, %get3A_3] : memref<2000x128xf32, #tpu.memory_space<vmem>>, vector<2000x128xf32>
    %add3A = arith.addf %get3A_1, %get3A_4 : vector<2000x128xf32>
    %get3A_5 = arith.constant 0 : index
    %get3A_6 = arith.constant 0 : index
    %get3A_7 = vector.load %arg3[%get3A_5, %get3A_6] : memref<2000x128xf32, #tpu.memory_space<vmem>>, vector<2000x128xf32>
    %add3A_8 = arith.addf %add3A, %get3A_7 : vector<2000x128xf32>
    %get3A_9 = arith.constant 0 : index
    %get3A_10 = arith.constant 0 : index
    %get3A_11 = vector.load %arg4[%get3A_9, %get3A_10] : memref<128x128xf32, #tpu.memory_space<vmem>>, vector<128x128xf32>
    %dot_general3A = arith.constant dense<0.000000e+00> : vector<2000x128xf32>
    %dot_general3A_12 = tpu.matmul %add3A_8, %get3A_11, %dot_general3A {dimension_numbers = #tpu.dot_dimension_numbers<[1], [0], [0], [1], [0, 0, 1, 1], [], []>, transpose_lhs_hint = false} : vector<2000x128xf32>, vector<128x128xf32>, vector<2000x128xf32> -> vector<2000x128xf32>
    %get3A_13 = arith.constant 0 : index
    %get3A_14 = arith.constant 0 : index
    %get3A_15 = vector.load %arg5[%get3A_13, %get3A_14] : memref<1x128xf32, #tpu.memory_space<vmem>>, vector<1x128xf32>
    %add3A_16 = vector.broadcast %get3A_15 : vector<1x128xf32> to vector<2000x128xf32>
    %add3A_17 = arith.addf %dot_general3A_12, %add3A_16 : vector<2000x128xf32>
    %max3A = arith.constant 0.000000e+00 : f32
    %max3A_18 = vector.broadcast %max3A : f32 to vector<2000x128xf32>
    %max3A_19 = arith.maximumf %add3A_17, %max3A_18 : vector<2000x128xf32>
    %get3A_20 = arith.constant 0 : index
    %get3A_21 = arith.constant 0 : index
    %get3A_22 = vector.load %arg6[%get3A_20, %get3A_21] : memref<128x128xf32, #tpu.memory_space<vmem>>, vector<128x128xf32>
    %dot_general3A_23 = arith.constant dense<0.000000e+00> : vector<2000x128xf32>
    %dot_general3A_24 = tpu.matmul %max3A_19, %get3A_22, %dot_general3A_23 {dimension_numbers = #tpu.dot_dimension_numbers<[1], [0], [0], [1], [0, 0, 1, 1], [], []>, transpose_lhs_hint = false} : vector<2000x128xf32>, vector<128x128xf32>, vector<2000x128xf32> -> vector<2000x128xf32>
    %get3A_25 = arith.constant 0 : index
    %get3A_26 = arith.constant 0 : index
    %get3A_27 = vector.load %arg7[%get3A_25, %get3A_26] : memref<1x128xf32, #tpu.memory_space<vmem>>, vector<1x128xf32>
    %add3A_28 = vector.broadcast %get3A_27 : vector<1x128xf32> to vector<2000x128xf32>
    %add3A_29 = arith.addf %dot_general3A_24, %add3A_28 : vector<2000x128xf32>
    %max3A_30 = arith.constant 0.000000e+00 : f32
    %max3A_31 = vector.broadcast %max3A_30 : f32 to vector<2000x128xf32>
    %max3A_32 = arith.maximumf %add3A_29, %max3A_31 : vector<2000x128xf32>
    %swap3A = arith.constant 0 : index
    %swap3A_33 = arith.constant 0 : index
    %swap3A_34 = vector.load %arg8[%swap3A, %swap3A_33] : memref<2000x128xf32, #tpu.memory_space<vmem>>, vector<2000x128xf32>
    tpu.vector_store %arg8[%swap3A, %swap3A_33], %max3A_32 {strides = array<i32>} : memref<2000x128xf32, #tpu.memory_space<vmem>>, vector<2000x128xf32>,
    return
  }
  func.func @transform_0(%arg0: i32) -> (i32, i32) {
    %c0_i32 = arith.constant 0 : i32
    %c0_i32_0 = arith.constant 0 : i32
    return %arg0, %c0_i32 : i32, i32
  }
  func.func @transform_1(%arg0: i32) -> (i32, i32) {
    %c0_i32 = arith.constant 0 : i32
    %c0_i32_0 = arith.constant 0 : i32
    return %arg0, %c0_i32 : i32, i32
  }
  func.func @transform_2(%arg0: i32) -> (i32, i32) {
    %c0_i32 = arith.constant 0 : i32
    %c0_i32_0 = arith.constant 0 : i32
    return %arg0, %c0_i32 : i32, i32
  }
  func.func @transform_3(%arg0: i32) -> (i32, i32) {
    %c0_i32 = arith.constant 0 : i32
    %c0_i32_0 = arith.constant 0 : i32
    %c0_i32_1 = arith.constant 0 : i32
    return %c0_i32, %c0_i32_0 : i32, i32
  }
  func.func @transform_4(%arg0: i32) -> (i32, i32) {
    %c0_i32 = arith.constant 0 : i32
    %c0_i32_0 = arith.constant 0 : i32
    %c0_i32_1 = arith.constant 0 : i32
    return %c0_i32, %c0_i32_0 : i32, i32
  }
  func.func @transform_5(%arg0: i32) -> (i32, i32) {
    %c0_i32 = arith.constant 0 : i32
    %c0_i32_0 = arith.constant 0 : i32
    %c0_i32_1 = arith.constant 0 : i32
    return %c0_i32, %c0_i32_0 : i32, i32
  }
  func.func @transform_6(%arg0: i32) -> (i32, i32) {
    %c0_i32 = arith.constant 0 : i32
    %c0_i32_0 = arith.constant 0 : i32
    %c0_i32_1 = arith.constant 0 : i32
    return %c0_i32, %c0_i32_0 : i32, i32
  }
  func.func @transform_7(%arg0: i32) -> (i32, i32) {
    %c0_i32 = arith.constant 0 : i32
    %c0_i32_0 = arith.constant 0 : i32
    return %arg0, %c0_i32 : i32, i32
  }
}

module attributes {stable_mosaic.version = 14 : i64} {
  func.func @_mlp_body(%arg0: i32, %arg1: memref<2000x128xf32, #tpu.memory_space<vmem>>, %arg2: memref<2000x128xf32, #tpu.memory_space<vmem>>, %arg3: memref<2000x128xf32, #tpu.memory_space<vmem>>, %arg4: memref<128x128xf32, #tpu.memory_space<vmem>>, %arg5: memref<1x128xf32, #tpu.memory_space<vmem>>, %arg6: memref<128x128xf32, #tpu.memory_space<vmem>>, %arg7: memref<1x128xf32, #tpu.memory_space<vmem>>, %arg8: memref<2000x128xf32, #tpu.memory_space<vmem>>) attributes {dimension_semantics = [#tpu.dimension_semantics<arbitrary>], iteration_bounds = array<i64: 5>, scalar_prefetch = 0 : i64, scratch_operands = 0 : i64, tpu.core_type = #tpu.core_type<tc>, window_params = [{transform_indices = @transform_0, window_bounds = array<i64: 2000, 128>}, {transform_indices = @transform_1, window_bounds = array<i64: 2000, 128>}, {transform_indices = @transform_2, window_bounds = array<i64: 2000, 128>}, {pipeline_mode = #tpu.pipeline_mode<synchronous>, transform_indices = @transform_3, window_bounds = array<i64: 128, 128>}, {pipeline_mode = #tpu.pipeline_mode<synchronous>, transform_indices = @transform_4, window_bounds = array<i64: 1, 128>}, {pipeline_mode = #tpu.pipeline_mode<synchronous>, transform_indices = @transform_5, window_bounds = array<i64: 128, 128>}, {pipeline_mode = #tpu.pipeline_mode<synchronous>, transform_indices = @transform_6, window_bounds = array<i64: 1, 128>}, {transform_indices = @transform_7, window_bounds = array<i64: 2000, 128>}]} {
    %get3A = arith.constant 0 : index
    %get3A_0 = arith.constant 0 : index
    %get3A_1 = vector.load %arg1[%get3A, %get3A_0] : memref<2000x128xf32, #tpu.memory_space<vmem>>, vector<2000x128xf32>
    %get3A_2 = arith.constant 0 : index
    %get3A_3 = arith.constant 0 : index
    %get3A_4 = vector.load %arg2[%get3A_2, %get3A_3] : memref<2000x128xf32, #tpu.memory_space<vmem>>, vector<2000x128xf32>
    %add3A = arith.addf %get3A_1, %get3A_4 : vector<2000x128xf32>
    %get3A_5 = arith.constant 0 : index
    %get3A_6 = arith.constant 0 : index
    %get3A_7 = vector.load %arg3[%get3A_5, %get3A_6] : memref<2000x128xf32, #tpu.memory_space<vmem>>, vector<2000x128xf32>
    %add3A_8 = arith.addf %add3A, %get3A_7 : vector<2000x128xf32>
    %get3A_9 = arith.constant 0 : index
    %get3A_10 = arith.constant 0 : index
    %get3A_11 = vector.load %arg4[%get3A_9, %get3A_10] : memref<128x128xf32, #tpu.memory_space<vmem>>, vector<128x128xf32>
    %dot_general3A = arith.constant dense<0.000000e+00> : vector<2000x128xf32>
    %dot_general3A_12 = tpu.matmul %add3A_8, %get3A_11, %dot_general3A {dimension_numbers = #tpu.dot_dimension_numbers<[1], [0], [0], [1], [0, 0, 1, 1], [], []>, transpose_lhs_hint = false} : vector<2000x128xf32>, vector<128x128xf32>, vector<2000x128xf32> -> vector<2000x128xf32>
    %get3A_13 = arith.constant 0 : index
    %get3A_14 = arith.constant 0 : index
    %get3A_15 = vector.load %arg5[%get3A_13, %get3A_14] : memref<1x128xf32, #tpu.memory_space<vmem>>, vector<1x128xf32>
    %add3A_16 = vector.broadcast %get3A_15 : vector<1x128xf32> to vector<2000x128xf32>
    %add3A_17 = arith.addf %dot_general3A_12, %add3A_16 : vector<2000x128xf32>
    %max3A = arith.constant 0.000000e+00 : f32
    %max3A_18 = vector.broadcast %max3A : f32 to vector<2000x128xf32>
    %max3A_19 = arith.maximumf %add3A_17, %max3A_18 : vector<2000x128xf32>
    %get3A_20 = arith.constant 0 : index
    %get3A_21 = arith.constant 0 : index
    %get3A_22 = vector.load %arg6[%get3A_20, %get3A_21] : memref<128x128xf32, #tpu.memory_space<vmem>>, vector<128x128xf32>
    %dot_general3A_23 = arith.constant dense<0.000000e+00> : vector<2000x128xf32>
    %dot_general3A_24 = tpu.matmul %max3A_19, %get3A_22, %dot_general3A_23 {dimension_numbers = #tpu.dot_dimension_numbers<[1], [0], [0], [1], [0, 0, 1, 1], [], []>, transpose_lhs_hint = false} : vector<2000x128xf32>, vector<128x128xf32>, vector<2000x128xf32> -> vector<2000x128xf32>
    %get3A_25 = arith.constant 0 : index
    %get3A_26 = arith.constant 0 : index
    %get3A_27 = vector.load %arg7[%get3A_25, %get3A_26] : memref<1x128xf32, #tpu.memory_space<vmem>>, vector<1x128xf32>
    %add3A_28 = vector.broadcast %get3A_27 : vector<1x128xf32> to vector<2000x128xf32>
    %add3A_29 = arith.addf %dot_general3A_24, %add3A_28 : vector<2000x128xf32>
    %max3A_30 = arith.constant 0.000000e+00 : f32
    %max3A_31 = vector.broadcast %max3A_30 : f32 to vector<2000x128xf32>
    %max3A_32 = arith.maximumf %add3A_29, %max3A_31 : vector<2000x128xf32>
    %swap3A = arith.constant 0 : index
    %swap3A_33 = arith.constant 0 : index
    %swap3A_34 = vector.load %arg8[%swap3A, %swap3A_33] : memref<2000x128xf32, #tpu.memory_space<vmem>>, vector<2000x128xf32>
    tpu.vector_store %arg8[%swap3A, %swap3A_33], %max3A_32 {strides = array<i32>} : memref<2000x128xf32, #tpu.memory_space<vmem>>, vector<2000x128xf32>,
    return
  }
  func.func @transform_0(%arg0: i32) -> (i32, i32) {
    %c0_i32 = arith.constant 0 : i32
    %c0_i32_0 = arith.constant 0 : i32
    return %arg0, %c0_i32 : i32, i32
  }
  func.func @transform_1(%arg0: i32) -> (i32, i32) {
    %c0_i32 = arith.constant 0 : i32
    %c0_i32_0 = arith.constant 0 : i32
    return %arg0, %c0_i32 : i32, i32
  }
  func.func @transform_2(%arg0: i32) -> (i32, i32) {
    %c0_i32 = arith.constant 0 : i32
    %c0_i32_0 = arith.constant 0 : i32
    return %arg0, %c0_i32 : i32, i32
  }
  func.func @transform_3(%arg0: i32) -> (i32, i32) {
    %c0_i32 = arith.constant 0 : i32
    %c0_i32_0 = arith.constant 0 : i32
    %c0_i32_1 = arith.constant 0 : i32
    return %c0_i32, %c0_i32_0 : i32, i32
  }
  func.func @transform_4(%arg0: i32) -> (i32, i32) {
    %c0_i32 = arith.constant 0 : i32
    %c0_i32_0 = arith.constant 0 : i32
    %c0_i32_1 = arith.constant 0 : i32
    return %c0_i32, %c0_i32_0 : i32, i32
  }
  func.func @transform_5(%arg0: i32) -> (i32, i32) {
    %c0_i32 = arith.constant 0 : i32
    %c0_i32_0 = arith.constant 0 : i32
    %c0_i32_1 = arith.constant 0 : i32
    return %c0_i32, %c0_i32_0 : i32, i32
  }
  func.func @transform_6(%arg0: i32) -> (i32, i32) {
    %c0_i32 = arith.constant 0 : i32
    %c0_i32_0 = arith.constant 0 : i32
    %c0_i32_1 = arith.constant 0 : i32
    return %c0_i32, %c0_i32_0 : i32, i32
  }
  func.func @transform_7(%arg0: i32) -> (i32, i32) {
    %c0_i32 = arith.constant 0 : i32
    %c0_i32_0 = arith.constant 0 : i32
    return %arg0, %c0_i32 : i32, i32
  }
}

</mosaic_0001>

<sc_bundles>
// kernel: _run.12.cloned.1.call-start
scs
__scs_entry_jumppad:
0x0: {  	(pc) =	sbr.rel $0x88, $3  }
0x1: {  	(tag) =	ssettag $0x0;
	lr =	simm.s32 $0x1  }
0x2: {  	[smem:$0x3F8C] =	sst lr;
	_ =	strace $0xD0000000  }
0x3: {  	_ = 	snop  }
0x4: {  	_ = 	snop  }
0x5: {  	_ = 	snop  }
0x6: {  	_ = 	snop  }
0x7: {  	_ = 	snop  }
__scs_overlays_trampoline_lowered:
0x8: {  	[smem:$0x3F9B] =	sst s0  }
0x9: {  	[smem:$0x3F9C] =	sst s1  }
0xa: {  	[smem:$0x3F9D] =	sst s2  }
0xb: {  	[smem:$0x3F9E] =	sst s3  }
0xc: {  	[smem:$0x3F9F] =	sst s4  }
0xd: {  	[smem:$0x3FA0] =	sst s5  }
0xe: {  	[smem:$0x3FA1] =	sst s6  }
0xf: {  	[smem:$0x3FA2] =	sst s7  }
0x10: {  	[smem:$0x3FA3] =	sst s8  }
0x11: {  	[smem:$0x3FA4] =	sst s9;
	s0 =	simm.s32 @!p0 $0x0  }
0x12: {  	s1 =	sld [smem:$0x3F8A];
	s0 =	simm.s32 @p0 $0x1  }
0x13: {  	[smem:$0x3FA5] =	sst s0;
	s0 =	simm.s32 @!p1 $0x0  }
0x14: {  	s2 =	sld [smem:$0x3F89];
	s0 =	simm.s32 @p1 $0x1  }
0x15: {  	[smem:$0x3FA6] =	sst s0;
	s0 =	simm.s32 @!p2 $0x0  }
0x16: {  	s3 =	sld [smem:$0x3FDB];
	s0 =	simm.s32 @p2 $0x1  }
0x17: {  	s4 =	simm.s32 $0x1BF5;
	[smem:$0x3FA8] =	sst s0  }
0x18: {  	s0 =	sld [smem:$0x3F8B];
	_ =	swait.ge [sflag:s4], $0x0  }
0x19: {  	s7 =	sld [smem:$0x3F8C]  }
0x1a: {  	s8 =	sadd.s32 $0xFFFFE003, lr  }
0x1b: {  	s9 =	sadd.s32 $0xFFFFFEF7, lr;
	s5 =	simm.s32 $0xFFFFFFFF;
	p2 =	slt.u32 s8, $0xFFFFF086  }
0x1c: {  	p1 =	slt.u32 s9, $0xF7A;
	s5 =	simm.s32 @!p2 $0x0  }
0x1d: {  	s5 =	simm.s32 @p1 $0x1;
	p0 =	seq.s32 s7, s2  }
0x1e: {  	s7 =	smul.u32 @!p0 $0xF7A, s2;
	p2 =	seq.s32 @!p0 s5, $0x0  }
0x1f: {  	s9 =	smul.u32 $0xF7A, s1;
	s8 =	simm.s32 @!p0 $0x1BF5;
	p2 =	por !p2, p0  }
0x20: {  	[sflag:s8] =	ssyncset.s32 @!p0 $0xFFFFF086;
	s6 =	sadd.s32 @!p0 s3, s7;
	s7 =	simm.s32 @!p0 $0x108  }
0x21: {  	s3 =	sadd.s32 s3, s9;
	s6 =	sadd.s32 @!p0 $0x88, s6;
	s7 =	simm.s32 @p2 $0x1082  }
0x22: {  	[simem:s7], [sflag:s8] =	dma.local @!p0 [hbm:s6], $0xF7A  }
0x23: {  	s9 =	sor.u32 $0xD0000000, s2;
	s6 =	simm.s32 $0x108;
	_ =	swait.ge @!p0 [sflag:s8], $0x0  }
0x24: {  	s3 =	sadd.s32 $0x88, s3;
	s6 =	simm.s32 @!p1 $0x1082;
	[sflag:s4] =	ssyncset.s32 $0xFFFFF086  }
0x25: {  	[simem:s6], [sflag:s4] =	dma.local [hbm:s3], $0xF7A  }
0x26: {  	[smem:$0x3F8C] =	sst s1;
	(tag) =	ssettag s2;
	_ =	strace s9  }
0x27: {  	s1 =	sld [smem:$0x3F9C]  }
0x28: {  	s2 =	sld [smem:$0x3F9D]  }
0x29: {  	s4 =	sld [smem:$0x3F9F]  }
0x2a: {  	p0 =	seq.s32 s5, $0x0;
	s5 =	sld [smem:$0x3FA0]  }
0x2b: {  	s6 =	sld [smem:$0x3FA1]  }
0x2c: {  	s7 =	sld [smem:$0x3FA2]  }
0x2d: {  	s3 =	simm.s32 $0x108;
	s8 =	sld [smem:$0x3FA3]  }
0x2e: {  	s3 =	simm.s32 @!p0 $0x1082;
	s9 =	sld [smem:$0x3FA4]  }
0x2f: {  	lr =	sadd.s32 s0, s3;
	s0 =	sld [smem:$0x3F9B]  }
0x30: {  	s3 =	sld [smem:$0x3F9E]  }
0x31: {  	[smem:$0x3FA7] =	sst s10  }
0x32: {  	s10 =	sld [smem:$0x3FA5];
	_ =	sdelay $0x3  }
0x33: {  	p0 =	seq.s32 s10, $0x1;
	s10 =	sld [smem:$0x3FA7];
	_ =	sdelay $0x3  }
0x34: {  	[smem:$0x3FA7] =	sst s10  }
0x35: {  	s10 =	sld [smem:$0x3FA6];
	_ =	sdelay $0x3  }
0x36: {  	p1 =	seq.s32 s10, $0x1;
	s10 =	sld [smem:$0x3FA7];
	_ =	sdelay $0x3  }
0x37: {  	[smem:$0x3FA7] =	sst s10  }
0x38: {  	s10 =	sld [smem:$0x3FA8]  }
0x39: {  	_ = 	snop;
	(pc) =	sbr.ind lr, $3  }
0x3a: {  	_ = 	snop  }
0x3b: {  	_ = 	snop  }
0x3c: {  	p2 =	seq.s32 s10, $0x1;
	s10 =	sld [smem:$0x3FA7]  }
0x3d: {  	_ =	shalt  }
0x3e: {  	_ =	shalt  }
0x3f: {  	_ =	shalt  }
0x40: {  	_ =	shalt  }
0x41: {  	_ =	shalt  }
0x42: {  	_ =	shalt  }
0x43: {  	_ =	shalt  }
0x44: {  	_ =	shalt  }
0x45: {  	_ =	shalt  }
0x46: {  	_ =	shalt  }
0x47: {  	_ =	shalt  }
0x48: {  	_ =	shalt  }
0x49: {  	_ =	shalt  }
0x4a: {  	_ =	shalt  }
0x4b: {  	_ =	shalt  }
0x4c: {  	_ =	shalt  }
0x4d: {  	_ =	shalt  }
0x4e: {  	_ =	shalt  }
0x4f: {  	_ =	shalt  }
0x50: {  	_ =	shalt  }
0x51: {  	_ =	shalt  }
0x52: {  	_ =	shalt  }
0x53: {  	_ =	shalt  }
0x54: {  	_ =	shalt  }
0x55: {  	_ =	shalt  }
0x56: {  	_ =	shalt  }
0x57: {  	_ =	shalt  }
0x58: {  	_ =	shalt  }
0x59: {  	_ =	shalt  }
0x5a: {  	_ =	shalt  }
0x5b: {  	_ =	shalt  }
0x5c: {  	_ =	shalt  }
0x5d: {  	_ =	shalt  }
0x5e: {  	_ =	shalt  }
0x5f: {  	_ =	shalt  }
0x60: {  	_ =	shalt  }
0x61: {  	_ =	shalt  }
0x62: {  	_ =	shalt  }
0x63: {  	_ =	shalt  }
0x64: {  	_ =	shalt  }
0x65: {  	_ =	shalt  }
0x66: {  	_ =	shalt  }
0x67: {  	_ =	shalt  }
0x68: {  	_ =	shalt  }
0x69: {  	_ =	shalt  }
0x6a: {  	_ =	shalt  }
0x6b: {  	_ =	shalt  }
0x6c: {  	_ =	shalt  }
0x6d: {  	_ =	shalt  }
0x6e: {  	_ =	shalt  }
0x6f: {  	_ =	shalt  }
0x70: {  	_ =	shalt  }
0x71: {  	_ =	shalt  }
0x72: {  	_ =	shalt  }
0x73: {  	_ =	shalt  }
0x74: {  	_ =	shalt  }
0x75: {  	_ =	shalt  }
0x76: {  	_ =	shalt  }
0x77: {  	_ =	shalt  }
0x78: {  	_ =	shalt  }
0x79: {  	_ =	shalt  }
0x7a: {  	_ =	shalt  }
0x7b: {  	_ =	shalt  }
0x7c: {  	_ =	shalt  }
0x7d: {  	_ =	shalt  }
0x7e: {  	_ =	shalt  }
0x7f: {  	_ =	shalt  }
0x80: {  	_ =	shalt  }
0x81: {  	_ =	shalt  }
0x82: {  	_ =	shalt  }
0x83: {  	_ =	shalt  }
0x84: {  	_ =	shalt  }
0x85: {  	_ =	shalt  }
0x86: {  	_ =	shalt  }
0x87: {  	_ =	shalt  }
.Lfunc_end0:
.L_simem_size_0:
called_computation.1_lowered:
.L_overlay_start_0:
0x88: {  	s2 =	sld [smem:$0x3FD9]  }
0x89: {  	s3 =	sld [smem:$0x3FFE];
	_ =	sdelay $0x1  }
0x8a: {  	s1 =	srdreg.scid  }
0x8b: {  	s0 =	sand.u32 $0x1, s1  }
0x8c: {  	s17 =	sshll.u32 s0, $0xA;
	s2 =	sadd.s32 s3, s2  }
0x8d: {  	s2 =	sadd.s32 s2, s17  }
0x8e: {  	[smem:$0x3FB3] =	sst s2  }
0x8f: {  	_ = 	snop  }
0x90: {  	s2 =	sld [smem:$0x3FD0];
	(tm) =	ssettm $0x1  }
0x91: {  	s18 =	sld [smem:$0x3FFB];
	_ =	sdelay $0x3  }
0x92: {  	_ =	strace s18  }
0x93: {  	s3 =	sld [smem:$0x3FFC];
	_ =	sdelay $0x3  }
0x94: {  	_ =	strace s3  }
0x95: {  	s3 =	sld [smem:$0x3FFD];
	_ =	sdelay $0x3  }
0x96: {  	_ =	strace s3  }
0x97: {  	_ =	strace $0x8FFFFFFF  }
0x98: {  	s19 =	sld [smem:$0x3FDB];
	_ =	sdelay $0x1  }
0x99: {  	s4 =	simm.s32 $_scs_section_size  }
0x9a: {  	s5 =	simm.s32 $_size__tile_overlayer_lowered;
	s6 =	simm.s32 $_tile_overlayer_lowered  }
0x9b: {  	s22 =	simm.s32 $0x1BFF;
	s21 =	sshll.u32 s6, $0x1;
	s3 =	sadd.s32 s4, s19  }
0x9c: {  	s7 =	simm.s32 $0x0;
	s20 =	sshll.u32 s5, $0x1;
	s5 =	sadd.s32 s21, s3  }
0x9d: {  	[timem:s7], [sflag:s22] =	dma.local [hbm:s5], s20  }
0x9e: {  	_ =	swait.ge [sflag:s22], s20  }
0x9f: {  	s4 =	ssub.s32 $0x0, s20;
	[sflag:s22] =	ssyncset.done $0x0  }
0xa0: {  	[sflag:s22] =	ssyncadd.s32 s4;
	_ =	sdelay $0x1  }
0xa1: {  	s23 =	simm.s32 $0x1B8B  }
0xa2: {  	_ =	swait.ge [sflag:s23], $0x1  }
0xa3: {  	[sflag:s23] =	ssyncset.done $0x0  }
0xa4: {  	s25 =	simm.s32 $0x1B8E;
	s24 =	sld [smem:$0x3FFE];
	[sflag:s23] =	ssyncadd.s32 $0xFFFFFFFF  }
0xa5: {  	s26 =	simm.s32 $execute0_lowered;
	[smem:$0x3FD2] =	sst s25  }
0xa6: {  	s5 =	sshll.u32 s26, $0x1;
	_ =	strace $0x80000049;
	[dreg:$0x1] =	wrdreg $0xFFFFFFFF  }
0xa7: {  	s28 =	simm.s32 $_size_execute0_lowered;
	s3 =	sadd.s32 s3, s5;
	[dreg:$0x0] =	wrdreg $0x0  }
0xa8: {  	s5 =	sshll.u32 s28, $0x1;
	[dreg:$0x2] =	wrdreg s3  }
0xa9: {  	[dreg:$0x3] =	wrdreg s5  }
0xaa: {  	[dreg:$0x4] =	wrdreg $0xC0  }
0xab: {  	_ =	task [dreg:s7], $0x5FFFF  }
0xac: {  	[dreg:$0x1] =	wrdreg $0xFFFFFFFF  }
0xad: {  	[dreg:$0x0] =	wrdreg $0x60  }
0xae: {  	[dreg:$0x2] =	wrdreg s2  }
0xaf: {  	[dreg:$0x3] =	wrdreg s24  }
0xb0: {  	[dreg:$0x4] =	wrdreg $0x5A000  }
0xb1: {  	[dreg:$0x5] =	wrdreg $0x9  }
0xb2: {  	_ =	task.clear_ibuf [dreg:s7], $0x6FFFF;
	_ =	strace $0x90000049  }
0xb3: {  	s29 =	simm.s32 $0x9;
	_ =	strace $0x8000004B  }
0xb4: {  	_ =	swait.ge [sflag:s29], $0x1  }
0xb5: {  	[sflag:s29] =	ssyncadd.s32 $0xFFFFFFFF  }
0xb6: {  	_ =	strace $0x9000004B  }
0xb7: {  	_ =	sfence  }
0xb8: {  	s30 =	sld [smem:$0x0];
	_ =	sdelay $0x2  }
0xb9: {  	s31 =	sshll.u32 s1, $0xD;
	s1 =	sshrl.u32 s1, $0x2  }
0xba: {  	s3 =	sand.u32 $0x4000, s31;
	s1 =	sadd.s32 s1, s30  }
0xbb: {  	s0 =	sor.u32 s3, s0;
	s1 =	sshll.u32 s1, $0x11  }
0xbc: {  	s0 =	sor.u32 s1, s0  }
0xbd: {  	s0 =	sadd.s32 $0x8F2B, s0  }
0xbe: {  	[sflag:s0] =	ssyncadd.remote.s32 $0x1  }
0xbf: {  	_ =	sfence.sel $0xFFFF  }
0xc0: {  	[dreg:$0x0] =	wrdreg $0xFFFFFFFF;
	(pc) =	sbr.abs _section_cstart, $3  }
0xc1: {  	[dreg:$0x1] =	wrdreg $0xFFFFFFFF  }
0xc2: {  	_ =	task.clear_ibuf [dreg:s7], $0x2FFFF;
	_ =	strace $0x9FFFFFFF  }
0xc3: {  	(tm) =	ssettm $0x7FFFFFFF  }
tec
execute0_lowered:
.L_overlay_start_1:
0x0: {  	(tag) =	ssettag $0x1  }
0x1: {  	s3 =	srdreg.scid;
	s13 =	stileid.u32  }
0x2: {  	s3 =	sand.u32 $0x1, s3;
	s6 =	smul.u32 $0x14000, s13  }
0x3: {  	s1 =	rddreg [dreg:$0x0];
	s5 =	smul.u32 $0x140000, s3  }
0x4: {  	s0 =	rddreg [dreg:$0x1];
	s8 =	smul.u32 $0x50000, s13  }
0x5: {  	s2 =	rddreg [dreg:$0x2];
	s4 =	simm.s32 $0x0;
	s6 =	sadd.s32 s6, s5  }
0x6: {  	s7 =	sadd.s32 $0xA07800, s0;
	s8 =	sshrl.u32 s8, $0x2;
	s6 =	sshrl.u32 s6, $0x3  }
0x7: {  	s5 =	sadd.s32 $0x4E7000, s0;
	s0 =	sadd.s32 s6, s0;
	s6 =	sadd.s32 s8, s2  }
0x8: {  	[smem:$0x7FF] =	sst s4;
	s17 =	sadd.s32 $0x800, s6  }
0x9: {  	_ =	strace $0x8000004A;
	s18 =	sadd.s32 $0x1000, s6;
	[dreg:$0x4] =	wrdreg s17  }
0xa: {  	s19 =	sadd.s32 $0x1800, s6;
	[dreg:$0x5] =	wrdreg s18  }
0xb: {  	s20 =	sadd.s32 $0x2000, s6;
	[dreg:$0x6] =	wrdreg s19  }
0xc: {  	s10 =	sshll.u32 s13, $0x1;
	s11 =	sadd.s32 $0x2800, s6;
	[dreg:$0x7] =	wrdreg s20  }
0xd: {  	s23 =	smul.u32 $0x1F400, s13;
	s22 =	sadd.s32 $0x3000, s6;
	[dreg:$0x8] =	wrdreg s11  }
0xe: {  	s9 =	ssub.s32 $0x2, s3;
	s12 =	sadd.s32 $0x3800, s6;
	[dreg:$0x9] =	wrdreg s22  }
0xf: {  	s16 =	sor.u32 s3, s10;
	s24 =	sadd.s32 $0x4000, s6;
	[dreg:$0xa] =	wrdreg s12  }
0x10: {  	s15 =	sshrl.u32 s9, $0x1;
	s14 =	sadd.s32 $0x4800, s6;
	[dreg:$0xb] =	wrdreg s24  }
0x11: {  	s21 =	smul.u32 $0xFA00, s16;
	s26 =	sadd.s32 $0x5000, s6;
	[dreg:$0xc] =	wrdreg s14  }
0x12: {  	s9 =	ssub.s32 s9, s15;
	s15 =	sadd.s32 $0x5800, s6;
	[dreg:$0xd] =	wrdreg s26  }
0x13: {  	s8 =	smul.u32 $0x27100, s16;
	s0 =	sadd.s32 $0x5000, s0;
	[dreg:$0xe] =	wrdreg s15  }
0x14: {  	s16 =	smul.u32 $0x4E200, s13;
	s13 =	sadd.s32 $0xB800, s6;
	[dreg:$0x11] =	wrdreg s0  }
0x15: {  	s30 =	simm.s32 $0x5200;
	s8 =	sadd.s32 s7, s8;
	[dreg:$0x1f] =	wrdreg s13  }
0x16: {  	s31 =	simm.s32 $0x5;
	s17 =	sadd.s32 $0x6000, s6;
	[dreg:$0xf] =	wrdreg s8  }
0x17: {  	s25 =	smul.u32 $0xFA00, s3;
	s20 =	smax.u32 s9, $0x1;
	[dreg:$0x10] =	wrdreg s17  }
0x18: {  	s3 =	smul.u32 $0x27100, s3;
	s22 =	sadd.s32 $0x6800, s6;
	[dreg:$0x12] =	wrdreg s20  }
0x19: {  	s11 =	sadd.s32 s25, s23;
	s23 =	sadd.s32 $0x7000, s6;
	[dreg:$0x15] =	wrdreg s22  }
0x1a: {  	s10 =	sshrl.u32 s21, $0x3;
	s24 =	sadd.s32 $0x7800, s6;
	[dreg:$0x16] =	wrdreg s23  }
0x1b: {  	s28 =	sadd.s32 $0x12800, s6;
	s26 =	sadd.s32 $0x8000, s6;
	[dreg:$0x17] =	wrdreg s24  }
0x1c: {  	s7 =	sadd.s32 s16, s7;
	s9 =	sadd.s32 $0x9800, s6;
	[dreg:$0x18] =	wrdreg s26  }
0x1d: {  	s12 =	sadd.s32 $0xB000, s6;
	s14 =	sadd.s32 $0xC000, s6;
	[dreg:$0x1b] =	wrdreg s9  }
0x1e: {  	s15 =	sadd.s32 $0xC800, s6;
	s16 =	sadd.s32 $0xD000, s6;
	[dreg:$0x1e] =	wrdreg s12  }
0x1f: {  	s13 =	simm.s32 $0x3;
	s8 =	sadd.s32 s5, s10;
	[smem:$0x7F2] =	sst s14  }
0x20: {  	s18 =	sadd.s32 s3, s7;
	s19 =	sadd.s32 $0x300, s11;
	[smem:$0x7F3] =	sst s15  }
0x21: {  	s21 =	sadd.s32 $0x200, s11;
	s7 =	sadd.s32 $0x9000, s6;
	[smem:$0x7F4] =	sst s16  }
0x22: {  	s10 =	sadd.s32 $0xA000, s6;
	s11 =	sadd.s32 $0xA800, s6;
	[dreg:$0x13] =	wrdreg s21  }
0x23: {  	s17 =	sadd.s32 $0xD800, s6;
	s20 =	sadd.s32 $0xF000, s6;
	[dreg:$0x1a] =	wrdreg s7  }
0x24: {  	s22 =	sadd.s32 $0x10000, s6;
	s23 =	sadd.s32 $0x10800, s6;
	[dreg:$0x1c] =	wrdreg s10  }
0x25: {  	s24 =	sadd.s32 $0x11000, s6;
	s26 =	sadd.s32 $0x11800, s6;
	[dreg:$0x1d] =	wrdreg s11  }
0x26: {  	s9 =	simm.s32 $0x2A00;
	s12 =	simm.s32 $0x3E00;
	[smem:$0x7F5] =	sst s17  }
0x27: {  	s14 =	simm.s32 $0x80;
	s15 =	simm.s32 $0x4;
	[smem:$0x7F8] =	sst s20  }
0x28: {  	s16 =	simm.s32 $0x180;
	s3 =	sshrl.u32 s19, $0x3;
	[smem:$0x7FA] =	sst s22  }
0x29: {  	s0 =	sadd.s32 $0x500, s18;
	s18 =	sadd.s32 $0xE000, s6;
	[smem:$0x7FB] =	sst s23  }
0x2a: {  	s19 =	sadd.s32 $0xE800, s6;
	s21 =	sadd.s32 $0xF800, s6;
	[smem:$0x7FC] =	sst s24  }
0x2b: {  	[smem:$0x7FD] =	sst s26;
	s26 =	sadd.s32 $0x12000, s6;
	s20 =	sadd.s32 $0x13000, s6  }
0x2c: {  	s24 =	sadd.s32 $0x13800, s6;
	s23 =	smov.u32 s8;
	s29 =	sadd.s32 $0x20, s8  }
.Ltmp0:
0x2d: {  	s7 =	simm.s32 $0x28;
	[dreg:$0x14] =	wrdreg s0;
	(pc) =	sbr.rel .LBB2_1-.Ltmp0, $4  }
0x2e: {  	s8 =	simm.s32 $0x200;
	s10 =	simm.s32 $0x2;
	[smem:$0x7F6] =	sst s18  }
0x2f: {  	s11 =	simm.s32 $0x1600;
	s17 =	simm.s32 $0x0;
	[smem:$0x7F7] =	sst s19  }
0x30: {  	s25 =	sadd.s32 s3, s5;
	s3 =	sadd.s32 $0x8800, s6;
	[smem:$0x7F9] =	sst s21  }
0x31: {  	v0 =	vimm.f32 $0.0e+00;
	s0 =	simm.s32 $0x100;
	[dreg:$0x19] =	wrdreg s3;
	s3 =	simm.s32 $0x1  }
.LBB2_6:
0x32: {  	_ =	swait.ge [sflag:s15], $0x1400  }
0x33: {  	[sflag:s15] =	ssyncset.done $0x0  }
0x34: {  	[sflag:s15] =	ssyncadd.s32 $0xFFFFEC00  }
0x35: {  	_ =	swait.ge [sflag:s15], $0x1400  }
0x36: {  	[sflag:s15] =	ssyncset.done $0x0  }
0x37: {  	[sflag:s15] =	ssyncadd.s32 $0xFFFFEC00  }
0x38: {  	[spmem:s2] =	stream.indirect.scatter.add.f32 [tilespmem:s11], [sflag:$0x5], $0x80, s16, s7, $0xb8;
	[tilespmem:$0x19A00] =	vst v63  }
0x39: {  	_ =	swait.ge [sflag:s31], $0x1400  }
0x3a: {  	[sflag:s31] =	ssyncset.done $0x0  }
0x3b: {  	s18 =	stileid.u32;
	[sflag:s31] =	ssyncadd.s32 $0xFFFFEC00  }
0x3c: {  	s18 =	sshll.u32 s18, $0x6;
	[bflag:$0x0] =	sbarrier.arrive $0xFFFF  }
0x3d: {  	s19 =	sshrl.u32 s6, $0x3;
	s18 =	sor.u32 $0x1C05, s18;
	s21 =	rddreg [dreg:$0x11]  }
0x3e: {  	[hbm:s21], [sflag:s18] =	dma.local [spmem:s19], $0x2800  }
0x3f: {  	_ =	swait.ge [sflag:s31], $0x2800  }
0x40: {  	s17 =	sadd.s32 $0x1, s17;
	s22 =	rddreg [dreg:$0x12]  }
0x41: {  	p0 =	sne.s32 s17, s22  }
.Ltmp1:
0x42: {  	_ = 	snop;
	(pc) =	sbr.rel @!p0 .LBB2_7-.Ltmp1, $3  }
0x43: {  	_ =	sdelay $0x1  }
0x44: {  	[sflag:s31] =	ssyncset.done $0x0  }
0x45: {  	[sflag:s31] =	ssyncadd.s32 $0xFFFFD800  }
.LBB2_1:
0x46: {  	s18 =	simm.s32 $0x0;
	s19 =	simm.s32 $0x200  }
.LBB2_2:
0x47: {  	p0 =	sne.s32 s19, $0x1E00;
	[tilespmem:s18+$0x5270] =	vst v0  }
0x48: {  	[tilespmem:s18+$0x5200] =	vst v0  }
0x49: {  	[tilespmem:s18+$0x5210] =	vst v0  }
.Ltmp2:
0x4a: {  	[tilespmem:s18+$0x5220] =	vst v0;
	(pc) =	sbr.rel @p0 .LBB2_2-.Ltmp2, $4  }
0x4b: {  	[tilespmem:s18+$0x5230] =	vst v0  }
0x4c: {  	[tilespmem:s18+$0x5240] =	vst v0  }
0x4d: {  	[tilespmem:s18+$0x5250] =	vst v0  }
0x4e: {  	[tilespmem:s18+$0x5260] =	vst v0;
	s18 =	sshra.s32 s19, $0x2;
	s19 =	sadd.s32 $0x200, s19  }
0x4f: {  	[tilespmem:s18+$0x5270] =	vst v0  }
0x50: {  	[tilespmem:s18+$0x5200] =	vst v0  }
0x51: {  	[tilespmem:s18+$0x5210] =	vst v0  }
0x52: {  	[tilespmem:s18+$0x5220] =	vst v0  }
0x53: {  	[tilespmem:s18+$0x5230] =	vst v0  }
0x54: {  	[tilespmem:s18+$0x5240] =	vst v0  }
0x55: {  	[tilespmem:s18+$0x5250] =	vst v0  }
0x56: {  	[tilespmem:s18+$0x5260] =	vst v0  }
0x57: {  	[spmem:s6] =	stream.linear.scatter [tilespmem:s30], [sflag:$0x5], $0x800, $0x38;
	[tilespmem:$0x19A00] =	vst v63  }
0x58: {  	_ =	swait.ge [sflag:s31], $0x800  }
0x59: {  	[sflag:s31] =	ssyncset.done $0x0  }
0x5a: {  	s21 =	rddreg [dreg:$0x4];
	[sflag:s31] =	ssyncadd.s32 $0xFFFFF800  }
0x5b: {  	[spmem:s21] =	stream.linear.scatter [tilespmem:s30], [sflag:$0x5], $0x800, $0x38;
	[tilespmem:$0x19A00] =	vst v63  }
0x5c: {  	_ =	swait.ge [sflag:s31], $0x800  }
0x5d: {  	[sflag:s31] =	ssyncset.done $0x0  }
0x5e: {  	s22 =	rddreg [dreg:$0x5];
	[sflag:s31] =	ssyncadd.s32 $0xFFFFF800  }
0x5f: {  	[spmem:s22] =	stream.linear.scatter [tilespmem:s30], [sflag:$0x5], $0x800, $0x38;
	[tilespmem:$0x19A00] =	vst v63  }
0x60: {  	_ =	swait.ge [sflag:s31], $0x800  }
0x61: {  	[sflag:s31] =	ssyncset.done $0x0  }
0x62: {  	s19 =	rddreg [dreg:$0x6];
	[sflag:s31] =	ssyncadd.s32 $0xFFFFF800  }
0x63: {  	[spmem:s19] =	stream.linear.scatter [tilespmem:s30], [sflag:$0x5], $0x800, $0x38;
	[tilespmem:$0x19A00] =	vst v63  }
0x64: {  	_ =	swait.ge [sflag:s31], $0x800  }
0x65: {  	[sflag:s31] =	ssyncset.done $0x0  }
0x66: {  	s21 =	rddreg [dreg:$0x7];
	[sflag:s31] =	ssyncadd.s32 $0xFFFFF800  }
0x67: {  	[spmem:s21] =	stream.linear.scatter [tilespmem:s30], [sflag:$0x5], $0x800, $0x38;
	[tilespmem:$0x19A00] =	vst v63  }
0x68: {  	_ =	swait.ge [sflag:s31], $0x800  }
0x69: {  	[sflag:s31] =	ssyncset.done $0x0  }
0x6a: {  	s22 =	rddreg [dreg:$0x8];
	[sflag:s31] =	ssyncadd.s32 $0xFFFFF800  }
0x6b: {  	[spmem:s22] =	stream.linear.scatter [tilespmem:s30], [sflag:$0x5], $0x800, $0x38;
	[tilespmem:$0x19A00] =	vst v63  }
0x6c: {  	_ =	swait.ge [sflag:s31], $0x800  }
0x6d: {  	[sflag:s31] =	ssyncset.done $0x0  }
0x6e: {  	s19 =	rddreg [dreg:$0x9];
	[sflag:s31] =	ssyncadd.s32 $0xFFFFF800  }
0x6f: {  	[spmem:s19] =	stream.linear.scatter [tilespmem:s30], [sflag:$0x5], $0x800, $0x38;
	[tilespmem:$0x19A00] =	vst v63  }
0x70: {  	_ =	swait.ge [sflag:s31], $0x800  }
0x71: {  	[sflag:s31] =	ssyncset.done $0x0  }
0x72: {  	s21 =	rddreg [dreg:$0xa];
	[sflag:s31] =	ssyncadd.s32 $0xFFFFF800  }
0x73: {  	[spmem:s21] =	stream.linear.scatter [tilespmem:s30], [sflag:$0x5], $0x800, $0x38;
	[tilespmem:$0x19A00] =	vst v63  }
0x74: {  	_ =	swait.ge [sflag:s31], $0x800  }
0x75: {  	[sflag:s31] =	ssyncset.done $0x0  }
0x76: {  	s22 =	rddreg [dreg:$0xb];
	[sflag:s31] =	ssyncadd.s32 $0xFFFFF800  }
0x77: {  	[spmem:s22] =	stream.linear.scatter [tilespmem:s30], [sflag:$0x5], $0x800, $0x38;
	[tilespmem:$0x19A00] =	vst v63  }
0x78: {  	_ =	swait.ge [sflag:s31], $0x800  }
0x79: {  	[sflag:s31] =	ssyncset.done $0x0  }
0x7a: {  	s19 =	rddreg [dreg:$0xc];
	[sflag:s31] =	ssyncadd.s32 $0xFFFFF800  }
0x7b: {  	[spmem:s19] =	stream.linear.scatter [tilespmem:s30], [sflag:$0x5], $0x800, $0x38;
	[tilespmem:$0x19A00] =	vst v63  }
0x7c: {  	_ =	swait.ge [sflag:s31], $0x800  }
0x7d: {  	[sflag:s31] =	ssyncset.done $0x0  }
0x7e: {  	s21 =	rddreg [dreg:$0xd];
	[sflag:s31] =	ssyncadd.s32 $0xFFFFF800  }
0x7f: {  	[spmem:s21] =	stream.linear.scatter [tilespmem:s30], [sflag:$0x5], $0x800, $0x38;
	[tilespmem:$0x19A00] =	vst v63  }
0x80: {  	_ =	swait.ge [sflag:s31], $0x800  }
0x81: {  	[sflag:s31] =	ssyncset.done $0x0  }
0x82: {  	s22 =	rddreg [dreg:$0xe];
	[sflag:s31] =	ssyncadd.s32 $0xFFFFF800  }
0x83: {  	[spmem:s22] =	stream.linear.scatter [tilespmem:s30], [sflag:$0x5], $0x800, $0x38;
	[tilespmem:$0x19A00] =	vst v63  }
0x84: {  	_ =	swait.ge [sflag:s31], $0x800  }
0x85: {  	[sflag:s31] =	ssyncset.done $0x0  }
0x86: {  	s19 =	rddreg [dreg:$0x10];
	[sflag:s31] =	ssyncadd.s32 $0xFFFFF800  }
0x87: {  	[spmem:s19] =	stream.linear.scatter [tilespmem:s30], [sflag:$0x5], $0x800, $0x38;
	[tilespmem:$0x19A00] =	vst v63  }
0x88: {  	_ =	swait.ge [sflag:s31], $0x800  }
0x89: {  	[sflag:s31] =	ssyncset.done $0x0  }
0x8a: {  	s21 =	rddreg [dreg:$0x15];
	[sflag:s31] =	ssyncadd.s32 $0xFFFFF800  }
0x8b: {  	[spmem:s21] =	stream.linear.scatter [tilespmem:s30], [sflag:$0x5], $0x800, $0x38;
	[tilespmem:$0x19A00] =	vst v63  }
0x8c: {  	_ =	swait.ge [sflag:s31], $0x800  }
0x8d: {  	[sflag:s31] =	ssyncset.done $0x0  }
0x8e: {  	s22 =	rddreg [dreg:$0x16];
	[sflag:s31] =	ssyncadd.s32 $0xFFFFF800  }
0x8f: {  	[spmem:s22] =	stream.linear.scatter [tilespmem:s30], [sflag:$0x5], $0x800, $0x38;
	[tilespmem:$0x19A00] =	vst v63  }
0x90: {  	_ =	swait.ge [sflag:s31], $0x800  }
0x91: {  	[sflag:s31] =	ssyncset.done $0x0  }
0x92: {  	s19 =	rddreg [dreg:$0x17];
	[sflag:s31] =	ssyncadd.s32 $0xFFFFF800  }
0x93: {  	[spmem:s19] =	stream.linear.scatter [tilespmem:s30], [sflag:$0x5], $0x800, $0x38;
	[tilespmem:$0x19A00] =	vst v63  }
0x94: {  	_ =	swait.ge [sflag:s31], $0x800  }
0x95: {  	[sflag:s31] =	ssyncset.done $0x0  }
0x96: {  	s21 =	rddreg [dreg:$0x18];
	[sflag:s31] =	ssyncadd.s32 $0xFFFFF800  }
0x97: {  	[spmem:s21] =	stream.linear.scatter [tilespmem:s30], [sflag:$0x5], $0x800, $0x38;
	[tilespmem:$0x19A00] =	vst v63  }
0x98: {  	_ =	swait.ge [sflag:s31], $0x800  }
0x99: {  	[sflag:s31] =	ssyncset.done $0x0  }
0x9a: {  	s22 =	rddreg [dreg:$0x19];
	[sflag:s31] =	ssyncadd.s32 $0xFFFFF800  }
0x9b: {  	[spmem:s22] =	stream.linear.scatter [tilespmem:s30], [sflag:$0x5], $0x800, $0x38;
	[tilespmem:$0x19A00] =	vst v63  }
0x9c: {  	_ =	swait.ge [sflag:s31], $0x800  }
0x9d: {  	[sflag:s31] =	ssyncset.done $0x0  }
0x9e: {  	s19 =	rddreg [dreg:$0x1a];
	[sflag:s31] =	ssyncadd.s32 $0xFFFFF800  }
0x9f: {  	[spmem:s19] =	stream.linear.scatter [tilespmem:s30], [sflag:$0x5], $0x800, $0x38;
	[tilespmem:$0x19A00] =	vst v63  }
0xa0: {  	_ =	swait.ge [sflag:s31], $0x800  }
0xa1: {  	[sflag:s31] =	ssyncset.done $0x0  }
0xa2: {  	s21 =	rddreg [dreg:$0x1b];
	[sflag:s31] =	ssyncadd.s32 $0xFFFFF800  }
0xa3: {  	[spmem:s21] =	stream.linear.scatter [tilespmem:s30], [sflag:$0x5], $0x800, $0x38;
	[tilespmem:$0x19A00] =	vst v63  }
0xa4: {  	_ =	swait.ge [sflag:s31], $0x800  }
0xa5: {  	[sflag:s31] =	ssyncset.done $0x0  }
0xa6: {  	s22 =	rddreg [dreg:$0x1c];
	[sflag:s31] =	ssyncadd.s32 $0xFFFFF800  }
0xa7: {  	[spmem:s22] =	stream.linear.scatter [tilespmem:s30], [sflag:$0x5], $0x800, $0x38;
	[tilespmem:$0x19A00] =	vst v63  }
0xa8: {  	_ =	swait.ge [sflag:s31], $0x800  }
0xa9: {  	[sflag:s31] =	ssyncset.done $0x0  }
0xaa: {  	s19 =	rddreg [dreg:$0x1d];
	[sflag:s31] =	ssyncadd.s32 $0xFFFFF800  }
0xab: {  	[spmem:s19] =	stream.linear.scatter [tilespmem:s30], [sflag:$0x5], $0x800, $0x38;
	[tilespmem:$0x19A00] =	vst v63  }
0xac: {  	_ =	swait.ge [sflag:s31], $0x800  }
0xad: {  	[sflag:s31] =	ssyncset.done $0x0  }
0xae: {  	s21 =	rddreg [dreg:$0x1e];
	[sflag:s31] =	ssyncadd.s32 $0xFFFFF800  }
0xaf: {  	[spmem:s21] =	stream.linear.scatter [tilespmem:s30], [sflag:$0x5], $0x800, $0x38;
	[tilespmem:$0x19A00] =	vst v63  }
0xb0: {  	_ =	swait.ge [sflag:s31], $0x800  }
0xb1: {  	[sflag:s31] =	ssyncset.done $0x0  }
0xb2: {  	s22 =	rddreg [dreg:$0x1f];
	[sflag:s31] =	ssyncadd.s32 $0xFFFFF800  }
0xb3: {  	[spmem:s22] =	stream.linear.scatter [tilespmem:s30], [sflag:$0x5], $0x800, $0x38;
	[tilespmem:$0x19A00] =	vst v63  }
0xb4: {  	_ =	swait.ge [sflag:s31], $0x800  }
0xb5: {  	s19 =	sld [smem:$0x7F2]  }
0xb6: {  	[sflag:s31] =	ssyncset.done $0x0  }
0xb7: {  	[sflag:s31] =	ssyncadd.s32 $0xFFFFF800  }
0xb8: {  	[spmem:s19] =	stream.linear.scatter [tilespmem:s30], [sflag:$0x5], $0x800, $0x38;
	[tilespmem:$0x19A00] =	vst v63  }
0xb9: {  	_ =	swait.ge [sflag:s31], $0x800  }
0xba: {  	s21 =	sld [smem:$0x7F3]  }
0xbb: {  	[sflag:s31] =	ssyncset.done $0x0  }
0xbc: {  	[sflag:s31] =	ssyncadd.s32 $0xFFFFF800  }
0xbd: {  	[spmem:s21] =	stream.linear.scatter [tilespmem:s30], [sflag:$0x5], $0x800, $0x38;
	[tilespmem:$0x19A00] =	vst v63  }
0xbe: {  	_ =	swait.ge [sflag:s31], $0x800  }
0xbf: {  	s22 =	sld [smem:$0x7F4]  }
0xc0: {  	[sflag:s31] =	ssyncset.done $0x0  }
0xc1: {  	[sflag:s31] =	ssyncadd.s32 $0xFFFFF800  }
0xc2: {  	[spmem:s22] =	stream.linear.scatter [tilespmem:s30], [sflag:$0x5], $0x800, $0x38;
	[tilespmem:$0x19A00] =	vst v63  }
0xc3: {  	_ =	swait.ge [sflag:s31], $0x800  }
0xc4: {  	s19 =	sld [smem:$0x7F5]  }
0xc5: {  	[sflag:s31] =	ssyncset.done $0x0  }
0xc6: {  	[sflag:s31] =	ssyncadd.s32 $0xFFFFF800  }
0xc7: {  	[spmem:s19] =	stream.linear.scatter [tilespmem:s30], [sflag:$0x5], $0x800, $0x38;
	[tilespmem:$0x19A00] =	vst v63  }
0xc8: {  	_ =	swait.ge [sflag:s31], $0x800  }
0xc9: {  	s21 =	sld [smem:$0x7F6]  }
0xca: {  	[sflag:s31] =	ssyncset.done $0x0  }
0xcb: {  	[sflag:s31] =	ssyncadd.s32 $0xFFFFF800  }
0xcc: {  	[spmem:s21] =	stream.linear.scatter [tilespmem:s30], [sflag:$0x5], $0x800, $0x38;
	[tilespmem:$0x19A00] =	vst v63  }
0xcd: {  	_ =	swait.ge [sflag:s31], $0x800  }
0xce: {  	s22 =	sld [smem:$0x7F7]  }
0xcf: {  	[sflag:s31] =	ssyncset.done $0x0  }
0xd0: {  	[sflag:s31] =	ssyncadd.s32 $0xFFFFF800  }
0xd1: {  	[spmem:s22] =	stream.linear.scatter [tilespmem:s30], [sflag:$0x5], $0x800, $0x38;
	[tilespmem:$0x19A00] =	vst v63  }
0xd2: {  	_ =	swait.ge [sflag:s31], $0x800  }
0xd3: {  	s19 =	sld [smem:$0x7F8]  }
0xd4: {  	[sflag:s31] =	ssyncset.done $0x0  }
0xd5: {  	[sflag:s31] =	ssyncadd.s32 $0xFFFFF800  }
0xd6: {  	[spmem:s19] =	stream.linear.scatter [tilespmem:s30], [sflag:$0x5], $0x800, $0x38;
	[tilespmem:$0x19A00] =	vst v63  }
0xd7: {  	_ =	swait.ge [sflag:s31], $0x800  }
0xd8: {  	s21 =	sld [smem:$0x7F9]  }
0xd9: {  	[sflag:s31] =	ssyncset.done $0x0  }
0xda: {  	[sflag:s31] =	ssyncadd.s32 $0xFFFFF800  }
0xdb: {  	[spmem:s21] =	stream.linear.scatter [tilespmem:s30], [sflag:$0x5], $0x800, $0x38;
	[tilespmem:$0x19A00] =	vst v63  }
0xdc: {  	_ =	swait.ge [sflag:s31], $0x800  }
0xdd: {  	s22 =	sld [smem:$0x7FA]  }
0xde: {  	[sflag:s31] =	ssyncset.done $0x0  }
0xdf: {  	[sflag:s31] =	ssyncadd.s32 $0xFFFFF800  }
0xe0: {  	[spmem:s22] =	stream.linear.scatter [tilespmem:s30], [sflag:$0x5], $0x800, $0x38;
	[tilespmem:$0x19A00] =	vst v63  }
0xe1: {  	_ =	swait.ge [sflag:s31], $0x800  }
0xe2: {  	s19 =	sld [smem:$0x7FB]  }
0xe3: {  	[sflag:s31] =	ssyncset.done $0x0  }
0xe4: {  	[sflag:s31] =	ssyncadd.s32 $0xFFFFF800  }
0xe5: {  	[spmem:s19] =	stream.linear.scatter [tilespmem:s30], [sflag:$0x5], $0x800, $0x38;
	[tilespmem:$0x19A00] =	vst v63  }
0xe6: {  	_ =	swait.ge [sflag:s31], $0x800  }
0xe7: {  	s21 =	sld [smem:$0x7FC]  }
0xe8: {  	[sflag:s31] =	ssyncset.done $0x0  }
0xe9: {  	[sflag:s31] =	ssyncadd.s32 $0xFFFFF800  }
0xea: {  	[spmem:s21] =	stream.linear.scatter [tilespmem:s30], [sflag:$0x5], $0x800, $0x38;
	[tilespmem:$0x19A00] =	vst v63  }
0xeb: {  	_ =	swait.ge [sflag:s31], $0x800  }
0xec: {  	s22 =	sld [smem:$0x7FD]  }
0xed: {  	[sflag:s31] =	ssyncset.done $0x0  }
0xee: {  	[sflag:s31] =	ssyncadd.s32 $0xFFFFF800  }
0xef: {  	[spmem:s22] =	stream.linear.scatter [tilespmem:s30], [sflag:$0x5], $0x800, $0x38;
	[tilespmem:$0x19A00] =	vst v63  }
0xf0: {  	_ =	swait.ge [sflag:s31], $0x800  }
0xf1: {  	[sflag:s31] =	ssyncset.done $0x0  }
0xf2: {  	[sflag:s31] =	ssyncadd.s32 $0xFFFFF800  }
0xf3: {  	[spmem:s26] =	stream.linear.scatter [tilespmem:s30], [sflag:$0x5], $0x800, $0x38;
	[tilespmem:$0x19A00] =	vst v63  }
0xf4: {  	_ =	swait.ge [sflag:s31], $0x800  }
0xf5: {  	[sflag:s31] =	ssyncset.done $0x0  }
0xf6: {  	[sflag:s31] =	ssyncadd.s32 $0xFFFFF800  }
0xf7: {  	[spmem:s28] =	stream.linear.scatter [tilespmem:s30], [sflag:$0x5], $0x800, $0x38;
	[tilespmem:$0x19A00] =	vst v63  }
0xf8: {  	_ =	swait.ge [sflag:s31], $0x800  }
0xf9: {  	[sflag:s31] =	ssyncset.done $0x0  }
0xfa: {  	[sflag:s31] =	ssyncadd.s32 $0xFFFFF800  }
0xfb: {  	[spmem:s20] =	stream.linear.scatter [tilespmem:s30], [sflag:$0x5], $0x800, $0x38;
	[tilespmem:$0x19A00] =	vst v63  }
0xfc: {  	_ =	swait.ge [sflag:s31], $0x800  }
0xfd: {  	[sflag:s31] =	ssyncset.done $0x0  }
0xfe: {  	[sflag:s31] =	ssyncadd.s32 $0xFFFFF800  }
0xff: {  	[spmem:s24] =	stream.linear.scatter [tilespmem:s30], [sflag:$0x5], $0x800, $0x38;
	[tilespmem:$0x19A00] =	vst v63  }
0x100: {  	_ =	swait.ge [sflag:s31], $0x800  }
0x101: {  	[sflag:s31] =	ssyncset.done $0x0  }
0x102: {  	[sflag:s31] =	ssyncadd.s32 $0xFFFFF800  }
0x103: {  	s18 =	simm.s32 $0x0;
	[bflag:$0x0] =	sbarrier.arrive $0xFFFF  }
0x104: {  	[tilespmem:s18], [sflag:$0x1] =	stream.linear.gather [hbm4b:s23+s18], $0x100, $0x38;
	[tilespmem:$0x19A00] =	vst v63  }
0x105: {  	_ = 	snop  }
0x106: {  	[tilespmem:s0], [sflag:$0x2] =	stream.linear.gather [hbm4b:s29+s18], $0x100, $0x38;
	[tilespmem:$0x19A00] =	vst v63  }
0x107: {  	_ =	swait.ge [sflag:s3], $0x100  }
0x108: {  	[sflag:s3] =	ssyncset.done $0x0  }
0x109: {  	s19 =	rddreg [dreg:$0xf];
	[sflag:s3] =	ssyncadd.s32 $0xFFFFFF00  }
0x10a: {  	[tilespmem:s8], [sflag:$0x3] =	stream.indirect.gather [hbm4b:s1+s7], $0x80, s18, s7, $0xb8;
	[tilespmem:$0x19A00] =	vst v63  }
0x10b: {  	s21 =	rddreg [dreg:$0x13]  }
0x10c: {  	[tilespmem:s9], [sflag:$0x3] =	stream.linear.gather [hbm4b:s19+s18], $0x1400, $0x38;
	[tilespmem:$0x19A00] =	vst v63  }
0x10d: {  	s19 =	rddreg [dreg:$0x14]  }
.LBB2_4:
0x10e: {  	_ =	swait.ge [sflag:s10], $0x100  }
0x10f: {  	[sflag:s10] =	ssyncset.done $0x0  }
0x110: {  	[sflag:s10] =	ssyncadd.s32 $0xFFFFFF00  }
0x111: {  	[tilespmem:s11], [sflag:$0x4] =	stream.indirect.gather [hbm4b:s1+s7], $0x80, s0, s7, $0xb8;
	[tilespmem:$0x19A00] =	vst v63  }
0x112: {  	s22 =	sadd.s32 $0xFFFFFD80, s19  }
0x113: {  	[tilespmem:s12], [sflag:$0x4] =	stream.linear.gather [hbm4b:s22+s4], $0x1400, $0x38;
	[tilespmem:$0x19A00] =	vst v63  }
0x114: {  	_ =	swait.ge [sflag:s13], $0x1400  }
0x115: {  	[sflag:s13] =	ssyncset.done $0x0  }
0x116: {  	[sflag:s13] =	ssyncadd.s32 $0xFFFFEC00  }
0x117: {  	_ =	swait.ge [sflag:s13], $0x1400  }
0x118: {  	p0 =	seq.s32 s18, $0x1F00;
	[sflag:s13] =	ssyncset.done $0x0  }
.Ltmp3:
0x119: {  	[sflag:s13] =	ssyncadd.s32 $0xFFFFEC00;
	(pc) =	sbr.rel @p0 .LBB2_6-.Ltmp3, $4  }
0x11a: {  	[spmem:s2] =	stream.indirect.scatter.add.f32 [tilespmem:s8], [sflag:$0x5], $0x80, s14, s7, $0xb8;
	[tilespmem:$0x19A00] =	vst v63  }
0x11b: {  	_ =	swait.ge [sflag:s31], $0x1400  }
0x11c: {  	[sflag:s31] =	ssyncset.done $0x0  }
0x11d: {  	[sflag:s31] =	ssyncadd.s32 $0xFFFFEC00  }
0x11e: {  	s22 =	sshrl.u32 s21, $0x3  }
0x11f: {  	s22 =	sadd.s32 s5, s22  }
0x120: {  	[tilespmem:s4], [sflag:$0x1] =	stream.linear.gather [hbm4b:s22+s4], $0x100, $0x38;
	[tilespmem:$0x19A00] =	vst v63  }
0x121: {  	_ =	swait.ge [sflag:s3], $0x100  }
0x122: {  	[sflag:s3] =	ssyncset.done $0x0  }
0x123: {  	[sflag:s3] =	ssyncadd.s32 $0xFFFFFF00  }
0x124: {  	[tilespmem:s8], [sflag:$0x3] =	stream.indirect.gather [hbm4b:s1+s7], $0x80, s4, s7, $0xb8;
	[tilespmem:$0x19A00] =	vst v63  }
0x125: {  	_ = 	snop  }
0x126: {  	[tilespmem:s9], [sflag:$0x3] =	stream.linear.gather [hbm4b:s19+s4], $0x1400, $0x38;
	[tilespmem:$0x19A00] =	vst v63  }
0x127: {  	_ =	swait.ge [sflag:s15], $0x1400  }
0x128: {  	[sflag:s15] =	ssyncset.done $0x0  }
0x129: {  	[sflag:s15] =	ssyncadd.s32 $0xFFFFEC00  }
0x12a: {  	_ =	swait.ge [sflag:s15], $0x1400  }
0x12b: {  	[sflag:s15] =	ssyncset.done $0x0  }
0x12c: {  	[sflag:s15] =	ssyncadd.s32 $0xFFFFEC00  }
0x12d: {  	[spmem:s2] =	stream.indirect.scatter.add.f32 [tilespmem:s11], [sflag:$0x5], $0x80, s16, s7, $0xb8;
	[tilespmem:$0x19A00] =	vst v63  }
.Ltmp4:
0x12e: {  	_ = 	snop;
	(pc) =	sbr.rel .LBB2_4-.Ltmp4, $4  }
0x12f: {  	_ =	swait.ge [sflag:s31], $0x1400  }
0x130: {  	s21 =	sadd.s32 $0x200, s21;
	s22 =	sadd.s32 s18, s25;
	[sflag:s31] =	ssyncset.done $0x0  }
0x131: {  	s18 =	sadd.s32 $0x40, s18;
	s19 =	sadd.s32 $0x500, s19;
	[sflag:s31] =	ssyncadd.s32 $0xFFFFEC00  }
0x132: {  	[tilespmem:s0], [sflag:$0x2] =	stream.linear.gather [hbm4b:s22+s4], $0x100, $0x38;
	[tilespmem:$0x19A00] =	vst v63  }
.LBB2_7:
0x133: {  	_ =	sfence.sel $0x180000  }
0x134: {  	[bflag:$0x0] =	sbarrier.arrive $0xFFFF  }
0x135: {  	_ =	strace $0x9000004A  }
0x136: {  	s0 =	stileid.u32;
	[bflag:$0x2] =	sbarrier.arrive $0xFFFF  }
0x137: {  	p0 =	sne.s32 s0, $0x0;
	s0 =	rddreg [dreg:$0x3]  }
0x138: {  	s0 =	sadd.s32 @!p0 $0x100000, s0  }
0x139: {  	[sflag:s0] =	ssyncadd.tile.s32 @!p0 $0x1;
	_ =	shalt  }
.Lfunc_end2:
_tile_overlayer_lowered:
.L_overlay_start_2:
0x13a: {  	(tag) =	ssettag $0x2  }
0x13b: {  	s0 =	rddreg [dreg:$0x0];
	s2 =	stileid.u32  }
0x13c: {  	s1 =	rddreg [dreg:$0x1];
	p0 =	sne.s32 s2, $0x0  }
0x13d: {  	s3 =	rddreg [dreg:$0x2];
	[bflag:$0x3] =	sbarrier.arrive $0xFFFF;
	s2 =	simm.s32 @!p0 $0x1C05  }
0x13e: {  	[timem:s3], [sflag:s2] =	dma.local @!p0 [hbm:s0], s1  }
0x13f: {  	s0 =	simm.s32 @!p0 $0x5  }
0x140: {  	_ =	swait.ge @!p0 [sflag:s0], s1  }
0x141: {  	s1 =	ssub.s32 @!p0 $0x0, s1;
	[sflag:s0] =	ssyncset.done @!p0 $0x0  }
0x142: {  	[sflag:s0] =	ssyncadd.s32 @!p0 s1  }
0x143: {  	[bflag:$0x3] =	sbarrier.arrive $0xFFFF  }
0x144: {  	_ =	shalt  }

// kernel: _run.15.cloned.1.call-start
scs
__scs_entry_jumppad:
0x0: {  	(pc) =	sbr.rel $0x88, $3  }
0x1: {  	(tag) =	ssettag $0x0;
	lr =	simm.s32 $0x1  }
0x2: {  	[smem:$0x3F8C] =	sst lr;
	_ =	strace $0xD0000000  }
0x3: {  	_ = 	snop  }
0x4: {  	_ = 	snop  }
0x5: {  	_ = 	snop  }
0x6: {  	_ = 	snop  }
0x7: {  	_ = 	snop  }
__scs_overlays_trampoline_lowered:
0x8: {  	[smem:$0x3F9B] =	sst s0  }
0x9: {  	[smem:$0x3F9C] =	sst s1  }
0xa: {  	[smem:$0x3F9D] =	sst s2  }
0xb: {  	[smem:$0x3F9E] =	sst s3  }
0xc: {  	[smem:$0x3F9F] =	sst s4  }
0xd: {  	[smem:$0x3FA0] =	sst s5  }
0xe: {  	[smem:$0x3FA1] =	sst s6  }
0xf: {  	[smem:$0x3FA2] =	sst s7  }
0x10: {  	[smem:$0x3FA3] =	sst s8  }
0x11: {  	[smem:$0x3FA4] =	sst s9;
	s0 =	simm.s32 @!p0 $0x0  }
0x12: {  	s1 =	sld [smem:$0x3F8A];
	s0 =	simm.s32 @p0 $0x1  }
0x13: {  	[smem:$0x3FA5] =	sst s0;
	s0 =	simm.s32 @!p1 $0x0  }
0x14: {  	s2 =	sld [smem:$0x3F89];
	s0 =	simm.s32 @p1 $0x1  }
0x15: {  	[smem:$0x3FA6] =	sst s0;
	s0 =	simm.s32 @!p2 $0x0  }
0x16: {  	s3 =	sld [smem:$0x3FDB];
	s0 =	simm.s32 @p2 $0x1  }
0x17: {  	s4 =	simm.s32 $0x1BF5;
	[smem:$0x3FA8] =	sst s0  }
0x18: {  	s0 =	sld [smem:$0x3F8B];
	_ =	swait.ge [sflag:s4], $0x0  }
0x19: {  	s7 =	sld [smem:$0x3F8C]  }
0x1a: {  	s8 =	sadd.s32 $0xFFFFE003, lr  }
0x1b: {  	s9 =	sadd.s32 $0xFFFFFEF7, lr;
	s5 =	simm.s32 $0xFFFFFFFF;
	p2 =	slt.u32 s8, $0xFFFFF086  }
0x1c: {  	p1 =	slt.u32 s9, $0xF7A;
	s5 =	simm.s32 @!p2 $0x0  }
0x1d: {  	s5 =	simm.s32 @p1 $0x1;
	p0 =	seq.s32 s7, s2  }
0x1e: {  	s7 =	smul.u32 @!p0 $0xF7A, s2;
	p2 =	seq.s32 @!p0 s5, $0x0  }
0x1f: {  	s9 =	smul.u32 $0xF7A, s1;
	s8 =	simm.s32 @!p0 $0x1BF5;
	p2 =	por !p2, p0  }
0x20: {  	[sflag:s8] =	ssyncset.s32 @!p0 $0xFFFFF086;
	s6 =	sadd.s32 @!p0 s3, s7;
	s7 =	simm.s32 @!p0 $0x108  }
0x21: {  	s3 =	sadd.s32 s3, s9;
	s6 =	sadd.s32 @!p0 $0x88, s6;
	s7 =	simm.s32 @p2 $0x1082  }
0x22: {  	[simem:s7], [sflag:s8] =	dma.local @!p0 [hbm:s6], $0xF7A  }
0x23: {  	s9 =	sor.u32 $0xD0000000, s2;
	s6 =	simm.s32 $0x108;
	_ =	swait.ge @!p0 [sflag:s8], $0x0  }
0x24: {  	s3 =	sadd.s32 $0x88, s3;
	s6 =	simm.s32 @!p1 $0x1082;
	[sflag:s4] =	ssyncset.s32 $0xFFFFF086  }
0x25: {  	[simem:s6], [sflag:s4] =	dma.local [hbm:s3], $0xF7A  }
0x26: {  	[smem:$0x3F8C] =	sst s1;
	(tag) =	ssettag s2;
	_ =	strace s9  }
0x27: {  	s1 =	sld [smem:$0x3F9C]  }
0x28: {  	s2 =	sld [smem:$0x3F9D]  }
0x29: {  	s4 =	sld [smem:$0x3F9F]  }
0x2a: {  	p0 =	seq.s32 s5, $0x0;
	s5 =	sld [smem:$0x3FA0]  }
0x2b: {  	s6 =	sld [smem:$0x3FA1]  }
0x2c: {  	s7 =	sld [smem:$0x3FA2]  }
0x2d: {  	s3 =	simm.s32 $0x108;
	s8 =	sld [smem:$0x3FA3]  }
0x2e: {  	s3 =	simm.s32 @!p0 $0x1082;
	s9 =	sld [smem:$0x3FA4]  }
0x2f: {  	lr =	sadd.s32 s0, s3;
	s0 =	sld [smem:$0x3F9B]  }
0x30: {  	s3 =	sld [smem:$0x3F9E]  }
0x31: {  	[smem:$0x3FA7] =	sst s10  }
0x32: {  	s10 =	sld [smem:$0x3FA5];
	_ =	sdelay $0x3  }
0x33: {  	p0 =	seq.s32 s10, $0x1;
	s10 =	sld [smem:$0x3FA7];
	_ =	sdelay $0x3  }
0x34: {  	[smem:$0x3FA7] =	sst s10  }
0x35: {  	s10 =	sld [smem:$0x3FA6];
	_ =	sdelay $0x3  }
0x36: {  	p1 =	seq.s32 s10, $0x1;
	s10 =	sld [smem:$0x3FA7];
	_ =	sdelay $0x3  }
0x37: {  	[smem:$0x3FA7] =	sst s10  }
0x38: {  	s10 =	sld [smem:$0x3FA8]  }
0x39: {  	_ = 	snop;
	(pc) =	sbr.ind lr, $3  }
0x3a: {  	_ = 	snop  }
0x3b: {  	_ = 	snop  }
0x3c: {  	p2 =	seq.s32 s10, $0x1;
	s10 =	sld [smem:$0x3FA7]  }
0x3d: {  	_ =	shalt  }
0x3e: {  	_ =	shalt  }
0x3f: {  	_ =	shalt  }
0x40: {  	_ =	shalt  }
0x41: {  	_ =	shalt  }
0x42: {  	_ =	shalt  }
0x43: {  	_ =	shalt  }
0x44: {  	_ =	shalt  }
0x45: {  	_ =	shalt  }
0x46: {  	_ =	shalt  }
0x47: {  	_ =	shalt  }
0x48: {  	_ =	shalt  }
0x49: {  	_ =	shalt  }
0x4a: {  	_ =	shalt  }
0x4b: {  	_ =	shalt  }
0x4c: {  	_ =	shalt  }
0x4d: {  	_ =	shalt  }
0x4e: {  	_ =	shalt  }
0x4f: {  	_ =	shalt  }
0x50: {  	_ =	shalt  }
0x51: {  	_ =	shalt  }
0x52: {  	_ =	shalt  }
0x53: {  	_ =	shalt  }
0x54: {  	_ =	shalt  }
0x55: {  	_ =	shalt  }
0x56: {  	_ =	shalt  }
0x57: {  	_ =	shalt  }
0x58: {  	_ =	shalt  }
0x59: {  	_ =	shalt  }
0x5a: {  	_ =	shalt  }
0x5b: {  	_ =	shalt  }
0x5c: {  	_ =	shalt  }
0x5d: {  	_ =	shalt  }
0x5e: {  	_ =	shalt  }
0x5f: {  	_ =	shalt  }
0x60: {  	_ =	shalt  }
0x61: {  	_ =	shalt  }
0x62: {  	_ =	shalt  }
0x63: {  	_ =	shalt  }
0x64: {  	_ =	shalt  }
0x65: {  	_ =	shalt  }
0x66: {  	_ =	shalt  }
0x67: {  	_ =	shalt  }
0x68: {  	_ =	shalt  }
0x69: {  	_ =	shalt  }
0x6a: {  	_ =	shalt  }
0x6b: {  	_ =	shalt  }
0x6c: {  	_ =	shalt  }
0x6d: {  	_ =	shalt  }
0x6e: {  	_ =	shalt  }
0x6f: {  	_ =	shalt  }
0x70: {  	_ =	shalt  }
0x71: {  	_ =	shalt  }
0x72: {  	_ =	shalt  }
0x73: {  	_ =	shalt  }
0x74: {  	_ =	shalt  }
0x75: {  	_ =	shalt  }
0x76: {  	_ =	shalt  }
0x77: {  	_ =	shalt  }
0x78: {  	_ =	shalt  }
0x79: {  	_ =	shalt  }
0x7a: {  	_ =	shalt  }
0x7b: {  	_ =	shalt  }
0x7c: {  	_ =	shalt  }
0x7d: {  	_ =	shalt  }
0x7e: {  	_ =	shalt  }
0x7f: {  	_ =	shalt  }
0x80: {  	_ =	shalt  }
0x81: {  	_ =	shalt  }
0x82: {  	_ =	shalt  }
0x83: {  	_ =	shalt  }
0x84: {  	_ =	shalt  }
0x85: {  	_ =	shalt  }
0x86: {  	_ =	shalt  }
0x87: {  	_ =	shalt  }
.Lfunc_end0:
.L_simem_size_0:
called_computation.2_lowered:
.L_overlay_start_0:
0x88: {  	s2 =	sld [smem:$0x3FD9]  }
0x89: {  	s3 =	sld [smem:$0x3FFE];
	_ =	sdelay $0x1  }
0x8a: {  	s1 =	srdreg.scid  }
0x8b: {  	s0 =	sand.u32 $0x1, s1  }
0x8c: {  	s17 =	sshll.u32 s0, $0xA;
	s2 =	sadd.s32 s3, s2  }
0x8d: {  	s2 =	sadd.s32 s2, s17  }
0x8e: {  	[smem:$0x3FB3] =	sst s2  }
0x8f: {  	_ = 	snop  }
0x90: {  	s2 =	sld [smem:$0x3FD0];
	(tm) =	ssettm $0x1  }
0x91: {  	s18 =	sld [smem:$0x3FFB];
	_ =	sdelay $0x3  }
0x92: {  	_ =	strace s18  }
0x93: {  	s3 =	sld [smem:$0x3FFC];
	_ =	sdelay $0x3  }
0x94: {  	_ =	strace s3  }
0x95: {  	s3 =	sld [smem:$0x3FFD];
	_ =	sdelay $0x3  }
0x96: {  	_ =	strace s3  }
0x97: {  	_ =	strace $0x8FFFFFFF  }
0x98: {  	s19 =	sld [smem:$0x3FDB];
	_ =	sdelay $0x1  }
0x99: {  	s4 =	simm.s32 $_scs_section_size  }
0x9a: {  	s5 =	simm.s32 $_size__tile_overlayer_lowered;
	s6 =	simm.s32 $_tile_overlayer_lowered  }
0x9b: {  	s22 =	simm.s32 $0x1BFF;
	s21 =	sshll.u32 s6, $0x1;
	s3 =	sadd.s32 s4, s19  }
0x9c: {  	s7 =	simm.s32 $0x0;
	s20 =	sshll.u32 s5, $0x1;
	s5 =	sadd.s32 s21, s3  }
0x9d: {  	[timem:s7], [sflag:s22] =	dma.local [hbm:s5], s20  }
0x9e: {  	_ =	swait.ge [sflag:s22], s20  }
0x9f: {  	s4 =	ssub.s32 $0x0, s20;
	[sflag:s22] =	ssyncset.done $0x0  }
0xa0: {  	[sflag:s22] =	ssyncadd.s32 s4;
	_ =	sdelay $0x1  }
0xa1: {  	s23 =	simm.s32 $0x1B8B  }
0xa2: {  	_ =	swait.ge [sflag:s23], $0x1  }
0xa3: {  	[sflag:s23] =	ssyncset.done $0x0  }
0xa4: {  	s25 =	simm.s32 $0x1B8E;
	s24 =	sld [smem:$0x3FFE];
	[sflag:s23] =	ssyncadd.s32 $0xFFFFFFFF  }
0xa5: {  	s26 =	simm.s32 $execute0_lowered;
	[smem:$0x3FD2] =	sst s25  }
0xa6: {  	s5 =	sshll.u32 s26, $0x1;
	_ =	strace $0x8000004C;
	[dreg:$0x1] =	wrdreg $0xFFFFFFFF  }
0xa7: {  	s28 =	simm.s32 $_size_execute0_lowered;
	s3 =	sadd.s32 s3, s5;
	[dreg:$0x0] =	wrdreg $0x0  }
0xa8: {  	s5 =	sshll.u32 s28, $0x1;
	[dreg:$0x2] =	wrdreg s3  }
0xa9: {  	[dreg:$0x3] =	wrdreg s5  }
0xaa: {  	[dreg:$0x4] =	wrdreg $0xC0  }
0xab: {  	_ =	task [dreg:s7], $0x5FFFF  }
0xac: {  	[dreg:$0x1] =	wrdreg $0xFFFFFFFF  }
0xad: {  	[dreg:$0x0] =	wrdreg $0x60  }
0xae: {  	[dreg:$0x2] =	wrdreg s2  }
0xaf: {  	[dreg:$0x3] =	wrdreg s24  }
0xb0: {  	[dreg:$0x4] =	wrdreg $0x5A000  }
0xb1: {  	[dreg:$0x5] =	wrdreg $0x9  }
0xb2: {  	_ =	task.clear_ibuf [dreg:s7], $0x6FFFF;
	_ =	strace $0x9000004C  }
0xb3: {  	s29 =	simm.s32 $0x9;
	_ =	strace $0x8000004E  }
0xb4: {  	_ =	swait.ge [sflag:s29], $0x1  }
0xb5: {  	[sflag:s29] =	ssyncadd.s32 $0xFFFFFFFF  }
0xb6: {  	_ =	strace $0x9000004E  }
0xb7: {  	_ =	sfence  }
0xb8: {  	s30 =	sld [smem:$0x0];
	_ =	sdelay $0x2  }
0xb9: {  	s31 =	sshll.u32 s1, $0xD;
	s1 =	sshrl.u32 s1, $0x2  }
0xba: {  	s3 =	sand.u32 $0x4000, s31;
	s1 =	sadd.s32 s1, s30  }
0xbb: {  	s0 =	sor.u32 s3, s0;
	s1 =	sshll.u32 s1, $0x11  }
0xbc: {  	s0 =	sor.u32 s1, s0  }
0xbd: {  	s0 =	sadd.s32 $0x8F2B, s0  }
0xbe: {  	[sflag:s0] =	ssyncadd.remote.s32 $0x1  }
0xbf: {  	_ =	sfence.sel $0xFFFF  }
0xc0: {  	[dreg:$0x0] =	wrdreg $0xFFFFFFFF;
	(pc) =	sbr.abs _section_cstart, $3  }
0xc1: {  	[dreg:$0x1] =	wrdreg $0xFFFFFFFF  }
0xc2: {  	_ =	task.clear_ibuf [dreg:s7], $0x2FFFF;
	_ =	strace $0x9FFFFFFF  }
0xc3: {  	(tm) =	ssettm $0x7FFFFFFF  }
tec
execute0_lowered:
.L_overlay_start_1:
0x0: {  	(tag) =	ssettag $0x1  }
0x1: {  	s3 =	srdreg.scid;
	s13 =	stileid.u32  }
0x2: {  	s3 =	sand.u32 $0x1, s3;
	s6 =	smul.u32 $0x14000, s13  }
0x3: {  	s1 =	rddreg [dreg:$0x0];
	s5 =	smul.u32 $0x140000, s3  }
0x4: {  	s0 =	rddreg [dreg:$0x1];
	s8 =	smul.u32 $0x50000, s13  }
0x5: {  	s2 =	rddreg [dreg:$0x2];
	s4 =	simm.s32 $0x0;
	s6 =	sadd.s32 s6, s5  }
0x6: {  	s7 =	sadd.s32 $0xEE9800, s0;
	s8 =	sshrl.u32 s8, $0x2;
	s6 =	sshrl.u32 s6, $0x3  }
0x7: {  	s5 =	sadd.s32 $0x4E7000, s0;
	s0 =	sadd.s32 s6, s0;
	s6 =	sadd.s32 s8, s2  }
0x8: {  	[smem:$0x7FF] =	sst s4;
	s17 =	sadd.s32 $0x800, s6  }
0x9: {  	_ =	strace $0x8000004D;
	s18 =	sadd.s32 $0x1000, s6;
	[dreg:$0x4] =	wrdreg s17  }
0xa: {  	s19 =	sadd.s32 $0x1800, s6;
	[dreg:$0x5] =	wrdreg s18  }
0xb: {  	s20 =	sadd.s32 $0x2000, s6;
	[dreg:$0x6] =	wrdreg s19  }
0xc: {  	s10 =	sshll.u32 s13, $0x1;
	s11 =	sadd.s32 $0x2800, s6;
	[dreg:$0x7] =	wrdreg s20  }
0xd: {  	s23 =	smul.u32 $0x1F400, s13;
	s22 =	sadd.s32 $0x3000, s6;
	[dreg:$0x8] =	wrdreg s11  }
0xe: {  	s9 =	ssub.s32 $0x2, s3;
	s12 =	sadd.s32 $0x3800, s6;
	[dreg:$0x9] =	wrdreg s22  }
0xf: {  	s16 =	sor.u32 s3, s10;
	s24 =	sadd.s32 $0x4000, s6;
	[dreg:$0xa] =	wrdreg s12  }
0x10: {  	s15 =	sshrl.u32 s9, $0x1;
	s14 =	sadd.s32 $0x4800, s6;
	[dreg:$0xb] =	wrdreg s24  }
0x11: {  	s21 =	smul.u32 $0xFA00, s16;
	s26 =	sadd.s32 $0x5000, s6;
	[dreg:$0xc] =	wrdreg s14  }
0x12: {  	s9 =	ssub.s32 s9, s15;
	s15 =	sadd.s32 $0x5800, s6;
	[dreg:$0xd] =	wrdreg s26  }
0x13: {  	s8 =	smul.u32 $0x27100, s16;
	s0 =	sadd.s32 $0x5000, s0;
	[dreg:$0xe] =	wrdreg s15  }
0x14: {  	s16 =	smul.u32 $0x4E200, s13;
	s13 =	sadd.s32 $0xB800, s6;
	[dreg:$0x11] =	wrdreg s0  }
0x15: {  	s30 =	simm.s32 $0x5200;
	s8 =	sadd.s32 s7, s8;
	[dreg:$0x1f] =	wrdreg s13  }
0x16: {  	s31 =	simm.s32 $0x5;
	s17 =	sadd.s32 $0x6000, s6;
	[dreg:$0xf] =	wrdreg s8  }
0x17: {  	s25 =	smul.u32 $0xFA00, s3;
	s20 =	smax.u32 s9, $0x1;
	[dreg:$0x10] =	wrdreg s17  }
0x18: {  	s3 =	smul.u32 $0x27100, s3;
	s22 =	sadd.s32 $0x6800, s6;
	[dreg:$0x12] =	wrdreg s20  }
0x19: {  	s11 =	sadd.s32 s25, s23;
	s23 =	sadd.s32 $0x7000, s6;
	[dreg:$0x15] =	wrdreg s22  }
0x1a: {  	s10 =	sshrl.u32 s21, $0x3;
	s24 =	sadd.s32 $0x7800, s6;
	[dreg:$0x16] =	wrdreg s23  }
0x1b: {  	s28 =	sadd.s32 $0x12800, s6;
	s26 =	sadd.s32 $0x8000, s6;
	[dreg:$0x17] =	wrdreg s24  }
0x1c: {  	s7 =	sadd.s32 s16, s7;
	s9 =	sadd.s32 $0x9800, s6;
	[dreg:$0x18] =	wrdreg s26  }
0x1d: {  	s12 =	sadd.s32 $0xB000, s6;
	s14 =	sadd.s32 $0xC000, s6;
	[dreg:$0x1b] =	wrdreg s9  }
0x1e: {  	s15 =	sadd.s32 $0xC800, s6;
	s16 =	sadd.s32 $0xD000, s6;
	[dreg:$0x1e] =	wrdreg s12  }
0x1f: {  	s13 =	simm.s32 $0x3;
	s8 =	sadd.s32 s5, s10;
	[smem:$0x7F2] =	sst s14  }
0x20: {  	s18 =	sadd.s32 s3, s7;
	s19 =	sadd.s32 $0x300, s11;
	[smem:$0x7F3] =	sst s15  }
0x21: {  	s21 =	sadd.s32 $0x200, s11;
	s7 =	sadd.s32 $0x9000, s6;
	[smem:$0x7F4] =	sst s16  }
0x22: {  	s10 =	sadd.s32 $0xA000, s6;
	s11 =	sadd.s32 $0xA800, s6;
	[dreg:$0x13] =	wrdreg s21  }
0x23: {  	s17 =	sadd.s32 $0xD800, s6;
	s20 =	sadd.s32 $0xF000, s6;
	[dreg:$0x1a] =	wrdreg s7  }
0x24: {  	s22 =	sadd.s32 $0x10000, s6;
	s23 =	sadd.s32 $0x10800, s6;
	[dreg:$0x1c] =	wrdreg s10  }
0x25: {  	s24 =	sadd.s32 $0x11000, s6;
	s26 =	sadd.s32 $0x11800, s6;
	[dreg:$0x1d] =	wrdreg s11  }
0x26: {  	s9 =	simm.s32 $0x2A00;
	s12 =	simm.s32 $0x3E00;
	[smem:$0x7F5] =	sst s17  }
0x27: {  	s14 =	simm.s32 $0x80;
	s15 =	simm.s32 $0x4;
	[smem:$0x7F8] =	sst s20  }
0x28: {  	s16 =	simm.s32 $0x180;
	s3 =	sshrl.u32 s19, $0x3;
	[smem:$0x7FA] =	sst s22  }
0x29: {  	s0 =	sadd.s32 $0x500, s18;
	s18 =	sadd.s32 $0xE000, s6;
	[smem:$0x7FB] =	sst s23  }
0x2a: {  	s19 =	sadd.s32 $0xE800, s6;
	s21 =	sadd.s32 $0xF800, s6;
	[smem:$0x7FC] =	sst s24  }
0x2b: {  	[smem:$0x7FD] =	sst s26;
	s26 =	sadd.s32 $0x12000, s6;
	s20 =	sadd.s32 $0x13000, s6  }
0x2c: {  	s24 =	sadd.s32 $0x13800, s6;
	s23 =	smov.u32 s8;
	s29 =	sadd.s32 $0x20, s8  }
.Ltmp0:
0x2d: {  	s7 =	simm.s32 $0x28;
	[dreg:$0x14] =	wrdreg s0;
	(pc) =	sbr.rel .LBB2_1-.Ltmp0, $4  }
0x2e: {  	s8 =	simm.s32 $0x200;
	s10 =	simm.s32 $0x2;
	[smem:$0x7F6] =	sst s18  }
0x2f: {  	s11 =	simm.s32 $0x1600;
	s17 =	simm.s32 $0x0;
	[smem:$0x7F7] =	sst s19  }
0x30: {  	s25 =	sadd.s32 s3, s5;
	s3 =	sadd.s32 $0x8800, s6;
	[smem:$0x7F9] =	sst s21  }
0x31: {  	v0 =	vimm.f32 $0.0e+00;
	s0 =	simm.s32 $0x100;
	[dreg:$0x19] =	wrdreg s3;
	s3 =	simm.s32 $0x1  }
.LBB2_6:
0x32: {  	_ =	swait.ge [sflag:s15], $0x1400  }
0x33: {  	[sflag:s15] =	ssyncset.done $0x0  }
0x34: {  	[sflag:s15] =	ssyncadd.s32 $0xFFFFEC00  }
0x35: {  	_ =	swait.ge [sflag:s15], $0x1400  }
0x36: {  	[sflag:s15] =	ssyncset.done $0x0  }
0x37: {  	[sflag:s15] =	ssyncadd.s32 $0xFFFFEC00  }
0x38: {  	[spmem:s2] =	stream.indirect.scatter.add.f32 [tilespmem:s11], [sflag:$0x5], $0x80, s16, s7, $0xb8;
	[tilespmem:$0x19A00] =	vst v63  }
0x39: {  	_ =	swait.ge [sflag:s31], $0x1400  }
0x3a: {  	[sflag:s31] =	ssyncset.done $0x0  }
0x3b: {  	s18 =	stileid.u32;
	[sflag:s31] =	ssyncadd.s32 $0xFFFFEC00  }
0x3c: {  	s18 =	sshll.u32 s18, $0x6;
	[bflag:$0x0] =	sbarrier.arrive $0xFFFF  }
0x3d: {  	s19 =	sshrl.u32 s6, $0x3;
	s18 =	sor.u32 $0x1C05, s18;
	s21 =	rddreg [dreg:$0x11]  }
0x3e: {  	[hbm:s21], [sflag:s18] =	dma.local [spmem:s19], $0x2800  }
0x3f: {  	_ =	swait.ge [sflag:s31], $0x2800  }
0x40: {  	s17 =	sadd.s32 $0x1, s17;
	s22 =	rddreg [dreg:$0x12]  }
0x41: {  	p0 =	sne.s32 s17, s22  }
.Ltmp1:
0x42: {  	_ = 	snop;
	(pc) =	sbr.rel @!p0 .LBB2_7-.Ltmp1, $3  }
0x43: {  	_ =	sdelay $0x1  }
0x44: {  	[sflag:s31] =	ssyncset.done $0x0  }
0x45: {  	[sflag:s31] =	ssyncadd.s32 $0xFFFFD800  }
.LBB2_1:
0x46: {  	s18 =	simm.s32 $0x0;
	s19 =	simm.s32 $0x200  }
.LBB2_2:
0x47: {  	p0 =	sne.s32 s19, $0x1E00;
	[tilespmem:s18+$0x5270] =	vst v0  }
0x48: {  	[tilespmem:s18+$0x5200] =	vst v0  }
0x49: {  	[tilespmem:s18+$0x5210] =	vst v0  }
.Ltmp2:
0x4a: {  	[tilespmem:s18+$0x5220] =	vst v0;
	(pc) =	sbr.rel @p0 .LBB2_2-.Ltmp2, $4  }
0x4b: {  	[tilespmem:s18+$0x5230] =	vst v0  }
0x4c: {  	[tilespmem:s18+$0x5240] =	vst v0  }
0x4d: {  	[tilespmem:s18+$0x5250] =	vst v0  }
0x4e: {  	[tilespmem:s18+$0x5260] =	vst v0;
	s18 =	sshra.s32 s19, $0x2;
	s19 =	sadd.s32 $0x200, s19  }
0x4f: {  	[tilespmem:s18+$0x5270] =	vst v0  }
0x50: {  	[tilespmem:s18+$0x5200] =	vst v0  }
0x51: {  	[tilespmem:s18+$0x5210] =	vst v0  }
0x52: {  	[tilespmem:s18+$0x5220] =	vst v0  }
0x53: {  	[tilespmem:s18+$0x5230] =	vst v0  }
0x54: {  	[tilespmem:s18+$0x5240] =	vst v0  }
0x55: {  	[tilespmem:s18+$0x5250] =	vst v0  }
0x56: {  	[tilespmem:s18+$0x5260] =	vst v0  }
0x57: {  	[spmem:s6] =	stream.linear.scatter [tilespmem:s30], [sflag:$0x5], $0x800, $0x38;
	[tilespmem:$0x19A00] =	vst v63  }
0x58: {  	_ =	swait.ge [sflag:s31], $0x800  }
0x59: {  	[sflag:s31] =	ssyncset.done $0x0  }
0x5a: {  	s21 =	rddreg [dreg:$0x4];
	[sflag:s31] =	ssyncadd.s32 $0xFFFFF800  }
0x5b: {  	[spmem:s21] =	stream.linear.scatter [tilespmem:s30], [sflag:$0x5], $0x800, $0x38;
	[tilespmem:$0x19A00] =	vst v63  }
0x5c: {  	_ =	swait.ge [sflag:s31], $0x800  }
0x5d: {  	[sflag:s31] =	ssyncset.done $0x0  }
0x5e: {  	s22 =	rddreg [dreg:$0x5];
	[sflag:s31] =	ssyncadd.s32 $0xFFFFF800  }
0x5f: {  	[spmem:s22] =	stream.linear.scatter [tilespmem:s30], [sflag:$0x5], $0x800, $0x38;
	[tilespmem:$0x19A00] =	vst v63  }
0x60: {  	_ =	swait.ge [sflag:s31], $0x800  }
0x61: {  	[sflag:s31] =	ssyncset.done $0x0  }
0x62: {  	s19 =	rddreg [dreg:$0x6];
	[sflag:s31] =	ssyncadd.s32 $0xFFFFF800  }
0x63: {  	[spmem:s19] =	stream.linear.scatter [tilespmem:s30], [sflag:$0x5], $0x800, $0x38;
	[tilespmem:$0x19A00] =	vst v63  }
0x64: {  	_ =	swait.ge [sflag:s31], $0x800  }
0x65: {  	[sflag:s31] =	ssyncset.done $0x0  }
0x66: {  	s21 =	rddreg [dreg:$0x7];
	[sflag:s31] =	ssyncadd.s32 $0xFFFFF800  }
0x67: {  	[spmem:s21] =	stream.linear.scatter [tilespmem:s30], [sflag:$0x5], $0x800, $0x38;
	[tilespmem:$0x19A00] =	vst v63  }
0x68: {  	_ =	swait.ge [sflag:s31], $0x800  }
0x69: {  	[sflag:s31] =	ssyncset.done $0x0  }
0x6a: {  	s22 =	rddreg [dreg:$0x8];
	[sflag:s31] =	ssyncadd.s32 $0xFFFFF800  }
0x6b: {  	[spmem:s22] =	stream.linear.scatter [tilespmem:s30], [sflag:$0x5], $0x800, $0x38;
	[tilespmem:$0x19A00] =	vst v63  }
0x6c: {  	_ =	swait.ge [sflag:s31], $0x800  }
0x6d: {  	[sflag:s31] =	ssyncset.done $0x0  }
0x6e: {  	s19 =	rddreg [dreg:$0x9];
	[sflag:s31] =	ssyncadd.s32 $0xFFFFF800  }
0x6f: {  	[spmem:s19] =	stream.linear.scatter [tilespmem:s30], [sflag:$0x5], $0x800, $0x38;
	[tilespmem:$0x19A00] =	vst v63  }
0x70: {  	_ =	swait.ge [sflag:s31], $0x800  }
0x71: {  	[sflag:s31] =	ssyncset.done $0x0  }
0x72: {  	s21 =	rddreg [dreg:$0xa];
	[sflag:s31] =	ssyncadd.s32 $0xFFFFF800  }
0x73: {  	[spmem:s21] =	stream.linear.scatter [tilespmem:s30], [sflag:$0x5], $0x800, $0x38;
	[tilespmem:$0x19A00] =	vst v63  }
0x74: {  	_ =	swait.ge [sflag:s31], $0x800  }
0x75: {  	[sflag:s31] =	ssyncset.done $0x0  }
0x76: {  	s22 =	rddreg [dreg:$0xb];
	[sflag:s31] =	ssyncadd.s32 $0xFFFFF800  }
0x77: {  	[spmem:s22] =	stream.linear.scatter [tilespmem:s30], [sflag:$0x5], $0x800, $0x38;
	[tilespmem:$0x19A00] =	vst v63  }
0x78: {  	_ =	swait.ge [sflag:s31], $0x800  }
0x79: {  	[sflag:s31] =	ssyncset.done $0x0  }
0x7a: {  	s19 =	rddreg [dreg:$0xc];
	[sflag:s31] =	ssyncadd.s32 $0xFFFFF800  }
0x7b: {  	[spmem:s19] =	stream.linear.scatter [tilespmem:s30], [sflag:$0x5], $0x800, $0x38;
	[tilespmem:$0x19A00] =	vst v63  }
0x7c: {  	_ =	swait.ge [sflag:s31], $0x800  }
0x7d: {  	[sflag:s31] =	ssyncset.done $0x0  }
0x7e: {  	s21 =	rddreg [dreg:$0xd];
	[sflag:s31] =	ssyncadd.s32 $0xFFFFF800  }
0x7f: {  	[spmem:s21] =	stream.linear.scatter [tilespmem:s30], [sflag:$0x5], $0x800, $0x38;
	[tilespmem:$0x19A00] =	vst v63  }
0x80: {  	_ =	swait.ge [sflag:s31], $0x800  }
0x81: {  	[sflag:s31] =	ssyncset.done $0x0  }
0x82: {  	s22 =	rddreg [dreg:$0xe];
	[sflag:s31] =	ssyncadd.s32 $0xFFFFF800  }
0x83: {  	[spmem:s22] =	stream.linear.scatter [tilespmem:s30], [sflag:$0x5], $0x800, $0x38;
	[tilespmem:$0x19A00] =	vst v63  }
0x84: {  	_ =	swait.ge [sflag:s31], $0x800  }
0x85: {  	[sflag:s31] =	ssyncset.done $0x0  }
0x86: {  	s19 =	rddreg [dreg:$0x10];
	[sflag:s31] =	ssyncadd.s32 $0xFFFFF800  }
0x87: {  	[spmem:s19] =	stream.linear.scatter [tilespmem:s30], [sflag:$0x5], $0x800, $0x38;
	[tilespmem:$0x19A00] =	vst v63  }
0x88: {  	_ =	swait.ge [sflag:s31], $0x800  }
0x89: {  	[sflag:s31] =	ssyncset.done $0x0  }
0x8a: {  	s21 =	rddreg [dreg:$0x15];
	[sflag:s31] =	ssyncadd.s32 $0xFFFFF800  }
0x8b: {  	[spmem:s21] =	stream.linear.scatter [tilespmem:s30], [sflag:$0x5], $0x800, $0x38;
	[tilespmem:$0x19A00] =	vst v63  }
0x8c: {  	_ =	swait.ge [sflag:s31], $0x800  }
0x8d: {  	[sflag:s31] =	ssyncset.done $0x0  }
0x8e: {  	s22 =	rddreg [dreg:$0x16];
	[sflag:s31] =	ssyncadd.s32 $0xFFFFF800  }
0x8f: {  	[spmem:s22] =	stream.linear.scatter [tilespmem:s30], [sflag:$0x5], $0x800, $0x38;
	[tilespmem:$0x19A00] =	vst v63  }
0x90: {  	_ =	swait.ge [sflag:s31], $0x800  }
0x91: {  	[sflag:s31] =	ssyncset.done $0x0  }
0x92: {  	s19 =	rddreg [dreg:$0x17];
	[sflag:s31] =	ssyncadd.s32 $0xFFFFF800  }
0x93: {  	[spmem:s19] =	stream.linear.scatter [tilespmem:s30], [sflag:$0x5], $0x800, $0x38;
	[tilespmem:$0x19A00] =	vst v63  }
0x94: {  	_ =	swait.ge [sflag:s31], $0x800  }
0x95: {  	[sflag:s31] =	ssyncset.done $0x0  }
0x96: {  	s21 =	rddreg [dreg:$0x18];
	[sflag:s31] =	ssyncadd.s32 $0xFFFFF800  }
0x97: {  	[spmem:s21] =	stream.linear.scatter [tilespmem:s30], [sflag:$0x5], $0x800, $0x38;
	[tilespmem:$0x19A00] =	vst v63  }
0x98: {  	_ =	swait.ge [sflag:s31], $0x800  }
0x99: {  	[sflag:s31] =	ssyncset.done $0x0  }
0x9a: {  	s22 =	rddreg [dreg:$0x19];
	[sflag:s31] =	ssyncadd.s32 $0xFFFFF800  }
0x9b: {  	[spmem:s22] =	stream.linear.scatter [tilespmem:s30], [sflag:$0x5], $0x800, $0x38;
	[tilespmem:$0x19A00] =	vst v63  }
0x9c: {  	_ =	swait.ge [sflag:s31], $0x800  }
0x9d: {  	[sflag:s31] =	ssyncset.done $0x0  }
0x9e: {  	s19 =	rddreg [dreg:$0x1a];
	[sflag:s31] =	ssyncadd.s32 $0xFFFFF800  }
0x9f: {  	[spmem:s19] =	stream.linear.scatter [tilespmem:s30], [sflag:$0x5], $0x800, $0x38;
	[tilespmem:$0x19A00] =	vst v63  }
0xa0: {  	_ =	swait.ge [sflag:s31], $0x800  }
0xa1: {  	[sflag:s31] =	ssyncset.done $0x0  }
0xa2: {  	s21 =	rddreg [dreg:$0x1b];
	[sflag:s31] =	ssyncadd.s32 $0xFFFFF800  }
0xa3: {  	[spmem:s21] =	stream.linear.scatter [tilespmem:s30], [sflag:$0x5], $0x800, $0x38;
	[tilespmem:$0x19A00] =	vst v63  }
0xa4: {  	_ =	swait.ge [sflag:s31], $0x800  }
0xa5: {  	[sflag:s31] =	ssyncset.done $0x0  }
0xa6: {  	s22 =	rddreg [dreg:$0x1c];
	[sflag:s31] =	ssyncadd.s32 $0xFFFFF800  }
0xa7: {  	[spmem:s22] =	stream.linear.scatter [tilespmem:s30], [sflag:$0x5], $0x800, $0x38;
	[tilespmem:$0x19A00] =	vst v63  }
0xa8: {  	_ =	swait.ge [sflag:s31], $0x800  }
0xa9: {  	[sflag:s31] =	ssyncset.done $0x0  }
0xaa: {  	s19 =	rddreg [dreg:$0x1d];
	[sflag:s31] =	ssyncadd.s32 $0xFFFFF800  }
0xab: {  	[spmem:s19] =	stream.linear.scatter [tilespmem:s30], [sflag:$0x5], $0x800, $0x38;
	[tilespmem:$0x19A00] =	vst v63  }
0xac: {  	_ =	swait.ge [sflag:s31], $0x800  }
0xad: {  	[sflag:s31] =	ssyncset.done $0x0  }
0xae: {  	s21 =	rddreg [dreg:$0x1e];
	[sflag:s31] =	ssyncadd.s32 $0xFFFFF800  }
0xaf: {  	[spmem:s21] =	stream.linear.scatter [tilespmem:s30], [sflag:$0x5], $0x800, $0x38;
	[tilespmem:$0x19A00] =	vst v63  }
0xb0: {  	_ =	swait.ge [sflag:s31], $0x800  }
0xb1: {  	[sflag:s31] =	ssyncset.done $0x0  }
0xb2: {  	s22 =	rddreg [dreg:$0x1f];
	[sflag:s31] =	ssyncadd.s32 $0xFFFFF800  }
0xb3: {  	[spmem:s22] =	stream.linear.scatter [tilespmem:s30], [sflag:$0x5], $0x800, $0x38;
	[tilespmem:$0x19A00] =	vst v63  }
0xb4: {  	_ =	swait.ge [sflag:s31], $0x800  }
0xb5: {  	s19 =	sld [smem:$0x7F2]  }
0xb6: {  	[sflag:s31] =	ssyncset.done $0x0  }
0xb7: {  	[sflag:s31] =	ssyncadd.s32 $0xFFFFF800  }
0xb8: {  	[spmem:s19] =	stream.linear.scatter [tilespmem:s30], [sflag:$0x5], $0x800, $0x38;
	[tilespmem:$0x19A00] =	vst v63  }
0xb9: {  	_ =	swait.ge [sflag:s31], $0x800  }
0xba: {  	s21 =	sld [smem:$0x7F3]  }
0xbb: {  	[sflag:s31] =	ssyncset.done $0x0  }
0xbc: {  	[sflag:s31] =	ssyncadd.s32 $0xFFFFF800  }
0xbd: {  	[spmem:s21] =	stream.linear.scatter [tilespmem:s30], [sflag:$0x5], $0x800, $0x38;
	[tilespmem:$0x19A00] =	vst v63  }
0xbe: {  	_ =	swait.ge [sflag:s31], $0x800  }
0xbf: {  	s22 =	sld [smem:$0x7F4]  }
0xc0: {  	[sflag:s31] =	ssyncset.done $0x0  }
0xc1: {  	[sflag:s31] =	ssyncadd.s32 $0xFFFFF800  }
0xc2: {  	[spmem:s22] =	stream.linear.scatter [tilespmem:s30], [sflag:$0x5], $0x800, $0x38;
	[tilespmem:$0x19A00] =	vst v63  }
0xc3: {  	_ =	swait.ge [sflag:s31], $0x800  }
0xc4: {  	s19 =	sld [smem:$0x7F5]  }
0xc5: {  	[sflag:s31] =	ssyncset.done $0x0  }
0xc6: {  	[sflag:s31] =	ssyncadd.s32 $0xFFFFF800  }
0xc7: {  	[spmem:s19] =	stream.linear.scatter [tilespmem:s30], [sflag:$0x5], $0x800, $0x38;
	[tilespmem:$0x19A00] =	vst v63  }
0xc8: {  	_ =	swait.ge [sflag:s31], $0x800  }
0xc9: {  	s21 =	sld [smem:$0x7F6]  }
0xca: {  	[sflag:s31] =	ssyncset.done $0x0  }
0xcb: {  	[sflag:s31] =	ssyncadd.s32 $0xFFFFF800  }
0xcc: {  	[spmem:s21] =	stream.linear.scatter [tilespmem:s30], [sflag:$0x5], $0x800, $0x38;
	[tilespmem:$0x19A00] =	vst v63  }
0xcd: {  	_ =	swait.ge [sflag:s31], $0x800  }
0xce: {  	s22 =	sld [smem:$0x7F7]  }
0xcf: {  	[sflag:s31] =	ssyncset.done $0x0  }
0xd0: {  	[sflag:s31] =	ssyncadd.s32 $0xFFFFF800  }
0xd1: {  	[spmem:s22] =	stream.linear.scatter [tilespmem:s30], [sflag:$0x5], $0x800, $0x38;
	[tilespmem:$0x19A00] =	vst v63  }
0xd2: {  	_ =	swait.ge [sflag:s31], $0x800  }
0xd3: {  	s19 =	sld [smem:$0x7F8]  }
0xd4: {  	[sflag:s31] =	ssyncset.done $0x0  }
0xd5: {  	[sflag:s31] =	ssyncadd.s32 $0xFFFFF800  }
0xd6: {  	[spmem:s19] =	stream.linear.scatter [tilespmem:s30], [sflag:$0x5], $0x800, $0x38;
	[tilespmem:$0x19A00] =	vst v63  }
0xd7: {  	_ =	swait.ge [sflag:s31], $0x800  }
0xd8: {  	s21 =	sld [smem:$0x7F9]  }
0xd9: {  	[sflag:s31] =	ssyncset.done $0x0  }
0xda: {  	[sflag:s31] =	ssyncadd.s32 $0xFFFFF800  }
0xdb: {  	[spmem:s21] =	stream.linear.scatter [tilespmem:s30], [sflag:$0x5], $0x800, $0x38;
	[tilespmem:$0x19A00] =	vst v63  }
0xdc: {  	_ =	swait.ge [sflag:s31], $0x800  }
0xdd: {  	s22 =	sld [smem:$0x7FA]  }
0xde: {  	[sflag:s31] =	ssyncset.done $0x0  }
0xdf: {  	[sflag:s31] =	ssyncadd.s32 $0xFFFFF800  }
0xe0: {  	[spmem:s22] =	stream.linear.scatter [tilespmem:s30], [sflag:$0x5], $0x800, $0x38;
	[tilespmem:$0x19A00] =	vst v63  }
0xe1: {  	_ =	swait.ge [sflag:s31], $0x800  }
0xe2: {  	s19 =	sld [smem:$0x7FB]  }
0xe3: {  	[sflag:s31] =	ssyncset.done $0x0  }
0xe4: {  	[sflag:s31] =	ssyncadd.s32 $0xFFFFF800  }
0xe5: {  	[spmem:s19] =	stream.linear.scatter [tilespmem:s30], [sflag:$0x5], $0x800, $0x38;
	[tilespmem:$0x19A00] =	vst v63  }
0xe6: {  	_ =	swait.ge [sflag:s31], $0x800  }
0xe7: {  	s21 =	sld [smem:$0x7FC]  }
0xe8: {  	[sflag:s31] =	ssyncset.done $0x0  }
0xe9: {  	[sflag:s31] =	ssyncadd.s32 $0xFFFFF800  }
0xea: {  	[spmem:s21] =	stream.linear.scatter [tilespmem:s30], [sflag:$0x5], $0x800, $0x38;
	[tilespmem:$0x19A00] =	vst v63  }
0xeb: {  	_ =	swait.ge [sflag:s31], $0x800  }
0xec: {  	s22 =	sld [smem:$0x7FD]  }
0xed: {  	[sflag:s31] =	ssyncset.done $0x0  }
0xee: {  	[sflag:s31] =	ssyncadd.s32 $0xFFFFF800  }
0xef: {  	[spmem:s22] =	stream.linear.scatter [tilespmem:s30], [sflag:$0x5], $0x800, $0x38;
	[tilespmem:$0x19A00] =	vst v63  }
0xf0: {  	_ =	swait.ge [sflag:s31], $0x800  }
0xf1: {  	[sflag:s31] =	ssyncset.done $0x0  }
0xf2: {  	[sflag:s31] =	ssyncadd.s32 $0xFFFFF800  }
0xf3: {  	[spmem:s26] =	stream.linear.scatter [tilespmem:s30], [sflag:$0x5], $0x800, $0x38;
	[tilespmem:$0x19A00] =	vst v63  }
0xf4: {  	_ =	swait.ge [sflag:s31], $0x800  }
0xf5: {  	[sflag:s31] =	ssyncset.done $0x0  }
0xf6: {  	[sflag:s31] =	ssyncadd.s32 $0xFFFFF800  }
0xf7: {  	[spmem:s28] =	stream.linear.scatter [tilespmem:s30], [sflag:$0x5], $0x800, $0x38;
	[tilespmem:$0x19A00] =	vst v63  }
0xf8: {  	_ =	swait.ge [sflag:s31], $0x800  }
0xf9: {  	[sflag:s31] =	ssyncset.done $0x0  }
0xfa: {  	[sflag:s31] =	ssyncadd.s32 $0xFFFFF800  }
0xfb: {  	[spmem:s20] =	stream.linear.scatter [tilespmem:s30], [sflag:$0x5], $0x800, $0x38;
	[tilespmem:$0x19A00] =	vst v63  }
0xfc: {  	_ =	swait.ge [sflag:s31], $0x800  }
0xfd: {  	[sflag:s31] =	ssyncset.done $0x0  }
0xfe: {  	[sflag:s31] =	ssyncadd.s32 $0xFFFFF800  }
0xff: {  	[spmem:s24] =	stream.linear.scatter [tilespmem:s30], [sflag:$0x5], $0x800, $0x38;
	[tilespmem:$0x19A00] =	vst v63  }
0x100: {  	_ =	swait.ge [sflag:s31], $0x800  }
0x101: {  	[sflag:s31] =	ssyncset.done $0x0  }
0x102: {  	[sflag:s31] =	ssyncadd.s32 $0xFFFFF800  }
0x103: {  	s18 =	simm.s32 $0x0;
	[bflag:$0x0] =	sbarrier.arrive $0xFFFF  }
0x104: {  	[tilespmem:s18], [sflag:$0x1] =	stream.linear.gather [hbm4b:s23+s18], $0x100, $0x38;
	[tilespmem:$0x19A00] =	vst v63  }
0x105: {  	_ = 	snop  }
0x106: {  	[tilespmem:s0], [sflag:$0x2] =	stream.linear.gather [hbm4b:s29+s18], $0x100, $0x38;
	[tilespmem:$0x19A00] =	vst v63  }
0x107: {  	_ =	swait.ge [sflag:s3], $0x100  }
0x108: {  	[sflag:s3] =	ssyncset.done $0x0  }
0x109: {  	s19 =	rddreg [dreg:$0xf];
	[sflag:s3] =	ssyncadd.s32 $0xFFFFFF00  }
0x10a: {  	[tilespmem:s8], [sflag:$0x3] =	stream.indirect.gather [hbm4b:s1+s7], $0x80, s18, s7, $0xb8;
	[tilespmem:$0x19A00] =	vst v63  }
0x10b: {  	s21 =	rddreg [dreg:$0x13]  }
0x10c: {  	[tilespmem:s9], [sflag:$0x3] =	stream.linear.gather [hbm4b:s19+s18], $0x1400, $0x38;
	[tilespmem:$0x19A00] =	vst v63  }
0x10d: {  	s19 =	rddreg [dreg:$0x14]  }
.LBB2_4:
0x10e: {  	_ =	swait.ge [sflag:s10], $0x100  }
0x10f: {  	[sflag:s10] =	ssyncset.done $0x0  }
0x110: {  	[sflag:s10] =	ssyncadd.s32 $0xFFFFFF00  }
0x111: {  	[tilespmem:s11], [sflag:$0x4] =	stream.indirect.gather [hbm4b:s1+s7], $0x80, s0, s7, $0xb8;
	[tilespmem:$0x19A00] =	vst v63  }
0x112: {  	s22 =	sadd.s32 $0xFFFFFD80, s19  }
0x113: {  	[tilespmem:s12], [sflag:$0x4] =	stream.linear.gather [hbm4b:s22+s4], $0x1400, $0x38;
	[tilespmem:$0x19A00] =	vst v63  }
0x114: {  	_ =	swait.ge [sflag:s13], $0x1400  }
0x115: {  	[sflag:s13] =	ssyncset.done $0x0  }
0x116: {  	[sflag:s13] =	ssyncadd.s32 $0xFFFFEC00  }
0x117: {  	_ =	swait.ge [sflag:s13], $0x1400  }
0x118: {  	p0 =	seq.s32 s18, $0x1F00;
	[sflag:s13] =	ssyncset.done $0x0  }
.Ltmp3:
0x119: {  	[sflag:s13] =	ssyncadd.s32 $0xFFFFEC00;
	(pc) =	sbr.rel @p0 .LBB2_6-.Ltmp3, $4  }
0x11a: {  	[spmem:s2] =	stream.indirect.scatter.add.f32 [tilespmem:s8], [sflag:$0x5], $0x80, s14, s7, $0xb8;
	[tilespmem:$0x19A00] =	vst v63  }
0x11b: {  	_ =	swait.ge [sflag:s31], $0x1400  }
0x11c: {  	[sflag:s31] =	ssyncset.done $0x0  }
0x11d: {  	[sflag:s31] =	ssyncadd.s32 $0xFFFFEC00  }
0x11e: {  	s22 =	sshrl.u32 s21, $0x3  }
0x11f: {  	s22 =	sadd.s32 s5, s22  }
0x120: {  	[tilespmem:s4], [sflag:$0x1] =	stream.linear.gather [hbm4b:s22+s4], $0x100, $0x38;
	[tilespmem:$0x19A00] =	vst v63  }
0x121: {  	_ =	swait.ge [sflag:s3], $0x100  }
0x122: {  	[sflag:s3] =	ssyncset.done $0x0  }
0x123: {  	[sflag:s3] =	ssyncadd.s32 $0xFFFFFF00  }
0x124: {  	[tilespmem:s8], [sflag:$0x3] =	stream.indirect.gather [hbm4b:s1+s7], $0x80, s4, s7, $0xb8;
	[tilespmem:$0x19A00] =	vst v63  }
0x125: {  	_ = 	snop  }
0x126: {  	[tilespmem:s9], [sflag:$0x3] =	stream.linear.gather [hbm4b:s19+s4], $0x1400, $0x38;
	[tilespmem:$0x19A00] =	vst v63  }
0x127: {  	_ =	swait.ge [sflag:s15], $0x1400  }
0x128: {  	[sflag:s15] =	ssyncset.done $0x0  }
0x129: {  	[sflag:s15] =	ssyncadd.s32 $0xFFFFEC00  }
0x12a: {  	_ =	swait.ge [sflag:s15], $0x1400  }
0x12b: {  	[sflag:s15] =	ssyncset.done $0x0  }
0x12c: {  	[sflag:s15] =	ssyncadd.s32 $0xFFFFEC00  }
0x12d: {  	[spmem:s2] =	stream.indirect.scatter.add.f32 [tilespmem:s11], [sflag:$0x5], $0x80, s16, s7, $0xb8;
	[tilespmem:$0x19A00] =	vst v63  }
.Ltmp4:
0x12e: {  	_ = 	snop;
	(pc) =	sbr.rel .LBB2_4-.Ltmp4, $4  }
0x12f: {  	_ =	swait.ge [sflag:s31], $0x1400  }
0x130: {  	s21 =	sadd.s32 $0x200, s21;
	s22 =	sadd.s32 s18, s25;
	[sflag:s31] =	ssyncset.done $0x0  }
0x131: {  	s18 =	sadd.s32 $0x40, s18;
	s19 =	sadd.s32 $0x500, s19;
	[sflag:s31] =	ssyncadd.s32 $0xFFFFEC00  }
0x132: {  	[tilespmem:s0], [sflag:$0x2] =	stream.linear.gather [hbm4b:s22+s4], $0x100, $0x38;
	[tilespmem:$0x19A00] =	vst v63  }
.LBB2_7:
0x133: {  	_ =	sfence.sel $0x180000  }
0x134: {  	[bflag:$0x0] =	sbarrier.arrive $0xFFFF  }
0x135: {  	_ =	strace $0x9000004D  }
0x136: {  	s0 =	stileid.u32;
	[bflag:$0x2] =	sbarrier.arrive $0xFFFF  }
0x137: {  	p0 =	sne.s32 s0, $0x0;
	s0 =	rddreg [dreg:$0x3]  }
0x138: {  	s0 =	sadd.s32 @!p0 $0x100000, s0  }
0x139: {  	[sflag:s0] =	ssyncadd.tile.s32 @!p0 $0x1;
	_ =	shalt  }
.Lfunc_end2:
_tile_overlayer_lowered:
.L_overlay_start_2:
0x13a: {  	(tag) =	ssettag $0x2  }
0x13b: {  	s0 =	rddreg [dreg:$0x0];
	s2 =	stileid.u32  }
0x13c: {  	s1 =	rddreg [dreg:$0x1];
	p0 =	sne.s32 s2, $0x0  }
0x13d: {  	s3 =	rddreg [dreg:$0x2];
	[bflag:$0x3] =	sbarrier.arrive $0xFFFF;
	s2 =	simm.s32 @!p0 $0x1C05  }
0x13e: {  	[timem:s3], [sflag:s2] =	dma.local @!p0 [hbm:s0], s1  }
0x13f: {  	s0 =	simm.s32 @!p0 $0x5  }
0x140: {  	_ =	swait.ge @!p0 [sflag:s0], s1  }
0x141: {  	s1 =	ssub.s32 @!p0 $0x0, s1;
	[sflag:s0] =	ssyncset.done @!p0 $0x0  }
0x142: {  	[sflag:s0] =	ssyncadd.s32 @!p0 s1  }
0x143: {  	[bflag:$0x3] =	sbarrier.arrive $0xFFFF  }
0x144: {  	_ =	shalt  }

// kernel: _run.9.cloned.1.call-start
scs
__scs_entry_jumppad:
0x0: {  	(pc) =	sbr.rel $0x88, $3  }
0x1: {  	(tag) =	ssettag $0x0;
	lr =	simm.s32 $0x1  }
0x2: {  	[smem:$0x3F8C] =	sst lr;
	_ =	strace $0xD0000000  }
0x3: {  	_ = 	snop  }
0x4: {  	_ = 	snop  }
0x5: {  	_ = 	snop  }
0x6: {  	_ = 	snop  }
0x7: {  	_ = 	snop  }
__scs_overlays_trampoline_lowered:
0x8: {  	[smem:$0x3F9B] =	sst s0  }
0x9: {  	[smem:$0x3F9C] =	sst s1  }
0xa: {  	[smem:$0x3F9D] =	sst s2  }
0xb: {  	[smem:$0x3F9E] =	sst s3  }
0xc: {  	[smem:$0x3F9F] =	sst s4  }
0xd: {  	[smem:$0x3FA0] =	sst s5  }
0xe: {  	[smem:$0x3FA1] =	sst s6  }
0xf: {  	[smem:$0x3FA2] =	sst s7  }
0x10: {  	[smem:$0x3FA3] =	sst s8  }
0x11: {  	[smem:$0x3FA4] =	sst s9;
	s0 =	simm.s32 @!p0 $0x0  }
0x12: {  	s1 =	sld [smem:$0x3F8A];
	s0 =	simm.s32 @p0 $0x1  }
0x13: {  	[smem:$0x3FA5] =	sst s0;
	s0 =	simm.s32 @!p1 $0x0  }
0x14: {  	s2 =	sld [smem:$0x3F89];
	s0 =	simm.s32 @p1 $0x1  }
0x15: {  	[smem:$0x3FA6] =	sst s0;
	s0 =	simm.s32 @!p2 $0x0  }
0x16: {  	s3 =	sld [smem:$0x3FDB];
	s0 =	simm.s32 @p2 $0x1  }
0x17: {  	s4 =	simm.s32 $0x1BF5;
	[smem:$0x3FA8] =	sst s0  }
0x18: {  	s0 =	sld [smem:$0x3F8B];
	_ =	swait.ge [sflag:s4], $0x0  }
0x19: {  	s7 =	sld [smem:$0x3F8C]  }
0x1a: {  	s8 =	sadd.s32 $0xFFFFE003, lr  }
0x1b: {  	s9 =	sadd.s32 $0xFFFFFEF7, lr;
	s5 =	simm.s32 $0xFFFFFFFF;
	p2 =	slt.u32 s8, $0xFFFFF086  }
0x1c: {  	p1 =	slt.u32 s9, $0xF7A;
	s5 =	simm.s32 @!p2 $0x0  }
0x1d: {  	s5 =	simm.s32 @p1 $0x1;
	p0 =	seq.s32 s7, s2  }
0x1e: {  	s7 =	smul.u32 @!p0 $0xF7A, s2;
	p2 =	seq.s32 @!p0 s5, $0x0  }
0x1f: {  	s9 =	smul.u32 $0xF7A, s1;
	s8 =	simm.s32 @!p0 $0x1BF5;
	p2 =	por !p2, p0  }
0x20: {  	[sflag:s8] =	ssyncset.s32 @!p0 $0xFFFFF086;
	s6 =	sadd.s32 @!p0 s3, s7;
	s7 =	simm.s32 @!p0 $0x108  }
0x21: {  	s3 =	sadd.s32 s3, s9;
	s6 =	sadd.s32 @!p0 $0x88, s6;
	s7 =	simm.s32 @p2 $0x1082  }
0x22: {  	[simem:s7], [sflag:s8] =	dma.local @!p0 [hbm:s6], $0xF7A  }
0x23: {  	s9 =	sor.u32 $0xD0000000, s2;
	s6 =	simm.s32 $0x108;
	_ =	swait.ge @!p0 [sflag:s8], $0x0  }
0x24: {  	s3 =	sadd.s32 $0x88, s3;
	s6 =	simm.s32 @!p1 $0x1082;
	[sflag:s4] =	ssyncset.s32 $0xFFFFF086  }
0x25: {  	[simem:s6], [sflag:s4] =	dma.local [hbm:s3], $0xF7A  }
0x26: {  	[smem:$0x3F8C] =	sst s1;
	(tag) =	ssettag s2;
	_ =	strace s9  }
0x27: {  	s1 =	sld [smem:$0x3F9C]  }
0x28: {  	s2 =	sld [smem:$0x3F9D]  }
0x29: {  	s4 =	sld [smem:$0x3F9F]  }
0x2a: {  	p0 =	seq.s32 s5, $0x0;
	s5 =	sld [smem:$0x3FA0]  }
0x2b: {  	s6 =	sld [smem:$0x3FA1]  }
0x2c: {  	s7 =	sld [smem:$0x3FA2]  }
0x2d: {  	s3 =	simm.s32 $0x108;
	s8 =	sld [smem:$0x3FA3]  }
0x2e: {  	s3 =	simm.s32 @!p0 $0x1082;
	s9 =	sld [smem:$0x3FA4]  }
0x2f: {  	lr =	sadd.s32 s0, s3;
	s0 =	sld [smem:$0x3F9B]  }
0x30: {  	s3 =	sld [smem:$0x3F9E]  }
0x31: {  	[smem:$0x3FA7] =	sst s10  }
0x32: {  	s10 =	sld [smem:$0x3FA5];
	_ =	sdelay $0x3  }
0x33: {  	p0 =	seq.s32 s10, $0x1;
	s10 =	sld [smem:$0x3FA7];
	_ =	sdelay $0x3  }
0x34: {  	[smem:$0x3FA7] =	sst s10  }
0x35: {  	s10 =	sld [smem:$0x3FA6];
	_ =	sdelay $0x3  }
0x36: {  	p1 =	seq.s32 s10, $0x1;
	s10 =	sld [smem:$0x3FA7];
	_ =	sdelay $0x3  }
0x37: {  	[smem:$0x3FA7] =	sst s10  }
0x38: {  	s10 =	sld [smem:$0x3FA8]  }
0x39: {  	_ = 	snop;
	(pc) =	sbr.ind lr, $3  }
0x3a: {  	_ = 	snop  }
0x3b: {  	_ = 	snop  }
0x3c: {  	p2 =	seq.s32 s10, $0x1;
	s10 =	sld [smem:$0x3FA7]  }
0x3d: {  	_ =	shalt  }
0x3e: {  	_ =	shalt  }
0x3f: {  	_ =	shalt  }
0x40: {  	_ =	shalt  }
0x41: {  	_ =	shalt  }
0x42: {  	_ =	shalt  }
0x43: {  	_ =	shalt  }
0x44: {  	_ =	shalt  }
0x45: {  	_ =	shalt  }
0x46: {  	_ =	shalt  }
0x47: {  	_ =	shalt  }
0x48: {  	_ =	shalt  }
0x49: {  	_ =	shalt  }
0x4a: {  	_ =	shalt  }
0x4b: {  	_ =	shalt  }
0x4c: {  	_ =	shalt  }
0x4d: {  	_ =	shalt  }
0x4e: {  	_ =	shalt  }
0x4f: {  	_ =	shalt  }
0x50: {  	_ =	shalt  }
0x51: {  	_ =	shalt  }
0x52: {  	_ =	shalt  }
0x53: {  	_ =	shalt  }
0x54: {  	_ =	shalt  }
0x55: {  	_ =	shalt  }
0x56: {  	_ =	shalt  }
0x57: {  	_ =	shalt  }
0x58: {  	_ =	shalt  }
0x59: {  	_ =	shalt  }
0x5a: {  	_ =	shalt  }
0x5b: {  	_ =	shalt  }
0x5c: {  	_ =	shalt  }
0x5d: {  	_ =	shalt  }
0x5e: {  	_ =	shalt  }
0x5f: {  	_ =	shalt  }
0x60: {  	_ =	shalt  }
0x61: {  	_ =	shalt  }
0x62: {  	_ =	shalt  }
0x63: {  	_ =	shalt  }
0x64: {  	_ =	shalt  }
0x65: {  	_ =	shalt  }
0x66: {  	_ =	shalt  }
0x67: {  	_ =	shalt  }
0x68: {  	_ =	shalt  }
0x69: {  	_ =	shalt  }
0x6a: {  	_ =	shalt  }
0x6b: {  	_ =	shalt  }
0x6c: {  	_ =	shalt  }
0x6d: {  	_ =	shalt  }
0x6e: {  	_ =	shalt  }
0x6f: {  	_ =	shalt  }
0x70: {  	_ =	shalt  }
0x71: {  	_ =	shalt  }
0x72: {  	_ =	shalt  }
0x73: {  	_ =	shalt  }
0x74: {  	_ =	shalt  }
0x75: {  	_ =	shalt  }
0x76: {  	_ =	shalt  }
0x77: {  	_ =	shalt  }
0x78: {  	_ =	shalt  }
0x79: {  	_ =	shalt  }
0x7a: {  	_ =	shalt  }
0x7b: {  	_ =	shalt  }
0x7c: {  	_ =	shalt  }
0x7d: {  	_ =	shalt  }
0x7e: {  	_ =	shalt  }
0x7f: {  	_ =	shalt  }
0x80: {  	_ =	shalt  }
0x81: {  	_ =	shalt  }
0x82: {  	_ =	shalt  }
0x83: {  	_ =	shalt  }
0x84: {  	_ =	shalt  }
0x85: {  	_ =	shalt  }
0x86: {  	_ =	shalt  }
0x87: {  	_ =	shalt  }
.Lfunc_end0:
.L_simem_size_0:
called_computation_lowered:
.L_overlay_start_0:
0x88: {  	s2 =	sld [smem:$0x3FD9]  }
0x89: {  	s3 =	sld [smem:$0x3FFE];
	_ =	sdelay $0x1  }
0x8a: {  	s1 =	srdreg.scid  }
0x8b: {  	s0 =	sand.u32 $0x1, s1  }
0x8c: {  	s17 =	sshll.u32 s0, $0xA;
	s2 =	sadd.s32 s3, s2  }
0x8d: {  	s2 =	sadd.s32 s2, s17  }
0x8e: {  	[smem:$0x3FB3] =	sst s2  }
0x8f: {  	_ = 	snop  }
0x90: {  	s2 =	sld [smem:$0x3FC9];
	(tm) =	ssettm $0x1  }
0x91: {  	s18 =	sld [smem:$0x3FFB];
	_ =	sdelay $0x3  }
0x92: {  	_ =	strace s18  }
0x93: {  	s3 =	sld [smem:$0x3FFC];
	_ =	sdelay $0x3  }
0x94: {  	_ =	strace s3  }
0x95: {  	s3 =	sld [smem:$0x3FFD];
	_ =	sdelay $0x3  }
0x96: {  	_ =	strace s3  }
0x97: {  	_ =	strace $0x8FFFFFFF  }
0x98: {  	s19 =	sld [smem:$0x3FDB];
	_ =	sdelay $0x1  }
0x99: {  	s4 =	simm.s32 $_scs_section_size  }
0x9a: {  	s5 =	simm.s32 $_size__tile_overlayer_lowered;
	s6 =	simm.s32 $_tile_overlayer_lowered  }
0x9b: {  	s22 =	simm.s32 $0x1BFF;
	s21 =	sshll.u32 s6, $0x1;
	s3 =	sadd.s32 s4, s19  }
0x9c: {  	s7 =	simm.s32 $0x0;
	s20 =	sshll.u32 s5, $0x1;
	s5 =	sadd.s32 s21, s3  }
0x9d: {  	[timem:s7], [sflag:s22] =	dma.local [hbm:s5], s20  }
0x9e: {  	_ =	swait.ge [sflag:s22], s20  }
0x9f: {  	s4 =	ssub.s32 $0x0, s20;
	[sflag:s22] =	ssyncset.done $0x0  }
0xa0: {  	[sflag:s22] =	ssyncadd.s32 s4;
	_ =	sdelay $0x1  }
0xa1: {  	s23 =	simm.s32 $0x1B8B  }
0xa2: {  	_ =	swait.ge [sflag:s23], $0x1  }
0xa3: {  	[sflag:s23] =	ssyncset.done $0x0  }
0xa4: {  	s25 =	simm.s32 $0x1B8E;
	s24 =	sld [smem:$0x3FFE];
	[sflag:s23] =	ssyncadd.s32 $0xFFFFFFFF  }
0xa5: {  	s26 =	simm.s32 $execute0_lowered;
	[smem:$0x3FD2] =	sst s25  }
0xa6: {  	s5 =	sshll.u32 s26, $0x1;
	_ =	strace $0x80000046;
	[dreg:$0x1] =	wrdreg $0xFFFFFFFF  }
0xa7: {  	s28 =	simm.s32 $_size_execute0_lowered;
	s3 =	sadd.s32 s3, s5;
	[dreg:$0x0] =	wrdreg $0x0  }
0xa8: {  	s5 =	sshll.u32 s28, $0x1;
	[dreg:$0x2] =	wrdreg s3  }
0xa9: {  	[dreg:$0x3] =	wrdreg s5  }
0xaa: {  	[dreg:$0x4] =	wrdreg $0xC0  }
0xab: {  	_ =	task [dreg:s7], $0x5FFFF  }
0xac: {  	[dreg:$0x1] =	wrdreg $0xFFFFFFFF  }
0xad: {  	[dreg:$0x0] =	wrdreg $0x60  }
0xae: {  	[dreg:$0x2] =	wrdreg s2  }
0xaf: {  	[dreg:$0x3] =	wrdreg s24  }
0xb0: {  	[dreg:$0x4] =	wrdreg $0x5A000  }
0xb1: {  	[dreg:$0x5] =	wrdreg $0x9  }
0xb2: {  	_ =	task.clear_ibuf [dreg:s7], $0x6FFFF;
	_ =	strace $0x90000046  }
0xb3: {  	s29 =	simm.s32 $0x9;
	_ =	strace $0x80000048  }
0xb4: {  	_ =	swait.ge [sflag:s29], $0x1  }
0xb5: {  	[sflag:s29] =	ssyncadd.s32 $0xFFFFFFFF  }
0xb6: {  	_ =	strace $0x90000048  }
0xb7: {  	_ =	sfence  }
0xb8: {  	s30 =	sld [smem:$0x0];
	_ =	sdelay $0x2  }
0xb9: {  	s31 =	sshll.u32 s1, $0xD;
	s1 =	sshrl.u32 s1, $0x2  }
0xba: {  	s3 =	sand.u32 $0x4000, s31;
	s1 =	sadd.s32 s1, s30  }
0xbb: {  	s0 =	sor.u32 s3, s0;
	s1 =	sshll.u32 s1, $0x11  }
0xbc: {  	s0 =	sor.u32 s1, s0  }
0xbd: {  	s0 =	sadd.s32 $0x8F2B, s0  }
0xbe: {  	[sflag:s0] =	ssyncadd.remote.s32 $0x1  }
0xbf: {  	_ =	sfence.sel $0xFFFF  }
0xc0: {  	[dreg:$0x0] =	wrdreg $0xFFFFFFFF;
	(pc) =	sbr.abs _section_cstart, $3  }
0xc1: {  	[dreg:$0x1] =	wrdreg $0xFFFFFFFF  }
0xc2: {  	_ =	task.clear_ibuf [dreg:s7], $0x2FFFF;
	_ =	strace $0x9FFFFFFF  }
0xc3: {  	(tm) =	ssettm $0x7FFFFFFF  }
tec
execute0_lowered:
.L_overlay_start_1:
0x0: {  	(tag) =	ssettag $0x1  }
0x1: {  	s3 =	srdreg.scid;
	s13 =	stileid.u32  }
0x2: {  	s3 =	sand.u32 $0x1, s3;
	s6 =	smul.u32 $0x14000, s13  }
0x3: {  	s1 =	rddreg [dreg:$0x0];
	s5 =	smul.u32 $0x140000, s3  }
0x4: {  	s0 =	rddreg [dreg:$0x1];
	s8 =	smul.u32 $0x50000, s13  }
0x5: {  	s2 =	rddreg [dreg:$0x2];
	s4 =	simm.s32 $0x0;
	s6 =	sadd.s32 s6, s5  }
0x6: {  	s7 =	sadd.s32 $0x525800, s0;
	s8 =	sshrl.u32 s8, $0x2;
	s6 =	sshrl.u32 s6, $0x3  }
0x7: {  	s5 =	sadd.s32 $0x4E7000, s0;
	s0 =	sadd.s32 s6, s0;
	s6 =	sadd.s32 s8, s2  }
0x8: {  	[smem:$0x7FF] =	sst s4;
	s17 =	sadd.s32 $0x800, s6  }
0x9: {  	_ =	strace $0x80000047;
	s18 =	sadd.s32 $0x1000, s6;
	[dreg:$0x4] =	wrdreg s17  }
0xa: {  	s19 =	sadd.s32 $0x1800, s6;
	[dreg:$0x5] =	wrdreg s18  }
0xb: {  	s20 =	sadd.s32 $0x2000, s6;
	[dreg:$0x6] =	wrdreg s19  }
0xc: {  	s10 =	sshll.u32 s13, $0x1;
	s11 =	sadd.s32 $0x2800, s6;
	[dreg:$0x7] =	wrdreg s20  }
0xd: {  	s23 =	smul.u32 $0x1F400, s13;
	s22 =	sadd.s32 $0x3000, s6;
	[dreg:$0x8] =	wrdreg s11  }
0xe: {  	s9 =	ssub.s32 $0x2, s3;
	s12 =	sadd.s32 $0x3800, s6;
	[dreg:$0x9] =	wrdreg s22  }
0xf: {  	s16 =	sor.u32 s3, s10;
	s24 =	sadd.s32 $0x4000, s6;
	[dreg:$0xa] =	wrdreg s12  }
0x10: {  	s15 =	sshrl.u32 s9, $0x1;
	s14 =	sadd.s32 $0x4800, s6;
	[dreg:$0xb] =	wrdreg s24  }
0x11: {  	s21 =	smul.u32 $0xFA00, s16;
	s26 =	sadd.s32 $0x5000, s6;
	[dreg:$0xc] =	wrdreg s14  }
0x12: {  	s9 =	ssub.s32 s9, s15;
	s15 =	sadd.s32 $0x5800, s6;
	[dreg:$0xd] =	wrdreg s26  }
0x13: {  	s8 =	smul.u32 $0x27100, s16;
	s0 =	sadd.s32 $0x5000, s0;
	[dreg:$0xe] =	wrdreg s15  }
0x14: {  	s16 =	smul.u32 $0x4E200, s13;
	s13 =	sadd.s32 $0xB800, s6;
	[dreg:$0x11] =	wrdreg s0  }
0x15: {  	s30 =	simm.s32 $0x5200;
	s8 =	sadd.s32 s7, s8;
	[dreg:$0x1f] =	wrdreg s13  }
0x16: {  	s31 =	simm.s32 $0x5;
	s17 =	sadd.s32 $0x6000, s6;
	[dreg:$0xf] =	wrdreg s8  }
0x17: {  	s25 =	smul.u32 $0xFA00, s3;
	s20 =	smax.u32 s9, $0x1;
	[dreg:$0x10] =	wrdreg s17  }
0x18: {  	s3 =	smul.u32 $0x27100, s3;
	s22 =	sadd.s32 $0x6800, s6;
	[dreg:$0x12] =	wrdreg s20  }
0x19: {  	s11 =	sadd.s32 s25, s23;
	s23 =	sadd.s32 $0x7000, s6;
	[dreg:$0x15] =	wrdreg s22  }
0x1a: {  	s10 =	sshrl.u32 s21, $0x3;
	s24 =	sadd.s32 $0x7800, s6;
	[dreg:$0x16] =	wrdreg s23  }
0x1b: {  	s28 =	sadd.s32 $0x12800, s6;
	s26 =	sadd.s32 $0x8000, s6;
	[dreg:$0x17] =	wrdreg s24  }
0x1c: {  	s7 =	sadd.s32 s16, s7;
	s9 =	sadd.s32 $0x9800, s6;
	[dreg:$0x18] =	wrdreg s26  }
0x1d: {  	s12 =	sadd.s32 $0xB000, s6;
	s14 =	sadd.s32 $0xC000, s6;
	[dreg:$0x1b] =	wrdreg s9  }
0x1e: {  	s15 =	sadd.s32 $0xC800, s6;
	s16 =	sadd.s32 $0xD000, s6;
	[dreg:$0x1e] =	wrdreg s12  }
0x1f: {  	s13 =	simm.s32 $0x3;
	s8 =	sadd.s32 s5, s10;
	[smem:$0x7F2] =	sst s14  }
0x20: {  	s18 =	sadd.s32 s3, s7;
	s19 =	sadd.s32 $0x300, s11;
	[smem:$0x7F3] =	sst s15  }
0x21: {  	s21 =	sadd.s32 $0x200, s11;
	s7 =	sadd.s32 $0x9000, s6;
	[smem:$0x7F4] =	sst s16  }
0x22: {  	s10 =	sadd.s32 $0xA000, s6;
	s11 =	sadd.s32 $0xA800, s6;
	[dreg:$0x13] =	wrdreg s21  }
0x23: {  	s17 =	sadd.s32 $0xD800, s6;
	s20 =	sadd.s32 $0xF000, s6;
	[dreg:$0x1a] =	wrdreg s7  }
0x24: {  	s22 =	sadd.s32 $0x10000, s6;
	s23 =	sadd.s32 $0x10800, s6;
	[dreg:$0x1c] =	wrdreg s10  }
0x25: {  	s24 =	sadd.s32 $0x11000, s6;
	s26 =	sadd.s32 $0x11800, s6;
	[dreg:$0x1d] =	wrdreg s11  }
0x26: {  	s9 =	simm.s32 $0x2A00;
	s12 =	simm.s32 $0x3E00;
	[smem:$0x7F5] =	sst s17  }
0x27: {  	s14 =	simm.s32 $0x80;
	s15 =	simm.s32 $0x4;
	[smem:$0x7F8] =	sst s20  }
0x28: {  	s16 =	simm.s32 $0x180;
	s3 =	sshrl.u32 s19, $0x3;
	[smem:$0x7FA] =	sst s22  }
0x29: {  	s0 =	sadd.s32 $0x500, s18;
	s18 =	sadd.s32 $0xE000, s6;
	[smem:$0x7FB] =	sst s23  }
0x2a: {  	s19 =	sadd.s32 $0xE800, s6;
	s21 =	sadd.s32 $0xF800, s6;
	[smem:$0x7FC] =	sst s24  }
0x2b: {  	[smem:$0x7FD] =	sst s26;
	s26 =	sadd.s32 $0x12000, s6;
	s20 =	sadd.s32 $0x13000, s6  }
0x2c: {  	s24 =	sadd.s32 $0x13800, s6;
	s23 =	smov.u32 s8;
	s29 =	sadd.s32 $0x20, s8  }
.Ltmp0:
0x2d: {  	s7 =	simm.s32 $0x28;
	[dreg:$0x14] =	wrdreg s0;
	(pc) =	sbr.rel .LBB2_1-.Ltmp0, $4  }
0x2e: {  	s8 =	simm.s32 $0x200;
	s10 =	simm.s32 $0x2;
	[smem:$0x7F6] =	sst s18  }
0x2f: {  	s11 =	simm.s32 $0x1600;
	s17 =	simm.s32 $0x0;
	[smem:$0x7F7] =	sst s19  }
0x30: {  	s25 =	sadd.s32 s3, s5;
	s3 =	sadd.s32 $0x8800, s6;
	[smem:$0x7F9] =	sst s21  }
0x31: {  	v0 =	vimm.f32 $0.0e+00;
	s0 =	simm.s32 $0x100;
	[dreg:$0x19] =	wrdreg s3;
	s3 =	simm.s32 $0x1  }
.LBB2_6:
0x32: {  	_ =	swait.ge [sflag:s15], $0x1400  }
0x33: {  	[sflag:s15] =	ssyncset.done $0x0  }
0x34: {  	[sflag:s15] =	ssyncadd.s32 $0xFFFFEC00  }
0x35: {  	_ =	swait.ge [sflag:s15], $0x1400  }
0x36: {  	[sflag:s15] =	ssyncset.done $0x0  }
0x37: {  	[sflag:s15] =	ssyncadd.s32 $0xFFFFEC00  }
0x38: {  	[spmem:s2] =	stream.indirect.scatter.add.f32 [tilespmem:s11], [sflag:$0x5], $0x80, s16, s7, $0xb8;
	[tilespmem:$0x19A00] =	vst v63  }
0x39: {  	_ =	swait.ge [sflag:s31], $0x1400  }
0x3a: {  	[sflag:s31] =	ssyncset.done $0x0  }
0x3b: {  	s18 =	stileid.u32;
	[sflag:s31] =	ssyncadd.s32 $0xFFFFEC00  }
0x3c: {  	s18 =	sshll.u32 s18, $0x6;
	[bflag:$0x0] =	sbarrier.arrive $0xFFFF  }
0x3d: {  	s19 =	sshrl.u32 s6, $0x3;
	s18 =	sor.u32 $0x1C05, s18;
	s21 =	rddreg [dreg:$0x11]  }
0x3e: {  	[hbm:s21], [sflag:s18] =	dma.local [spmem:s19], $0x2800  }
0x3f: {  	_ =	swait.ge [sflag:s31], $0x2800  }
0x40: {  	s17 =	sadd.s32 $0x1, s17;
	s22 =	rddreg [dreg:$0x12]  }
0x41: {  	p0 =	sne.s32 s17, s22  }
.Ltmp1:
0x42: {  	_ = 	snop;
	(pc) =	sbr.rel @!p0 .LBB2_7-.Ltmp1, $3  }
0x43: {  	_ =	sdelay $0x1  }
0x44: {  	[sflag:s31] =	ssyncset.done $0x0  }
0x45: {  	[sflag:s31] =	ssyncadd.s32 $0xFFFFD800  }
.LBB2_1:
0x46: {  	s18 =	simm.s32 $0x0;
	s19 =	simm.s32 $0x200  }
.LBB2_2:
0x47: {  	p0 =	sne.s32 s19, $0x1E00;
	[tilespmem:s18+$0x5270] =	vst v0  }
0x48: {  	[tilespmem:s18+$0x5200] =	vst v0  }
0x49: {  	[tilespmem:s18+$0x5210] =	vst v0  }
.Ltmp2:
0x4a: {  	[tilespmem:s18+$0x5220] =	vst v0;
	(pc) =	sbr.rel @p0 .LBB2_2-.Ltmp2, $4  }
0x4b: {  	[tilespmem:s18+$0x5230] =	vst v0  }
0x4c: {  	[tilespmem:s18+$0x5240] =	vst v0  }
0x4d: {  	[tilespmem:s18+$0x5250] =	vst v0  }
0x4e: {  	[tilespmem:s18+$0x5260] =	vst v0;
	s18 =	sshra.s32 s19, $0x2;
	s19 =	sadd.s32 $0x200, s19  }
0x4f: {  	[tilespmem:s18+$0x5270] =	vst v0  }
0x50: {  	[tilespmem:s18+$0x5200] =	vst v0  }
0x51: {  	[tilespmem:s18+$0x5210] =	vst v0  }
0x52: {  	[tilespmem:s18+$0x5220] =	vst v0  }
0x53: {  	[tilespmem:s18+$0x5230] =	vst v0  }
0x54: {  	[tilespmem:s18+$0x5240] =	vst v0  }
0x55: {  	[tilespmem:s18+$0x5250] =	vst v0  }
0x56: {  	[tilespmem:s18+$0x5260] =	vst v0  }
0x57: {  	[spmem:s6] =	stream.linear.scatter [tilespmem:s30], [sflag:$0x5], $0x800, $0x38;
	[tilespmem:$0x19A00] =	vst v63  }
0x58: {  	_ =	swait.ge [sflag:s31], $0x800  }
0x59: {  	[sflag:s31] =	ssyncset.done $0x0  }
0x5a: {  	s21 =	rddreg [dreg:$0x4];
	[sflag:s31] =	ssyncadd.s32 $0xFFFFF800  }
0x5b: {  	[spmem:s21] =	stream.linear.scatter [tilespmem:s30], [sflag:$0x5], $0x800, $0x38;
	[tilespmem:$0x19A00] =	vst v63  }
0x5c: {  	_ =	swait.ge [sflag:s31], $0x800  }
0x5d: {  	[sflag:s31] =	ssyncset.done $0x0  }
0x5e: {  	s22 =	rddreg [dreg:$0x5];
	[sflag:s31] =	ssyncadd.s32 $0xFFFFF800  }
0x5f: {  	[spmem:s22] =	stream.linear.scatter [tilespmem:s30], [sflag:$0x5], $0x800, $0x38;
	[tilespmem:$0x19A00] =	vst v63  }
0x60: {  	_ =	swait.ge [sflag:s31], $0x800  }
0x61: {  	[sflag:s31] =	ssyncset.done $0x0  }
0x62: {  	s19 =	rddreg [dreg:$0x6];
	[sflag:s31] =	ssyncadd.s32 $0xFFFFF800  }
0x63: {  	[spmem:s19] =	stream.linear.scatter [tilespmem:s30], [sflag:$0x5], $0x800, $0x38;
	[tilespmem:$0x19A00] =	vst v63  }
0x64: {  	_ =	swait.ge [sflag:s31], $0x800  }
0x65: {  	[sflag:s31] =	ssyncset.done $0x0  }
0x66: {  	s21 =	rddreg [dreg:$0x7];
	[sflag:s31] =	ssyncadd.s32 $0xFFFFF800  }
0x67: {  	[spmem:s21] =	stream.linear.scatter [tilespmem:s30], [sflag:$0x5], $0x800, $0x38;
	[tilespmem:$0x19A00] =	vst v63  }
0x68: {  	_ =	swait.ge [sflag:s31], $0x800  }
0x69: {  	[sflag:s31] =	ssyncset.done $0x0  }
0x6a: {  	s22 =	rddreg [dreg:$0x8];
	[sflag:s31] =	ssyncadd.s32 $0xFFFFF800  }
0x6b: {  	[spmem:s22] =	stream.linear.scatter [tilespmem:s30], [sflag:$0x5], $0x800, $0x38;
	[tilespmem:$0x19A00] =	vst v63  }
0x6c: {  	_ =	swait.ge [sflag:s31], $0x800  }
0x6d: {  	[sflag:s31] =	ssyncset.done $0x0  }
0x6e: {  	s19 =	rddreg [dreg:$0x9];
	[sflag:s31] =	ssyncadd.s32 $0xFFFFF800  }
0x6f: {  	[spmem:s19] =	stream.linear.scatter [tilespmem:s30], [sflag:$0x5], $0x800, $0x38;
	[tilespmem:$0x19A00] =	vst v63  }
0x70: {  	_ =	swait.ge [sflag:s31], $0x800  }
0x71: {  	[sflag:s31] =	ssyncset.done $0x0  }
0x72: {  	s21 =	rddreg [dreg:$0xa];
	[sflag:s31] =	ssyncadd.s32 $0xFFFFF800  }
0x73: {  	[spmem:s21] =	stream.linear.scatter [tilespmem:s30], [sflag:$0x5], $0x800, $0x38;
	[tilespmem:$0x19A00] =	vst v63  }
0x74: {  	_ =	swait.ge [sflag:s31], $0x800  }
0x75: {  	[sflag:s31] =	ssyncset.done $0x0  }
0x76: {  	s22 =	rddreg [dreg:$0xb];
	[sflag:s31] =	ssyncadd.s32 $0xFFFFF800  }
0x77: {  	[spmem:s22] =	stream.linear.scatter [tilespmem:s30], [sflag:$0x5], $0x800, $0x38;
	[tilespmem:$0x19A00] =	vst v63  }
0x78: {  	_ =	swait.ge [sflag:s31], $0x800  }
0x79: {  	[sflag:s31] =	ssyncset.done $0x0  }
0x7a: {  	s19 =	rddreg [dreg:$0xc];
	[sflag:s31] =	ssyncadd.s32 $0xFFFFF800  }
0x7b: {  	[spmem:s19] =	stream.linear.scatter [tilespmem:s30], [sflag:$0x5], $0x800, $0x38;
	[tilespmem:$0x19A00] =	vst v63  }
0x7c: {  	_ =	swait.ge [sflag:s31], $0x800  }
0x7d: {  	[sflag:s31] =	ssyncset.done $0x0  }
0x7e: {  	s21 =	rddreg [dreg:$0xd];
	[sflag:s31] =	ssyncadd.s32 $0xFFFFF800  }
0x7f: {  	[spmem:s21] =	stream.linear.scatter [tilespmem:s30], [sflag:$0x5], $0x800, $0x38;
	[tilespmem:$0x19A00] =	vst v63  }
0x80: {  	_ =	swait.ge [sflag:s31], $0x800  }
0x81: {  	[sflag:s31] =	ssyncset.done $0x0  }
0x82: {  	s22 =	rddreg [dreg:$0xe];
	[sflag:s31] =	ssyncadd.s32 $0xFFFFF800  }
0x83: {  	[spmem:s22] =	stream.linear.scatter [tilespmem:s30], [sflag:$0x5], $0x800, $0x38;
	[tilespmem:$0x19A00] =	vst v63  }
0x84: {  	_ =	swait.ge [sflag:s31], $0x800  }
0x85: {  	[sflag:s31] =	ssyncset.done $0x0  }
0x86: {  	s19 =	rddreg [dreg:$0x10];
	[sflag:s31] =	ssyncadd.s32 $0xFFFFF800  }
0x87: {  	[spmem:s19] =	stream.linear.scatter [tilespmem:s30], [sflag:$0x5], $0x800, $0x38;
	[tilespmem:$0x19A00] =	vst v63  }
0x88: {  	_ =	swait.ge [sflag:s31], $0x800  }
0x89: {  	[sflag:s31] =	ssyncset.done $0x0  }
0x8a: {  	s21 =	rddreg [dreg:$0x15];
	[sflag:s31] =	ssyncadd.s32 $0xFFFFF800  }
0x8b: {  	[spmem:s21] =	stream.linear.scatter [tilespmem:s30], [sflag:$0x5], $0x800, $0x38;
	[tilespmem:$0x19A00] =	vst v63  }
0x8c: {  	_ =	swait.ge [sflag:s31], $0x800  }
0x8d: {  	[sflag:s31] =	ssyncset.done $0x0  }
0x8e: {  	s22 =	rddreg [dreg:$0x16];
	[sflag:s31] =	ssyncadd.s32 $0xFFFFF800  }
0x8f: {  	[spmem:s22] =	stream.linear.scatter [tilespmem:s30], [sflag:$0x5], $0x800, $0x38;
	[tilespmem:$0x19A00] =	vst v63  }
0x90: {  	_ =	swait.ge [sflag:s31], $0x800  }
0x91: {  	[sflag:s31] =	ssyncset.done $0x0  }
0x92: {  	s19 =	rddreg [dreg:$0x17];
	[sflag:s31] =	ssyncadd.s32 $0xFFFFF800  }
0x93: {  	[spmem:s19] =	stream.linear.scatter [tilespmem:s30], [sflag:$0x5], $0x800, $0x38;
	[tilespmem:$0x19A00] =	vst v63  }
0x94: {  	_ =	swait.ge [sflag:s31], $0x800  }
0x95: {  	[sflag:s31] =	ssyncset.done $0x0  }
0x96: {  	s21 =	rddreg [dreg:$0x18];
	[sflag:s31] =	ssyncadd.s32 $0xFFFFF800  }
0x97: {  	[spmem:s21] =	stream.linear.scatter [tilespmem:s30], [sflag:$0x5], $0x800, $0x38;
	[tilespmem:$0x19A00] =	vst v63  }
0x98: {  	_ =	swait.ge [sflag:s31], $0x800  }
0x99: {  	[sflag:s31] =	ssyncset.done $0x0  }
0x9a: {  	s22 =	rddreg [dreg:$0x19];
	[sflag:s31] =	ssyncadd.s32 $0xFFFFF800  }
0x9b: {  	[spmem:s22] =	stream.linear.scatter [tilespmem:s30], [sflag:$0x5], $0x800, $0x38;
	[tilespmem:$0x19A00] =	vst v63  }
0x9c: {  	_ =	swait.ge [sflag:s31], $0x800  }
0x9d: {  	[sflag:s31] =	ssyncset.done $0x0  }
0x9e: {  	s19 =	rddreg [dreg:$0x1a];
	[sflag:s31] =	ssyncadd.s32 $0xFFFFF800  }
0x9f: {  	[spmem:s19] =	stream.linear.scatter [tilespmem:s30], [sflag:$0x5], $0x800, $0x38;
	[tilespmem:$0x19A00] =	vst v63  }
0xa0: {  	_ =	swait.ge [sflag:s31], $0x800  }
0xa1: {  	[sflag:s31] =	ssyncset.done $0x0  }
0xa2: {  	s21 =	rddreg [dreg:$0x1b];
	[sflag:s31] =	ssyncadd.s32 $0xFFFFF800  }
0xa3: {  	[spmem:s21] =	stream.linear.scatter [tilespmem:s30], [sflag:$0x5], $0x800, $0x38;
	[tilespmem:$0x19A00] =	vst v63  }
0xa4: {  	_ =	swait.ge [sflag:s31], $0x800  }
0xa5: {  	[sflag:s31] =	ssyncset.done $0x0  }
0xa6: {  	s22 =	rddreg [dreg:$0x1c];
	[sflag:s31] =	ssyncadd.s32 $0xFFFFF800  }
0xa7: {  	[spmem:s22] =	stream.linear.scatter [tilespmem:s30], [sflag:$0x5], $0x800, $0x38;
	[tilespmem:$0x19A00] =	vst v63  }
0xa8: {  	_ =	swait.ge [sflag:s31], $0x800  }
0xa9: {  	[sflag:s31] =	ssyncset.done $0x0  }
0xaa: {  	s19 =	rddreg [dreg:$0x1d];
	[sflag:s31] =	ssyncadd.s32 $0xFFFFF800  }
0xab: {  	[spmem:s19] =	stream.linear.scatter [tilespmem:s30], [sflag:$0x5], $0x800, $0x38;
	[tilespmem:$0x19A00] =	vst v63  }
0xac: {  	_ =	swait.ge [sflag:s31], $0x800  }
0xad: {  	[sflag:s31] =	ssyncset.done $0x0  }
0xae: {  	s21 =	rddreg [dreg:$0x1e];
	[sflag:s31] =	ssyncadd.s32 $0xFFFFF800  }
0xaf: {  	[spmem:s21] =	stream.linear.scatter [tilespmem:s30], [sflag:$0x5], $0x800, $0x38;
	[tilespmem:$0x19A00] =	vst v63  }
0xb0: {  	_ =	swait.ge [sflag:s31], $0x800  }
0xb1: {  	[sflag:s31] =	ssyncset.done $0x0  }
0xb2: {  	s22 =	rddreg [dreg:$0x1f];
	[sflag:s31] =	ssyncadd.s32 $0xFFFFF800  }
0xb3: {  	[spmem:s22] =	stream.linear.scatter [tilespmem:s30], [sflag:$0x5], $0x800, $0x38;
	[tilespmem:$0x19A00] =	vst v63  }
0xb4: {  	_ =	swait.ge [sflag:s31], $0x800  }
0xb5: {  	s19 =	sld [smem:$0x7F2]  }
0xb6: {  	[sflag:s31] =	ssyncset.done $0x0  }
0xb7: {  	[sflag:s31] =	ssyncadd.s32 $0xFFFFF800  }
0xb8: {  	[spmem:s19] =	stream.linear.scatter [tilespmem:s30], [sflag:$0x5], $0x800, $0x38;
	[tilespmem:$0x19A00] =	vst v63  }
0xb9: {  	_ =	swait.ge [sflag:s31], $0x800  }
0xba: {  	s21 =	sld [smem:$0x7F3]  }
0xbb: {  	[sflag:s31] =	ssyncset.done $0x0  }
0xbc: {  	[sflag:s31] =	ssyncadd.s32 $0xFFFFF800  }
0xbd: {  	[spmem:s21] =	stream.linear.scatter [tilespmem:s30], [sflag:$0x5], $0x800, $0x38;
	[tilespmem:$0x19A00] =	vst v63  }
0xbe: {  	_ =	swait.ge [sflag:s31], $0x800  }
0xbf: {  	s22 =	sld [smem:$0x7F4]  }
0xc0: {  	[sflag:s31] =	ssyncset.done $0x0  }
0xc1: {  	[sflag:s31] =	ssyncadd.s32 $0xFFFFF800  }
0xc2: {  	[spmem:s22] =	stream.linear.scatter [tilespmem:s30], [sflag:$0x5], $0x800, $0x38;
	[tilespmem:$0x19A00] =	vst v63  }
0xc3: {  	_ =	swait.ge [sflag:s31], $0x800  }
0xc4: {  	s19 =	sld [smem:$0x7F5]  }
0xc5: {  	[sflag:s31] =	ssyncset.done $0x0  }
0xc6: {  	[sflag:s31] =	ssyncadd.s32 $0xFFFFF800  }
0xc7: {  	[spmem:s19] =	stream.linear.scatter [tilespmem:s30], [sflag:$0x5], $0x800, $0x38;
	[tilespmem:$0x19A00] =	vst v63  }
0xc8: {  	_ =	swait.ge [sflag:s31], $0x800  }
0xc9: {  	s21 =	sld [smem:$0x7F6]  }
0xca: {  	[sflag:s31] =	ssyncset.done $0x0  }
0xcb: {  	[sflag:s31] =	ssyncadd.s32 $0xFFFFF800  }
0xcc: {  	[spmem:s21] =	stream.linear.scatter [tilespmem:s30], [sflag:$0x5], $0x800, $0x38;
	[tilespmem:$0x19A00] =	vst v63  }
0xcd: {  	_ =	swait.ge [sflag:s31], $0x800  }
0xce: {  	s22 =	sld [smem:$0x7F7]  }
0xcf: {  	[sflag:s31] =	ssyncset.done $0x0  }
0xd0: {  	[sflag:s31] =	ssyncadd.s32 $0xFFFFF800  }
0xd1: {  	[spmem:s22] =	stream.linear.scatter [tilespmem:s30], [sflag:$0x5], $0x800, $0x38;
	[tilespmem:$0x19A00] =	vst v63  }
0xd2: {  	_ =	swait.ge [sflag:s31], $0x800  }
0xd3: {  	s19 =	sld [smem:$0x7F8]  }
0xd4: {  	[sflag:s31] =	ssyncset.done $0x0  }
0xd5: {  	[sflag:s31] =	ssyncadd.s32 $0xFFFFF800  }
0xd6: {  	[spmem:s19] =	stream.linear.scatter [tilespmem:s30], [sflag:$0x5], $0x800, $0x38;
	[tilespmem:$0x19A00] =	vst v63  }
0xd7: {  	_ =	swait.ge [sflag:s31], $0x800  }
0xd8: {  	s21 =	sld [smem:$0x7F9]  }
0xd9: {  	[sflag:s31] =	ssyncset.done $0x0  }
0xda: {  	[sflag:s31] =	ssyncadd.s32 $0xFFFFF800  }
0xdb: {  	[spmem:s21] =	stream.linear.scatter [tilespmem:s30], [sflag:$0x5], $0x800, $0x38;
	[tilespmem:$0x19A00] =	vst v63  }
0xdc: {  	_ =	swait.ge [sflag:s31], $0x800  }
0xdd: {  	s22 =	sld [smem:$0x7FA]  }
0xde: {  	[sflag:s31] =	ssyncset.done $0x0  }
0xdf: {  	[sflag:s31] =	ssyncadd.s32 $0xFFFFF800  }
0xe0: {  	[spmem:s22] =	stream.linear.scatter [tilespmem:s30], [sflag:$0x5], $0x800, $0x38;
	[tilespmem:$0x19A00] =	vst v63  }
0xe1: {  	_ =	swait.ge [sflag:s31], $0x800  }
0xe2: {  	s19 =	sld [smem:$0x7FB]  }
0xe3: {  	[sflag:s31] =	ssyncset.done $0x0  }
0xe4: {  	[sflag:s31] =	ssyncadd.s32 $0xFFFFF800  }
0xe5: {  	[spmem:s19] =	stream.linear.scatter [tilespmem:s30], [sflag:$0x5], $0x800, $0x38;
	[tilespmem:$0x19A00] =	vst v63  }
0xe6: {  	_ =	swait.ge [sflag:s31], $0x800  }
0xe7: {  	s21 =	sld [smem:$0x7FC]  }
0xe8: {  	[sflag:s31] =	ssyncset.done $0x0  }
0xe9: {  	[sflag:s31] =	ssyncadd.s32 $0xFFFFF800  }
0xea: {  	[spmem:s21] =	stream.linear.scatter [tilespmem:s30], [sflag:$0x5], $0x800, $0x38;
	[tilespmem:$0x19A00] =	vst v63  }
0xeb: {  	_ =	swait.ge [sflag:s31], $0x800  }
0xec: {  	s22 =	sld [smem:$0x7FD]  }
0xed: {  	[sflag:s31] =	ssyncset.done $0x0  }
0xee: {  	[sflag:s31] =	ssyncadd.s32 $0xFFFFF800  }
0xef: {  	[spmem:s22] =	stream.linear.scatter [tilespmem:s30], [sflag:$0x5], $0x800, $0x38;
	[tilespmem:$0x19A00] =	vst v63  }
0xf0: {  	_ =	swait.ge [sflag:s31], $0x800  }
0xf1: {  	[sflag:s31] =	ssyncset.done $0x0  }
0xf2: {  	[sflag:s31] =	ssyncadd.s32 $0xFFFFF800  }
0xf3: {  	[spmem:s26] =	stream.linear.scatter [tilespmem:s30], [sflag:$0x5], $0x800, $0x38;
	[tilespmem:$0x19A00] =	vst v63  }
0xf4: {  	_ =	swait.ge [sflag:s31], $0x800  }
0xf5: {  	[sflag:s31] =	ssyncset.done $0x0  }
0xf6: {  	[sflag:s31] =	ssyncadd.s32 $0xFFFFF800  }
0xf7: {  	[spmem:s28] =	stream.linear.scatter [tilespmem:s30], [sflag:$0x5], $0x800, $0x38;
	[tilespmem:$0x19A00] =	vst v63  }
0xf8: {  	_ =	swait.ge [sflag:s31], $0x800  }
0xf9: {  	[sflag:s31] =	ssyncset.done $0x0  }
0xfa: {  	[sflag:s31] =	ssyncadd.s32 $0xFFFFF800  }
0xfb: {  	[spmem:s20] =	stream.linear.scatter [tilespmem:s30], [sflag:$0x5], $0x800, $0x38;
	[tilespmem:$0x19A00] =	vst v63  }
0xfc: {  	_ =	swait.ge [sflag:s31], $0x800  }
0xfd: {  	[sflag:s31] =	ssyncset.done $0x0  }
0xfe: {  	[sflag:s31] =	ssyncadd.s32 $0xFFFFF800  }
0xff: {  	[spmem:s24] =	stream.linear.scatter [tilespmem:s30], [sflag:$0x5], $0x800, $0x38;
	[tilespmem:$0x19A00] =	vst v63  }
0x100: {  	_ =	swait.ge [sflag:s31], $0x800  }
0x101: {  	[sflag:s31] =	ssyncset.done $0x0  }
0x102: {  	[sflag:s31] =	ssyncadd.s32 $0xFFFFF800  }
0x103: {  	s18 =	simm.s32 $0x0;
	[bflag:$0x0] =	sbarrier.arrive $0xFFFF  }
0x104: {  	[tilespmem:s18], [sflag:$0x1] =	stream.linear.gather [hbm4b:s23+s18], $0x100, $0x38;
	[tilespmem:$0x19A00] =	vst v63  }
0x105: {  	_ = 	snop  }
0x106: {  	[tilespmem:s0], [sflag:$0x2] =	stream.linear.gather [hbm4b:s29+s18], $0x100, $0x38;
	[tilespmem:$0x19A00] =	vst v63  }
0x107: {  	_ =	swait.ge [sflag:s3], $0x100  }
0x108: {  	[sflag:s3] =	ssyncset.done $0x0  }
0x109: {  	s19 =	rddreg [dreg:$0xf];
	[sflag:s3] =	ssyncadd.s32 $0xFFFFFF00  }
0x10a: {  	[tilespmem:s8], [sflag:$0x3] =	stream.indirect.gather [hbm4b:s1+s7], $0x80, s18, s7, $0xb8;
	[tilespmem:$0x19A00] =	vst v63  }
0x10b: {  	s21 =	rddreg [dreg:$0x13]  }
0x10c: {  	[tilespmem:s9], [sflag:$0x3] =	stream.linear.gather [hbm4b:s19+s18], $0x1400, $0x38;
	[tilespmem:$0x19A00] =	vst v63  }
0x10d: {  	s19 =	rddreg [dreg:$0x14]  }
.LBB2_4:
0x10e: {  	_ =	swait.ge [sflag:s10], $0x100  }
0x10f: {  	[sflag:s10] =	ssyncset.done $0x0  }
0x110: {  	[sflag:s10] =	ssyncadd.s32 $0xFFFFFF00  }
0x111: {  	[tilespmem:s11], [sflag:$0x4] =	stream.indirect.gather [hbm4b:s1+s7], $0x80, s0, s7, $0xb8;
	[tilespmem:$0x19A00] =	vst v63  }
0x112: {  	s22 =	sadd.s32 $0xFFFFFD80, s19  }
0x113: {  	[tilespmem:s12], [sflag:$0x4] =	stream.linear.gather [hbm4b:s22+s4], $0x1400, $0x38;
	[tilespmem:$0x19A00] =	vst v63  }
0x114: {  	_ =	swait.ge [sflag:s13], $0x1400  }
0x115: {  	[sflag:s13] =	ssyncset.done $0x0  }
0x116: {  	[sflag:s13] =	ssyncadd.s32 $0xFFFFEC00  }
0x117: {  	_ =	swait.ge [sflag:s13], $0x1400  }
0x118: {  	p0 =	seq.s32 s18, $0x1F00;
	[sflag:s13] =	ssyncset.done $0x0  }
.Ltmp3:
0x119: {  	[sflag:s13] =	ssyncadd.s32 $0xFFFFEC00;
	(pc) =	sbr.rel @p0 .LBB2_6-.Ltmp3, $4  }
0x11a: {  	[spmem:s2] =	stream.indirect.scatter.add.f32 [tilespmem:s8], [sflag:$0x5], $0x80, s14, s7, $0xb8;
	[tilespmem:$0x19A00] =	vst v63  }
0x11b: {  	_ =	swait.ge [sflag:s31], $0x1400  }
0x11c: {  	[sflag:s31] =	ssyncset.done $0x0  }
0x11d: {  	[sflag:s31] =	ssyncadd.s32 $0xFFFFEC00  }
0x11e: {  	s22 =	sshrl.u32 s21, $0x3  }
0x11f: {  	s22 =	sadd.s32 s5, s22  }
0x120: {  	[tilespmem:s4], [sflag:$0x1] =	stream.linear.gather [hbm4b:s22+s4], $0x100, $0x38;
	[tilespmem:$0x19A00] =	vst v63  }
0x121: {  	_ =	swait.ge [sflag:s3], $0x100  }
0x122: {  	[sflag:s3] =	ssyncset.done $0x0  }
0x123: {  	[sflag:s3] =	ssyncadd.s32 $0xFFFFFF00  }
0x124: {  	[tilespmem:s8], [sflag:$0x3] =	stream.indirect.gather [hbm4b:s1+s7], $0x80, s4, s7, $0xb8;
	[tilespmem:$0x19A00] =	vst v63  }
0x125: {  	_ = 	snop  }
0x126: {  	[tilespmem:s9], [sflag:$0x3] =	stream.linear.gather [hbm4b:s19+s4], $0x1400, $0x38;
	[tilespmem:$0x19A00] =	vst v63  }
0x127: {  	_ =	swait.ge [sflag:s15], $0x1400  }
0x128: {  	[sflag:s15] =	ssyncset.done $0x0  }
0x129: {  	[sflag:s15] =	ssyncadd.s32 $0xFFFFEC00  }
0x12a: {  	_ =	swait.ge [sflag:s15], $0x1400  }
0x12b: {  	[sflag:s15] =	ssyncset.done $0x0  }
0x12c: {  	[sflag:s15] =	ssyncadd.s32 $0xFFFFEC00  }
0x12d: {  	[spmem:s2] =	stream.indirect.scatter.add.f32 [tilespmem:s11], [sflag:$0x5], $0x80, s16, s7, $0xb8;
	[tilespmem:$0x19A00] =	vst v63  }
.Ltmp4:
0x12e: {  	_ = 	snop;
	(pc) =	sbr.rel .LBB2_4-.Ltmp4, $4  }
0x12f: {  	_ =	swait.ge [sflag:s31], $0x1400  }
0x130: {  	s21 =	sadd.s32 $0x200, s21;
	s22 =	sadd.s32 s18, s25;
	[sflag:s31] =	ssyncset.done $0x0  }
0x131: {  	s18 =	sadd.s32 $0x40, s18;
	s19 =	sadd.s32 $0x500, s19;
	[sflag:s31] =	ssyncadd.s32 $0xFFFFEC00  }
0x132: {  	[tilespmem:s0], [sflag:$0x2] =	stream.linear.gather [hbm4b:s22+s4], $0x100, $0x38;
	[tilespmem:$0x19A00] =	vst v63  }
.LBB2_7:
0x133: {  	_ =	sfence.sel $0x180000  }
0x134: {  	[bflag:$0x0] =	sbarrier.arrive $0xFFFF  }
0x135: {  	_ =	strace $0x90000047  }
0x136: {  	s0 =	stileid.u32;
	[bflag:$0x2] =	sbarrier.arrive $0xFFFF  }
0x137: {  	p0 =	sne.s32 s0, $0x0;
	s0 =	rddreg [dreg:$0x3]  }
0x138: {  	s0 =	sadd.s32 @!p0 $0x100000, s0  }
0x139: {  	[sflag:s0] =	ssyncadd.tile.s32 @!p0 $0x1;
	_ =	shalt  }
.Lfunc_end2:
_tile_overlayer_lowered:
.L_overlay_start_2:
0x13a: {  	(tag) =	ssettag $0x2  }
0x13b: {  	s0 =	rddreg [dreg:$0x0];
	s2 =	stileid.u32  }
0x13c: {  	s1 =	rddreg [dreg:$0x1];
	p0 =	sne.s32 s2, $0x0  }
0x13d: {  	s3 =	rddreg [dreg:$0x2];
	[bflag:$0x3] =	sbarrier.arrive $0xFFFF;
	s2 =	simm.s32 @!p0 $0x1C05  }
0x13e: {  	[timem:s3], [sflag:s2] =	dma.local @!p0 [hbm:s0], s1  }
0x13f: {  	s0 =	simm.s32 @!p0 $0x5  }
0x140: {  	_ =	swait.ge @!p0 [sflag:s0], s1  }
0x141: {  	s1 =	ssub.s32 @!p0 $0x0, s1;
	[sflag:s0] =	ssyncset.done @!p0 $0x0  }
0x142: {  	[sflag:s0] =	ssyncadd.s32 @!p0 s1  }
0x143: {  	[bflag:$0x3] =	sbarrier.arrive $0xFFFF  }
0x144: {  	_ =	shalt  }

</sc_bundles>
